<compile_context>
chip_gen: v7x
topology: tpu7x:2x2x1
jax: 0.10.2.dev20260603
libtpu: 0.0.44.dev20260713+nightly
codegen_flags: <defaults>
</compile_context>

<pallas_src>
import functools

import jax
import jax.numpy as jnp
from jax import lax
from jax.experimental import pallas as pl
from jax.experimental.pallas import tpu as pltpu
from jax.experimental.pallas import tpu_sc as plsc

N_OBS = 2048
M_LANE = 16384
D_OBS = 128
D_LANE = 128
D_AGG = 1024
H1P = 768
H2P = 128
H3 = 16

LBLK = 2048
SROW = 2048
NROW = M_LANE // SROW
SCHUNK = 512
NEG = -1e30

BF = jnp.bfloat16


def _pack_bf16_pair(a, b):
    ba = jax.lax.bitcast_convert_type(a, jnp.int32)
    bb = jax.lax.bitcast_convert_type(b, jnp.int32)
    ba = ba + 32767 + ((ba >> 16) & 1)
    bb = bb + 32767 + ((bb >> 16) & 1)
    return (bb & -65536) | ((ba >> 16) & 65535)


def _unpack_bf16_pair(p):
    a = jax.lax.bitcast_convert_type(p << 16, jnp.float32)
    b = jax.lax.bitcast_convert_type(p & -65536, jnp.float32)
    return a, b


def _k1_body(obs_ref, agg_ref, w1_ref, b1_ref, out_ref):
    w1o = w1_ref[0:D_OBS, :].astype(BF)
    w1a = w1_ref[D_OBS:D_OBS + D_AGG, :].astype(BF)
    acc = (
        jnp.dot(obs_ref[...].astype(BF), w1o,
                preferred_element_type=jnp.float32)
        + jnp.dot(agg_ref[...].astype(BF), w1a,
                  preferred_element_type=jnp.float32)
        + b1_ref[...]
    )
    rb = acc.shape[0]
    hi = jnp.concatenate(
        [acc[:, H1P // 2:], jnp.zeros((rb, H1P - 600), jnp.float32)], axis=1)
    out_ref[...] = _pack_bf16_pair(acc[:, :H1P // 2], hi)


def _obstacle_head(obs, agg, w1, b1r):
    rb = 512
    grid = N_OBS // rb
    return pl.pallas_call(
        _k1_body,
        grid=(grid,),
        in_specs=[
            pl.BlockSpec((rb, D_OBS), lambda i: (i, 0)),
            pl.BlockSpec((rb, D_AGG), lambda i: (i, 0)),
            pl.BlockSpec((D_OBS + D_AGG, 600), lambda i: (0, 0)),
            pl.BlockSpec((1, 600), lambda i: (0, 0)),
        ],
        out_specs=pl.BlockSpec((rb, H1P // 2), lambda i: (i, 0)),
        out_shape=jax.ShapeDtypeStruct((N_OBS, H1P // 2), jnp.int32),
    )(obs, agg, w1, b1r)


_NC = 2
_NS = 16
_NW = _NC * _NS
_PER_W = M_LANE // _NW
_GCHUNK = 128
_NCHUNK = _PER_W // _GCHUNK


def _sc_gather(table, idx):
    mesh = plsc.VectorSubcoreMesh(core_axis_name="c", subcore_axis_name="s")

    @functools.partial(
        pl.kernel,
        mesh=mesh,
        out_type=jax.ShapeDtypeStruct((M_LANE, H1P // 2), jnp.int32),
        scratch_types=[
            pltpu.VMEM((_PER_W,), jnp.int32),
            pltpu.VMEM((_GCHUNK, H1P // 2), jnp.int32),
            pltpu.VMEM((_GCHUNK, H1P // 2), jnp.int32),
            pltpu.SemaphoreType.DMA,
            pltpu.SemaphoreType.DMA,
            pltpu.SemaphoreType.DMA,
            pltpu.SemaphoreType.DMA,
        ],
    )
    def gather_kernel(table_hbm, idx_hbm, out_hbm, idx_v, rows_v0, rows_v1,
                      sem0, sem1, wsem0, wsem1):
        wid = lax.axis_index("s") * _NC + lax.axis_index("c")
        base = wid * _PER_W
        pltpu.sync_copy(idx_hbm.at[pl.ds(base, _PER_W)], idx_v)
        bufs = (rows_v0, rows_v1)
        sems = (sem0, sem1)
        wsems = (wsem0, wsem1)
        cps = {}
        wps = {}
        cps[0] = pltpu.async_copy(
            table_hbm.at[idx_v.at[pl.ds(0, _GCHUNK)]], bufs[0], sems[0])
        for c in range(_NCHUNK):
            if c + 1 < _NCHUNK:
                if c - 1 >= 0:
                    wps[c - 1].wait()
                cps[c + 1] = pltpu.async_copy(
                    table_hbm.at[idx_v.at[pl.ds((c + 1) * _GCHUNK, _GCHUNK)]],
                    bufs[(c + 1) % 2], sems[(c + 1) % 2])
            cps[c].wait()
            wps[c] = pltpu.async_copy(
                bufs[c % 2], out_hbm.at[pl.ds(base + c * _GCHUNK, _GCHUNK)],
                wsems[c % 2])
        wps[_NCHUNK - 2].wait()
        wps[_NCHUNK - 1].wait()

    return gather_kernel(table, idx)


def _k3_body(g_ref, lane_ref, w1l_ref, w2_ref, b2_ref, w3_ref, b3_ref,
             w4_ref, b4_ref, out_ref, gmax_ref):
    lo, hi = _unpack_bf16_pair(g_ref[...])
    xl = jnp.dot(lane_ref[...].astype(BF), w1l_ref[...].astype(BF),
                 preferred_element_type=jnp.float32)
    xlp = jnp.concatenate(
        [xl, jnp.zeros((LBLK, H1P - 600), jnp.float32)], axis=1)
    x1 = jnp.concatenate([lo, hi], axis=1) + xlp
    h1 = jnp.maximum(x1, 0.0).astype(BF)[:, :600]
    h2 = jnp.maximum(
        jnp.dot(h1, w2_ref[...].astype(BF), preferred_element_type=jnp.float32)
        + b2_ref[...], 0.0).astype(BF)
    h3 = jnp.maximum(
        jnp.dot(h2, w3_ref[...].astype(BF), preferred_element_type=jnp.float32)
        + b3_ref[...], 0.0).astype(BF)
    scores = (jnp.dot(h3, w4_ref[...].astype(BF),
                      preferred_element_type=jnp.float32)
              + b4_ref[...])
    out_ref[...] = scores
    blk_max = jnp.max(scores)[None, None]

    @pl.when(pl.program_id(0) == 0)
    def _init():
        gmax_ref[...] = jnp.broadcast_to(blk_max, (1, 16))

    gmax_ref[...] = jnp.maximum(gmax_ref[...], jnp.broadcast_to(blk_max, (1, 16)))


def _mlp_tail(gathered, lane, w1l, w2p, b2p, w3p, b3r, w4, b4r):
    grid = M_LANE // LBLK
    return pl.pallas_call(
        _k3_body,
        grid=(grid,),
        in_specs=[
            pl.BlockSpec((LBLK, H1P // 2), lambda i: (i, 0)),
            pl.BlockSpec((LBLK, D_LANE), lambda i: (i, 0)),
            pl.BlockSpec((D_LANE, 600), lambda i: (0, 0)),
            pl.BlockSpec((600, 100), lambda i: (0, 0)),
            pl.BlockSpec((1, 100), lambda i: (0, 0)),
            pl.BlockSpec((100, H3), lambda i: (0, 0)),
            pl.BlockSpec((1, H3), lambda i: (0, 0)),
            pl.BlockSpec((H3, 1), lambda i: (0, 0)),
            pl.BlockSpec((1, 1), lambda i: (0, 0)),
        ],
        out_specs=[pl.BlockSpec((LBLK, 1), lambda i: (i, 0)),
                   pl.BlockSpec((1, 16), lambda i: (0, 0))],
        out_shape=[jax.ShapeDtypeStruct((M_LANE, 1), jnp.float32),
                   jax.ShapeDtypeStruct((1, 16), jnp.float32)],
    )(gathered, lane, w1l, w2p, b2p, w3p, b3r, w4, b4r)


_SM_T = 16
_SM_J = 8
_SM_B = 128
_SM_LPT = _SM_J * _SM_B


def _sc_softmax(scores, gmax, seg):
    s3 = scores.reshape(_SM_T, _SM_J, _SM_B)
    seg3 = seg.reshape(_SM_T, _SM_J, _SM_B)
    g16 = gmax.reshape(16)
    zer = jnp.zeros((N_OBS,), jnp.float32)
    mesh = plsc.VectorSubcoreMesh(core_axis_name="c", subcore_axis_name="s")

    @functools.partial(
        pl.kernel,
        mesh=mesh,
        out_type=jax.ShapeDtypeStruct((_SM_T, _SM_J, _SM_B), jnp.float32),
        scratch_types=[
            pltpu.VMEM((_SM_J, _SM_B), jnp.float32),
            pltpu.VMEM((_SM_J, _SM_B), jnp.int32),
            pltpu.VMEM((N_OBS,), jnp.float32),
            pltpu.VMEM((16,), jnp.float32),
            pltpu.VMEM_SHARED((N_OBS,), jnp.float32),
        ],
        compiler_params=pltpu.CompilerParams(needs_layout_passes=False),
    )
    def softmax_kernel(s_hbm, seg_hbm, g_hbm, z_hbm, out_hbm,
                       s_v, seg_v, den_v, g_v, den_sp):
        t = lax.axis_index("s")
        core = lax.axis_index("c")
        on = core == 0

        @pl.when(on & (t == 0))
        def _init():
            pltpu.sync_copy(z_hbm, den_sp)

        @pl.when(on)
        def _exp():
            pltpu.sync_copy(s_hbm.at[t], s_v)
            pltpu.sync_copy(seg_hbm.at[t], seg_v)
            pltpu.sync_copy(g_hbm, g_v)
            g = g_v[...]
            for j in range(_SM_J):
                for u in range(_SM_B // 16):
                    sl = pl.ds(u * 16, 16)
                    s_v[j, sl] = jnp.exp(s_v[j, sl] - g)

        plsc.subcore_barrier()

        @pl.when(on)
        def _scatter_add():
            for j in range(_SM_J):
                pltpu.sync_copy(s_v.at[j], den_sp.at[seg_v.at[j]], add=True)

        plsc.subcore_barrier()

        @pl.when(on)
        def _gather_div():
            pltpu.sync_copy(den_sp, den_v)
            for j in range(_SM_J):
                for u in range(_SM_B // 16):
                    sl = pl.ds(u * 16, 16)
                    idx = seg_v[j, sl]
                    dg = plsc.load_gather(den_v, [idx])
                    s_v[j, sl] = s_v[j, sl] / dg
            pltpu.sync_copy(s_v, out_hbm.at[t])

    return softmax_kernel(s3, seg3, g16, zer).reshape(M_LANE, 1)


def kernel(obs_encoding, lane_encoding, aggregated_info, same_obs_mask,
           W1, b1, W2, b2, W3, b3, W4, b4):
    seg = same_obs_mask[:, 0].astype(jnp.int32)

    h0 = _obstacle_head(obs_encoding, aggregated_info, W1[:D_OBS + D_AGG],
                        b1[None, :])
    gathered = _sc_gather(h0, seg)
    scores, gmax = _mlp_tail(gathered, lane_encoding, W1[D_OBS + D_AGG:],
                             W2, b2[None, :], W3, b3[None, :], W4, b4[None, :])
    return _sc_softmax(scores, gmax, seg)

# --- scband reference (transcript-rebuilt; emitter-appended) ---
"""Pipeline reference for scband-distributional-scoring-30786325578423 (READ-ONLY COPY).

The authoritative reference and input builder live on the scoring server;
editing this copy changes nothing except your own understanding.
"""

import jax, jax.numpy as jnp
import numpy as np

N_OBS = 2048
M_LANE = 16384
OBS_ENC = 128
LANE_ENC = 128
AGGR_ENC = 1024
MLP_DIMS = [OBS_ENC + LANE_ENC + AGGR_ENC, 600, 100, 16, 1]


def setup_inputs(seed: int = 0) -> dict:
    key = jax.random.key(seed)
    ks = jax.random.split(key, 16)
    inp = {}
    inp['obs_encoding'] = jax.random.normal(ks[0], (N_OBS, OBS_ENC), dtype=jnp.float32)
    inp['lane_encoding'] = jax.random.normal(ks[1], (M_LANE, LANE_ENC), dtype=jnp.float32)
    inp['aggregated_info'] = jax.random.normal(ks[2], (N_OBS, AGGR_ENC), dtype=jnp.float32)
    inp['same_obs_mask'] = jnp.sort(jax.random.randint(ks[3], (M_LANE, 1), 0, N_OBS, dtype=jnp.int64), axis=0)
    # MLP parameters: Linear layers [1280 -> 600 -> 100 -> 16 -> 1], ReLU between, no nonlinearity after last
    for i in range(4):
        fan_in = MLP_DIMS[i]
        fan_out = MLP_DIMS[i + 1]
        scale = 1.0 / np.sqrt(fan_in)
        inp[f'W{i + 1}'] = jax.random.uniform(ks[4 + 2 * i], (fan_in, fan_out), dtype=jnp.float32, minval=-scale, maxval=scale)
        inp[f'b{i + 1}'] = jax.random.uniform(ks[5 + 2 * i], (fan_out,), dtype=jnp.float32, minval=-scale, maxval=scale)
    return inp


def _mlp(x, W1, b1, W2, b2, W3, b3, W4, b4):
    h = jax.nn.relu(x @ W1 + b1)
    h = jax.nn.relu(h @ W2 + b2)
    h = jax.nn.relu(h @ W3 + b3)
    return h @ W4 + b4


def reference(obs_encoding, lane_encoding, aggregated_info, same_obs_mask, W1, b1, W2, b2, W3, b3, W4, b4):
    # Vectorized, faithful version of the per-obstacle loop:
    # for each lane, gather its obstacle's obs/agg encodings, concat (obs, agg, lane),
    # run MLP, then softmax over lanes belonging to the same obstacle.
    seg = same_obs_mask[:, 0]
    n_seg = obs_encoding.shape[0]
    obs_g = jnp.take(obs_encoding, seg, axis=0)
    agg_g = jnp.take(aggregated_info, seg, axis=0)
    x = jnp.concatenate((obs_g, agg_g, lane_encoding), axis=1)
    scores = _mlp(x, W1, b1, W2, b2, W3, b3, W4, b4)[:, 0]
    seg_max = jax.ops.segment_max(scores, seg, num_segments=n_seg)
    e = jnp.exp(scores - jnp.take(seg_max, seg, axis=0))
    denom = jax.ops.segment_sum(e, seg, num_segments=n_seg)
    out = e / jnp.take(denom, seg, axis=0)
    return out[:, None]

if __name__ == "__main__":
    import jax
    _d = setup_inputs()
    print(jax.jit(kernel)(*tuple(_d.values())))

</pallas_src>

<mosaic_0001>
#map = affine_map<(d0, d1) -> (0, 0)>
#map1 = affine_map<(d0, d1) -> (0)>
module attributes {stable_mosaic.version = 14 : i64} {
  func.func @gather_kernel(%arg0: i32, %arg1: i32, %arg2: memref<2048x384xi32, #tpu.memory_space<hbm>>, %arg3: memref<16384xi32, #tpu.memory_space<hbm>>, %arg4: memref<16384x384xi32, #tpu.memory_space<hbm>>, %arg5: memref<512xi32, #tpu.memory_space<vmem>>, %arg6: memref<128x384xi32, #tpu.memory_space<vmem>>, %arg7: memref<128x384xi32, #tpu.memory_space<vmem>>, %arg8: memref<!tpu.dma_semaphore, #tpu.memory_space<semaphore_mem>>, %arg9: memref<!tpu.dma_semaphore, #tpu.memory_space<semaphore_mem>>, %arg10: memref<!tpu.dma_semaphore, #tpu.memory_space<semaphore_mem>>, %arg11: memref<!tpu.dma_semaphore, #tpu.memory_space<semaphore_mem>>) attributes {dimension_semantics = [#tpu.dimension_semantics<core_parallel>, #tpu.dimension_semantics<subcore_parallel>], iteration_bounds = array<i64: 2, 16>, scalar_prefetch = 0 : i64, scratch_operands = 7 : i64, tpu.core_type = #tpu.core_type<sc_vector_subcore>, window_params = [{transform_indices = #map}, {transform_indices = #map1}, {transform_indices = #map}]} {
    %mul3A = arith.constant 2 : i32
    %mul3A_0 = arith.muli %arg1, %mul3A : i32
    %add3A = arith.addi %mul3A_0, %arg0 : i32
    %mul3A_1 = arith.constant 512 : i32
    %mul3A_2 = arith.muli %add3A, %mul3A_1 : i32
    "tpu.region"() ({
      %run_scoped3A = tpu.sem_alloc : memref<!tpu.dma_semaphore, #tpu.memory_space<semaphore_mem>>
      %dma_start3A_81 = tpu.memref_slice %arg3[%mul3A_2] : memref<16384xi32, #tpu.memory_space<hbm>> -> memref<512xi32, #tpu.memory_space<hbm>>
      %dma_start3A_82 = tpu.memref_slice %arg3[%mul3A_2] : memref<16384xi32, #tpu.memory_space<hbm>> -> memref<512xi32, #tpu.memory_space<hbm>>
      tpu.enqueue_dma source(%dma_start3A_82 : memref<512xi32, #tpu.memory_space<hbm>>) target(%arg5 : memref<512xi32, #tpu.memory_space<vmem>>) target_semaphore(%run_scoped3A : memref<!tpu.dma_semaphore, #tpu.memory_space<semaphore_mem>>)
      %dma_wait3A_83 = tpu.memref_slice %arg3[%mul3A_2] : memref<16384xi32, #tpu.memory_space<hbm>> -> memref<512xi32, #tpu.memory_space<hbm>>
      %dma_wait3A_84 = tpu.memref_slice %arg3[%mul3A_2] : memref<16384xi32, #tpu.memory_space<hbm>> -> memref<512xi32, #tpu.memory_space<hbm>>
      tpu.wait_dma2 semaphore(%run_scoped3A : memref<!tpu.dma_semaphore, #tpu.memory_space<semaphore_mem>>) src(%dma_wait3A_84 : memref<512xi32, #tpu.memory_space<hbm>>) dst(%arg5 : memref<512xi32, #tpu.memory_space<vmem>>)
      tpu.yield
    }) : () -> ()
    %dma_start3A = arith.constant 0 : i32
    %dma_start3A_3 = tpu.memref_slice %arg5[%dma_start3A] : memref<512xi32, #tpu.memory_space<vmem>> -> memref<128xi32, #tpu.memory_space<vmem>>
    %dma_start3A_4 = arith.constant 0 : i32
    %dma_start3A_5 = arith.constant 0 : i32
    %dma_start3A_6 = tpu.memref_slice %arg2[%dma_start3A_4, %dma_start3A_5] : memref<2048x384xi32, #tpu.memory_space<hbm>> -> memref<2048x384xi32, #tpu.memory_space<hbm>>
    tpu.enqueue_indirect_dma source(%dma_start3A_6 : memref<2048x384xi32, #tpu.memory_space<hbm>>) target(%arg6 : memref<128x384xi32, #tpu.memory_space<vmem>>) offsets(%dma_start3A_3 : memref<128xi32, #tpu.memory_space<vmem>>) semaphore(%arg8 : memref<!tpu.dma_semaphore, #tpu.memory_space<semaphore_mem>>)
    %dma_start3A_7 = arith.constant 128 : i32
    %dma_start3A_8 = tpu.memref_slice %arg5[%dma_start3A_7] : memref<512xi32, #tpu.memory_space<vmem>> -> memref<128xi32, #tpu.memory_space<vmem>>
    %dma_start3A_9 = arith.constant 0 : i32
    %dma_start3A_10 = arith.constant 0 : i32
    %dma_start3A_11 = tpu.memref_slice %arg2[%dma_start3A_9, %dma_start3A_10] : memref<2048x384xi32, #tpu.memory_space<hbm>> -> memref<2048x384xi32, #tpu.memory_space<hbm>>
    tpu.enqueue_indirect_dma source(%dma_start3A_11 : memref<2048x384xi32, #tpu.memory_space<hbm>>) target(%arg7 : memref<128x384xi32, #tpu.memory_space<vmem>>) offsets(%dma_start3A_8 : memref<128xi32, #tpu.memory_space<vmem>>) semaphore(%arg9 : memref<!tpu.dma_semaphore, #tpu.memory_space<semaphore_mem>>)
    %dma_wait3A = arith.constant 0 : i32
    %dma_wait3A_12 = tpu.memref_slice %arg5[%dma_wait3A] : memref<512xi32, #tpu.memory_space<vmem>> -> memref<128xi32, #tpu.memory_space<vmem>>
    %dma_wait3A_13 = arith.constant 0 : i32
    %dma_wait3A_14 = arith.constant 0 : i32
    %dma_wait3A_15 = tpu.memref_slice %arg2[%dma_wait3A_13, %dma_wait3A_14] : memref<2048x384xi32, #tpu.memory_space<hbm>> -> memref<2048x384xi32, #tpu.memory_space<hbm>>
    tpu.wait_indirect_dma semaphore(%arg8 : memref<!tpu.dma_semaphore, #tpu.memory_space<semaphore_mem>>) src(%dma_wait3A_15 : memref<2048x384xi32, #tpu.memory_space<hbm>>) dst(%arg6 : memref<128x384xi32, #tpu.memory_space<vmem>>)
    %add3A_16 = arith.constant 0 : i32
    %add3A_17 = arith.addi %mul3A_2, %add3A_16 : i32
    %dma_start3A_18 = arith.constant 0 : i32
    %dma_start3A_19 = tpu.memref_slice %arg4[%add3A_17, %dma_start3A_18] : memref<16384x384xi32, #tpu.memory_space<hbm>> -> memref<128x384xi32, #tpu.memory_space<hbm>>
    %dma_start3A_20 = arith.constant 0 : i32
    %dma_start3A_21 = tpu.memref_slice %arg4[%add3A_17, %dma_start3A_20] : memref<16384x384xi32, #tpu.memory_space<hbm>> -> memref<128x384xi32, #tpu.memory_space<hbm>>
    tpu.enqueue_dma source(%arg6 : memref<128x384xi32, #tpu.memory_space<vmem>>) target(%dma_start3A_21 : memref<128x384xi32, #tpu.memory_space<hbm>>) target_semaphore(%arg10 : memref<!tpu.dma_semaphore, #tpu.memory_space<semaphore_mem>>)
    %dma_wait3A_22 = arith.constant 0 : i32
    %dma_wait3A_23 = tpu.memref_slice %arg4[%add3A_17, %dma_wait3A_22] : memref<16384x384xi32, #tpu.memory_space<hbm>> -> memref<128x384xi32, #tpu.memory_space<hbm>>
    %dma_wait3A_24 = arith.constant 0 : i32
    %dma_wait3A_25 = tpu.memref_slice %arg4[%add3A_17, %dma_wait3A_24] : memref<16384x384xi32, #tpu.memory_space<hbm>> -> memref<128x384xi32, #tpu.memory_space<hbm>>
    tpu.wait_dma2 semaphore(%arg10 : memref<!tpu.dma_semaphore, #tpu.memory_space<semaphore_mem>>) src(%arg6 : memref<128x384xi32, #tpu.memory_space<vmem>>) dst(%dma_wait3A_25 : memref<128x384xi32, #tpu.memory_space<hbm>>)
    %dma_start3A_26 = arith.constant 256 : i32
    %dma_start3A_27 = tpu.memref_slice %arg5[%dma_start3A_26] : memref<512xi32, #tpu.memory_space<vmem>> -> memref<128xi32, #tpu.memory_space<vmem>>
    %dma_start3A_28 = arith.constant 0 : i32
    %dma_start3A_29 = arith.constant 0 : i32
    %dma_start3A_30 = tpu.memref_slice %arg2[%dma_start3A_28, %dma_start3A_29] : memref<2048x384xi32, #tpu.memory_space<hbm>> -> memref<2048x384xi32, #tpu.memory_space<hbm>>
    tpu.enqueue_indirect_dma source(%dma_start3A_30 : memref<2048x384xi32, #tpu.memory_space<hbm>>) target(%arg6 : memref<128x384xi32, #tpu.memory_space<vmem>>) offsets(%dma_start3A_27 : memref<128xi32, #tpu.memory_space<vmem>>) semaphore(%arg8 : memref<!tpu.dma_semaphore, #tpu.memory_space<semaphore_mem>>)
    %dma_wait3A_31 = arith.constant 128 : i32
    %dma_wait3A_32 = tpu.memref_slice %arg5[%dma_wait3A_31] : memref<512xi32, #tpu.memory_space<vmem>> -> memref<128xi32, #tpu.memory_space<vmem>>
    %dma_wait3A_33 = arith.constant 0 : i32
    %dma_wait3A_34 = arith.constant 0 : i32
    %dma_wait3A_35 = tpu.memref_slice %arg2[%dma_wait3A_33, %dma_wait3A_34] : memref<2048x384xi32, #tpu.memory_space<hbm>> -> memref<2048x384xi32, #tpu.memory_space<hbm>>
    tpu.wait_indirect_dma semaphore(%arg9 : memref<!tpu.dma_semaphore, #tpu.memory_space<semaphore_mem>>) src(%dma_wait3A_35 : memref<2048x384xi32, #tpu.memory_space<hbm>>) dst(%arg7 : memref<128x384xi32, #tpu.memory_space<vmem>>)
    %add3A_36 = arith.constant 128 : i32
    %add3A_37 = arith.addi %mul3A_2, %add3A_36 : i32
    %dma_start3A_38 = arith.constant 0 : i32
    %dma_start3A_39 = tpu.memref_slice %arg4[%add3A_37, %dma_start3A_38] : memref<16384x384xi32, #tpu.memory_space<hbm>> -> memref<128x384xi32, #tpu.memory_space<hbm>>
    %dma_start3A_40 = arith.constant 0 : i32
    %dma_start3A_41 = tpu.memref_slice %arg4[%add3A_37, %dma_start3A_40] : memref<16384x384xi32, #tpu.memory_space<hbm>> -> memref<128x384xi32, #tpu.memory_space<hbm>>
    tpu.enqueue_dma source(%arg7 : memref<128x384xi32, #tpu.memory_space<vmem>>) target(%dma_start3A_41 : memref<128x384xi32, #tpu.memory_space<hbm>>) target_semaphore(%arg11 : memref<!tpu.dma_semaphore, #tpu.memory_space<semaphore_mem>>)
    %dma_wait3A_42 = arith.constant 0 : i32
    %dma_wait3A_43 = tpu.memref_slice %arg4[%add3A_37, %dma_wait3A_42] : memref<16384x384xi32, #tpu.memory_space<hbm>> -> memref<128x384xi32, #tpu.memory_space<hbm>>
    %dma_wait3A_44 = arith.constant 0 : i32
    %dma_wait3A_45 = tpu.memref_slice %arg4[%add3A_37, %dma_wait3A_44] : memref<16384x384xi32, #tpu.memory_space<hbm>> -> memref<128x384xi32, #tpu.memory_space<hbm>>
    tpu.wait_dma2 semaphore(%arg11 : memref<!tpu.dma_semaphore, #tpu.memory_space<semaphore_mem>>) src(%arg7 : memref<128x384xi32, #tpu.memory_space<vmem>>) dst(%dma_wait3A_45 : memref<128x384xi32, #tpu.memory_space<hbm>>)
    %dma_start3A_46 = arith.constant 384 : i32
    %dma_start3A_47 = tpu.memref_slice %arg5[%dma_start3A_46] : memref<512xi32, #tpu.memory_space<vmem>> -> memref<128xi32, #tpu.memory_space<vmem>>
    %dma_start3A_48 = arith.constant 0 : i32
    %dma_start3A_49 = arith.constant 0 : i32
    %dma_start3A_50 = tpu.memref_slice %arg2[%dma_start3A_48, %dma_start3A_49] : memref<2048x384xi32, #tpu.memory_space<hbm>> -> memref<2048x384xi32, #tpu.memory_space<hbm>>
    tpu.enqueue_indirect_dma source(%dma_start3A_50 : memref<2048x384xi32, #tpu.memory_space<hbm>>) target(%arg7 : memref<128x384xi32, #tpu.memory_space<vmem>>) offsets(%dma_start3A_47 : memref<128xi32, #tpu.memory_space<vmem>>) semaphore(%arg9 : memref<!tpu.dma_semaphore, #tpu.memory_space<semaphore_mem>>)
    %dma_wait3A_51 = arith.constant 256 : i32
    %dma_wait3A_52 = tpu.memref_slice %arg5[%dma_wait3A_51] : memref<512xi32, #tpu.memory_space<vmem>> -> memref<128xi32, #tpu.memory_space<vmem>>
    %dma_wait3A_53 = arith.constant 0 : i32
    %dma_wait3A_54 = arith.constant 0 : i32
    %dma_wait3A_55 = tpu.memref_slice %arg2[%dma_wait3A_53, %dma_wait3A_54] : memref<2048x384xi32, #tpu.memory_space<hbm>> -> memref<2048x384xi32, #tpu.memory_space<hbm>>
    tpu.wait_indirect_dma semaphore(%arg8 : memref<!tpu.dma_semaphore, #tpu.memory_space<semaphore_mem>>) src(%dma_wait3A_55 : memref<2048x384xi32, #tpu.memory_space<hbm>>) dst(%arg6 : memref<128x384xi32, #tpu.memory_space<vmem>>)
    %add3A_56 = arith.constant 256 : i32
    %add3A_57 = arith.addi %mul3A_2, %add3A_56 : i32
    %dma_start3A_58 = arith.constant 0 : i32
    %dma_start3A_59 = tpu.memref_slice %arg4[%add3A_57, %dma_start3A_58] : memref<16384x384xi32, #tpu.memory_space<hbm>> -> memref<128x384xi32, #tpu.memory_space<hbm>>
    %dma_start3A_60 = arith.constant 0 : i32
    %dma_start3A_61 = tpu.memref_slice %arg4[%add3A_57, %dma_start3A_60] : memref<16384x384xi32, #tpu.memory_space<hbm>> -> memref<128x384xi32, #tpu.memory_space<hbm>>
    tpu.enqueue_dma source(%arg6 : memref<128x384xi32, #tpu.memory_space<vmem>>) target(%dma_start3A_61 : memref<128x384xi32, #tpu.memory_space<hbm>>) target_semaphore(%arg10 : memref<!tpu.dma_semaphore, #tpu.memory_space<semaphore_mem>>)
    %dma_wait3A_62 = arith.constant 384 : i32
    %dma_wait3A_63 = tpu.memref_slice %arg5[%dma_wait3A_62] : memref<512xi32, #tpu.memory_space<vmem>> -> memref<128xi32, #tpu.memory_space<vmem>>
    %dma_wait3A_64 = arith.constant 0 : i32
    %dma_wait3A_65 = arith.constant 0 : i32
    %dma_wait3A_66 = tpu.memref_slice %arg2[%dma_wait3A_64, %dma_wait3A_65] : memref<2048x384xi32, #tpu.memory_space<hbm>> -> memref<2048x384xi32, #tpu.memory_space<hbm>>
    tpu.wait_indirect_dma semaphore(%arg9 : memref<!tpu.dma_semaphore, #tpu.memory_space<semaphore_mem>>) src(%dma_wait3A_66 : memref<2048x384xi32, #tpu.memory_space<hbm>>) dst(%arg7 : memref<128x384xi32, #tpu.memory_space<vmem>>)
    %add3A_67 = arith.constant 384 : i32
    %add3A_68 = arith.addi %mul3A_2, %add3A_67 : i32
    %dma_start3A_69 = arith.constant 0 : i32
    %dma_start3A_70 = tpu.memref_slice %arg4[%add3A_68, %dma_start3A_69] : memref<16384x384xi32, #tpu.memory_space<hbm>> -> memref<128x384xi32, #tpu.memory_space<hbm>>
    %dma_start3A_71 = arith.constant 0 : i32
    %dma_start3A_72 = tpu.memref_slice %arg4[%add3A_68, %dma_start3A_71] : memref<16384x384xi32, #tpu.memory_space<hbm>> -> memref<128x384xi32, #tpu.memory_space<hbm>>
    tpu.enqueue_dma source(%arg7 : memref<128x384xi32, #tpu.memory_space<vmem>>) target(%dma_start3A_72 : memref<128x384xi32, #tpu.memory_space<hbm>>) target_semaphore(%arg11 : memref<!tpu.dma_semaphore, #tpu.memory_space<semaphore_mem>>)
    %dma_wait3A_73 = arith.constant 0 : i32
    %dma_wait3A_74 = tpu.memref_slice %arg4[%add3A_57, %dma_wait3A_73] : memref<16384x384xi32, #tpu.memory_space<hbm>> -> memref<128x384xi32, #tpu.memory_space<hbm>>
    %dma_wait3A_75 = arith.constant 0 : i32
    %dma_wait3A_76 = tpu.memref_slice %arg4[%add3A_57, %dma_wait3A_75] : memref<16384x384xi32, #tpu.memory_space<hbm>> -> memref<128x384xi32, #tpu.memory_space<hbm>>
    tpu.wait_dma2 semaphore(%arg10 : memref<!tpu.dma_semaphore, #tpu.memory_space<semaphore_mem>>) src(%arg6 : memref<128x384xi32, #tpu.memory_space<vmem>>) dst(%dma_wait3A_76 : memref<128x384xi32, #tpu.memory_space<hbm>>)
    %dma_wait3A_77 = arith.constant 0 : i32
    %dma_wait3A_78 = tpu.memref_slice %arg4[%add3A_68, %dma_wait3A_77] : memref<16384x384xi32, #tpu.memory_space<hbm>> -> memref<128x384xi32, #tpu.memory_space<hbm>>
    %dma_wait3A_79 = arith.constant 0 : i32
    %dma_wait3A_80 = tpu.memref_slice %arg4[%add3A_68, %dma_wait3A_79] : memref<16384x384xi32, #tpu.memory_space<hbm>> -> memref<128x384xi32, #tpu.memory_space<hbm>>
    tpu.wait_dma2 semaphore(%arg11 : memref<!tpu.dma_semaphore, #tpu.memory_space<semaphore_mem>>) src(%arg7 : memref<128x384xi32, #tpu.memory_space<vmem>>) dst(%dma_wait3A_80 : memref<128x384xi32, #tpu.memory_space<hbm>>)
    return
  }
}

#map = affine_map<(d0, d1) -> (0, 0, 0)>
#map1 = affine_map<(d0, d1) -> (0)>
module attributes {stable_mosaic.version = 14 : i64} {
  func.func @softmax_kernel(%arg0: i32, %arg1: i32, %arg2: memref<16x8x128xf32, #tpu.memory_space<hbm>>, %arg3: memref<16x8x128xi32, #tpu.memory_space<hbm>>, %arg4: memref<16xf32, #tpu.memory_space<hbm>>, %arg5: memref<2048xf32, #tpu.memory_space<hbm>>, %arg6: memref<16x8x128xf32, #tpu.memory_space<hbm>>, %arg7: memref<8x128xf32, #tpu.memory_space<vmem>>, %arg8: memref<8x128xi32, #tpu.memory_space<vmem>>, %arg9: memref<2048xf32, #tpu.memory_space<vmem>>, %arg10: memref<16xf32, #tpu.memory_space<vmem>>, %arg11: memref<2048xf32, #tpu.memory_space<vmem_shared>>) attributes {dimension_semantics = [#tpu.dimension_semantics<core_parallel>, #tpu.dimension_semantics<subcore_parallel>], iteration_bounds = array<i64: 2, 16>, scalar_prefetch = 0 : i64, scratch_operands = 5 : i64, tpu.core_type = #tpu.core_type<sc_vector_subcore>, window_params = [{transform_indices = #map}, {transform_indices = #map}, {transform_indices = #map1}, {transform_indices = #map1}, {transform_indices = #map}]} {
    %eq3A = arith.constant 0 : i32
    %eq3A_0 = arith.cmpi eq, %arg0, %eq3A : i32
    %eq3A_1 = arith.constant 0 : i32
    %eq3A_2 = arith.cmpi eq, %arg1, %eq3A_1 : i32
    %and3A = arith.andi %eq3A_0, %eq3A_2 : i1
    %convert_element_type3A = arith.extui %and3A : i1 to i32
    %cond3A = arith.constant 0 : i32
    %cond3A_3 = arith.cmpi ne, %convert_element_type3A, %cond3A : i32
    scf.if %cond3A_3 {
      "tpu.region"() ({
        %run_scoped3A = tpu.sem_alloc : memref<!tpu.dma_semaphore, #tpu.memory_space<semaphore_mem>>
        tpu.enqueue_dma source(%arg5 : memref<2048xf32, #tpu.memory_space<hbm>>) target(%arg11 : memref<2048xf32, #tpu.memory_space<vmem_shared>>) target_semaphore(%run_scoped3A : memref<!tpu.dma_semaphore, #tpu.memory_space<semaphore_mem>>)
        tpu.wait_dma2 semaphore(%run_scoped3A : memref<!tpu.dma_semaphore, #tpu.memory_space<semaphore_mem>>) src(%arg5 : memref<2048xf32, #tpu.memory_space<hbm>>) dst(%arg11 : memref<2048xf32, #tpu.memory_space<vmem_shared>>)
        tpu.yield
      }) : () -> ()
    } else {
    }
    %convert_element_type3A_4 = arith.extui %eq3A_0 : i1 to i32
    %cond3A_5 = arith.constant 0 : i32
    %cond3A_6 = arith.cmpi ne, %convert_element_type3A_4, %cond3A_5 : i32
    scf.if %cond3A_6 {
      "tpu.region"() ({
        %run_scoped3A = tpu.sem_alloc : memref<!tpu.dma_semaphore, #tpu.memory_space<semaphore_mem>>
        %dma_start3A = arith.constant 0 : i32
        %dma_start3A_652 = arith.constant 0 : i32
        %dma_start3A_653 = tpu.memref_slice %arg2[%arg1, %dma_start3A, %dma_start3A_652] : memref<16x8x128xf32, #tpu.memory_space<hbm>> -> memref<1x8x128xf32, #tpu.memory_space<hbm>>
        %dma_start3A_654 = tpu.memref_squeeze %dma_start3A_653 : memref<1x8x128xf32, #tpu.memory_space<hbm>> -> memref<8x128xf32, #tpu.memory_space<hbm>>
        %dma_start3A_655 = arith.constant 0 : i32
        %dma_start3A_656 = arith.constant 0 : i32
        %dma_start3A_657 = tpu.memref_slice %arg2[%arg1, %dma_start3A_655, %dma_start3A_656] : memref<16x8x128xf32, #tpu.memory_space<hbm>> -> memref<1x8x128xf32, #tpu.memory_space<hbm>>
        %dma_start3A_658 = tpu.memref_squeeze %dma_start3A_657 : memref<1x8x128xf32, #tpu.memory_space<hbm>> -> memref<8x128xf32, #tpu.memory_space<hbm>>
        tpu.enqueue_dma source(%dma_start3A_658 : memref<8x128xf32, #tpu.memory_space<hbm>>) target(%arg7 : memref<8x128xf32, #tpu.memory_space<vmem>>) target_semaphore(%run_scoped3A : memref<!tpu.dma_semaphore, #tpu.memory_space<semaphore_mem>>)
        %dma_wait3A = arith.constant 0 : i32
        %dma_wait3A_659 = arith.constant 0 : i32
        %dma_wait3A_660 = tpu.memref_slice %arg2[%arg1, %dma_wait3A, %dma_wait3A_659] : memref<16x8x128xf32, #tpu.memory_space<hbm>> -> memref<1x8x128xf32, #tpu.memory_space<hbm>>
        %dma_wait3A_661 = tpu.memref_squeeze %dma_wait3A_660 : memref<1x8x128xf32, #tpu.memory_space<hbm>> -> memref<8x128xf32, #tpu.memory_space<hbm>>
        %dma_wait3A_662 = arith.constant 0 : i32
        %dma_wait3A_663 = arith.constant 0 : i32
        %dma_wait3A_664 = tpu.memref_slice %arg2[%arg1, %dma_wait3A_662, %dma_wait3A_663] : memref<16x8x128xf32, #tpu.memory_space<hbm>> -> memref<1x8x128xf32, #tpu.memory_space<hbm>>
        %dma_wait3A_665 = tpu.memref_squeeze %dma_wait3A_664 : memref<1x8x128xf32, #tpu.memory_space<hbm>> -> memref<8x128xf32, #tpu.memory_space<hbm>>
        tpu.wait_dma2 semaphore(%run_scoped3A : memref<!tpu.dma_semaphore, #tpu.memory_space<semaphore_mem>>) src(%dma_wait3A_665 : memref<8x128xf32, #tpu.memory_space<hbm>>) dst(%arg7 : memref<8x128xf32, #tpu.memory_space<vmem>>)
        tpu.yield
      }) : () -> ()
      "tpu.region"() ({
        %run_scoped3A = tpu.sem_alloc : memref<!tpu.dma_semaphore, #tpu.memory_space<semaphore_mem>>
        %dma_start3A = arith.constant 0 : i32
        %dma_start3A_652 = arith.constant 0 : i32
        %dma_start3A_653 = tpu.memref_slice %arg3[%arg1, %dma_start3A, %dma_start3A_652] : memref<16x8x128xi32, #tpu.memory_space<hbm>> -> memref<1x8x128xi32, #tpu.memory_space<hbm>>
        %dma_start3A_654 = tpu.memref_squeeze %dma_start3A_653 : memref<1x8x128xi32, #tpu.memory_space<hbm>> -> memref<8x128xi32, #tpu.memory_space<hbm>>
        %dma_start3A_655 = arith.constant 0 : i32
        %dma_start3A_656 = arith.constant 0 : i32
        %dma_start3A_657 = tpu.memref_slice %arg3[%arg1, %dma_start3A_655, %dma_start3A_656] : memref<16x8x128xi32, #tpu.memory_space<hbm>> -> memref<1x8x128xi32, #tpu.memory_space<hbm>>
        %dma_start3A_658 = tpu.memref_squeeze %dma_start3A_657 : memref<1x8x128xi32, #tpu.memory_space<hbm>> -> memref<8x128xi32, #tpu.memory_space<hbm>>
        tpu.enqueue_dma source(%dma_start3A_658 : memref<8x128xi32, #tpu.memory_space<hbm>>) target(%arg8 : memref<8x128xi32, #tpu.memory_space<vmem>>) target_semaphore(%run_scoped3A : memref<!tpu.dma_semaphore, #tpu.memory_space<semaphore_mem>>)
        %dma_wait3A = arith.constant 0 : i32
        %dma_wait3A_659 = arith.constant 0 : i32
        %dma_wait3A_660 = tpu.memref_slice %arg3[%arg1, %dma_wait3A, %dma_wait3A_659] : memref<16x8x128xi32, #tpu.memory_space<hbm>> -> memref<1x8x128xi32, #tpu.memory_space<hbm>>
        %dma_wait3A_661 = tpu.memref_squeeze %dma_wait3A_660 : memref<1x8x128xi32, #tpu.memory_space<hbm>> -> memref<8x128xi32, #tpu.memory_space<hbm>>
        %dma_wait3A_662 = arith.constant 0 : i32
        %dma_wait3A_663 = arith.constant 0 : i32
        %dma_wait3A_664 = tpu.memref_slice %arg3[%arg1, %dma_wait3A_662, %dma_wait3A_663] : memref<16x8x128xi32, #tpu.memory_space<hbm>> -> memref<1x8x128xi32, #tpu.memory_space<hbm>>
        %dma_wait3A_665 = tpu.memref_squeeze %dma_wait3A_664 : memref<1x8x128xi32, #tpu.memory_space<hbm>> -> memref<8x128xi32, #tpu.memory_space<hbm>>
        tpu.wait_dma2 semaphore(%run_scoped3A : memref<!tpu.dma_semaphore, #tpu.memory_space<semaphore_mem>>) src(%dma_wait3A_665 : memref<8x128xi32, #tpu.memory_space<hbm>>) dst(%arg8 : memref<8x128xi32, #tpu.memory_space<vmem>>)
        tpu.yield
      }) : () -> ()
      "tpu.region"() ({
        %run_scoped3A = tpu.sem_alloc : memref<!tpu.dma_semaphore, #tpu.memory_space<semaphore_mem>>
        tpu.enqueue_dma source(%arg4 : memref<16xf32, #tpu.memory_space<hbm>>) target(%arg10 : memref<16xf32, #tpu.memory_space<vmem>>) target_semaphore(%run_scoped3A : memref<!tpu.dma_semaphore, #tpu.memory_space<semaphore_mem>>)
        tpu.wait_dma2 semaphore(%run_scoped3A : memref<!tpu.dma_semaphore, #tpu.memory_space<semaphore_mem>>) src(%arg4 : memref<16xf32, #tpu.memory_space<hbm>>) dst(%arg10 : memref<16xf32, #tpu.memory_space<vmem>>)
        tpu.yield
      }) : () -> ()
      %get3A = arith.constant 0 : index
      %get3A_14 = tpu.vector_load %arg10[%get3A] {strides = array<i32>} : memref<16xf32, #tpu.memory_space<vmem>>, vector<16xf32>,
      %get3A_15 = arith.constant 0 : i32
      %get3A_16 = arith.index_cast %get3A_15 : i32 to index
      %get3A_17 = arith.constant 0 : index
      %get3A_18 = tpu.vector_load %arg7[%get3A_16, %get3A_17] {strides = array<i32>} : memref<8x128xf32, #tpu.memory_space<vmem>>, vector<16xf32>,
      %sub3A = arith.subf %get3A_18, %get3A_14 : vector<16xf32>
      %exp3A = math.exp %sub3A : vector<16xf32>
      %swap3A = arith.constant 0 : i32
      %swap3A_19 = arith.index_cast %swap3A : i32 to index
      %swap3A_20 = arith.constant 0 : index
      %swap3A_21 = tpu.vector_load %arg7[%swap3A_19, %swap3A_20] {strides = array<i32>} : memref<8x128xf32, #tpu.memory_space<vmem>>, vector<16xf32>,
      tpu.vector_store %arg7[%swap3A_19, %swap3A_20], %exp3A {strides = array<i32>} : memref<8x128xf32, #tpu.memory_space<vmem>>, vector<16xf32>,
      %get3A_22 = arith.constant 0 : i32
      %get3A_23 = arith.index_cast %get3A_22 : i32 to index
      %get3A_24 = arith.constant 16 : index
      %get3A_25 = tpu.vector_load %arg7[%get3A_23, %get3A_24] {strides = array<i32>} : memref<8x128xf32, #tpu.memory_space<vmem>>, vector<16xf32>,
      %sub3A_26 = arith.subf %get3A_25, %get3A_14 : vector<16xf32>
      %exp3A_27 = math.exp %sub3A_26 : vector<16xf32>
      %swap3A_28 = arith.constant 0 : i32
      %swap3A_29 = arith.index_cast %swap3A_28 : i32 to index
      %swap3A_30 = arith.constant 16 : index
      %swap3A_31 = tpu.vector_load %arg7[%swap3A_29, %swap3A_30] {strides = array<i32>} : memref<8x128xf32, #tpu.memory_space<vmem>>, vector<16xf32>,
      tpu.vector_store %arg7[%swap3A_29, %swap3A_30], %exp3A_27 {strides = array<i32>} : memref<8x128xf32, #tpu.memory_space<vmem>>, vector<16xf32>,
      %get3A_32 = arith.constant 0 : i32
      %get3A_33 = arith.index_cast %get3A_32 : i32 to index
      %get3A_34 = arith.constant 32 : index
      %get3A_35 = tpu.vector_load %arg7[%get3A_33, %get3A_34] {strides = array<i32>} : memref<8x128xf32, #tpu.memory_space<vmem>>, vector<16xf32>,
      %sub3A_36 = arith.subf %get3A_35, %get3A_14 : vector<16xf32>
      %exp3A_37 = math.exp %sub3A_36 : vector<16xf32>
      %swap3A_38 = arith.constant 0 : i32
      %swap3A_39 = arith.index_cast %swap3A_38 : i32 to index
      %swap3A_40 = arith.constant 32 : index
      %swap3A_41 = tpu.vector_load %arg7[%swap3A_39, %swap3A_40] {strides = array<i32>} : memref<8x128xf32, #tpu.memory_space<vmem>>, vector<16xf32>,
      tpu.vector_store %arg7[%swap3A_39, %swap3A_40], %exp3A_37 {strides = array<i32>} : memref<8x128xf32, #tpu.memory_space<vmem>>, vector<16xf32>,
      %get3A_42 = arith.constant 0 : i32
      %get3A_43 = arith.index_cast %get3A_42 : i32 to index
      %get3A_44 = arith.constant 48 : index
      %get3A_45 = tpu.vector_load %arg7[%get3A_43, %get3A_44] {strides = array<i32>} : memref<8x128xf32, #tpu.memory_space<vmem>>, vector<16xf32>,
      %sub3A_46 = arith.subf %get3A_45, %get3A_14 : vector<16xf32>
      %exp3A_47 = math.exp %sub3A_46 : vector<16xf32>
      %swap3A_48 = arith.constant 0 : i32
      %swap3A_49 = arith.index_cast %swap3A_48 : i32 to index
      %swap3A_50 = arith.constant 48 : index
      %swap3A_51 = tpu.vector_load %arg7[%swap3A_49, %swap3A_50] {strides = array<i32>} : memref<8x128xf32, #tpu.memory_space<vmem>>, vector<16xf32>,
      tpu.vector_store %arg7[%swap3A_49, %swap3A_50], %exp3A_47 {strides = array<i32>} : memref<8x128xf32, #tpu.memory_space<vmem>>, vector<16xf32>,
      %get3A_52 = arith.constant 0 : i32
      %get3A_53 = arith.index_cast %get3A_52 : i32 to index
      %get3A_54 = arith.constant 64 : index
      %get3A_55 = tpu.vector_load %arg7[%get3A_53, %get3A_54] {strides = array<i32>} : memref<8x128xf32, #tpu.memory_space<vmem>>, vector<16xf32>,
      %sub3A_56 = arith.subf %get3A_55, %get3A_14 : vector<16xf32>
      %exp3A_57 = math.exp %sub3A_56 : vector<16xf32>
      %swap3A_58 = arith.constant 0 : i32
      %swap3A_59 = arith.index_cast %swap3A_58 : i32 to index
      %swap3A_60 = arith.constant 64 : index
      %swap3A_61 = tpu.vector_load %arg7[%swap3A_59, %swap3A_60] {strides = array<i32>} : memref<8x128xf32, #tpu.memory_space<vmem>>, vector<16xf32>,
      tpu.vector_store %arg7[%swap3A_59, %swap3A_60], %exp3A_57 {strides = array<i32>} : memref<8x128xf32, #tpu.memory_space<vmem>>, vector<16xf32>,
      %get3A_62 = arith.constant 0 : i32
      %get3A_63 = arith.index_cast %get3A_62 : i32 to index
      %get3A_64 = arith.constant 80 : index
      %get3A_65 = tpu.vector_load %arg7[%get3A_63, %get3A_64] {strides = array<i32>} : memref<8x128xf32, #tpu.memory_space<vmem>>, vector<16xf32>,
      %sub3A_66 = arith.subf %get3A_65, %get3A_14 : vector<16xf32>
      %exp3A_67 = math.exp %sub3A_66 : vector<16xf32>
      %swap3A_68 = arith.constant 0 : i32
      %swap3A_69 = arith.index_cast %swap3A_68 : i32 to index
      %swap3A_70 = arith.constant 80 : index
      %swap3A_71 = tpu.vector_load %arg7[%swap3A_69, %swap3A_70] {strides = array<i32>} : memref<8x128xf32, #tpu.memory_space<vmem>>, vector<16xf32>,
      tpu.vector_store %arg7[%swap3A_69, %swap3A_70], %exp3A_67 {strides = array<i32>} : memref<8x128xf32, #tpu.memory_space<vmem>>, vector<16xf32>,
      %get3A_72 = arith.constant 0 : i32
      %get3A_73 = arith.index_cast %get3A_72 : i32 to index
      %get3A_74 = arith.constant 96 : index
      %get3A_75 = tpu.vector_load %arg7[%get3A_73, %get3A_74] {strides = array<i32>} : memref<8x128xf32, #tpu.memory_space<vmem>>, vector<16xf32>,
      %sub3A_76 = arith.subf %get3A_75, %get3A_14 : vector<16xf32>
      %exp3A_77 = math.exp %sub3A_76 : vector<16xf32>
      %swap3A_78 = arith.constant 0 : i32
      %swap3A_79 = arith.index_cast %swap3A_78 : i32 to index
      %swap3A_80 = arith.constant 96 : index
      %swap3A_81 = tpu.vector_load %arg7[%swap3A_79, %swap3A_80] {strides = array<i32>} : memref<8x128xf32, #tpu.memory_space<vmem>>, vector<16xf32>,
      tpu.vector_store %arg7[%swap3A_79, %swap3A_80], %exp3A_77 {strides = array<i32>} : memref<8x128xf32, #tpu.memory_space<vmem>>, vector<16xf32>,
      %get3A_82 = arith.constant 0 : i32
      %get3A_83 = arith.index_cast %get3A_82 : i32 to index
      %get3A_84 = arith.constant 112 : index
      %get3A_85 = tpu.vector_load %arg7[%get3A_83, %get3A_84] {strides = array<i32>} : memref<8x128xf32, #tpu.memory_space<vmem>>, vector<16xf32>,
      %sub3A_86 = arith.subf %get3A_85, %get3A_14 : vector<16xf32>
      %exp3A_87 = math.exp %sub3A_86 : vector<16xf32>
      %swap3A_88 = arith.constant 0 : i32
      %swap3A_89 = arith.index_cast %swap3A_88 : i32 to index
      %swap3A_90 = arith.constant 112 : index
      %swap3A_91 = tpu.vector_load %arg7[%swap3A_89, %swap3A_90] {strides = array<i32>} : memref<8x128xf32, #tpu.memory_space<vmem>>, vector<16xf32>,
      tpu.vector_store %arg7[%swap3A_89, %swap3A_90], %exp3A_87 {strides = array<i32>} : memref<8x128xf32, #tpu.memory_space<vmem>>, vector<16xf32>,
      %get3A_92 = arith.constant 1 : i32
      %get3A_93 = arith.index_cast %get3A_92 : i32 to index
      %get3A_94 = arith.constant 0 : index
      %get3A_95 = tpu.vector_load %arg7[%get3A_93, %get3A_94] {strides = array<i32>} : memref<8x128xf32, #tpu.memory_space<vmem>>, vector<16xf32>,
      %sub3A_96 = arith.subf %get3A_95, %get3A_14 : vector<16xf32>
      %exp3A_97 = math.exp %sub3A_96 : vector<16xf32>
      %swap3A_98 = arith.constant 1 : i32
      %swap3A_99 = arith.index_cast %swap3A_98 : i32 to index
      %swap3A_100 = arith.constant 0 : index
      %swap3A_101 = tpu.vector_load %arg7[%swap3A_99, %swap3A_100] {strides = array<i32>} : memref<8x128xf32, #tpu.memory_space<vmem>>, vector<16xf32>,
      tpu.vector_store %arg7[%swap3A_99, %swap3A_100], %exp3A_97 {strides = array<i32>} : memref<8x128xf32, #tpu.memory_space<vmem>>, vector<16xf32>,
      %get3A_102 = arith.constant 1 : i32
      %get3A_103 = arith.index_cast %get3A_102 : i32 to index
      %get3A_104 = arith.constant 16 : index
      %get3A_105 = tpu.vector_load %arg7[%get3A_103, %get3A_104] {strides = array<i32>} : memref<8x128xf32, #tpu.memory_space<vmem>>, vector<16xf32>,
      %sub3A_106 = arith.subf %get3A_105, %get3A_14 : vector<16xf32>
      %exp3A_107 = math.exp %sub3A_106 : vector<16xf32>
      %swap3A_108 = arith.constant 1 : i32
      %swap3A_109 = arith.index_cast %swap3A_108 : i32 to index
      %swap3A_110 = arith.constant 16 : index
      %swap3A_111 = tpu.vector_load %arg7[%swap3A_109, %swap3A_110] {strides = array<i32>} : memref<8x128xf32, #tpu.memory_space<vmem>>, vector<16xf32>,
      tpu.vector_store %arg7[%swap3A_109, %swap3A_110], %exp3A_107 {strides = array<i32>} : memref<8x128xf32, #tpu.memory_space<vmem>>, vector<16xf32>,
      %get3A_112 = arith.constant 1 : i32
      %get3A_113 = arith.index_cast %get3A_112 : i32 to index
      %get3A_114 = arith.constant 32 : index
      %get3A_115 = tpu.vector_load %arg7[%get3A_113, %get3A_114] {strides = array<i32>} : memref<8x128xf32, #tpu.memory_space<vmem>>, vector<16xf32>,
      %sub3A_116 = arith.subf %get3A_115, %get3A_14 : vector<16xf32>
      %exp3A_117 = math.exp %sub3A_116 : vector<16xf32>
      %swap3A_118 = arith.constant 1 : i32
      %swap3A_119 = arith.index_cast %swap3A_118 : i32 to index
      %swap3A_120 = arith.constant 32 : index
      %swap3A_121 = tpu.vector_load %arg7[%swap3A_119, %swap3A_120] {strides = array<i32>} : memref<8x128xf32, #tpu.memory_space<vmem>>, vector<16xf32>,
      tpu.vector_store %arg7[%swap3A_119, %swap3A_120], %exp3A_117 {strides = array<i32>} : memref<8x128xf32, #tpu.memory_space<vmem>>, vector<16xf32>,
      %get3A_122 = arith.constant 1 : i32
      %get3A_123 = arith.index_cast %get3A_122 : i32 to index
      %get3A_124 = arith.constant 48 : index
      %get3A_125 = tpu.vector_load %arg7[%get3A_123, %get3A_124] {strides = array<i32>} : memref<8x128xf32, #tpu.memory_space<vmem>>, vector<16xf32>,
      %sub3A_126 = arith.subf %get3A_125, %get3A_14 : vector<16xf32>
      %exp3A_127 = math.exp %sub3A_126 : vector<16xf32>
      %swap3A_128 = arith.constant 1 : i32
      %swap3A_129 = arith.index_cast %swap3A_128 : i32 to index
      %swap3A_130 = arith.constant 48 : index
      %swap3A_131 = tpu.vector_load %arg7[%swap3A_129, %swap3A_130] {strides = array<i32>} : memref<8x128xf32, #tpu.memory_space<vmem>>, vector<16xf32>,
      tpu.vector_store %arg7[%swap3A_129, %swap3A_130], %exp3A_127 {strides = array<i32>} : memref<8x128xf32, #tpu.memory_space<vmem>>, vector<16xf32>,
      %get3A_132 = arith.constant 1 : i32
      %get3A_133 = arith.index_cast %get3A_132 : i32 to index
      %get3A_134 = arith.constant 64 : index
      %get3A_135 = tpu.vector_load %arg7[%get3A_133, %get3A_134] {strides = array<i32>} : memref<8x128xf32, #tpu.memory_space<vmem>>, vector<16xf32>,
      %sub3A_136 = arith.subf %get3A_135, %get3A_14 : vector<16xf32>
      %exp3A_137 = math.exp %sub3A_136 : vector<16xf32>
      %swap3A_138 = arith.constant 1 : i32
      %swap3A_139 = arith.index_cast %swap3A_138 : i32 to index
      %swap3A_140 = arith.constant 64 : index
      %swap3A_141 = tpu.vector_load %arg7[%swap3A_139, %swap3A_140] {strides = array<i32>} : memref<8x128xf32, #tpu.memory_space<vmem>>, vector<16xf32>,
      tpu.vector_store %arg7[%swap3A_139, %swap3A_140], %exp3A_137 {strides = array<i32>} : memref<8x128xf32, #tpu.memory_space<vmem>>, vector<16xf32>,
      %get3A_142 = arith.constant 1 : i32
      %get3A_143 = arith.index_cast %get3A_142 : i32 to index
      %get3A_144 = arith.constant 80 : index
      %get3A_145 = tpu.vector_load %arg7[%get3A_143, %get3A_144] {strides = array<i32>} : memref<8x128xf32, #tpu.memory_space<vmem>>, vector<16xf32>,
      %sub3A_146 = arith.subf %get3A_145, %get3A_14 : vector<16xf32>
      %exp3A_147 = math.exp %sub3A_146 : vector<16xf32>
      %swap3A_148 = arith.constant 1 : i32
      %swap3A_149 = arith.index_cast %swap3A_148 : i32 to index
      %swap3A_150 = arith.constant 80 : index
      %swap3A_151 = tpu.vector_load %arg7[%swap3A_149, %swap3A_150] {strides = array<i32>} : memref<8x128xf32, #tpu.memory_space<vmem>>, vector<16xf32>,
      tpu.vector_store %arg7[%swap3A_149, %swap3A_150], %exp3A_147 {strides = array<i32>} : memref<8x128xf32, #tpu.memory_space<vmem>>, vector<16xf32>,
      %get3A_152 = arith.constant 1 : i32
      %get3A_153 = arith.index_cast %get3A_152 : i32 to index
      %get3A_154 = arith.constant 96 : index
      %get3A_155 = tpu.vector_load %arg7[%get3A_153, %get3A_154] {strides = array<i32>} : memref<8x128xf32, #tpu.memory_space<vmem>>, vector<16xf32>,
      %sub3A_156 = arith.subf %get3A_155, %get3A_14 : vector<16xf32>
      %exp3A_157 = math.exp %sub3A_156 : vector<16xf32>
      %swap3A_158 = arith.constant 1 : i32
      %swap3A_159 = arith.index_cast %swap3A_158 : i32 to index
      %swap3A_160 = arith.constant 96 : index
      %swap3A_161 = tpu.vector_load %arg7[%swap3A_159, %swap3A_160] {strides = array<i32>} : memref<8x128xf32, #tpu.memory_space<vmem>>, vector<16xf32>,
      tpu.vector_store %arg7[%swap3A_159, %swap3A_160], %exp3A_157 {strides = array<i32>} : memref<8x128xf32, #tpu.memory_space<vmem>>, vector<16xf32>,
      %get3A_162 = arith.constant 1 : i32
      %get3A_163 = arith.index_cast %get3A_162 : i32 to index
      %get3A_164 = arith.constant 112 : index
      %get3A_165 = tpu.vector_load %arg7[%get3A_163, %get3A_164] {strides = array<i32>} : memref<8x128xf32, #tpu.memory_space<vmem>>, vector<16xf32>,
      %sub3A_166 = arith.subf %get3A_165, %get3A_14 : vector<16xf32>
      %exp3A_167 = math.exp %sub3A_166 : vector<16xf32>
      %swap3A_168 = arith.constant 1 : i32
      %swap3A_169 = arith.index_cast %swap3A_168 : i32 to index
      %swap3A_170 = arith.constant 112 : index
      %swap3A_171 = tpu.vector_load %arg7[%swap3A_169, %swap3A_170] {strides = array<i32>} : memref<8x128xf32, #tpu.memory_space<vmem>>, vector<16xf32>,
      tpu.vector_store %arg7[%swap3A_169, %swap3A_170], %exp3A_167 {strides = array<i32>} : memref<8x128xf32, #tpu.memory_space<vmem>>, vector<16xf32>,
      %get3A_172 = arith.constant 2 : i32
      %get3A_173 = arith.index_cast %get3A_172 : i32 to index
      %get3A_174 = arith.constant 0 : index
      %get3A_175 = tpu.vector_load %arg7[%get3A_173, %get3A_174] {strides = array<i32>} : memref<8x128xf32, #tpu.memory_space<vmem>>, vector<16xf32>,
      %sub3A_176 = arith.subf %get3A_175, %get3A_14 : vector<16xf32>
      %exp3A_177 = math.exp %sub3A_176 : vector<16xf32>
      %swap3A_178 = arith.constant 2 : i32
      %swap3A_179 = arith.index_cast %swap3A_178 : i32 to index
      %swap3A_180 = arith.constant 0 : index
      %swap3A_181 = tpu.vector_load %arg7[%swap3A_179, %swap3A_180] {strides = array<i32>} : memref<8x128xf32, #tpu.memory_space<vmem>>, vector<16xf32>,
      tpu.vector_store %arg7[%swap3A_179, %swap3A_180], %exp3A_177 {strides = array<i32>} : memref<8x128xf32, #tpu.memory_space<vmem>>, vector<16xf32>,
      %get3A_182 = arith.constant 2 : i32
      %get3A_183 = arith.index_cast %get3A_182 : i32 to index
      %get3A_184 = arith.constant 16 : index
      %get3A_185 = tpu.vector_load %arg7[%get3A_183, %get3A_184] {strides = array<i32>} : memref<8x128xf32, #tpu.memory_space<vmem>>, vector<16xf32>,
      %sub3A_186 = arith.subf %get3A_185, %get3A_14 : vector<16xf32>
      %exp3A_187 = math.exp %sub3A_186 : vector<16xf32>
      %swap3A_188 = arith.constant 2 : i32
      %swap3A_189 = arith.index_cast %swap3A_188 : i32 to index
      %swap3A_190 = arith.constant 16 : index
      %swap3A_191 = tpu.vector_load %arg7[%swap3A_189, %swap3A_190] {strides = array<i32>} : memref<8x128xf32, #tpu.memory_space<vmem>>, vector<16xf32>,
      tpu.vector_store %arg7[%swap3A_189, %swap3A_190], %exp3A_187 {strides = array<i32>} : memref<8x128xf32, #tpu.memory_space<vmem>>, vector<16xf32>,
      %get3A_192 = arith.constant 2 : i32
      %get3A_193 = arith.index_cast %get3A_192 : i32 to index
      %get3A_194 = arith.constant 32 : index
      %get3A_195 = tpu.vector_load %arg7[%get3A_193, %get3A_194] {strides = array<i32>} : memref<8x128xf32, #tpu.memory_space<vmem>>, vector<16xf32>,
      %sub3A_196 = arith.subf %get3A_195, %get3A_14 : vector<16xf32>
      %exp3A_197 = math.exp %sub3A_196 : vector<16xf32>
      %swap3A_198 = arith.constant 2 : i32
      %swap3A_199 = arith.index_cast %swap3A_198 : i32 to index
      %swap3A_200 = arith.constant 32 : index
      %swap3A_201 = tpu.vector_load %arg7[%swap3A_199, %swap3A_200] {strides = array<i32>} : memref<8x128xf32, #tpu.memory_space<vmem>>, vector<16xf32>,
      tpu.vector_store %arg7[%swap3A_199, %swap3A_200], %exp3A_197 {strides = array<i32>} : memref<8x128xf32, #tpu.memory_space<vmem>>, vector<16xf32>,
      %get3A_202 = arith.constant 2 : i32
      %get3A_203 = arith.index_cast %get3A_202 : i32 to index
      %get3A_204 = arith.constant 48 : index
      %get3A_205 = tpu.vector_load %arg7[%get3A_203, %get3A_204] {strides = array<i32>} : memref<8x128xf32, #tpu.memory_space<vmem>>, vector<16xf32>,
      %sub3A_206 = arith.subf %get3A_205, %get3A_14 : vector<16xf32>
      %exp3A_207 = math.exp %sub3A_206 : vector<16xf32>
      %swap3A_208 = arith.constant 2 : i32
      %swap3A_209 = arith.index_cast %swap3A_208 : i32 to index
      %swap3A_210 = arith.constant 48 : index
      %swap3A_211 = tpu.vector_load %arg7[%swap3A_209, %swap3A_210] {strides = array<i32>} : memref<8x128xf32, #tpu.memory_space<vmem>>, vector<16xf32>,
      tpu.vector_store %arg7[%swap3A_209, %swap3A_210], %exp3A_207 {strides = array<i32>} : memref<8x128xf32, #tpu.memory_space<vmem>>, vector<16xf32>,
      %get3A_212 = arith.constant 2 : i32
      %get3A_213 = arith.index_cast %get3A_212 : i32 to index
      %get3A_214 = arith.constant 64 : index
      %get3A_215 = tpu.vector_load %arg7[%get3A_213, %get3A_214] {strides = array<i32>} : memref<8x128xf32, #tpu.memory_space<vmem>>, vector<16xf32>,
      %sub3A_216 = arith.subf %get3A_215, %get3A_14 : vector<16xf32>
      %exp3A_217 = math.exp %sub3A_216 : vector<16xf32>
      %swap3A_218 = arith.constant 2 : i32
      %swap3A_219 = arith.index_cast %swap3A_218 : i32 to index
      %swap3A_220 = arith.constant 64 : index
      %swap3A_221 = tpu.vector_load %arg7[%swap3A_219, %swap3A_220] {strides = array<i32>} : memref<8x128xf32, #tpu.memory_space<vmem>>, vector<16xf32>,
      tpu.vector_store %arg7[%swap3A_219, %swap3A_220], %exp3A_217 {strides = array<i32>} : memref<8x128xf32, #tpu.memory_space<vmem>>, vector<16xf32>,
      %get3A_222 = arith.constant 2 : i32
      %get3A_223 = arith.index_cast %get3A_222 : i32 to index
      %get3A_224 = arith.constant 80 : index
      %get3A_225 = tpu.vector_load %arg7[%get3A_223, %get3A_224] {strides = array<i32>} : memref<8x128xf32, #tpu.memory_space<vmem>>, vector<16xf32>,
      %sub3A_226 = arith.subf %get3A_225, %get3A_14 : vector<16xf32>
      %exp3A_227 = math.exp %sub3A_226 : vector<16xf32>
      %swap3A_228 = arith.constant 2 : i32
      %swap3A_229 = arith.index_cast %swap3A_228 : i32 to index
      %swap3A_230 = arith.constant 80 : index
      %swap3A_231 = tpu.vector_load %arg7[%swap3A_229, %swap3A_230] {strides = array<i32>} : memref<8x128xf32, #tpu.memory_space<vmem>>, vector<16xf32>,
      tpu.vector_store %arg7[%swap3A_229, %swap3A_230], %exp3A_227 {strides = array<i32>} : memref<8x128xf32, #tpu.memory_space<vmem>>, vector<16xf32>,
      %get3A_232 = arith.constant 2 : i32
      %get3A_233 = arith.index_cast %get3A_232 : i32 to index
      %get3A_234 = arith.constant 96 : index
      %get3A_235 = tpu.vector_load %arg7[%get3A_233, %get3A_234] {strides = array<i32>} : memref<8x128xf32, #tpu.memory_space<vmem>>, vector<16xf32>,
      %sub3A_236 = arith.subf %get3A_235, %get3A_14 : vector<16xf32>
      %exp3A_237 = math.exp %sub3A_236 : vector<16xf32>
      %swap3A_238 = arith.constant 2 : i32
      %swap3A_239 = arith.index_cast %swap3A_238 : i32 to index
      %swap3A_240 = arith.constant 96 : index
      %swap3A_241 = tpu.vector_load %arg7[%swap3A_239, %swap3A_240] {strides = array<i32>} : memref<8x128xf32, #tpu.memory_space<vmem>>, vector<16xf32>,
      tpu.vector_store %arg7[%swap3A_239, %swap3A_240], %exp3A_237 {strides = array<i32>} : memref<8x128xf32, #tpu.memory_space<vmem>>, vector<16xf32>,
      %get3A_242 = arith.constant 2 : i32
      %get3A_243 = arith.index_cast %get3A_242 : i32 to index
      %get3A_244 = arith.constant 112 : index
      %get3A_245 = tpu.vector_load %arg7[%get3A_243, %get3A_244] {strides = array<i32>} : memref<8x128xf32, #tpu.memory_space<vmem>>, vector<16xf32>,
      %sub3A_246 = arith.subf %get3A_245, %get3A_14 : vector<16xf32>
      %exp3A_247 = math.exp %sub3A_246 : vector<16xf32>
      %swap3A_248 = arith.constant 2 : i32
      %swap3A_249 = arith.index_cast %swap3A_248 : i32 to index
      %swap3A_250 = arith.constant 112 : index
      %swap3A_251 = tpu.vector_load %arg7[%swap3A_249, %swap3A_250] {strides = array<i32>} : memref<8x128xf32, #tpu.memory_space<vmem>>, vector<16xf32>,
      tpu.vector_store %arg7[%swap3A_249, %swap3A_250], %exp3A_247 {strides = array<i32>} : memref<8x128xf32, #tpu.memory_space<vmem>>, vector<16xf32>,
      %get3A_252 = arith.constant 3 : i32
      %get3A_253 = arith.index_cast %get3A_252 : i32 to index
      %get3A_254 = arith.constant 0 : index
      %get3A_255 = tpu.vector_load %arg7[%get3A_253, %get3A_254] {strides = array<i32>} : memref<8x128xf32, #tpu.memory_space<vmem>>, vector<16xf32>,
      %sub3A_256 = arith.subf %get3A_255, %get3A_14 : vector<16xf32>
      %exp3A_257 = math.exp %sub3A_256 : vector<16xf32>
      %swap3A_258 = arith.constant 3 : i32
      %swap3A_259 = arith.index_cast %swap3A_258 : i32 to index
      %swap3A_260 = arith.constant 0 : index
      %swap3A_261 = tpu.vector_load %arg7[%swap3A_259, %swap3A_260] {strides = array<i32>} : memref<8x128xf32, #tpu.memory_space<vmem>>, vector<16xf32>,
      tpu.vector_store %arg7[%swap3A_259, %swap3A_260], %exp3A_257 {strides = array<i32>} : memref<8x128xf32, #tpu.memory_space<vmem>>, vector<16xf32>,
      %get3A_262 = arith.constant 3 : i32
      %get3A_263 = arith.index_cast %get3A_262 : i32 to index
      %get3A_264 = arith.constant 16 : index
      %get3A_265 = tpu.vector_load %arg7[%get3A_263, %get3A_264] {strides = array<i32>} : memref<8x128xf32, #tpu.memory_space<vmem>>, vector<16xf32>,
      %sub3A_266 = arith.subf %get3A_265, %get3A_14 : vector<16xf32>
      %exp3A_267 = math.exp %sub3A_266 : vector<16xf32>
      %swap3A_268 = arith.constant 3 : i32
      %swap3A_269 = arith.index_cast %swap3A_268 : i32 to index
      %swap3A_270 = arith.constant 16 : index
      %swap3A_271 = tpu.vector_load %arg7[%swap3A_269, %swap3A_270] {strides = array<i32>} : memref<8x128xf32, #tpu.memory_space<vmem>>, vector<16xf32>,
      tpu.vector_store %arg7[%swap3A_269, %swap3A_270], %exp3A_267 {strides = array<i32>} : memref<8x128xf32, #tpu.memory_space<vmem>>, vector<16xf32>,
      %get3A_272 = arith.constant 3 : i32
      %get3A_273 = arith.index_cast %get3A_272 : i32 to index
      %get3A_274 = arith.constant 32 : index
      %get3A_275 = tpu.vector_load %arg7[%get3A_273, %get3A_274] {strides = array<i32>} : memref<8x128xf32, #tpu.memory_space<vmem>>, vector<16xf32>,
      %sub3A_276 = arith.subf %get3A_275, %get3A_14 : vector<16xf32>
      %exp3A_277 = math.exp %sub3A_276 : vector<16xf32>
      %swap3A_278 = arith.constant 3 : i32
      %swap3A_279 = arith.index_cast %swap3A_278 : i32 to index
      %swap3A_280 = arith.constant 32 : index
      %swap3A_281 = tpu.vector_load %arg7[%swap3A_279, %swap3A_280] {strides = array<i32>} : memref<8x128xf32, #tpu.memory_space<vmem>>, vector<16xf32>,
      tpu.vector_store %arg7[%swap3A_279, %swap3A_280], %exp3A_277 {strides = array<i32>} : memref<8x128xf32, #tpu.memory_space<vmem>>, vector<16xf32>,
      %get3A_282 = arith.constant 3 : i32
      %get3A_283 = arith.index_cast %get3A_282 : i32 to index
      %get3A_284 = arith.constant 48 : index
      %get3A_285 = tpu.vector_load %arg7[%get3A_283, %get3A_284] {strides = array<i32>} : memref<8x128xf32, #tpu.memory_space<vmem>>, vector<16xf32>,
      %sub3A_286 = arith.subf %get3A_285, %get3A_14 : vector<16xf32>
      %exp3A_287 = math.exp %sub3A_286 : vector<16xf32>
      %swap3A_288 = arith.constant 3 : i32
      %swap3A_289 = arith.index_cast %swap3A_288 : i32 to index
      %swap3A_290 = arith.constant 48 : index
      %swap3A_291 = tpu.vector_load %arg7[%swap3A_289, %swap3A_290] {strides = array<i32>} : memref<8x128xf32, #tpu.memory_space<vmem>>, vector<16xf32>,
      tpu.vector_store %arg7[%swap3A_289, %swap3A_290], %exp3A_287 {strides = array<i32>} : memref<8x128xf32, #tpu.memory_space<vmem>>, vector<16xf32>,
      %get3A_292 = arith.constant 3 : i32
      %get3A_293 = arith.index_cast %get3A_292 : i32 to index
      %get3A_294 = arith.constant 64 : index
      %get3A_295 = tpu.vector_load %arg7[%get3A_293, %get3A_294] {strides = array<i32>} : memref<8x128xf32, #tpu.memory_space<vmem>>, vector<16xf32>,
      %sub3A_296 = arith.subf %get3A_295, %get3A_14 : vector<16xf32>
      %exp3A_297 = math.exp %sub3A_296 : vector<16xf32>
      %swap3A_298 = arith.constant 3 : i32
      %swap3A_299 = arith.index_cast %swap3A_298 : i32 to index
      %swap3A_300 = arith.constant 64 : index
      %swap3A_301 = tpu.vector_load %arg7[%swap3A_299, %swap3A_300] {strides = array<i32>} : memref<8x128xf32, #tpu.memory_space<vmem>>, vector<16xf32>,
      tpu.vector_store %arg7[%swap3A_299, %swap3A_300], %exp3A_297 {strides = array<i32>} : memref<8x128xf32, #tpu.memory_space<vmem>>, vector<16xf32>,
      %get3A_302 = arith.constant 3 : i32
      %get3A_303 = arith.index_cast %get3A_302 : i32 to index
      %get3A_304 = arith.constant 80 : index
      %get3A_305 = tpu.vector_load %arg7[%get3A_303, %get3A_304] {strides = array<i32>} : memref<8x128xf32, #tpu.memory_space<vmem>>, vector<16xf32>,
      %sub3A_306 = arith.subf %get3A_305, %get3A_14 : vector<16xf32>
      %exp3A_307 = math.exp %sub3A_306 : vector<16xf32>
      %swap3A_308 = arith.constant 3 : i32
      %swap3A_309 = arith.index_cast %swap3A_308 : i32 to index
      %swap3A_310 = arith.constant 80 : index
      %swap3A_311 = tpu.vector_load %arg7[%swap3A_309, %swap3A_310] {strides = array<i32>} : memref<8x128xf32, #tpu.memory_space<vmem>>, vector<16xf32>,
      tpu.vector_store %arg7[%swap3A_309, %swap3A_310], %exp3A_307 {strides = array<i32>} : memref<8x128xf32, #tpu.memory_space<vmem>>, vector<16xf32>,
      %get3A_312 = arith.constant 3 : i32
      %get3A_313 = arith.index_cast %get3A_312 : i32 to index
      %get3A_314 = arith.constant 96 : index
      %get3A_315 = tpu.vector_load %arg7[%get3A_313, %get3A_314] {strides = array<i32>} : memref<8x128xf32, #tpu.memory_space<vmem>>, vector<16xf32>,
      %sub3A_316 = arith.subf %get3A_315, %get3A_14 : vector<16xf32>
      %exp3A_317 = math.exp %sub3A_316 : vector<16xf32>
      %swap3A_318 = arith.constant 3 : i32
      %swap3A_319 = arith.index_cast %swap3A_318 : i32 to index
      %swap3A_320 = arith.constant 96 : index
      %swap3A_321 = tpu.vector_load %arg7[%swap3A_319, %swap3A_320] {strides = array<i32>} : memref<8x128xf32, #tpu.memory_space<vmem>>, vector<16xf32>,
      tpu.vector_store %arg7[%swap3A_319, %swap3A_320], %exp3A_317 {strides = array<i32>} : memref<8x128xf32, #tpu.memory_space<vmem>>, vector<16xf32>,
      %get3A_322 = arith.constant 3 : i32
      %get3A_323 = arith.index_cast %get3A_322 : i32 to index
      %get3A_324 = arith.constant 112 : index
      %get3A_325 = tpu.vector_load %arg7[%get3A_323, %get3A_324] {strides = array<i32>} : memref<8x128xf32, #tpu.memory_space<vmem>>, vector<16xf32>,
      %sub3A_326 = arith.subf %get3A_325, %get3A_14 : vector<16xf32>
      %exp3A_327 = math.exp %sub3A_326 : vector<16xf32>
      %swap3A_328 = arith.constant 3 : i32
      %swap3A_329 = arith.index_cast %swap3A_328 : i32 to index
      %swap3A_330 = arith.constant 112 : index
      %swap3A_331 = tpu.vector_load %arg7[%swap3A_329, %swap3A_330] {strides = array<i32>} : memref<8x128xf32, #tpu.memory_space<vmem>>, vector<16xf32>,
      tpu.vector_store %arg7[%swap3A_329, %swap3A_330], %exp3A_327 {strides = array<i32>} : memref<8x128xf32, #tpu.memory_space<vmem>>, vector<16xf32>,
      %get3A_332 = arith.constant 4 : i32
      %get3A_333 = arith.index_cast %get3A_332 : i32 to index
      %get3A_334 = arith.constant 0 : index
      %get3A_335 = tpu.vector_load %arg7[%get3A_333, %get3A_334] {strides = array<i32>} : memref<8x128xf32, #tpu.memory_space<vmem>>, vector<16xf32>,
      %sub3A_336 = arith.subf %get3A_335, %get3A_14 : vector<16xf32>
      %exp3A_337 = math.exp %sub3A_336 : vector<16xf32>
      %swap3A_338 = arith.constant 4 : i32
      %swap3A_339 = arith.index_cast %swap3A_338 : i32 to index
      %swap3A_340 = arith.constant 0 : index
      %swap3A_341 = tpu.vector_load %arg7[%swap3A_339, %swap3A_340] {strides = array<i32>} : memref<8x128xf32, #tpu.memory_space<vmem>>, vector<16xf32>,
      tpu.vector_store %arg7[%swap3A_339, %swap3A_340], %exp3A_337 {strides = array<i32>} : memref<8x128xf32, #tpu.memory_space<vmem>>, vector<16xf32>,
      %get3A_342 = arith.constant 4 : i32
      %get3A_343 = arith.index_cast %get3A_342 : i32 to index
      %get3A_344 = arith.constant 16 : index
      %get3A_345 = tpu.vector_load %arg7[%get3A_343, %get3A_344] {strides = array<i32>} : memref<8x128xf32, #tpu.memory_space<vmem>>, vector<16xf32>,
      %sub3A_346 = arith.subf %get3A_345, %get3A_14 : vector<16xf32>
      %exp3A_347 = math.exp %sub3A_346 : vector<16xf32>
      %swap3A_348 = arith.constant 4 : i32
      %swap3A_349 = arith.index_cast %swap3A_348 : i32 to index
      %swap3A_350 = arith.constant 16 : index
      %swap3A_351 = tpu.vector_load %arg7[%swap3A_349, %swap3A_350] {strides = array<i32>} : memref<8x128xf32, #tpu.memory_space<vmem>>, vector<16xf32>,
      tpu.vector_store %arg7[%swap3A_349, %swap3A_350], %exp3A_347 {strides = array<i32>} : memref<8x128xf32, #tpu.memory_space<vmem>>, vector<16xf32>,
      %get3A_352 = arith.constant 4 : i32
      %get3A_353 = arith.index_cast %get3A_352 : i32 to index
      %get3A_354 = arith.constant 32 : index
      %get3A_355 = tpu.vector_load %arg7[%get3A_353, %get3A_354] {strides = array<i32>} : memref<8x128xf32, #tpu.memory_space<vmem>>, vector<16xf32>,
      %sub3A_356 = arith.subf %get3A_355, %get3A_14 : vector<16xf32>
      %exp3A_357 = math.exp %sub3A_356 : vector<16xf32>
      %swap3A_358 = arith.constant 4 : i32
      %swap3A_359 = arith.index_cast %swap3A_358 : i32 to index
      %swap3A_360 = arith.constant 32 : index
      %swap3A_361 = tpu.vector_load %arg7[%swap3A_359, %swap3A_360] {strides = array<i32>} : memref<8x128xf32, #tpu.memory_space<vmem>>, vector<16xf32>,
      tpu.vector_store %arg7[%swap3A_359, %swap3A_360], %exp3A_357 {strides = array<i32>} : memref<8x128xf32, #tpu.memory_space<vmem>>, vector<16xf32>,
      %get3A_362 = arith.constant 4 : i32
      %get3A_363 = arith.index_cast %get3A_362 : i32 to index
      %get3A_364 = arith.constant 48 : index
      %get3A_365 = tpu.vector_load %arg7[%get3A_363, %get3A_364] {strides = array<i32>} : memref<8x128xf32, #tpu.memory_space<vmem>>, vector<16xf32>,
      %sub3A_366 = arith.subf %get3A_365, %get3A_14 : vector<16xf32>
      %exp3A_367 = math.exp %sub3A_366 : vector<16xf32>
      %swap3A_368 = arith.constant 4 : i32
      %swap3A_369 = arith.index_cast %swap3A_368 : i32 to index
      %swap3A_370 = arith.constant 48 : index
      %swap3A_371 = tpu.vector_load %arg7[%swap3A_369, %swap3A_370] {strides = array<i32>} : memref<8x128xf32, #tpu.memory_space<vmem>>, vector<16xf32>,
      tpu.vector_store %arg7[%swap3A_369, %swap3A_370], %exp3A_367 {strides = array<i32>} : memref<8x128xf32, #tpu.memory_space<vmem>>, vector<16xf32>,
      %get3A_372 = arith.constant 4 : i32
      %get3A_373 = arith.index_cast %get3A_372 : i32 to index
      %get3A_374 = arith.constant 64 : index
      %get3A_375 = tpu.vector_load %arg7[%get3A_373, %get3A_374] {strides = array<i32>} : memref<8x128xf32, #tpu.memory_space<vmem>>, vector<16xf32>,
      %sub3A_376 = arith.subf %get3A_375, %get3A_14 : vector<16xf32>
      %exp3A_377 = math.exp %sub3A_376 : vector<16xf32>
      %swap3A_378 = arith.constant 4 : i32
      %swap3A_379 = arith.index_cast %swap3A_378 : i32 to index
      %swap3A_380 = arith.constant 64 : index
      %swap3A_381 = tpu.vector_load %arg7[%swap3A_379, %swap3A_380] {strides = array<i32>} : memref<8x128xf32, #tpu.memory_space<vmem>>, vector<16xf32>,
      tpu.vector_store %arg7[%swap3A_379, %swap3A_380], %exp3A_377 {strides = array<i32>} : memref<8x128xf32, #tpu.memory_space<vmem>>, vector<16xf32>,
      %get3A_382 = arith.constant 4 : i32
      %get3A_383 = arith.index_cast %get3A_382 : i32 to index
      %get3A_384 = arith.constant 80 : index
      %get3A_385 = tpu.vector_load %arg7[%get3A_383, %get3A_384] {strides = array<i32>} : memref<8x128xf32, #tpu.memory_space<vmem>>, vector<16xf32>,
      %sub3A_386 = arith.subf %get3A_385, %get3A_14 : vector<16xf32>
      %exp3A_387 = math.exp %sub3A_386 : vector<16xf32>
      %swap3A_388 = arith.constant 4 : i32
      %swap3A_389 = arith.index_cast %swap3A_388 : i32 to index
      %swap3A_390 = arith.constant 80 : index
      %swap3A_391 = tpu.vector_load %arg7[%swap3A_389, %swap3A_390] {strides = array<i32>} : memref<8x128xf32, #tpu.memory_space<vmem>>, vector<16xf32>,
      tpu.vector_store %arg7[%swap3A_389, %swap3A_390], %exp3A_387 {strides = array<i32>} : memref<8x128xf32, #tpu.memory_space<vmem>>, vector<16xf32>,
      %get3A_392 = arith.constant 4 : i32
      %get3A_393 = arith.index_cast %get3A_392 : i32 to index
      %get3A_394 = arith.constant 96 : index
      %get3A_395 = tpu.vector_load %arg7[%get3A_393, %get3A_394] {strides = array<i32>} : memref<8x128xf32, #tpu.memory_space<vmem>>, vector<16xf32>,
      %sub3A_396 = arith.subf %get3A_395, %get3A_14 : vector<16xf32>
      %exp3A_397 = math.exp %sub3A_396 : vector<16xf32>
      %swap3A_398 = arith.constant 4 : i32
      %swap3A_399 = arith.index_cast %swap3A_398 : i32 to index
      %swap3A_400 = arith.constant 96 : index
      %swap3A_401 = tpu.vector_load %arg7[%swap3A_399, %swap3A_400] {strides = array<i32>} : memref<8x128xf32, #tpu.memory_space<vmem>>, vector<16xf32>,
      tpu.vector_store %arg7[%swap3A_399, %swap3A_400], %exp3A_397 {strides = array<i32>} : memref<8x128xf32, #tpu.memory_space<vmem>>, vector<16xf32>,
      %get3A_402 = arith.constant 4 : i32
      %get3A_403 = arith.index_cast %get3A_402 : i32 to index
      %get3A_404 = arith.constant 112 : index
      %get3A_405 = tpu.vector_load %arg7[%get3A_403, %get3A_404] {strides = array<i32>} : memref<8x128xf32, #tpu.memory_space<vmem>>, vector<16xf32>,
      %sub3A_406 = arith.subf %get3A_405, %get3A_14 : vector<16xf32>
      %exp3A_407 = math.exp %sub3A_406 : vector<16xf32>
      %swap3A_408 = arith.constant 4 : i32
      %swap3A_409 = arith.index_cast %swap3A_408 : i32 to index
      %swap3A_410 = arith.constant 112 : index
      %swap3A_411 = tpu.vector_load %arg7[%swap3A_409, %swap3A_410] {strides = array<i32>} : memref<8x128xf32, #tpu.memory_space<vmem>>, vector<16xf32>,
      tpu.vector_store %arg7[%swap3A_409, %swap3A_410], %exp3A_407 {strides = array<i32>} : memref<8x128xf32, #tpu.memory_space<vmem>>, vector<16xf32>,
      %get3A_412 = arith.constant 5 : i32
      %get3A_413 = arith.index_cast %get3A_412 : i32 to index
      %get3A_414 = arith.constant 0 : index
      %get3A_415 = tpu.vector_load %arg7[%get3A_413, %get3A_414] {strides = array<i32>} : memref<8x128xf32, #tpu.memory_space<vmem>>, vector<16xf32>,
      %sub3A_416 = arith.subf %get3A_415, %get3A_14 : vector<16xf32>
      %exp3A_417 = math.exp %sub3A_416 : vector<16xf32>
      %swap3A_418 = arith.constant 5 : i32
      %swap3A_419 = arith.index_cast %swap3A_418 : i32 to index
      %swap3A_420 = arith.constant 0 : index
      %swap3A_421 = tpu.vector_load %arg7[%swap3A_419, %swap3A_420] {strides = array<i32>} : memref<8x128xf32, #tpu.memory_space<vmem>>, vector<16xf32>,
      tpu.vector_store %arg7[%swap3A_419, %swap3A_420], %exp3A_417 {strides = array<i32>} : memref<8x128xf32, #tpu.memory_space<vmem>>, vector<16xf32>,
      %get3A_422 = arith.constant 5 : i32
      %get3A_423 = arith.index_cast %get3A_422 : i32 to index
      %get3A_424 = arith.constant 16 : index
      %get3A_425 = tpu.vector_load %arg7[%get3A_423, %get3A_424] {strides = array<i32>} : memref<8x128xf32, #tpu.memory_space<vmem>>, vector<16xf32>,
      %sub3A_426 = arith.subf %get3A_425, %get3A_14 : vector<16xf32>
      %exp3A_427 = math.exp %sub3A_426 : vector<16xf32>
      %swap3A_428 = arith.constant 5 : i32
      %swap3A_429 = arith.index_cast %swap3A_428 : i32 to index
      %swap3A_430 = arith.constant 16 : index
      %swap3A_431 = tpu.vector_load %arg7[%swap3A_429, %swap3A_430] {strides = array<i32>} : memref<8x128xf32, #tpu.memory_space<vmem>>, vector<16xf32>,
      tpu.vector_store %arg7[%swap3A_429, %swap3A_430], %exp3A_427 {strides = array<i32>} : memref<8x128xf32, #tpu.memory_space<vmem>>, vector<16xf32>,
      %get3A_432 = arith.constant 5 : i32
      %get3A_433 = arith.index_cast %get3A_432 : i32 to index
      %get3A_434 = arith.constant 32 : index
      %get3A_435 = tpu.vector_load %arg7[%get3A_433, %get3A_434] {strides = array<i32>} : memref<8x128xf32, #tpu.memory_space<vmem>>, vector<16xf32>,
      %sub3A_436 = arith.subf %get3A_435, %get3A_14 : vector<16xf32>
      %exp3A_437 = math.exp %sub3A_436 : vector<16xf32>
      %swap3A_438 = arith.constant 5 : i32
      %swap3A_439 = arith.index_cast %swap3A_438 : i32 to index
      %swap3A_440 = arith.constant 32 : index
      %swap3A_441 = tpu.vector_load %arg7[%swap3A_439, %swap3A_440] {strides = array<i32>} : memref<8x128xf32, #tpu.memory_space<vmem>>, vector<16xf32>,
      tpu.vector_store %arg7[%swap3A_439, %swap3A_440], %exp3A_437 {strides = array<i32>} : memref<8x128xf32, #tpu.memory_space<vmem>>, vector<16xf32>,
      %get3A_442 = arith.constant 5 : i32
      %get3A_443 = arith.index_cast %get3A_442 : i32 to index
      %get3A_444 = arith.constant 48 : index
      %get3A_445 = tpu.vector_load %arg7[%get3A_443, %get3A_444] {strides = array<i32>} : memref<8x128xf32, #tpu.memory_space<vmem>>, vector<16xf32>,
      %sub3A_446 = arith.subf %get3A_445, %get3A_14 : vector<16xf32>
      %exp3A_447 = math.exp %sub3A_446 : vector<16xf32>
      %swap3A_448 = arith.constant 5 : i32
      %swap3A_449 = arith.index_cast %swap3A_448 : i32 to index
      %swap3A_450 = arith.constant 48 : index
      %swap3A_451 = tpu.vector_load %arg7[%swap3A_449, %swap3A_450] {strides = array<i32>} : memref<8x128xf32, #tpu.memory_space<vmem>>, vector<16xf32>,
      tpu.vector_store %arg7[%swap3A_449, %swap3A_450], %exp3A_447 {strides = array<i32>} : memref<8x128xf32, #tpu.memory_space<vmem>>, vector<16xf32>,
      %get3A_452 = arith.constant 5 : i32
      %get3A_453 = arith.index_cast %get3A_452 : i32 to index
      %get3A_454 = arith.constant 64 : index
      %get3A_455 = tpu.vector_load %arg7[%get3A_453, %get3A_454] {strides = array<i32>} : memref<8x128xf32, #tpu.memory_space<vmem>>, vector<16xf32>,
      %sub3A_456 = arith.subf %get3A_455, %get3A_14 : vector<16xf32>
      %exp3A_457 = math.exp %sub3A_456 : vector<16xf32>
      %swap3A_458 = arith.constant 5 : i32
      %swap3A_459 = arith.index_cast %swap3A_458 : i32 to index
      %swap3A_460 = arith.constant 64 : index
      %swap3A_461 = tpu.vector_load %arg7[%swap3A_459, %swap3A_460] {strides = array<i32>} : memref<8x128xf32, #tpu.memory_space<vmem>>, vector<16xf32>,
      tpu.vector_store %arg7[%swap3A_459, %swap3A_460], %exp3A_457 {strides = array<i32>} : memref<8x128xf32, #tpu.memory_space<vmem>>, vector<16xf32>,
      %get3A_462 = arith.constant 5 : i32
      %get3A_463 = arith.index_cast %get3A_462 : i32 to index
      %get3A_464 = arith.constant 80 : index
      %get3A_465 = tpu.vector_load %arg7[%get3A_463, %get3A_464] {strides = array<i32>} : memref<8x128xf32, #tpu.memory_space<vmem>>, vector<16xf32>,
      %sub3A_466 = arith.subf %get3A_465, %get3A_14 : vector<16xf32>
      %exp3A_467 = math.exp %sub3A_466 : vector<16xf32>
      %swap3A_468 = arith.constant 5 : i32
      %swap3A_469 = arith.index_cast %swap3A_468 : i32 to index
      %swap3A_470 = arith.constant 80 : index
      %swap3A_471 = tpu.vector_load %arg7[%swap3A_469, %swap3A_470] {strides = array<i32>} : memref<8x128xf32, #tpu.memory_space<vmem>>, vector<16xf32>,
      tpu.vector_store %arg7[%swap3A_469, %swap3A_470], %exp3A_467 {strides = array<i32>} : memref<8x128xf32, #tpu.memory_space<vmem>>, vector<16xf32>,
      %get3A_472 = arith.constant 5 : i32
      %get3A_473 = arith.index_cast %get3A_472 : i32 to index
      %get3A_474 = arith.constant 96 : index
      %get3A_475 = tpu.vector_load %arg7[%get3A_473, %get3A_474] {strides = array<i32>} : memref<8x128xf32, #tpu.memory_space<vmem>>, vector<16xf32>,
      %sub3A_476 = arith.subf %get3A_475, %get3A_14 : vector<16xf32>
      %exp3A_477 = math.exp %sub3A_476 : vector<16xf32>
      %swap3A_478 = arith.constant 5 : i32
      %swap3A_479 = arith.index_cast %swap3A_478 : i32 to index
      %swap3A_480 = arith.constant 96 : index
      %swap3A_481 = tpu.vector_load %arg7[%swap3A_479, %swap3A_480] {strides = array<i32>} : memref<8x128xf32, #tpu.memory_space<vmem>>, vector<16xf32>,
      tpu.vector_store %arg7[%swap3A_479, %swap3A_480], %exp3A_477 {strides = array<i32>} : memref<8x128xf32, #tpu.memory_space<vmem>>, vector<16xf32>,
      %get3A_482 = arith.constant 5 : i32
      %get3A_483 = arith.index_cast %get3A_482 : i32 to index
      %get3A_484 = arith.constant 112 : index
      %get3A_485 = tpu.vector_load %arg7[%get3A_483, %get3A_484] {strides = array<i32>} : memref<8x128xf32, #tpu.memory_space<vmem>>, vector<16xf32>,
      %sub3A_486 = arith.subf %get3A_485, %get3A_14 : vector<16xf32>
      %exp3A_487 = math.exp %sub3A_486 : vector<16xf32>
      %swap3A_488 = arith.constant 5 : i32
      %swap3A_489 = arith.index_cast %swap3A_488 : i32 to index
      %swap3A_490 = arith.constant 112 : index
      %swap3A_491 = tpu.vector_load %arg7[%swap3A_489, %swap3A_490] {strides = array<i32>} : memref<8x128xf32, #tpu.memory_space<vmem>>, vector<16xf32>,
      tpu.vector_store %arg7[%swap3A_489, %swap3A_490], %exp3A_487 {strides = array<i32>} : memref<8x128xf32, #tpu.memory_space<vmem>>, vector<16xf32>,
      %get3A_492 = arith.constant 6 : i32
      %get3A_493 = arith.index_cast %get3A_492 : i32 to index
      %get3A_494 = arith.constant 0 : index
      %get3A_495 = tpu.vector_load %arg7[%get3A_493, %get3A_494] {strides = array<i32>} : memref<8x128xf32, #tpu.memory_space<vmem>>, vector<16xf32>,
      %sub3A_496 = arith.subf %get3A_495, %get3A_14 : vector<16xf32>
      %exp3A_497 = math.exp %sub3A_496 : vector<16xf32>
      %swap3A_498 = arith.constant 6 : i32
      %swap3A_499 = arith.index_cast %swap3A_498 : i32 to index
      %swap3A_500 = arith.constant 0 : index
      %swap3A_501 = tpu.vector_load %arg7[%swap3A_499, %swap3A_500] {strides = array<i32>} : memref<8x128xf32, #tpu.memory_space<vmem>>, vector<16xf32>,
      tpu.vector_store %arg7[%swap3A_499, %swap3A_500], %exp3A_497 {strides = array<i32>} : memref<8x128xf32, #tpu.memory_space<vmem>>, vector<16xf32>,
      %get3A_502 = arith.constant 6 : i32
      %get3A_503 = arith.index_cast %get3A_502 : i32 to index
      %get3A_504 = arith.constant 16 : index
      %get3A_505 = tpu.vector_load %arg7[%get3A_503, %get3A_504] {strides = array<i32>} : memref<8x128xf32, #tpu.memory_space<vmem>>, vector<16xf32>,
      %sub3A_506 = arith.subf %get3A_505, %get3A_14 : vector<16xf32>
      %exp3A_507 = math.exp %sub3A_506 : vector<16xf32>
      %swap3A_508 = arith.constant 6 : i32
      %swap3A_509 = arith.index_cast %swap3A_508 : i32 to index
      %swap3A_510 = arith.constant 16 : index
      %swap3A_511 = tpu.vector_load %arg7[%swap3A_509, %swap3A_510] {strides = array<i32>} : memref<8x128xf32, #tpu.memory_space<vmem>>, vector<16xf32>,
      tpu.vector_store %arg7[%swap3A_509, %swap3A_510], %exp3A_507 {strides = array<i32>} : memref<8x128xf32, #tpu.memory_space<vmem>>, vector<16xf32>,
      %get3A_512 = arith.constant 6 : i32
      %get3A_513 = arith.index_cast %get3A_512 : i32 to index
      %get3A_514 = arith.constant 32 : index
      %get3A_515 = tpu.vector_load %arg7[%get3A_513, %get3A_514] {strides = array<i32>} : memref<8x128xf32, #tpu.memory_space<vmem>>, vector<16xf32>,
      %sub3A_516 = arith.subf %get3A_515, %get3A_14 : vector<16xf32>
      %exp3A_517 = math.exp %sub3A_516 : vector<16xf32>
      %swap3A_518 = arith.constant 6 : i32
      %swap3A_519 = arith.index_cast %swap3A_518 : i32 to index
      %swap3A_520 = arith.constant 32 : index
      %swap3A_521 = tpu.vector_load %arg7[%swap3A_519, %swap3A_520] {strides = array<i32>} : memref<8x128xf32, #tpu.memory_space<vmem>>, vector<16xf32>,
      tpu.vector_store %arg7[%swap3A_519, %swap3A_520], %exp3A_517 {strides = array<i32>} : memref<8x128xf32, #tpu.memory_space<vmem>>, vector<16xf32>,
      %get3A_522 = arith.constant 6 : i32
      %get3A_523 = arith.index_cast %get3A_522 : i32 to index
      %get3A_524 = arith.constant 48 : index
      %get3A_525 = tpu.vector_load %arg7[%get3A_523, %get3A_524] {strides = array<i32>} : memref<8x128xf32, #tpu.memory_space<vmem>>, vector<16xf32>,
      %sub3A_526 = arith.subf %get3A_525, %get3A_14 : vector<16xf32>
      %exp3A_527 = math.exp %sub3A_526 : vector<16xf32>
      %swap3A_528 = arith.constant 6 : i32
      %swap3A_529 = arith.index_cast %swap3A_528 : i32 to index
      %swap3A_530 = arith.constant 48 : index
      %swap3A_531 = tpu.vector_load %arg7[%swap3A_529, %swap3A_530] {strides = array<i32>} : memref<8x128xf32, #tpu.memory_space<vmem>>, vector<16xf32>,
      tpu.vector_store %arg7[%swap3A_529, %swap3A_530], %exp3A_527 {strides = array<i32>} : memref<8x128xf32, #tpu.memory_space<vmem>>, vector<16xf32>,
      %get3A_532 = arith.constant 6 : i32
      %get3A_533 = arith.index_cast %get3A_532 : i32 to index
      %get3A_534 = arith.constant 64 : index
      %get3A_535 = tpu.vector_load %arg7[%get3A_533, %get3A_534] {strides = array<i32>} : memref<8x128xf32, #tpu.memory_space<vmem>>, vector<16xf32>,
      %sub3A_536 = arith.subf %get3A_535, %get3A_14 : vector<16xf32>
      %exp3A_537 = math.exp %sub3A_536 : vector<16xf32>
      %swap3A_538 = arith.constant 6 : i32
      %swap3A_539 = arith.index_cast %swap3A_538 : i32 to index
      %swap3A_540 = arith.constant 64 : index
      %swap3A_541 = tpu.vector_load %arg7[%swap3A_539, %swap3A_540] {strides = array<i32>} : memref<8x128xf32, #tpu.memory_space<vmem>>, vector<16xf32>,
      tpu.vector_store %arg7[%swap3A_539, %swap3A_540], %exp3A_537 {strides = array<i32>} : memref<8x128xf32, #tpu.memory_space<vmem>>, vector<16xf32>,
      %get3A_542 = arith.constant 6 : i32
      %get3A_543 = arith.index_cast %get3A_542 : i32 to index
      %get3A_544 = arith.constant 80 : index
      %get3A_545 = tpu.vector_load %arg7[%get3A_543, %get3A_544] {strides = array<i32>} : memref<8x128xf32, #tpu.memory_space<vmem>>, vector<16xf32>,
      %sub3A_546 = arith.subf %get3A_545, %get3A_14 : vector<16xf32>
      %exp3A_547 = math.exp %sub3A_546 : vector<16xf32>
      %swap3A_548 = arith.constant 6 : i32
      %swap3A_549 = arith.index_cast %swap3A_548 : i32 to index
      %swap3A_550 = arith.constant 80 : index
      %swap3A_551 = tpu.vector_load %arg7[%swap3A_549, %swap3A_550] {strides = array<i32>} : memref<8x128xf32, #tpu.memory_space<vmem>>, vector<16xf32>,
      tpu.vector_store %arg7[%swap3A_549, %swap3A_550], %exp3A_547 {strides = array<i32>} : memref<8x128xf32, #tpu.memory_space<vmem>>, vector<16xf32>,
      %get3A_552 = arith.constant 6 : i32
      %get3A_553 = arith.index_cast %get3A_552 : i32 to index
      %get3A_554 = arith.constant 96 : index
      %get3A_555 = tpu.vector_load %arg7[%get3A_553, %get3A_554] {strides = array<i32>} : memref<8x128xf32, #tpu.memory_space<vmem>>, vector<16xf32>,
      %sub3A_556 = arith.subf %get3A_555, %get3A_14 : vector<16xf32>
      %exp3A_557 = math.exp %sub3A_556 : vector<16xf32>
      %swap3A_558 = arith.constant 6 : i32
      %swap3A_559 = arith.index_cast %swap3A_558 : i32 to index
      %swap3A_560 = arith.constant 96 : index
      %swap3A_561 = tpu.vector_load %arg7[%swap3A_559, %swap3A_560] {strides = array<i32>} : memref<8x128xf32, #tpu.memory_space<vmem>>, vector<16xf32>,
      tpu.vector_store %arg7[%swap3A_559, %swap3A_560], %exp3A_557 {strides = array<i32>} : memref<8x128xf32, #tpu.memory_space<vmem>>, vector<16xf32>,
      %get3A_562 = arith.constant 6 : i32
      %get3A_563 = arith.index_cast %get3A_562 : i32 to index
      %get3A_564 = arith.constant 112 : index
      %get3A_565 = tpu.vector_load %arg7[%get3A_563, %get3A_564] {strides = array<i32>} : memref<8x128xf32, #tpu.memory_space<vmem>>, vector<16xf32>,
      %sub3A_566 = arith.subf %get3A_565, %get3A_14 : vector<16xf32>
      %exp3A_567 = math.exp %sub3A_566 : vector<16xf32>
      %swap3A_568 = arith.constant 6 : i32
      %swap3A_569 = arith.index_cast %swap3A_568 : i32 to index
      %swap3A_570 = arith.constant 112 : index
      %swap3A_571 = tpu.vector_load %arg7[%swap3A_569, %swap3A_570] {strides = array<i32>} : memref<8x128xf32, #tpu.memory_space<vmem>>, vector<16xf32>,
      tpu.vector_store %arg7[%swap3A_569, %swap3A_570], %exp3A_567 {strides = array<i32>} : memref<8x128xf32, #tpu.memory_space<vmem>>, vector<16xf32>,
      %get3A_572 = arith.constant 7 : i32
      %get3A_573 = arith.index_cast %get3A_572 : i32 to index
      %get3A_574 = arith.constant 0 : index
      %get3A_575 = tpu.vector_load %arg7[%get3A_573, %get3A_574] {strides = array<i32>} : memref<8x128xf32, #tpu.memory_space<vmem>>, vector<16xf32>,
      %sub3A_576 = arith.subf %get3A_575, %get3A_14 : vector<16xf32>
      %exp3A_577 = math.exp %sub3A_576 : vector<16xf32>
      %swap3A_578 = arith.constant 7 : i32
      %swap3A_579 = arith.index_cast %swap3A_578 : i32 to index
      %swap3A_580 = arith.constant 0 : index
      %swap3A_581 = tpu.vector_load %arg7[%swap3A_579, %swap3A_580] {strides = array<i32>} : memref<8x128xf32, #tpu.memory_space<vmem>>, vector<16xf32>,
      tpu.vector_store %arg7[%swap3A_579, %swap3A_580], %exp3A_577 {strides = array<i32>} : memref<8x128xf32, #tpu.memory_space<vmem>>, vector<16xf32>,
      %get3A_582 = arith.constant 7 : i32
      %get3A_583 = arith.index_cast %get3A_582 : i32 to index
      %get3A_584 = arith.constant 16 : index
      %get3A_585 = tpu.vector_load %arg7[%get3A_583, %get3A_584] {strides = array<i32>} : memref<8x128xf32, #tpu.memory_space<vmem>>, vector<16xf32>,
      %sub3A_586 = arith.subf %get3A_585, %get3A_14 : vector<16xf32>
      %exp3A_587 = math.exp %sub3A_586 : vector<16xf32>
      %swap3A_588 = arith.constant 7 : i32
      %swap3A_589 = arith.index_cast %swap3A_588 : i32 to index
      %swap3A_590 = arith.constant 16 : index
      %swap3A_591 = tpu.vector_load %arg7[%swap3A_589, %swap3A_590] {strides = array<i32>} : memref<8x128xf32, #tpu.memory_space<vmem>>, vector<16xf32>,
      tpu.vector_store %arg7[%swap3A_589, %swap3A_590], %exp3A_587 {strides = array<i32>} : memref<8x128xf32, #tpu.memory_space<vmem>>, vector<16xf32>,
      %get3A_592 = arith.constant 7 : i32
      %get3A_593 = arith.index_cast %get3A_592 : i32 to index
      %get3A_594 = arith.constant 32 : index
      %get3A_595 = tpu.vector_load %arg7[%get3A_593, %get3A_594] {strides = array<i32>} : memref<8x128xf32, #tpu.memory_space<vmem>>, vector<16xf32>,
      %sub3A_596 = arith.subf %get3A_595, %get3A_14 : vector<16xf32>
      %exp3A_597 = math.exp %sub3A_596 : vector<16xf32>
      %swap3A_598 = arith.constant 7 : i32
      %swap3A_599 = arith.index_cast %swap3A_598 : i32 to index
      %swap3A_600 = arith.constant 32 : index
      %swap3A_601 = tpu.vector_load %arg7[%swap3A_599, %swap3A_600] {strides = array<i32>} : memref<8x128xf32, #tpu.memory_space<vmem>>, vector<16xf32>,
      tpu.vector_store %arg7[%swap3A_599, %swap3A_600], %exp3A_597 {strides = array<i32>} : memref<8x128xf32, #tpu.memory_space<vmem>>, vector<16xf32>,
      %get3A_602 = arith.constant 7 : i32
      %get3A_603 = arith.index_cast %get3A_602 : i32 to index
      %get3A_604 = arith.constant 48 : index
      %get3A_605 = tpu.vector_load %arg7[%get3A_603, %get3A_604] {strides = array<i32>} : memref<8x128xf32, #tpu.memory_space<vmem>>, vector<16xf32>,
      %sub3A_606 = arith.subf %get3A_605, %get3A_14 : vector<16xf32>
      %exp3A_607 = math.exp %sub3A_606 : vector<16xf32>
      %swap3A_608 = arith.constant 7 : i32
      %swap3A_609 = arith.index_cast %swap3A_608 : i32 to index
      %swap3A_610 = arith.constant 48 : index
      %swap3A_611 = tpu.vector_load %arg7[%swap3A_609, %swap3A_610] {strides = array<i32>} : memref<8x128xf32, #tpu.memory_space<vmem>>, vector<16xf32>,
      tpu.vector_store %arg7[%swap3A_609, %swap3A_610], %exp3A_607 {strides = array<i32>} : memref<8x128xf32, #tpu.memory_space<vmem>>, vector<16xf32>,
      %get3A_612 = arith.constant 7 : i32
      %get3A_613 = arith.index_cast %get3A_612 : i32 to index
      %get3A_614 = arith.constant 64 : index
      %get3A_615 = tpu.vector_load %arg7[%get3A_613, %get3A_614] {strides = array<i32>} : memref<8x128xf32, #tpu.memory_space<vmem>>, vector<16xf32>,
      %sub3A_616 = arith.subf %get3A_615, %get3A_14 : vector<16xf32>
      %exp3A_617 = math.exp %sub3A_616 : vector<16xf32>
      %swap3A_618 = arith.constant 7 : i32
      %swap3A_619 = arith.index_cast %swap3A_618 : i32 to index
      %swap3A_620 = arith.constant 64 : index
      %swap3A_621 = tpu.vector_load %arg7[%swap3A_619, %swap3A_620] {strides = array<i32>} : memref<8x128xf32, #tpu.memory_space<vmem>>, vector<16xf32>,
      tpu.vector_store %arg7[%swap3A_619, %swap3A_620], %exp3A_617 {strides = array<i32>} : memref<8x128xf32, #tpu.memory_space<vmem>>, vector<16xf32>,
      %get3A_622 = arith.constant 7 : i32
      %get3A_623 = arith.index_cast %get3A_622 : i32 to index
      %get3A_624 = arith.constant 80 : index
      %get3A_625 = tpu.vector_load %arg7[%get3A_623, %get3A_624] {strides = array<i32>} : memref<8x128xf32, #tpu.memory_space<vmem>>, vector<16xf32>,
      %sub3A_626 = arith.subf %get3A_625, %get3A_14 : vector<16xf32>
      %exp3A_627 = math.exp %sub3A_626 : vector<16xf32>
      %swap3A_628 = arith.constant 7 : i32
      %swap3A_629 = arith.index_cast %swap3A_628 : i32 to index
      %swap3A_630 = arith.constant 80 : index
      %swap3A_631 = tpu.vector_load %arg7[%swap3A_629, %swap3A_630] {strides = array<i32>} : memref<8x128xf32, #tpu.memory_space<vmem>>, vector<16xf32>,
      tpu.vector_store %arg7[%swap3A_629, %swap3A_630], %exp3A_627 {strides = array<i32>} : memref<8x128xf32, #tpu.memory_space<vmem>>, vector<16xf32>,
      %get3A_632 = arith.constant 7 : i32
      %get3A_633 = arith.index_cast %get3A_632 : i32 to index
      %get3A_634 = arith.constant 96 : index
      %get3A_635 = tpu.vector_load %arg7[%get3A_633, %get3A_634] {strides = array<i32>} : memref<8x128xf32, #tpu.memory_space<vmem>>, vector<16xf32>,
      %sub3A_636 = arith.subf %get3A_635, %get3A_14 : vector<16xf32>
      %exp3A_637 = math.exp %sub3A_636 : vector<16xf32>
      %swap3A_638 = arith.constant 7 : i32
      %swap3A_639 = arith.index_cast %swap3A_638 : i32 to index
      %swap3A_640 = arith.constant 96 : index
      %swap3A_641 = tpu.vector_load %arg7[%swap3A_639, %swap3A_640] {strides = array<i32>} : memref<8x128xf32, #tpu.memory_space<vmem>>, vector<16xf32>,
      tpu.vector_store %arg7[%swap3A_639, %swap3A_640], %exp3A_637 {strides = array<i32>} : memref<8x128xf32, #tpu.memory_space<vmem>>, vector<16xf32>,
      %get3A_642 = arith.constant 7 : i32
      %get3A_643 = arith.index_cast %get3A_642 : i32 to index
      %get3A_644 = arith.constant 112 : index
      %get3A_645 = tpu.vector_load %arg7[%get3A_643, %get3A_644] {strides = array<i32>} : memref<8x128xf32, #tpu.memory_space<vmem>>, vector<16xf32>,
      %sub3A_646 = arith.subf %get3A_645, %get3A_14 : vector<16xf32>
      %exp3A_647 = math.exp %sub3A_646 : vector<16xf32>
      %swap3A_648 = arith.constant 7 : i32
      %swap3A_649 = arith.index_cast %swap3A_648 : i32 to index
      %swap3A_650 = arith.constant 112 : index
      %swap3A_651 = tpu.vector_load %arg7[%swap3A_649, %swap3A_650] {strides = array<i32>} : memref<8x128xf32, #tpu.memory_space<vmem>>, vector<16xf32>,
      tpu.vector_store %arg7[%swap3A_649, %swap3A_650], %exp3A_647 {strides = array<i32>} : memref<8x128xf32, #tpu.memory_space<vmem>>, vector<16xf32>,
    } else {
    }
    %barrier3A = arith.constant 0 : index
    tpu.barrier barrier_id(%barrier3A)
    %convert_element_type3A_7 = arith.extui %eq3A_0 : i1 to i32
    %cond3A_8 = arith.constant 0 : i32
    %cond3A_9 = arith.cmpi ne, %convert_element_type3A_7, %cond3A_8 : i32
    scf.if %cond3A_9 {
      %run_scoped3A = arith.constant 0 : i32
      %run_scoped3A_14 = arith.constant 0 : i32
      "tpu.region"() ({
        %run_scoped3A_29 = tpu.sem_alloc : memref<!tpu.dma_semaphore, #tpu.memory_space<semaphore_mem>>
        %dma_start3A = arith.constant 0 : i32
        %dma_start3A_30 = tpu.memref_slice %arg7[%run_scoped3A, %dma_start3A] : memref<8x128xf32, #tpu.memory_space<vmem>> -> memref<1x128xf32, #tpu.memory_space<vmem>>
        %dma_start3A_31 = tpu.memref_squeeze %dma_start3A_30 : memref<1x128xf32, #tpu.memory_space<vmem>> -> memref<128xf32, #tpu.memory_space<vmem>>
        %dma_start3A_32 = arith.constant 0 : i32
        %dma_start3A_33 = tpu.memref_slice %arg8[%run_scoped3A_14, %dma_start3A_32] : memref<8x128xi32, #tpu.memory_space<vmem>> -> memref<1x128xi32, #tpu.memory_space<vmem>>
        %dma_start3A_34 = tpu.memref_squeeze %dma_start3A_33 : memref<1x128xi32, #tpu.memory_space<vmem>> -> memref<128xi32, #tpu.memory_space<vmem>>
        %dma_start3A_35 = arith.constant 0 : i32
        %dma_start3A_36 = tpu.memref_slice %arg11[%dma_start3A_35] : memref<2048xf32, #tpu.memory_space<vmem_shared>> -> memref<2048xf32, #tpu.memory_space<vmem_shared>>
        tpu.enqueue_indirect_dma source(%dma_start3A_31 : memref<128xf32, #tpu.memory_space<vmem>>) target(%dma_start3A_36 : memref<2048xf32, #tpu.memory_space<vmem_shared>>) offsets(%dma_start3A_34 : memref<128xi32, #tpu.memory_space<vmem>>) semaphore(%run_scoped3A_29 : memref<!tpu.dma_semaphore, #tpu.memory_space<semaphore_mem>>) {add = true}
        %dma_wait3A = arith.constant 0 : i32
        %dma_wait3A_37 = tpu.memref_slice %arg7[%run_scoped3A, %dma_wait3A] : memref<8x128xf32, #tpu.memory_space<vmem>> -> memref<1x128xf32, #tpu.memory_space<vmem>>
        %dma_wait3A_38 = tpu.memref_squeeze %dma_wait3A_37 : memref<1x128xf32, #tpu.memory_space<vmem>> -> memref<128xf32, #tpu.memory_space<vmem>>
        %dma_wait3A_39 = arith.constant 0 : i32
        %dma_wait3A_40 = tpu.memref_slice %arg8[%run_scoped3A_14, %dma_wait3A_39] : memref<8x128xi32, #tpu.memory_space<vmem>> -> memref<1x128xi32, #tpu.memory_space<vmem>>
        %dma_wait3A_41 = tpu.memref_squeeze %dma_wait3A_40 : memref<1x128xi32, #tpu.memory_space<vmem>> -> memref<128xi32, #tpu.memory_space<vmem>>
        %dma_wait3A_42 = arith.constant 0 : i32
        %dma_wait3A_43 = tpu.memref_slice %arg11[%dma_wait3A_42] : memref<2048xf32, #tpu.memory_space<vmem_shared>> -> memref<2048xf32, #tpu.memory_space<vmem_shared>>
        tpu.wait_indirect_dma semaphore(%run_scoped3A_29 : memref<!tpu.dma_semaphore, #tpu.memory_space<semaphore_mem>>) src(%dma_wait3A_38 : memref<128xf32, #tpu.memory_space<vmem>>) dst(%dma_wait3A_43 : memref<2048xf32, #tpu.memory_space<vmem_shared>>)
        tpu.yield
      }) : () -> ()
      %run_scoped3A_15 = arith.constant 1 : i32
      %run_scoped3A_16 = arith.constant 1 : i32
      "tpu.region"() ({
        %run_scoped3A_29 = tpu.sem_alloc : memref<!tpu.dma_semaphore, #tpu.memory_space<semaphore_mem>>
        %dma_start3A = arith.constant 0 : i32
        %dma_start3A_30 = tpu.memref_slice %arg7[%run_scoped3A_15, %dma_start3A] : memref<8x128xf32, #tpu.memory_space<vmem>> -> memref<1x128xf32, #tpu.memory_space<vmem>>
        %dma_start3A_31 = tpu.memref_squeeze %dma_start3A_30 : memref<1x128xf32, #tpu.memory_space<vmem>> -> memref<128xf32, #tpu.memory_space<vmem>>
        %dma_start3A_32 = arith.constant 0 : i32
        %dma_start3A_33 = tpu.memref_slice %arg8[%run_scoped3A_16, %dma_start3A_32] : memref<8x128xi32, #tpu.memory_space<vmem>> -> memref<1x128xi32, #tpu.memory_space<vmem>>
        %dma_start3A_34 = tpu.memref_squeeze %dma_start3A_33 : memref<1x128xi32, #tpu.memory_space<vmem>> -> memref<128xi32, #tpu.memory_space<vmem>>
        %dma_start3A_35 = arith.constant 0 : i32
        %dma_start3A_36 = tpu.memref_slice %arg11[%dma_start3A_35] : memref<2048xf32, #tpu.memory_space<vmem_shared>> -> memref<2048xf32, #tpu.memory_space<vmem_shared>>
        tpu.enqueue_indirect_dma source(%dma_start3A_31 : memref<128xf32, #tpu.memory_space<vmem>>) target(%dma_start3A_36 : memref<2048xf32, #tpu.memory_space<vmem_shared>>) offsets(%dma_start3A_34 : memref<128xi32, #tpu.memory_space<vmem>>) semaphore(%run_scoped3A_29 : memref<!tpu.dma_semaphore, #tpu.memory_space<semaphore_mem>>) {add = true}
        %dma_wait3A = arith.constant 0 : i32
        %dma_wait3A_37 = tpu.memref_slice %arg7[%run_scoped3A_15, %dma_wait3A] : memref<8x128xf32, #tpu.memory_space<vmem>> -> memref<1x128xf32, #tpu.memory_space<vmem>>
        %dma_wait3A_38 = tpu.memref_squeeze %dma_wait3A_37 : memref<1x128xf32, #tpu.memory_space<vmem>> -> memref<128xf32, #tpu.memory_space<vmem>>
        %dma_wait3A_39 = arith.constant 0 : i32
        %dma_wait3A_40 = tpu.memref_slice %arg8[%run_scoped3A_16, %dma_wait3A_39] : memref<8x128xi32, #tpu.memory_space<vmem>> -> memref<1x128xi32, #tpu.memory_space<vmem>>
        %dma_wait3A_41 = tpu.memref_squeeze %dma_wait3A_40 : memref<1x128xi32, #tpu.memory_space<vmem>> -> memref<128xi32, #tpu.memory_space<vmem>>
        %dma_wait3A_42 = arith.constant 0 : i32
        %dma_wait3A_43 = tpu.memref_slice %arg11[%dma_wait3A_42] : memref<2048xf32, #tpu.memory_space<vmem_shared>> -> memref<2048xf32, #tpu.memory_space<vmem_shared>>
        tpu.wait_indirect_dma semaphore(%run_scoped3A_29 : memref<!tpu.dma_semaphore, #tpu.memory_space<semaphore_mem>>) src(%dma_wait3A_38 : memref<128xf32, #tpu.memory_space<vmem>>) dst(%dma_wait3A_43 : memref<2048xf32, #tpu.memory_space<vmem_shared>>)
        tpu.yield
      }) : () -> ()
      %run_scoped3A_17 = arith.constant 2 : i32
      %run_scoped3A_18 = arith.constant 2 : i32
      "tpu.region"() ({
        %run_scoped3A_29 = tpu.sem_alloc : memref<!tpu.dma_semaphore, #tpu.memory_space<semaphore_mem>>
        %dma_start3A = arith.constant 0 : i32
        %dma_start3A_30 = tpu.memref_slice %arg7[%run_scoped3A_17, %dma_start3A] : memref<8x128xf32, #tpu.memory_space<vmem>> -> memref<1x128xf32, #tpu.memory_space<vmem>>
        %dma_start3A_31 = tpu.memref_squeeze %dma_start3A_30 : memref<1x128xf32, #tpu.memory_space<vmem>> -> memref<128xf32, #tpu.memory_space<vmem>>
        %dma_start3A_32 = arith.constant 0 : i32
        %dma_start3A_33 = tpu.memref_slice %arg8[%run_scoped3A_18, %dma_start3A_32] : memref<8x128xi32, #tpu.memory_space<vmem>> -> memref<1x128xi32, #tpu.memory_space<vmem>>
        %dma_start3A_34 = tpu.memref_squeeze %dma_start3A_33 : memref<1x128xi32, #tpu.memory_space<vmem>> -> memref<128xi32, #tpu.memory_space<vmem>>
        %dma_start3A_35 = arith.constant 0 : i32
        %dma_start3A_36 = tpu.memref_slice %arg11[%dma_start3A_35] : memref<2048xf32, #tpu.memory_space<vmem_shared>> -> memref<2048xf32, #tpu.memory_space<vmem_shared>>
        tpu.enqueue_indirect_dma source(%dma_start3A_31 : memref<128xf32, #tpu.memory_space<vmem>>) target(%dma_start3A_36 : memref<2048xf32, #tpu.memory_space<vmem_shared>>) offsets(%dma_start3A_34 : memref<128xi32, #tpu.memory_space<vmem>>) semaphore(%run_scoped3A_29 : memref<!tpu.dma_semaphore, #tpu.memory_space<semaphore_mem>>) {add = true}
        %dma_wait3A = arith.constant 0 : i32
        %dma_wait3A_37 = tpu.memref_slice %arg7[%run_scoped3A_17, %dma_wait3A] : memref<8x128xf32, #tpu.memory_space<vmem>> -> memref<1x128xf32, #tpu.memory_space<vmem>>
        %dma_wait3A_38 = tpu.memref_squeeze %dma_wait3A_37 : memref<1x128xf32, #tpu.memory_space<vmem>> -> memref<128xf32, #tpu.memory_space<vmem>>
        %dma_wait3A_39 = arith.constant 0 : i32
        %dma_wait3A_40 = tpu.memref_slice %arg8[%run_scoped3A_18, %dma_wait3A_39] : memref<8x128xi32, #tpu.memory_space<vmem>> -> memref<1x128xi32, #tpu.memory_space<vmem>>
        %dma_wait3A_41 = tpu.memref_squeeze %dma_wait3A_40 : memref<1x128xi32, #tpu.memory_space<vmem>> -> memref<128xi32, #tpu.memory_space<vmem>>
        %dma_wait3A_42 = arith.constant 0 : i32
        %dma_wait3A_43 = tpu.memref_slice %arg11[%dma_wait3A_42] : memref<2048xf32, #tpu.memory_space<vmem_shared>> -> memref<2048xf32, #tpu.memory_space<vmem_shared>>
        tpu.wait_indirect_dma semaphore(%run_scoped3A_29 : memref<!tpu.dma_semaphore, #tpu.memory_space<semaphore_mem>>) src(%dma_wait3A_38 : memref<128xf32, #tpu.memory_space<vmem>>) dst(%dma_wait3A_43 : memref<2048xf32, #tpu.memory_space<vmem_shared>>)
        tpu.yield
      }) : () -> ()
      %run_scoped3A_19 = arith.constant 3 : i32
      %run_scoped3A_20 = arith.constant 3 : i32
      "tpu.region"() ({
        %run_scoped3A_29 = tpu.sem_alloc : memref<!tpu.dma_semaphore, #tpu.memory_space<semaphore_mem>>
        %dma_start3A = arith.constant 0 : i32
        %dma_start3A_30 = tpu.memref_slice %arg7[%run_scoped3A_19, %dma_start3A] : memref<8x128xf32, #tpu.memory_space<vmem>> -> memref<1x128xf32, #tpu.memory_space<vmem>>
        %dma_start3A_31 = tpu.memref_squeeze %dma_start3A_30 : memref<1x128xf32, #tpu.memory_space<vmem>> -> memref<128xf32, #tpu.memory_space<vmem>>
        %dma_start3A_32 = arith.constant 0 : i32
        %dma_start3A_33 = tpu.memref_slice %arg8[%run_scoped3A_20, %dma_start3A_32] : memref<8x128xi32, #tpu.memory_space<vmem>> -> memref<1x128xi32, #tpu.memory_space<vmem>>
        %dma_start3A_34 = tpu.memref_squeeze %dma_start3A_33 : memref<1x128xi32, #tpu.memory_space<vmem>> -> memref<128xi32, #tpu.memory_space<vmem>>
        %dma_start3A_35 = arith.constant 0 : i32
        %dma_start3A_36 = tpu.memref_slice %arg11[%dma_start3A_35] : memref<2048xf32, #tpu.memory_space<vmem_shared>> -> memref<2048xf32, #tpu.memory_space<vmem_shared>>
        tpu.enqueue_indirect_dma source(%dma_start3A_31 : memref<128xf32, #tpu.memory_space<vmem>>) target(%dma_start3A_36 : memref<2048xf32, #tpu.memory_space<vmem_shared>>) offsets(%dma_start3A_34 : memref<128xi32, #tpu.memory_space<vmem>>) semaphore(%run_scoped3A_29 : memref<!tpu.dma_semaphore, #tpu.memory_space<semaphore_mem>>) {add = true}
        %dma_wait3A = arith.constant 0 : i32
        %dma_wait3A_37 = tpu.memref_slice %arg7[%run_scoped3A_19, %dma_wait3A] : memref<8x128xf32, #tpu.memory_space<vmem>> -> memref<1x128xf32, #tpu.memory_space<vmem>>
        %dma_wait3A_38 = tpu.memref_squeeze %dma_wait3A_37 : memref<1x128xf32, #tpu.memory_space<vmem>> -> memref<128xf32, #tpu.memory_space<vmem>>
        %dma_wait3A_39 = arith.constant 0 : i32
        %dma_wait3A_40 = tpu.memref_slice %arg8[%run_scoped3A_20, %dma_wait3A_39] : memref<8x128xi32, #tpu.memory_space<vmem>> -> memref<1x128xi32, #tpu.memory_space<vmem>>
        %dma_wait3A_41 = tpu.memref_squeeze %dma_wait3A_40 : memref<1x128xi32, #tpu.memory_space<vmem>> -> memref<128xi32, #tpu.memory_space<vmem>>
        %dma_wait3A_42 = arith.constant 0 : i32
        %dma_wait3A_43 = tpu.memref_slice %arg11[%dma_wait3A_42] : memref<2048xf32, #tpu.memory_space<vmem_shared>> -> memref<2048xf32, #tpu.memory_space<vmem_shared>>
        tpu.wait_indirect_dma semaphore(%run_scoped3A_29 : memref<!tpu.dma_semaphore, #tpu.memory_space<semaphore_mem>>) src(%dma_wait3A_38 : memref<128xf32, #tpu.memory_space<vmem>>) dst(%dma_wait3A_43 : memref<2048xf32, #tpu.memory_space<vmem_shared>>)
        tpu.yield
      }) : () -> ()
      %run_scoped3A_21 = arith.constant 4 : i32
      %run_scoped3A_22 = arith.constant 4 : i32
      "tpu.region"() ({
        %run_scoped3A_29 = tpu.sem_alloc : memref<!tpu.dma_semaphore, #tpu.memory_space<semaphore_mem>>
        %dma_start3A = arith.constant 0 : i32
        %dma_start3A_30 = tpu.memref_slice %arg7[%run_scoped3A_21, %dma_start3A] : memref<8x128xf32, #tpu.memory_space<vmem>> -> memref<1x128xf32, #tpu.memory_space<vmem>>
        %dma_start3A_31 = tpu.memref_squeeze %dma_start3A_30 : memref<1x128xf32, #tpu.memory_space<vmem>> -> memref<128xf32, #tpu.memory_space<vmem>>
        %dma_start3A_32 = arith.constant 0 : i32
        %dma_start3A_33 = tpu.memref_slice %arg8[%run_scoped3A_22, %dma_start3A_32] : memref<8x128xi32, #tpu.memory_space<vmem>> -> memref<1x128xi32, #tpu.memory_space<vmem>>
        %dma_start3A_34 = tpu.memref_squeeze %dma_start3A_33 : memref<1x128xi32, #tpu.memory_space<vmem>> -> memref<128xi32, #tpu.memory_space<vmem>>
        %dma_start3A_35 = arith.constant 0 : i32
        %dma_start3A_36 = tpu.memref_slice %arg11[%dma_start3A_35] : memref<2048xf32, #tpu.memory_space<vmem_shared>> -> memref<2048xf32, #tpu.memory_space<vmem_shared>>
        tpu.enqueue_indirect_dma source(%dma_start3A_31 : memref<128xf32, #tpu.memory_space<vmem>>) target(%dma_start3A_36 : memref<2048xf32, #tpu.memory_space<vmem_shared>>) offsets(%dma_start3A_34 : memref<128xi32, #tpu.memory_space<vmem>>) semaphore(%run_scoped3A_29 : memref<!tpu.dma_semaphore, #tpu.memory_space<semaphore_mem>>) {add = true}
        %dma_wait3A = arith.constant 0 : i32
        %dma_wait3A_37 = tpu.memref_slice %arg7[%run_scoped3A_21, %dma_wait3A] : memref<8x128xf32, #tpu.memory_space<vmem>> -> memref<1x128xf32, #tpu.memory_space<vmem>>
        %dma_wait3A_38 = tpu.memref_squeeze %dma_wait3A_37 : memref<1x128xf32, #tpu.memory_space<vmem>> -> memref<128xf32, #tpu.memory_space<vmem>>
        %dma_wait3A_39 = arith.constant 0 : i32
        %dma_wait3A_40 = tpu.memref_slice %arg8[%run_scoped3A_22, %dma_wait3A_39] : memref<8x128xi32, #tpu.memory_space<vmem>> -> memref<1x128xi32, #tpu.memory_space<vmem>>
        %dma_wait3A_41 = tpu.memref_squeeze %dma_wait3A_40 : memref<1x128xi32, #tpu.memory_space<vmem>> -> memref<128xi32, #tpu.memory_space<vmem>>
        %dma_wait3A_42 = arith.constant 0 : i32
        %dma_wait3A_43 = tpu.memref_slice %arg11[%dma_wait3A_42] : memref<2048xf32, #tpu.memory_space<vmem_shared>> -> memref<2048xf32, #tpu.memory_space<vmem_shared>>
        tpu.wait_indirect_dma semaphore(%run_scoped3A_29 : memref<!tpu.dma_semaphore, #tpu.memory_space<semaphore_mem>>) src(%dma_wait3A_38 : memref<128xf32, #tpu.memory_space<vmem>>) dst(%dma_wait3A_43 : memref<2048xf32, #tpu.memory_space<vmem_shared>>)
        tpu.yield
      }) : () -> ()
      %run_scoped3A_23 = arith.constant 5 : i32
      %run_scoped3A_24 = arith.constant 5 : i32
      "tpu.region"() ({
        %run_scoped3A_29 = tpu.sem_alloc : memref<!tpu.dma_semaphore, #tpu.memory_space<semaphore_mem>>
        %dma_start3A = arith.constant 0 : i32
        %dma_start3A_30 = tpu.memref_slice %arg7[%run_scoped3A_23, %dma_start3A] : memref<8x128xf32, #tpu.memory_space<vmem>> -> memref<1x128xf32, #tpu.memory_space<vmem>>
        %dma_start3A_31 = tpu.memref_squeeze %dma_start3A_30 : memref<1x128xf32, #tpu.memory_space<vmem>> -> memref<128xf32, #tpu.memory_space<vmem>>
        %dma_start3A_32 = arith.constant 0 : i32
        %dma_start3A_33 = tpu.memref_slice %arg8[%run_scoped3A_24, %dma_start3A_32] : memref<8x128xi32, #tpu.memory_space<vmem>> -> memref<1x128xi32, #tpu.memory_space<vmem>>
        %dma_start3A_34 = tpu.memref_squeeze %dma_start3A_33 : memref<1x128xi32, #tpu.memory_space<vmem>> -> memref<128xi32, #tpu.memory_space<vmem>>
        %dma_start3A_35 = arith.constant 0 : i32
        %dma_start3A_36 = tpu.memref_slice %arg11[%dma_start3A_35] : memref<2048xf32, #tpu.memory_space<vmem_shared>> -> memref<2048xf32, #tpu.memory_space<vmem_shared>>
        tpu.enqueue_indirect_dma source(%dma_start3A_31 : memref<128xf32, #tpu.memory_space<vmem>>) target(%dma_start3A_36 : memref<2048xf32, #tpu.memory_space<vmem_shared>>) offsets(%dma_start3A_34 : memref<128xi32, #tpu.memory_space<vmem>>) semaphore(%run_scoped3A_29 : memref<!tpu.dma_semaphore, #tpu.memory_space<semaphore_mem>>) {add = true}
        %dma_wait3A = arith.constant 0 : i32
        %dma_wait3A_37 = tpu.memref_slice %arg7[%run_scoped3A_23, %dma_wait3A] : memref<8x128xf32, #tpu.memory_space<vmem>> -> memref<1x128xf32, #tpu.memory_space<vmem>>
        %dma_wait3A_38 = tpu.memref_squeeze %dma_wait3A_37 : memref<1x128xf32, #tpu.memory_space<vmem>> -> memref<128xf32, #tpu.memory_space<vmem>>
        %dma_wait3A_39 = arith.constant 0 : i32
        %dma_wait3A_40 = tpu.memref_slice %arg8[%run_scoped3A_24, %dma_wait3A_39] : memref<8x128xi32, #tpu.memory_space<vmem>> -> memref<1x128xi32, #tpu.memory_space<vmem>>
        %dma_wait3A_41 = tpu.memref_squeeze %dma_wait3A_40 : memref<1x128xi32, #tpu.memory_space<vmem>> -> memref<128xi32, #tpu.memory_space<vmem>>
        %dma_wait3A_42 = arith.constant 0 : i32
        %dma_wait3A_43 = tpu.memref_slice %arg11[%dma_wait3A_42] : memref<2048xf32, #tpu.memory_space<vmem_shared>> -> memref<2048xf32, #tpu.memory_space<vmem_shared>>
        tpu.wait_indirect_dma semaphore(%run_scoped3A_29 : memref<!tpu.dma_semaphore, #tpu.memory_space<semaphore_mem>>) src(%dma_wait3A_38 : memref<128xf32, #tpu.memory_space<vmem>>) dst(%dma_wait3A_43 : memref<2048xf32, #tpu.memory_space<vmem_shared>>)
        tpu.yield
      }) : () -> ()
      %run_scoped3A_25 = arith.constant 6 : i32
      %run_scoped3A_26 = arith.constant 6 : i32
      "tpu.region"() ({
        %run_scoped3A_29 = tpu.sem_alloc : memref<!tpu.dma_semaphore, #tpu.memory_space<semaphore_mem>>
        %dma_start3A = arith.constant 0 : i32
        %dma_start3A_30 = tpu.memref_slice %arg7[%run_scoped3A_25, %dma_start3A] : memref<8x128xf32, #tpu.memory_space<vmem>> -> memref<1x128xf32, #tpu.memory_space<vmem>>
        %dma_start3A_31 = tpu.memref_squeeze %dma_start3A_30 : memref<1x128xf32, #tpu.memory_space<vmem>> -> memref<128xf32, #tpu.memory_space<vmem>>
        %dma_start3A_32 = arith.constant 0 : i32
        %dma_start3A_33 = tpu.memref_slice %arg8[%run_scoped3A_26, %dma_start3A_32] : memref<8x128xi32, #tpu.memory_space<vmem>> -> memref<1x128xi32, #tpu.memory_space<vmem>>
        %dma_start3A_34 = tpu.memref_squeeze %dma_start3A_33 : memref<1x128xi32, #tpu.memory_space<vmem>> -> memref<128xi32, #tpu.memory_space<vmem>>
        %dma_start3A_35 = arith.constant 0 : i32
        %dma_start3A_36 = tpu.memref_slice %arg11[%dma_start3A_35] : memref<2048xf32, #tpu.memory_space<vmem_shared>> -> memref<2048xf32, #tpu.memory_space<vmem_shared>>
        tpu.enqueue_indirect_dma source(%dma_start3A_31 : memref<128xf32, #tpu.memory_space<vmem>>) target(%dma_start3A_36 : memref<2048xf32, #tpu.memory_space<vmem_shared>>) offsets(%dma_start3A_34 : memref<128xi32, #tpu.memory_space<vmem>>) semaphore(%run_scoped3A_29 : memref<!tpu.dma_semaphore, #tpu.memory_space<semaphore_mem>>) {add = true}
        %dma_wait3A = arith.constant 0 : i32
        %dma_wait3A_37 = tpu.memref_slice %arg7[%run_scoped3A_25, %dma_wait3A] : memref<8x128xf32, #tpu.memory_space<vmem>> -> memref<1x128xf32, #tpu.memory_space<vmem>>
        %dma_wait3A_38 = tpu.memref_squeeze %dma_wait3A_37 : memref<1x128xf32, #tpu.memory_space<vmem>> -> memref<128xf32, #tpu.memory_space<vmem>>
        %dma_wait3A_39 = arith.constant 0 : i32
        %dma_wait3A_40 = tpu.memref_slice %arg8[%run_scoped3A_26, %dma_wait3A_39] : memref<8x128xi32, #tpu.memory_space<vmem>> -> memref<1x128xi32, #tpu.memory_space<vmem>>
        %dma_wait3A_41 = tpu.memref_squeeze %dma_wait3A_40 : memref<1x128xi32, #tpu.memory_space<vmem>> -> memref<128xi32, #tpu.memory_space<vmem>>
        %dma_wait3A_42 = arith.constant 0 : i32
        %dma_wait3A_43 = tpu.memref_slice %arg11[%dma_wait3A_42] : memref<2048xf32, #tpu.memory_space<vmem_shared>> -> memref<2048xf32, #tpu.memory_space<vmem_shared>>
        tpu.wait_indirect_dma semaphore(%run_scoped3A_29 : memref<!tpu.dma_semaphore, #tpu.memory_space<semaphore_mem>>) src(%dma_wait3A_38 : memref<128xf32, #tpu.memory_space<vmem>>) dst(%dma_wait3A_43 : memref<2048xf32, #tpu.memory_space<vmem_shared>>)
        tpu.yield
      }) : () -> ()
      %run_scoped3A_27 = arith.constant 7 : i32
      %run_scoped3A_28 = arith.constant 7 : i32
      "tpu.region"() ({
        %run_scoped3A_29 = tpu.sem_alloc : memref<!tpu.dma_semaphore, #tpu.memory_space<semaphore_mem>>
        %dma_start3A = arith.constant 0 : i32
        %dma_start3A_30 = tpu.memref_slice %arg7[%run_scoped3A_27, %dma_start3A] : memref<8x128xf32, #tpu.memory_space<vmem>> -> memref<1x128xf32, #tpu.memory_space<vmem>>
        %dma_start3A_31 = tpu.memref_squeeze %dma_start3A_30 : memref<1x128xf32, #tpu.memory_space<vmem>> -> memref<128xf32, #tpu.memory_space<vmem>>
        %dma_start3A_32 = arith.constant 0 : i32
        %dma_start3A_33 = tpu.memref_slice %arg8[%run_scoped3A_28, %dma_start3A_32] : memref<8x128xi32, #tpu.memory_space<vmem>> -> memref<1x128xi32, #tpu.memory_space<vmem>>
        %dma_start3A_34 = tpu.memref_squeeze %dma_start3A_33 : memref<1x128xi32, #tpu.memory_space<vmem>> -> memref<128xi32, #tpu.memory_space<vmem>>
        %dma_start3A_35 = arith.constant 0 : i32
        %dma_start3A_36 = tpu.memref_slice %arg11[%dma_start3A_35] : memref<2048xf32, #tpu.memory_space<vmem_shared>> -> memref<2048xf32, #tpu.memory_space<vmem_shared>>
        tpu.enqueue_indirect_dma source(%dma_start3A_31 : memref<128xf32, #tpu.memory_space<vmem>>) target(%dma_start3A_36 : memref<2048xf32, #tpu.memory_space<vmem_shared>>) offsets(%dma_start3A_34 : memref<128xi32, #tpu.memory_space<vmem>>) semaphore(%run_scoped3A_29 : memref<!tpu.dma_semaphore, #tpu.memory_space<semaphore_mem>>) {add = true}
        %dma_wait3A = arith.constant 0 : i32
        %dma_wait3A_37 = tpu.memref_slice %arg7[%run_scoped3A_27, %dma_wait3A] : memref<8x128xf32, #tpu.memory_space<vmem>> -> memref<1x128xf32, #tpu.memory_space<vmem>>
        %dma_wait3A_38 = tpu.memref_squeeze %dma_wait3A_37 : memref<1x128xf32, #tpu.memory_space<vmem>> -> memref<128xf32, #tpu.memory_space<vmem>>
        %dma_wait3A_39 = arith.constant 0 : i32
        %dma_wait3A_40 = tpu.memref_slice %arg8[%run_scoped3A_28, %dma_wait3A_39] : memref<8x128xi32, #tpu.memory_space<vmem>> -> memref<1x128xi32, #tpu.memory_space<vmem>>
        %dma_wait3A_41 = tpu.memref_squeeze %dma_wait3A_40 : memref<1x128xi32, #tpu.memory_space<vmem>> -> memref<128xi32, #tpu.memory_space<vmem>>
        %dma_wait3A_42 = arith.constant 0 : i32
        %dma_wait3A_43 = tpu.memref_slice %arg11[%dma_wait3A_42] : memref<2048xf32, #tpu.memory_space<vmem_shared>> -> memref<2048xf32, #tpu.memory_space<vmem_shared>>
        tpu.wait_indirect_dma semaphore(%run_scoped3A_29 : memref<!tpu.dma_semaphore, #tpu.memory_space<semaphore_mem>>) src(%dma_wait3A_38 : memref<128xf32, #tpu.memory_space<vmem>>) dst(%dma_wait3A_43 : memref<2048xf32, #tpu.memory_space<vmem_shared>>)
        tpu.yield
      }) : () -> ()
    } else {
    }
    %barrier3A_10 = arith.constant 0 : index
    tpu.barrier barrier_id(%barrier3A_10)
    %convert_element_type3A_11 = arith.extui %eq3A_0 : i1 to i32
    %cond3A_12 = arith.constant 0 : i32
    %cond3A_13 = arith.cmpi ne, %convert_element_type3A_11, %cond3A_12 : i32
    scf.if %cond3A_13 {
      "tpu.region"() ({
        %run_scoped3A = tpu.sem_alloc : memref<!tpu.dma_semaphore, #tpu.memory_space<semaphore_mem>>
        tpu.enqueue_dma source(%arg11 : memref<2048xf32, #tpu.memory_space<vmem_shared>>) target(%arg9 : memref<2048xf32, #tpu.memory_space<vmem>>) target_semaphore(%run_scoped3A : memref<!tpu.dma_semaphore, #tpu.memory_space<semaphore_mem>>)
        tpu.wait_dma2 semaphore(%run_scoped3A : memref<!tpu.dma_semaphore, #tpu.memory_space<semaphore_mem>>) src(%arg11 : memref<2048xf32, #tpu.memory_space<vmem_shared>>) dst(%arg9 : memref<2048xf32, #tpu.memory_space<vmem>>)
        tpu.yield
      }) : () -> ()
      %get3A = arith.constant 0 : i32
      %get3A_14 = arith.index_cast %get3A : i32 to index
      %get3A_15 = arith.constant 0 : index
      %get3A_16 = tpu.vector_load %arg8[%get3A_14, %get3A_15] {strides = array<i32>} : memref<8x128xi32, #tpu.memory_space<vmem>>, vector<16xi32>,
      %gather3A = tpu.vector_load_idx %arg9[%get3A_16] : memref<2048xf32, #tpu.memory_space<vmem>>[vector<16xi32>], vector<16xf32>,
      %get3A_17 = arith.constant 0 : i32
      %get3A_18 = arith.index_cast %get3A_17 : i32 to index
      %get3A_19 = arith.constant 0 : index
      %get3A_20 = tpu.vector_load %arg7[%get3A_18, %get3A_19] {strides = array<i32>} : memref<8x128xf32, #tpu.memory_space<vmem>>, vector<16xf32>,
      %div3A = arith.divf %get3A_20, %gather3A : vector<16xf32>
      %swap3A = arith.constant 0 : i32
      %swap3A_21 = arith.index_cast %swap3A : i32 to index
      %swap3A_22 = arith.constant 0 : index
      %swap3A_23 = tpu.vector_load %arg7[%swap3A_21, %swap3A_22] {strides = array<i32>} : memref<8x128xf32, #tpu.memory_space<vmem>>, vector<16xf32>,
      tpu.vector_store %arg7[%swap3A_21, %swap3A_22], %div3A {strides = array<i32>} : memref<8x128xf32, #tpu.memory_space<vmem>>, vector<16xf32>,
      %get3A_24 = arith.constant 0 : i32
      %get3A_25 = arith.index_cast %get3A_24 : i32 to index
      %get3A_26 = arith.constant 16 : index
      %get3A_27 = tpu.vector_load %arg8[%get3A_25, %get3A_26] {strides = array<i32>} : memref<8x128xi32, #tpu.memory_space<vmem>>, vector<16xi32>,
      %gather3A_28 = tpu.vector_load_idx %arg9[%get3A_27] : memref<2048xf32, #tpu.memory_space<vmem>>[vector<16xi32>], vector<16xf32>,
      %get3A_29 = arith.constant 0 : i32
      %get3A_30 = arith.index_cast %get3A_29 : i32 to index
      %get3A_31 = arith.constant 16 : index
      %get3A_32 = tpu.vector_load %arg7[%get3A_30, %get3A_31] {strides = array<i32>} : memref<8x128xf32, #tpu.memory_space<vmem>>, vector<16xf32>,
      %div3A_33 = arith.divf %get3A_32, %gather3A_28 : vector<16xf32>
      %swap3A_34 = arith.constant 0 : i32
      %swap3A_35 = arith.index_cast %swap3A_34 : i32 to index
      %swap3A_36 = arith.constant 16 : index
      %swap3A_37 = tpu.vector_load %arg7[%swap3A_35, %swap3A_36] {strides = array<i32>} : memref<8x128xf32, #tpu.memory_space<vmem>>, vector<16xf32>,
      tpu.vector_store %arg7[%swap3A_35, %swap3A_36], %div3A_33 {strides = array<i32>} : memref<8x128xf32, #tpu.memory_space<vmem>>, vector<16xf32>,
      %get3A_38 = arith.constant 0 : i32
      %get3A_39 = arith.index_cast %get3A_38 : i32 to index
      %get3A_40 = arith.constant 32 : index
      %get3A_41 = tpu.vector_load %arg8[%get3A_39, %get3A_40] {strides = array<i32>} : memref<8x128xi32, #tpu.memory_space<vmem>>, vector<16xi32>,
      %gather3A_42 = tpu.vector_load_idx %arg9[%get3A_41] : memref<2048xf32, #tpu.memory_space<vmem>>[vector<16xi32>], vector<16xf32>,
      %get3A_43 = arith.constant 0 : i32
      %get3A_44 = arith.index_cast %get3A_43 : i32 to index
      %get3A_45 = arith.constant 32 : index
      %get3A_46 = tpu.vector_load %arg7[%get3A_44, %get3A_45] {strides = array<i32>} : memref<8x128xf32, #tpu.memory_space<vmem>>, vector<16xf32>,
      %div3A_47 = arith.divf %get3A_46, %gather3A_42 : vector<16xf32>
      %swap3A_48 = arith.constant 0 : i32
      %swap3A_49 = arith.index_cast %swap3A_48 : i32 to index
      %swap3A_50 = arith.constant 32 : index
      %swap3A_51 = tpu.vector_load %arg7[%swap3A_49, %swap3A_50] {strides = array<i32>} : memref<8x128xf32, #tpu.memory_space<vmem>>, vector<16xf32>,
      tpu.vector_store %arg7[%swap3A_49, %swap3A_50], %div3A_47 {strides = array<i32>} : memref<8x128xf32, #tpu.memory_space<vmem>>, vector<16xf32>,
      %get3A_52 = arith.constant 0 : i32
      %get3A_53 = arith.index_cast %get3A_52 : i32 to index
      %get3A_54 = arith.constant 48 : index
      %get3A_55 = tpu.vector_load %arg8[%get3A_53, %get3A_54] {strides = array<i32>} : memref<8x128xi32, #tpu.memory_space<vmem>>, vector<16xi32>,
      %gather3A_56 = tpu.vector_load_idx %arg9[%get3A_55] : memref<2048xf32, #tpu.memory_space<vmem>>[vector<16xi32>], vector<16xf32>,
      %get3A_57 = arith.constant 0 : i32
      %get3A_58 = arith.index_cast %get3A_57 : i32 to index
      %get3A_59 = arith.constant 48 : index
      %get3A_60 = tpu.vector_load %arg7[%get3A_58, %get3A_59] {strides = array<i32>} : memref<8x128xf32, #tpu.memory_space<vmem>>, vector<16xf32>,
      %div3A_61 = arith.divf %get3A_60, %gather3A_56 : vector<16xf32>
      %swap3A_62 = arith.constant 0 : i32
      %swap3A_63 = arith.index_cast %swap3A_62 : i32 to index
      %swap3A_64 = arith.constant 48 : index
      %swap3A_65 = tpu.vector_load %arg7[%swap3A_63, %swap3A_64] {strides = array<i32>} : memref<8x128xf32, #tpu.memory_space<vmem>>, vector<16xf32>,
      tpu.vector_store %arg7[%swap3A_63, %swap3A_64], %div3A_61 {strides = array<i32>} : memref<8x128xf32, #tpu.memory_space<vmem>>, vector<16xf32>,
      %get3A_66 = arith.constant 0 : i32
      %get3A_67 = arith.index_cast %get3A_66 : i32 to index
      %get3A_68 = arith.constant 64 : index
      %get3A_69 = tpu.vector_load %arg8[%get3A_67, %get3A_68] {strides = array<i32>} : memref<8x128xi32, #tpu.memory_space<vmem>>, vector<16xi32>,
      %gather3A_70 = tpu.vector_load_idx %arg9[%get3A_69] : memref<2048xf32, #tpu.memory_space<vmem>>[vector<16xi32>], vector<16xf32>,
      %get3A_71 = arith.constant 0 : i32
      %get3A_72 = arith.index_cast %get3A_71 : i32 to index
      %get3A_73 = arith.constant 64 : index
      %get3A_74 = tpu.vector_load %arg7[%get3A_72, %get3A_73] {strides = array<i32>} : memref<8x128xf32, #tpu.memory_space<vmem>>, vector<16xf32>,
      %div3A_75 = arith.divf %get3A_74, %gather3A_70 : vector<16xf32>
      %swap3A_76 = arith.constant 0 : i32
      %swap3A_77 = arith.index_cast %swap3A_76 : i32 to index
      %swap3A_78 = arith.constant 64 : index
      %swap3A_79 = tpu.vector_load %arg7[%swap3A_77, %swap3A_78] {strides = array<i32>} : memref<8x128xf32, #tpu.memory_space<vmem>>, vector<16xf32>,
      tpu.vector_store %arg7[%swap3A_77, %swap3A_78], %div3A_75 {strides = array<i32>} : memref<8x128xf32, #tpu.memory_space<vmem>>, vector<16xf32>,
      %get3A_80 = arith.constant 0 : i32
      %get3A_81 = arith.index_cast %get3A_80 : i32 to index
      %get3A_82 = arith.constant 80 : index
      %get3A_83 = tpu.vector_load %arg8[%get3A_81, %get3A_82] {strides = array<i32>} : memref<8x128xi32, #tpu.memory_space<vmem>>, vector<16xi32>,
      %gather3A_84 = tpu.vector_load_idx %arg9[%get3A_83] : memref<2048xf32, #tpu.memory_space<vmem>>[vector<16xi32>], vector<16xf32>,
      %get3A_85 = arith.constant 0 : i32
      %get3A_86 = arith.index_cast %get3A_85 : i32 to index
      %get3A_87 = arith.constant 80 : index
      %get3A_88 = tpu.vector_load %arg7[%get3A_86, %get3A_87] {strides = array<i32>} : memref<8x128xf32, #tpu.memory_space<vmem>>, vector<16xf32>,
      %div3A_89 = arith.divf %get3A_88, %gather3A_84 : vector<16xf32>
      %swap3A_90 = arith.constant 0 : i32
      %swap3A_91 = arith.index_cast %swap3A_90 : i32 to index
      %swap3A_92 = arith.constant 80 : index
      %swap3A_93 = tpu.vector_load %arg7[%swap3A_91, %swap3A_92] {strides = array<i32>} : memref<8x128xf32, #tpu.memory_space<vmem>>, vector<16xf32>,
      tpu.vector_store %arg7[%swap3A_91, %swap3A_92], %div3A_89 {strides = array<i32>} : memref<8x128xf32, #tpu.memory_space<vmem>>, vector<16xf32>,
      %get3A_94 = arith.constant 0 : i32
      %get3A_95 = arith.index_cast %get3A_94 : i32 to index
      %get3A_96 = arith.constant 96 : index
      %get3A_97 = tpu.vector_load %arg8[%get3A_95, %get3A_96] {strides = array<i32>} : memref<8x128xi32, #tpu.memory_space<vmem>>, vector<16xi32>,
      %gather3A_98 = tpu.vector_load_idx %arg9[%get3A_97] : memref<2048xf32, #tpu.memory_space<vmem>>[vector<16xi32>], vector<16xf32>,
      %get3A_99 = arith.constant 0 : i32
      %get3A_100 = arith.index_cast %get3A_99 : i32 to index
      %get3A_101 = arith.constant 96 : index
      %get3A_102 = tpu.vector_load %arg7[%get3A_100, %get3A_101] {strides = array<i32>} : memref<8x128xf32, #tpu.memory_space<vmem>>, vector<16xf32>,
      %div3A_103 = arith.divf %get3A_102, %gather3A_98 : vector<16xf32>
      %swap3A_104 = arith.constant 0 : i32
      %swap3A_105 = arith.index_cast %swap3A_104 : i32 to index
      %swap3A_106 = arith.constant 96 : index
      %swap3A_107 = tpu.vector_load %arg7[%swap3A_105, %swap3A_106] {strides = array<i32>} : memref<8x128xf32, #tpu.memory_space<vmem>>, vector<16xf32>,
      tpu.vector_store %arg7[%swap3A_105, %swap3A_106], %div3A_103 {strides = array<i32>} : memref<8x128xf32, #tpu.memory_space<vmem>>, vector<16xf32>,
      %get3A_108 = arith.constant 0 : i32
      %get3A_109 = arith.index_cast %get3A_108 : i32 to index
      %get3A_110 = arith.constant 112 : index
      %get3A_111 = tpu.vector_load %arg8[%get3A_109, %get3A_110] {strides = array<i32>} : memref<8x128xi32, #tpu.memory_space<vmem>>, vector<16xi32>,
      %gather3A_112 = tpu.vector_load_idx %arg9[%get3A_111] : memref<2048xf32, #tpu.memory_space<vmem>>[vector<16xi32>], vector<16xf32>,
      %get3A_113 = arith.constant 0 : i32
      %get3A_114 = arith.index_cast %get3A_113 : i32 to index
      %get3A_115 = arith.constant 112 : index
      %get3A_116 = tpu.vector_load %arg7[%get3A_114, %get3A_115] {strides = array<i32>} : memref<8x128xf32, #tpu.memory_space<vmem>>, vector<16xf32>,
      %div3A_117 = arith.divf %get3A_116, %gather3A_112 : vector<16xf32>
      %swap3A_118 = arith.constant 0 : i32
      %swap3A_119 = arith.index_cast %swap3A_118 : i32 to index
      %swap3A_120 = arith.constant 112 : index
      %swap3A_121 = tpu.vector_load %arg7[%swap3A_119, %swap3A_120] {strides = array<i32>} : memref<8x128xf32, #tpu.memory_space<vmem>>, vector<16xf32>,
      tpu.vector_store %arg7[%swap3A_119, %swap3A_120], %div3A_117 {strides = array<i32>} : memref<8x128xf32, #tpu.memory_space<vmem>>, vector<16xf32>,
      %get3A_122 = arith.constant 1 : i32
      %get3A_123 = arith.index_cast %get3A_122 : i32 to index
      %get3A_124 = arith.constant 0 : index
      %get3A_125 = tpu.vector_load %arg8[%get3A_123, %get3A_124] {strides = array<i32>} : memref<8x128xi32, #tpu.memory_space<vmem>>, vector<16xi32>,
      %gather3A_126 = tpu.vector_load_idx %arg9[%get3A_125] : memref<2048xf32, #tpu.memory_space<vmem>>[vector<16xi32>], vector<16xf32>,
      %get3A_127 = arith.constant 1 : i32
      %get3A_128 = arith.index_cast %get3A_127 : i32 to index
      %get3A_129 = arith.constant 0 : index
      %get3A_130 = tpu.vector_load %arg7[%get3A_128, %get3A_129] {strides = array<i32>} : memref<8x128xf32, #tpu.memory_space<vmem>>, vector<16xf32>,
      %div3A_131 = arith.divf %get3A_130, %gather3A_126 : vector<16xf32>
      %swap3A_132 = arith.constant 1 : i32
      %swap3A_133 = arith.index_cast %swap3A_132 : i32 to index
      %swap3A_134 = arith.constant 0 : index
      %swap3A_135 = tpu.vector_load %arg7[%swap3A_133, %swap3A_134] {strides = array<i32>} : memref<8x128xf32, #tpu.memory_space<vmem>>, vector<16xf32>,
      tpu.vector_store %arg7[%swap3A_133, %swap3A_134], %div3A_131 {strides = array<i32>} : memref<8x128xf32, #tpu.memory_space<vmem>>, vector<16xf32>,
      %get3A_136 = arith.constant 1 : i32
      %get3A_137 = arith.index_cast %get3A_136 : i32 to index
      %get3A_138 = arith.constant 16 : index
      %get3A_139 = tpu.vector_load %arg8[%get3A_137, %get3A_138] {strides = array<i32>} : memref<8x128xi32, #tpu.memory_space<vmem>>, vector<16xi32>,
      %gather3A_140 = tpu.vector_load_idx %arg9[%get3A_139] : memref<2048xf32, #tpu.memory_space<vmem>>[vector<16xi32>], vector<16xf32>,
      %get3A_141 = arith.constant 1 : i32
      %get3A_142 = arith.index_cast %get3A_141 : i32 to index
      %get3A_143 = arith.constant 16 : index
      %get3A_144 = tpu.vector_load %arg7[%get3A_142, %get3A_143] {strides = array<i32>} : memref<8x128xf32, #tpu.memory_space<vmem>>, vector<16xf32>,
      %div3A_145 = arith.divf %get3A_144, %gather3A_140 : vector<16xf32>
      %swap3A_146 = arith.constant 1 : i32
      %swap3A_147 = arith.index_cast %swap3A_146 : i32 to index
      %swap3A_148 = arith.constant 16 : index
      %swap3A_149 = tpu.vector_load %arg7[%swap3A_147, %swap3A_148] {strides = array<i32>} : memref<8x128xf32, #tpu.memory_space<vmem>>, vector<16xf32>,
      tpu.vector_store %arg7[%swap3A_147, %swap3A_148], %div3A_145 {strides = array<i32>} : memref<8x128xf32, #tpu.memory_space<vmem>>, vector<16xf32>,
      %get3A_150 = arith.constant 1 : i32
      %get3A_151 = arith.index_cast %get3A_150 : i32 to index
      %get3A_152 = arith.constant 32 : index
      %get3A_153 = tpu.vector_load %arg8[%get3A_151, %get3A_152] {strides = array<i32>} : memref<8x128xi32, #tpu.memory_space<vmem>>, vector<16xi32>,
      %gather3A_154 = tpu.vector_load_idx %arg9[%get3A_153] : memref<2048xf32, #tpu.memory_space<vmem>>[vector<16xi32>], vector<16xf32>,
      %get3A_155 = arith.constant 1 : i32
      %get3A_156 = arith.index_cast %get3A_155 : i32 to index
      %get3A_157 = arith.constant 32 : index
      %get3A_158 = tpu.vector_load %arg7[%get3A_156, %get3A_157] {strides = array<i32>} : memref<8x128xf32, #tpu.memory_space<vmem>>, vector<16xf32>,
      %div3A_159 = arith.divf %get3A_158, %gather3A_154 : vector<16xf32>
      %swap3A_160 = arith.constant 1 : i32
      %swap3A_161 = arith.index_cast %swap3A_160 : i32 to index
      %swap3A_162 = arith.constant 32 : index
      %swap3A_163 = tpu.vector_load %arg7[%swap3A_161, %swap3A_162] {strides = array<i32>} : memref<8x128xf32, #tpu.memory_space<vmem>>, vector<16xf32>,
      tpu.vector_store %arg7[%swap3A_161, %swap3A_162], %div3A_159 {strides = array<i32>} : memref<8x128xf32, #tpu.memory_space<vmem>>, vector<16xf32>,
      %get3A_164 = arith.constant 1 : i32
      %get3A_165 = arith.index_cast %get3A_164 : i32 to index
      %get3A_166 = arith.constant 48 : index
      %get3A_167 = tpu.vector_load %arg8[%get3A_165, %get3A_166] {strides = array<i32>} : memref<8x128xi32, #tpu.memory_space<vmem>>, vector<16xi32>,
      %gather3A_168 = tpu.vector_load_idx %arg9[%get3A_167] : memref<2048xf32, #tpu.memory_space<vmem>>[vector<16xi32>], vector<16xf32>,
      %get3A_169 = arith.constant 1 : i32
      %get3A_170 = arith.index_cast %get3A_169 : i32 to index
      %get3A_171 = arith.constant 48 : index
      %get3A_172 = tpu.vector_load %arg7[%get3A_170, %get3A_171] {strides = array<i32>} : memref<8x128xf32, #tpu.memory_space<vmem>>, vector<16xf32>,
      %div3A_173 = arith.divf %get3A_172, %gather3A_168 : vector<16xf32>
      %swap3A_174 = arith.constant 1 : i32
      %swap3A_175 = arith.index_cast %swap3A_174 : i32 to index
      %swap3A_176 = arith.constant 48 : index
      %swap3A_177 = tpu.vector_load %arg7[%swap3A_175, %swap3A_176] {strides = array<i32>} : memref<8x128xf32, #tpu.memory_space<vmem>>, vector<16xf32>,
      tpu.vector_store %arg7[%swap3A_175, %swap3A_176], %div3A_173 {strides = array<i32>} : memref<8x128xf32, #tpu.memory_space<vmem>>, vector<16xf32>,
      %get3A_178 = arith.constant 1 : i32
      %get3A_179 = arith.index_cast %get3A_178 : i32 to index
      %get3A_180 = arith.constant 64 : index
      %get3A_181 = tpu.vector_load %arg8[%get3A_179, %get3A_180] {strides = array<i32>} : memref<8x128xi32, #tpu.memory_space<vmem>>, vector<16xi32>,
      %gather3A_182 = tpu.vector_load_idx %arg9[%get3A_181] : memref<2048xf32, #tpu.memory_space<vmem>>[vector<16xi32>], vector<16xf32>,
      %get3A_183 = arith.constant 1 : i32
      %get3A_184 = arith.index_cast %get3A_183 : i32 to index
      %get3A_185 = arith.constant 64 : index
      %get3A_186 = tpu.vector_load %arg7[%get3A_184, %get3A_185] {strides = array<i32>} : memref<8x128xf32, #tpu.memory_space<vmem>>, vector<16xf32>,
      %div3A_187 = arith.divf %get3A_186, %gather3A_182 : vector<16xf32>
      %swap3A_188 = arith.constant 1 : i32
      %swap3A_189 = arith.index_cast %swap3A_188 : i32 to index
      %swap3A_190 = arith.constant 64 : index
      %swap3A_191 = tpu.vector_load %arg7[%swap3A_189, %swap3A_190] {strides = array<i32>} : memref<8x128xf32, #tpu.memory_space<vmem>>, vector<16xf32>,
      tpu.vector_store %arg7[%swap3A_189, %swap3A_190], %div3A_187 {strides = array<i32>} : memref<8x128xf32, #tpu.memory_space<vmem>>, vector<16xf32>,
      %get3A_192 = arith.constant 1 : i32
      %get3A_193 = arith.index_cast %get3A_192 : i32 to index
      %get3A_194 = arith.constant 80 : index
      %get3A_195 = tpu.vector_load %arg8[%get3A_193, %get3A_194] {strides = array<i32>} : memref<8x128xi32, #tpu.memory_space<vmem>>, vector<16xi32>,
      %gather3A_196 = tpu.vector_load_idx %arg9[%get3A_195] : memref<2048xf32, #tpu.memory_space<vmem>>[vector<16xi32>], vector<16xf32>,
      %get3A_197 = arith.constant 1 : i32
      %get3A_198 = arith.index_cast %get3A_197 : i32 to index
      %get3A_199 = arith.constant 80 : index
      %get3A_200 = tpu.vector_load %arg7[%get3A_198, %get3A_199] {strides = array<i32>} : memref<8x128xf32, #tpu.memory_space<vmem>>, vector<16xf32>,
      %div3A_201 = arith.divf %get3A_200, %gather3A_196 : vector<16xf32>
      %swap3A_202 = arith.constant 1 : i32
      %swap3A_203 = arith.index_cast %swap3A_202 : i32 to index
      %swap3A_204 = arith.constant 80 : index
      %swap3A_205 = tpu.vector_load %arg7[%swap3A_203, %swap3A_204] {strides = array<i32>} : memref<8x128xf32, #tpu.memory_space<vmem>>, vector<16xf32>,
      tpu.vector_store %arg7[%swap3A_203, %swap3A_204], %div3A_201 {strides = array<i32>} : memref<8x128xf32, #tpu.memory_space<vmem>>, vector<16xf32>,
      %get3A_206 = arith.constant 1 : i32
      %get3A_207 = arith.index_cast %get3A_206 : i32 to index
      %get3A_208 = arith.constant 96 : index
      %get3A_209 = tpu.vector_load %arg8[%get3A_207, %get3A_208] {strides = array<i32>} : memref<8x128xi32, #tpu.memory_space<vmem>>, vector<16xi32>,
      %gather3A_210 = tpu.vector_load_idx %arg9[%get3A_209] : memref<2048xf32, #tpu.memory_space<vmem>>[vector<16xi32>], vector<16xf32>,
      %get3A_211 = arith.constant 1 : i32
      %get3A_212 = arith.index_cast %get3A_211 : i32 to index
      %get3A_213 = arith.constant 96 : index
      %get3A_214 = tpu.vector_load %arg7[%get3A_212, %get3A_213] {strides = array<i32>} : memref<8x128xf32, #tpu.memory_space<vmem>>, vector<16xf32>,
      %div3A_215 = arith.divf %get3A_214, %gather3A_210 : vector<16xf32>
      %swap3A_216 = arith.constant 1 : i32
      %swap3A_217 = arith.index_cast %swap3A_216 : i32 to index
      %swap3A_218 = arith.constant 96 : index
      %swap3A_219 = tpu.vector_load %arg7[%swap3A_217, %swap3A_218] {strides = array<i32>} : memref<8x128xf32, #tpu.memory_space<vmem>>, vector<16xf32>,
      tpu.vector_store %arg7[%swap3A_217, %swap3A_218], %div3A_215 {strides = array<i32>} : memref<8x128xf32, #tpu.memory_space<vmem>>, vector<16xf32>,
      %get3A_220 = arith.constant 1 : i32
      %get3A_221 = arith.index_cast %get3A_220 : i32 to index
      %get3A_222 = arith.constant 112 : index
      %get3A_223 = tpu.vector_load %arg8[%get3A_221, %get3A_222] {strides = array<i32>} : memref<8x128xi32, #tpu.memory_space<vmem>>, vector<16xi32>,
      %gather3A_224 = tpu.vector_load_idx %arg9[%get3A_223] : memref<2048xf32, #tpu.memory_space<vmem>>[vector<16xi32>], vector<16xf32>,
      %get3A_225 = arith.constant 1 : i32
      %get3A_226 = arith.index_cast %get3A_225 : i32 to index
      %get3A_227 = arith.constant 112 : index
      %get3A_228 = tpu.vector_load %arg7[%get3A_226, %get3A_227] {strides = array<i32>} : memref<8x128xf32, #tpu.memory_space<vmem>>, vector<16xf32>,
      %div3A_229 = arith.divf %get3A_228, %gather3A_224 : vector<16xf32>
      %swap3A_230 = arith.constant 1 : i32
      %swap3A_231 = arith.index_cast %swap3A_230 : i32 to index
      %swap3A_232 = arith.constant 112 : index
      %swap3A_233 = tpu.vector_load %arg7[%swap3A_231, %swap3A_232] {strides = array<i32>} : memref<8x128xf32, #tpu.memory_space<vmem>>, vector<16xf32>,
      tpu.vector_store %arg7[%swap3A_231, %swap3A_232], %div3A_229 {strides = array<i32>} : memref<8x128xf32, #tpu.memory_space<vmem>>, vector<16xf32>,
      %get3A_234 = arith.constant 2 : i32
      %get3A_235 = arith.index_cast %get3A_234 : i32 to index
      %get3A_236 = arith.constant 0 : index
      %get3A_237 = tpu.vector_load %arg8[%get3A_235, %get3A_236] {strides = array<i32>} : memref<8x128xi32, #tpu.memory_space<vmem>>, vector<16xi32>,
      %gather3A_238 = tpu.vector_load_idx %arg9[%get3A_237] : memref<2048xf32, #tpu.memory_space<vmem>>[vector<16xi32>], vector<16xf32>,
      %get3A_239 = arith.constant 2 : i32
      %get3A_240 = arith.index_cast %get3A_239 : i32 to index
      %get3A_241 = arith.constant 0 : index
      %get3A_242 = tpu.vector_load %arg7[%get3A_240, %get3A_241] {strides = array<i32>} : memref<8x128xf32, #tpu.memory_space<vmem>>, vector<16xf32>,
      %div3A_243 = arith.divf %get3A_242, %gather3A_238 : vector<16xf32>
      %swap3A_244 = arith.constant 2 : i32
      %swap3A_245 = arith.index_cast %swap3A_244 : i32 to index
      %swap3A_246 = arith.constant 0 : index
      %swap3A_247 = tpu.vector_load %arg7[%swap3A_245, %swap3A_246] {strides = array<i32>} : memref<8x128xf32, #tpu.memory_space<vmem>>, vector<16xf32>,
      tpu.vector_store %arg7[%swap3A_245, %swap3A_246], %div3A_243 {strides = array<i32>} : memref<8x128xf32, #tpu.memory_space<vmem>>, vector<16xf32>,
      %get3A_248 = arith.constant 2 : i32
      %get3A_249 = arith.index_cast %get3A_248 : i32 to index
      %get3A_250 = arith.constant 16 : index
      %get3A_251 = tpu.vector_load %arg8[%get3A_249, %get3A_250] {strides = array<i32>} : memref<8x128xi32, #tpu.memory_space<vmem>>, vector<16xi32>,
      %gather3A_252 = tpu.vector_load_idx %arg9[%get3A_251] : memref<2048xf32, #tpu.memory_space<vmem>>[vector<16xi32>], vector<16xf32>,
      %get3A_253 = arith.constant 2 : i32
      %get3A_254 = arith.index_cast %get3A_253 : i32 to index
      %get3A_255 = arith.constant 16 : index
      %get3A_256 = tpu.vector_load %arg7[%get3A_254, %get3A_255] {strides = array<i32>} : memref<8x128xf32, #tpu.memory_space<vmem>>, vector<16xf32>,
      %div3A_257 = arith.divf %get3A_256, %gather3A_252 : vector<16xf32>
      %swap3A_258 = arith.constant 2 : i32
      %swap3A_259 = arith.index_cast %swap3A_258 : i32 to index
      %swap3A_260 = arith.constant 16 : index
      %swap3A_261 = tpu.vector_load %arg7[%swap3A_259, %swap3A_260] {strides = array<i32>} : memref<8x128xf32, #tpu.memory_space<vmem>>, vector<16xf32>,
      tpu.vector_store %arg7[%swap3A_259, %swap3A_260], %div3A_257 {strides = array<i32>} : memref<8x128xf32, #tpu.memory_space<vmem>>, vector<16xf32>,
      %get3A_262 = arith.constant 2 : i32
      %get3A_263 = arith.index_cast %get3A_262 : i32 to index
      %get3A_264 = arith.constant 32 : index
      %get3A_265 = tpu.vector_load %arg8[%get3A_263, %get3A_264] {strides = array<i32>} : memref<8x128xi32, #tpu.memory_space<vmem>>, vector<16xi32>,
      %gather3A_266 = tpu.vector_load_idx %arg9[%get3A_265] : memref<2048xf32, #tpu.memory_space<vmem>>[vector<16xi32>], vector<16xf32>,
      %get3A_267 = arith.constant 2 : i32
      %get3A_268 = arith.index_cast %get3A_267 : i32 to index
      %get3A_269 = arith.constant 32 : index
      %get3A_270 = tpu.vector_load %arg7[%get3A_268, %get3A_269] {strides = array<i32>} : memref<8x128xf32, #tpu.memory_space<vmem>>, vector<16xf32>,
      %div3A_271 = arith.divf %get3A_270, %gather3A_266 : vector<16xf32>
      %swap3A_272 = arith.constant 2 : i32
      %swap3A_273 = arith.index_cast %swap3A_272 : i32 to index
      %swap3A_274 = arith.constant 32 : index
      %swap3A_275 = tpu.vector_load %arg7[%swap3A_273, %swap3A_274] {strides = array<i32>} : memref<8x128xf32, #tpu.memory_space<vmem>>, vector<16xf32>,
      tpu.vector_store %arg7[%swap3A_273, %swap3A_274], %div3A_271 {strides = array<i32>} : memref<8x128xf32, #tpu.memory_space<vmem>>, vector<16xf32>,
      %get3A_276 = arith.constant 2 : i32
      %get3A_277 = arith.index_cast %get3A_276 : i32 to index
      %get3A_278 = arith.constant 48 : index
      %get3A_279 = tpu.vector_load %arg8[%get3A_277, %get3A_278] {strides = array<i32>} : memref<8x128xi32, #tpu.memory_space<vmem>>, vector<16xi32>,
      %gather3A_280 = tpu.vector_load_idx %arg9[%get3A_279] : memref<2048xf32, #tpu.memory_space<vmem>>[vector<16xi32>], vector<16xf32>,
      %get3A_281 = arith.constant 2 : i32
      %get3A_282 = arith.index_cast %get3A_281 : i32 to index
      %get3A_283 = arith.constant 48 : index
      %get3A_284 = tpu.vector_load %arg7[%get3A_282, %get3A_283] {strides = array<i32>} : memref<8x128xf32, #tpu.memory_space<vmem>>, vector<16xf32>,
      %div3A_285 = arith.divf %get3A_284, %gather3A_280 : vector<16xf32>
      %swap3A_286 = arith.constant 2 : i32
      %swap3A_287 = arith.index_cast %swap3A_286 : i32 to index
      %swap3A_288 = arith.constant 48 : index
      %swap3A_289 = tpu.vector_load %arg7[%swap3A_287, %swap3A_288] {strides = array<i32>} : memref<8x128xf32, #tpu.memory_space<vmem>>, vector<16xf32>,
      tpu.vector_store %arg7[%swap3A_287, %swap3A_288], %div3A_285 {strides = array<i32>} : memref<8x128xf32, #tpu.memory_space<vmem>>, vector<16xf32>,
      %get3A_290 = arith.constant 2 : i32
      %get3A_291 = arith.index_cast %get3A_290 : i32 to index
      %get3A_292 = arith.constant 64 : index
      %get3A_293 = tpu.vector_load %arg8[%get3A_291, %get3A_292] {strides = array<i32>} : memref<8x128xi32, #tpu.memory_space<vmem>>, vector<16xi32>,
      %gather3A_294 = tpu.vector_load_idx %arg9[%get3A_293] : memref<2048xf32, #tpu.memory_space<vmem>>[vector<16xi32>], vector<16xf32>,
      %get3A_295 = arith.constant 2 : i32
      %get3A_296 = arith.index_cast %get3A_295 : i32 to index
      %get3A_297 = arith.constant 64 : index
      %get3A_298 = tpu.vector_load %arg7[%get3A_296, %get3A_297] {strides = array<i32>} : memref<8x128xf32, #tpu.memory_space<vmem>>, vector<16xf32>,
      %div3A_299 = arith.divf %get3A_298, %gather3A_294 : vector<16xf32>
      %swap3A_300 = arith.constant 2 : i32
      %swap3A_301 = arith.index_cast %swap3A_300 : i32 to index
      %swap3A_302 = arith.constant 64 : index
      %swap3A_303 = tpu.vector_load %arg7[%swap3A_301, %swap3A_302] {strides = array<i32>} : memref<8x128xf32, #tpu.memory_space<vmem>>, vector<16xf32>,
      tpu.vector_store %arg7[%swap3A_301, %swap3A_302], %div3A_299 {strides = array<i32>} : memref<8x128xf32, #tpu.memory_space<vmem>>, vector<16xf32>,
      %get3A_304 = arith.constant 2 : i32
      %get3A_305 = arith.index_cast %get3A_304 : i32 to index
      %get3A_306 = arith.constant 80 : index
      %get3A_307 = tpu.vector_load %arg8[%get3A_305, %get3A_306] {strides = array<i32>} : memref<8x128xi32, #tpu.memory_space<vmem>>, vector<16xi32>,
      %gather3A_308 = tpu.vector_load_idx %arg9[%get3A_307] : memref<2048xf32, #tpu.memory_space<vmem>>[vector<16xi32>], vector<16xf32>,
      %get3A_309 = arith.constant 2 : i32
      %get3A_310 = arith.index_cast %get3A_309 : i32 to index
      %get3A_311 = arith.constant 80 : index
      %get3A_312 = tpu.vector_load %arg7[%get3A_310, %get3A_311] {strides = array<i32>} : memref<8x128xf32, #tpu.memory_space<vmem>>, vector<16xf32>,
      %div3A_313 = arith.divf %get3A_312, %gather3A_308 : vector<16xf32>
      %swap3A_314 = arith.constant 2 : i32
      %swap3A_315 = arith.index_cast %swap3A_314 : i32 to index
      %swap3A_316 = arith.constant 80 : index
      %swap3A_317 = tpu.vector_load %arg7[%swap3A_315, %swap3A_316] {strides = array<i32>} : memref<8x128xf32, #tpu.memory_space<vmem>>, vector<16xf32>,
      tpu.vector_store %arg7[%swap3A_315, %swap3A_316], %div3A_313 {strides = array<i32>} : memref<8x128xf32, #tpu.memory_space<vmem>>, vector<16xf32>,
      %get3A_318 = arith.constant 2 : i32
      %get3A_319 = arith.index_cast %get3A_318 : i32 to index
      %get3A_320 = arith.constant 96 : index
      %get3A_321 = tpu.vector_load %arg8[%get3A_319, %get3A_320] {strides = array<i32>} : memref<8x128xi32, #tpu.memory_space<vmem>>, vector<16xi32>,
      %gather3A_322 = tpu.vector_load_idx %arg9[%get3A_321] : memref<2048xf32, #tpu.memory_space<vmem>>[vector<16xi32>], vector<16xf32>,
      %get3A_323 = arith.constant 2 : i32
      %get3A_324 = arith.index_cast %get3A_323 : i32 to index
      %get3A_325 = arith.constant 96 : index
      %get3A_326 = tpu.vector_load %arg7[%get3A_324, %get3A_325] {strides = array<i32>} : memref<8x128xf32, #tpu.memory_space<vmem>>, vector<16xf32>,
      %div3A_327 = arith.divf %get3A_326, %gather3A_322 : vector<16xf32>
      %swap3A_328 = arith.constant 2 : i32
      %swap3A_329 = arith.index_cast %swap3A_328 : i32 to index
      %swap3A_330 = arith.constant 96 : index
      %swap3A_331 = tpu.vector_load %arg7[%swap3A_329, %swap3A_330] {strides = array<i32>} : memref<8x128xf32, #tpu.memory_space<vmem>>, vector<16xf32>,
      tpu.vector_store %arg7[%swap3A_329, %swap3A_330], %div3A_327 {strides = array<i32>} : memref<8x128xf32, #tpu.memory_space<vmem>>, vector<16xf32>,
      %get3A_332 = arith.constant 2 : i32
      %get3A_333 = arith.index_cast %get3A_332 : i32 to index
      %get3A_334 = arith.constant 112 : index
      %get3A_335 = tpu.vector_load %arg8[%get3A_333, %get3A_334] {strides = array<i32>} : memref<8x128xi32, #tpu.memory_space<vmem>>, vector<16xi32>,
      %gather3A_336 = tpu.vector_load_idx %arg9[%get3A_335] : memref<2048xf32, #tpu.memory_space<vmem>>[vector<16xi32>], vector<16xf32>,
      %get3A_337 = arith.constant 2 : i32
      %get3A_338 = arith.index_cast %get3A_337 : i32 to index
      %get3A_339 = arith.constant 112 : index
      %get3A_340 = tpu.vector_load %arg7[%get3A_338, %get3A_339] {strides = array<i32>} : memref<8x128xf32, #tpu.memory_space<vmem>>, vector<16xf32>,
      %div3A_341 = arith.divf %get3A_340, %gather3A_336 : vector<16xf32>
      %swap3A_342 = arith.constant 2 : i32
      %swap3A_343 = arith.index_cast %swap3A_342 : i32 to index
      %swap3A_344 = arith.constant 112 : index
      %swap3A_345 = tpu.vector_load %arg7[%swap3A_343, %swap3A_344] {strides = array<i32>} : memref<8x128xf32, #tpu.memory_space<vmem>>, vector<16xf32>,
      tpu.vector_store %arg7[%swap3A_343, %swap3A_344], %div3A_341 {strides = array<i32>} : memref<8x128xf32, #tpu.memory_space<vmem>>, vector<16xf32>,
      %get3A_346 = arith.constant 3 : i32
      %get3A_347 = arith.index_cast %get3A_346 : i32 to index
      %get3A_348 = arith.constant 0 : index
      %get3A_349 = tpu.vector_load %arg8[%get3A_347, %get3A_348] {strides = array<i32>} : memref<8x128xi32, #tpu.memory_space<vmem>>, vector<16xi32>,
      %gather3A_350 = tpu.vector_load_idx %arg9[%get3A_349] : memref<2048xf32, #tpu.memory_space<vmem>>[vector<16xi32>], vector<16xf32>,
      %get3A_351 = arith.constant 3 : i32
      %get3A_352 = arith.index_cast %get3A_351 : i32 to index
      %get3A_353 = arith.constant 0 : index
      %get3A_354 = tpu.vector_load %arg7[%get3A_352, %get3A_353] {strides = array<i32>} : memref<8x128xf32, #tpu.memory_space<vmem>>, vector<16xf32>,
      %div3A_355 = arith.divf %get3A_354, %gather3A_350 : vector<16xf32>
      %swap3A_356 = arith.constant 3 : i32
      %swap3A_357 = arith.index_cast %swap3A_356 : i32 to index
      %swap3A_358 = arith.constant 0 : index
      %swap3A_359 = tpu.vector_load %arg7[%swap3A_357, %swap3A_358] {strides = array<i32>} : memref<8x128xf32, #tpu.memory_space<vmem>>, vector<16xf32>,
      tpu.vector_store %arg7[%swap3A_357, %swap3A_358], %div3A_355 {strides = array<i32>} : memref<8x128xf32, #tpu.memory_space<vmem>>, vector<16xf32>,
      %get3A_360 = arith.constant 3 : i32
      %get3A_361 = arith.index_cast %get3A_360 : i32 to index
      %get3A_362 = arith.constant 16 : index
      %get3A_363 = tpu.vector_load %arg8[%get3A_361, %get3A_362] {strides = array<i32>} : memref<8x128xi32, #tpu.memory_space<vmem>>, vector<16xi32>,
      %gather3A_364 = tpu.vector_load_idx %arg9[%get3A_363] : memref<2048xf32, #tpu.memory_space<vmem>>[vector<16xi32>], vector<16xf32>,
      %get3A_365 = arith.constant 3 : i32
      %get3A_366 = arith.index_cast %get3A_365 : i32 to index
      %get3A_367 = arith.constant 16 : index
      %get3A_368 = tpu.vector_load %arg7[%get3A_366, %get3A_367] {strides = array<i32>} : memref<8x128xf32, #tpu.memory_space<vmem>>, vector<16xf32>,
      %div3A_369 = arith.divf %get3A_368, %gather3A_364 : vector<16xf32>
      %swap3A_370 = arith.constant 3 : i32
      %swap3A_371 = arith.index_cast %swap3A_370 : i32 to index
      %swap3A_372 = arith.constant 16 : index
      %swap3A_373 = tpu.vector_load %arg7[%swap3A_371, %swap3A_372] {strides = array<i32>} : memref<8x128xf32, #tpu.memory_space<vmem>>, vector<16xf32>,
      tpu.vector_store %arg7[%swap3A_371, %swap3A_372], %div3A_369 {strides = array<i32>} : memref<8x128xf32, #tpu.memory_space<vmem>>, vector<16xf32>,
      %get3A_374 = arith.constant 3 : i32
      %get3A_375 = arith.index_cast %get3A_374 : i32 to index
      %get3A_376 = arith.constant 32 : index
      %get3A_377 = tpu.vector_load %arg8[%get3A_375, %get3A_376] {strides = array<i32>} : memref<8x128xi32, #tpu.memory_space<vmem>>, vector<16xi32>,
      %gather3A_378 = tpu.vector_load_idx %arg9[%get3A_377] : memref<2048xf32, #tpu.memory_space<vmem>>[vector<16xi32>], vector<16xf32>,
      %get3A_379 = arith.constant 3 : i32
      %get3A_380 = arith.index_cast %get3A_379 : i32 to index
      %get3A_381 = arith.constant 32 : index
      %get3A_382 = tpu.vector_load %arg7[%get3A_380, %get3A_381] {strides = array<i32>} : memref<8x128xf32, #tpu.memory_space<vmem>>, vector<16xf32>,
      %div3A_383 = arith.divf %get3A_382, %gather3A_378 : vector<16xf32>
      %swap3A_384 = arith.constant 3 : i32
      %swap3A_385 = arith.index_cast %swap3A_384 : i32 to index
      %swap3A_386 = arith.constant 32 : index
      %swap3A_387 = tpu.vector_load %arg7[%swap3A_385, %swap3A_386] {strides = array<i32>} : memref<8x128xf32, #tpu.memory_space<vmem>>, vector<16xf32>,
      tpu.vector_store %arg7[%swap3A_385, %swap3A_386], %div3A_383 {strides = array<i32>} : memref<8x128xf32, #tpu.memory_space<vmem>>, vector<16xf32>,
      %get3A_388 = arith.constant 3 : i32
      %get3A_389 = arith.index_cast %get3A_388 : i32 to index
      %get3A_390 = arith.constant 48 : index
      %get3A_391 = tpu.vector_load %arg8[%get3A_389, %get3A_390] {strides = array<i32>} : memref<8x128xi32, #tpu.memory_space<vmem>>, vector<16xi32>,
      %gather3A_392 = tpu.vector_load_idx %arg9[%get3A_391] : memref<2048xf32, #tpu.memory_space<vmem>>[vector<16xi32>], vector<16xf32>,
      %get3A_393 = arith.constant 3 : i32
      %get3A_394 = arith.index_cast %get3A_393 : i32 to index
      %get3A_395 = arith.constant 48 : index
      %get3A_396 = tpu.vector_load %arg7[%get3A_394, %get3A_395] {strides = array<i32>} : memref<8x128xf32, #tpu.memory_space<vmem>>, vector<16xf32>,
      %div3A_397 = arith.divf %get3A_396, %gather3A_392 : vector<16xf32>
      %swap3A_398 = arith.constant 3 : i32
      %swap3A_399 = arith.index_cast %swap3A_398 : i32 to index
      %swap3A_400 = arith.constant 48 : index
      %swap3A_401 = tpu.vector_load %arg7[%swap3A_399, %swap3A_400] {strides = array<i32>} : memref<8x128xf32, #tpu.memory_space<vmem>>, vector<16xf32>,
      tpu.vector_store %arg7[%swap3A_399, %swap3A_400], %div3A_397 {strides = array<i32>} : memref<8x128xf32, #tpu.memory_space<vmem>>, vector<16xf32>,
      %get3A_402 = arith.constant 3 : i32
      %get3A_403 = arith.index_cast %get3A_402 : i32 to index
      %get3A_404 = arith.constant 64 : index
      %get3A_405 = tpu.vector_load %arg8[%get3A_403, %get3A_404] {strides = array<i32>} : memref<8x128xi32, #tpu.memory_space<vmem>>, vector<16xi32>,
      %gather3A_406 = tpu.vector_load_idx %arg9[%get3A_405] : memref<2048xf32, #tpu.memory_space<vmem>>[vector<16xi32>], vector<16xf32>,
      %get3A_407 = arith.constant 3 : i32
      %get3A_408 = arith.index_cast %get3A_407 : i32 to index
      %get3A_409 = arith.constant 64 : index
      %get3A_410 = tpu.vector_load %arg7[%get3A_408, %get3A_409] {strides = array<i32>} : memref<8x128xf32, #tpu.memory_space<vmem>>, vector<16xf32>,
      %div3A_411 = arith.divf %get3A_410, %gather3A_406 : vector<16xf32>
      %swap3A_412 = arith.constant 3 : i32
      %swap3A_413 = arith.index_cast %swap3A_412 : i32 to index
      %swap3A_414 = arith.constant 64 : index
      %swap3A_415 = tpu.vector_load %arg7[%swap3A_413, %swap3A_414] {strides = array<i32>} : memref<8x128xf32, #tpu.memory_space<vmem>>, vector<16xf32>,
      tpu.vector_store %arg7[%swap3A_413, %swap3A_414], %div3A_411 {strides = array<i32>} : memref<8x128xf32, #tpu.memory_space<vmem>>, vector<16xf32>,
      %get3A_416 = arith.constant 3 : i32
      %get3A_417 = arith.index_cast %get3A_416 : i32 to index
      %get3A_418 = arith.constant 80 : index
      %get3A_419 = tpu.vector_load %arg8[%get3A_417, %get3A_418] {strides = array<i32>} : memref<8x128xi32, #tpu.memory_space<vmem>>, vector<16xi32>,
      %gather3A_420 = tpu.vector_load_idx %arg9[%get3A_419] : memref<2048xf32, #tpu.memory_space<vmem>>[vector<16xi32>], vector<16xf32>,
      %get3A_421 = arith.constant 3 : i32
      %get3A_422 = arith.index_cast %get3A_421 : i32 to index
      %get3A_423 = arith.constant 80 : index
      %get3A_424 = tpu.vector_load %arg7[%get3A_422, %get3A_423] {strides = array<i32>} : memref<8x128xf32, #tpu.memory_space<vmem>>, vector<16xf32>,
      %div3A_425 = arith.divf %get3A_424, %gather3A_420 : vector<16xf32>
      %swap3A_426 = arith.constant 3 : i32
      %swap3A_427 = arith.index_cast %swap3A_426 : i32 to index
      %swap3A_428 = arith.constant 80 : index
      %swap3A_429 = tpu.vector_load %arg7[%swap3A_427, %swap3A_428] {strides = array<i32>} : memref<8x128xf32, #tpu.memory_space<vmem>>, vector<16xf32>,
      tpu.vector_store %arg7[%swap3A_427, %swap3A_428], %div3A_425 {strides = array<i32>} : memref<8x128xf32, #tpu.memory_space<vmem>>, vector<16xf32>,
      %get3A_430 = arith.constant 3 : i32
      %get3A_431 = arith.index_cast %get3A_430 : i32 to index
      %get3A_432 = arith.constant 96 : index
      %get3A_433 = tpu.vector_load %arg8[%get3A_431, %get3A_432] {strides = array<i32>} : memref<8x128xi32, #tpu.memory_space<vmem>>, vector<16xi32>,
      %gather3A_434 = tpu.vector_load_idx %arg9[%get3A_433] : memref<2048xf32, #tpu.memory_space<vmem>>[vector<16xi32>], vector<16xf32>,
      %get3A_435 = arith.constant 3 : i32
      %get3A_436 = arith.index_cast %get3A_435 : i32 to index
      %get3A_437 = arith.constant 96 : index
      %get3A_438 = tpu.vector_load %arg7[%get3A_436, %get3A_437] {strides = array<i32>} : memref<8x128xf32, #tpu.memory_space<vmem>>, vector<16xf32>,
      %div3A_439 = arith.divf %get3A_438, %gather3A_434 : vector<16xf32>
      %swap3A_440 = arith.constant 3 : i32
      %swap3A_441 = arith.index_cast %swap3A_440 : i32 to index
      %swap3A_442 = arith.constant 96 : index
      %swap3A_443 = tpu.vector_load %arg7[%swap3A_441, %swap3A_442] {strides = array<i32>} : memref<8x128xf32, #tpu.memory_space<vmem>>, vector<16xf32>,
      tpu.vector_store %arg7[%swap3A_441, %swap3A_442], %div3A_439 {strides = array<i32>} : memref<8x128xf32, #tpu.memory_space<vmem>>, vector<16xf32>,
      %get3A_444 = arith.constant 3 : i32
      %get3A_445 = arith.index_cast %get3A_444 : i32 to index
      %get3A_446 = arith.constant 112 : index
      %get3A_447 = tpu.vector_load %arg8[%get3A_445, %get3A_446] {strides = array<i32>} : memref<8x128xi32, #tpu.memory_space<vmem>>, vector<16xi32>,
      %gather3A_448 = tpu.vector_load_idx %arg9[%get3A_447] : memref<2048xf32, #tpu.memory_space<vmem>>[vector<16xi32>], vector<16xf32>,
      %get3A_449 = arith.constant 3 : i32
      %get3A_450 = arith.index_cast %get3A_449 : i32 to index
      %get3A_451 = arith.constant 112 : index
      %get3A_452 = tpu.vector_load %arg7[%get3A_450, %get3A_451] {strides = array<i32>} : memref<8x128xf32, #tpu.memory_space<vmem>>, vector<16xf32>,
      %div3A_453 = arith.divf %get3A_452, %gather3A_448 : vector<16xf32>
      %swap3A_454 = arith.constant 3 : i32
      %swap3A_455 = arith.index_cast %swap3A_454 : i32 to index
      %swap3A_456 = arith.constant 112 : index
      %swap3A_457 = tpu.vector_load %arg7[%swap3A_455, %swap3A_456] {strides = array<i32>} : memref<8x128xf32, #tpu.memory_space<vmem>>, vector<16xf32>,
      tpu.vector_store %arg7[%swap3A_455, %swap3A_456], %div3A_453 {strides = array<i32>} : memref<8x128xf32, #tpu.memory_space<vmem>>, vector<16xf32>,
      %get3A_458 = arith.constant 4 : i32
      %get3A_459 = arith.index_cast %get3A_458 : i32 to index
      %get3A_460 = arith.constant 0 : index
      %get3A_461 = tpu.vector_load %arg8[%get3A_459, %get3A_460] {strides = array<i32>} : memref<8x128xi32, #tpu.memory_space<vmem>>, vector<16xi32>,
      %gather3A_462 = tpu.vector_load_idx %arg9[%get3A_461] : memref<2048xf32, #tpu.memory_space<vmem>>[vector<16xi32>], vector<16xf32>,
      %get3A_463 = arith.constant 4 : i32
      %get3A_464 = arith.index_cast %get3A_463 : i32 to index
      %get3A_465 = arith.constant 0 : index
      %get3A_466 = tpu.vector_load %arg7[%get3A_464, %get3A_465] {strides = array<i32>} : memref<8x128xf32, #tpu.memory_space<vmem>>, vector<16xf32>,
      %div3A_467 = arith.divf %get3A_466, %gather3A_462 : vector<16xf32>
      %swap3A_468 = arith.constant 4 : i32
      %swap3A_469 = arith.index_cast %swap3A_468 : i32 to index
      %swap3A_470 = arith.constant 0 : index
      %swap3A_471 = tpu.vector_load %arg7[%swap3A_469, %swap3A_470] {strides = array<i32>} : memref<8x128xf32, #tpu.memory_space<vmem>>, vector<16xf32>,
      tpu.vector_store %arg7[%swap3A_469, %swap3A_470], %div3A_467 {strides = array<i32>} : memref<8x128xf32, #tpu.memory_space<vmem>>, vector<16xf32>,
      %get3A_472 = arith.constant 4 : i32
      %get3A_473 = arith.index_cast %get3A_472 : i32 to index
      %get3A_474 = arith.constant 16 : index
      %get3A_475 = tpu.vector_load %arg8[%get3A_473, %get3A_474] {strides = array<i32>} : memref<8x128xi32, #tpu.memory_space<vmem>>, vector<16xi32>,
      %gather3A_476 = tpu.vector_load_idx %arg9[%get3A_475] : memref<2048xf32, #tpu.memory_space<vmem>>[vector<16xi32>], vector<16xf32>,
      %get3A_477 = arith.constant 4 : i32
      %get3A_478 = arith.index_cast %get3A_477 : i32 to index
      %get3A_479 = arith.constant 16 : index
      %get3A_480 = tpu.vector_load %arg7[%get3A_478, %get3A_479] {strides = array<i32>} : memref<8x128xf32, #tpu.memory_space<vmem>>, vector<16xf32>,
      %div3A_481 = arith.divf %get3A_480, %gather3A_476 : vector<16xf32>
      %swap3A_482 = arith.constant 4 : i32
      %swap3A_483 = arith.index_cast %swap3A_482 : i32 to index
      %swap3A_484 = arith.constant 16 : index
      %swap3A_485 = tpu.vector_load %arg7[%swap3A_483, %swap3A_484] {strides = array<i32>} : memref<8x128xf32, #tpu.memory_space<vmem>>, vector<16xf32>,
      tpu.vector_store %arg7[%swap3A_483, %swap3A_484], %div3A_481 {strides = array<i32>} : memref<8x128xf32, #tpu.memory_space<vmem>>, vector<16xf32>,
      %get3A_486 = arith.constant 4 : i32
      %get3A_487 = arith.index_cast %get3A_486 : i32 to index
      %get3A_488 = arith.constant 32 : index
      %get3A_489 = tpu.vector_load %arg8[%get3A_487, %get3A_488] {strides = array<i32>} : memref<8x128xi32, #tpu.memory_space<vmem>>, vector<16xi32>,
      %gather3A_490 = tpu.vector_load_idx %arg9[%get3A_489] : memref<2048xf32, #tpu.memory_space<vmem>>[vector<16xi32>], vector<16xf32>,
      %get3A_491 = arith.constant 4 : i32
      %get3A_492 = arith.index_cast %get3A_491 : i32 to index
      %get3A_493 = arith.constant 32 : index
      %get3A_494 = tpu.vector_load %arg7[%get3A_492, %get3A_493] {strides = array<i32>} : memref<8x128xf32, #tpu.memory_space<vmem>>, vector<16xf32>,
      %div3A_495 = arith.divf %get3A_494, %gather3A_490 : vector<16xf32>
      %swap3A_496 = arith.constant 4 : i32
      %swap3A_497 = arith.index_cast %swap3A_496 : i32 to index
      %swap3A_498 = arith.constant 32 : index
      %swap3A_499 = tpu.vector_load %arg7[%swap3A_497, %swap3A_498] {strides = array<i32>} : memref<8x128xf32, #tpu.memory_space<vmem>>, vector<16xf32>,
      tpu.vector_store %arg7[%swap3A_497, %swap3A_498], %div3A_495 {strides = array<i32>} : memref<8x128xf32, #tpu.memory_space<vmem>>, vector<16xf32>,
      %get3A_500 = arith.constant 4 : i32
      %get3A_501 = arith.index_cast %get3A_500 : i32 to index
      %get3A_502 = arith.constant 48 : index
      %get3A_503 = tpu.vector_load %arg8[%get3A_501, %get3A_502] {strides = array<i32>} : memref<8x128xi32, #tpu.memory_space<vmem>>, vector<16xi32>,
      %gather3A_504 = tpu.vector_load_idx %arg9[%get3A_503] : memref<2048xf32, #tpu.memory_space<vmem>>[vector<16xi32>], vector<16xf32>,
      %get3A_505 = arith.constant 4 : i32
      %get3A_506 = arith.index_cast %get3A_505 : i32 to index
      %get3A_507 = arith.constant 48 : index
      %get3A_508 = tpu.vector_load %arg7[%get3A_506, %get3A_507] {strides = array<i32>} : memref<8x128xf32, #tpu.memory_space<vmem>>, vector<16xf32>,
      %div3A_509 = arith.divf %get3A_508, %gather3A_504 : vector<16xf32>
      %swap3A_510 = arith.constant 4 : i32
      %swap3A_511 = arith.index_cast %swap3A_510 : i32 to index
      %swap3A_512 = arith.constant 48 : index
      %swap3A_513 = tpu.vector_load %arg7[%swap3A_511, %swap3A_512] {strides = array<i32>} : memref<8x128xf32, #tpu.memory_space<vmem>>, vector<16xf32>,
      tpu.vector_store %arg7[%swap3A_511, %swap3A_512], %div3A_509 {strides = array<i32>} : memref<8x128xf32, #tpu.memory_space<vmem>>, vector<16xf32>,
      %get3A_514 = arith.constant 4 : i32
      %get3A_515 = arith.index_cast %get3A_514 : i32 to index
      %get3A_516 = arith.constant 64 : index
      %get3A_517 = tpu.vector_load %arg8[%get3A_515, %get3A_516] {strides = array<i32>} : memref<8x128xi32, #tpu.memory_space<vmem>>, vector<16xi32>,
      %gather3A_518 = tpu.vector_load_idx %arg9[%get3A_517] : memref<2048xf32, #tpu.memory_space<vmem>>[vector<16xi32>], vector<16xf32>,
      %get3A_519 = arith.constant 4 : i32
      %get3A_520 = arith.index_cast %get3A_519 : i32 to index
      %get3A_521 = arith.constant 64 : index
      %get3A_522 = tpu.vector_load %arg7[%get3A_520, %get3A_521] {strides = array<i32>} : memref<8x128xf32, #tpu.memory_space<vmem>>, vector<16xf32>,
      %div3A_523 = arith.divf %get3A_522, %gather3A_518 : vector<16xf32>
      %swap3A_524 = arith.constant 4 : i32
      %swap3A_525 = arith.index_cast %swap3A_524 : i32 to index
      %swap3A_526 = arith.constant 64 : index
      %swap3A_527 = tpu.vector_load %arg7[%swap3A_525, %swap3A_526] {strides = array<i32>} : memref<8x128xf32, #tpu.memory_space<vmem>>, vector<16xf32>,
      tpu.vector_store %arg7[%swap3A_525, %swap3A_526], %div3A_523 {strides = array<i32>} : memref<8x128xf32, #tpu.memory_space<vmem>>, vector<16xf32>,
      %get3A_528 = arith.constant 4 : i32
      %get3A_529 = arith.index_cast %get3A_528 : i32 to index
      %get3A_530 = arith.constant 80 : index
      %get3A_531 = tpu.vector_load %arg8[%get3A_529, %get3A_530] {strides = array<i32>} : memref<8x128xi32, #tpu.memory_space<vmem>>, vector<16xi32>,
      %gather3A_532 = tpu.vector_load_idx %arg9[%get3A_531] : memref<2048xf32, #tpu.memory_space<vmem>>[vector<16xi32>], vector<16xf32>,
      %get3A_533 = arith.constant 4 : i32
      %get3A_534 = arith.index_cast %get3A_533 : i32 to index
      %get3A_535 = arith.constant 80 : index
      %get3A_536 = tpu.vector_load %arg7[%get3A_534, %get3A_535] {strides = array<i32>} : memref<8x128xf32, #tpu.memory_space<vmem>>, vector<16xf32>,
      %div3A_537 = arith.divf %get3A_536, %gather3A_532 : vector<16xf32>
      %swap3A_538 = arith.constant 4 : i32
      %swap3A_539 = arith.index_cast %swap3A_538 : i32 to index
      %swap3A_540 = arith.constant 80 : index
      %swap3A_541 = tpu.vector_load %arg7[%swap3A_539, %swap3A_540] {strides = array<i32>} : memref<8x128xf32, #tpu.memory_space<vmem>>, vector<16xf32>,
      tpu.vector_store %arg7[%swap3A_539, %swap3A_540], %div3A_537 {strides = array<i32>} : memref<8x128xf32, #tpu.memory_space<vmem>>, vector<16xf32>,
      %get3A_542 = arith.constant 4 : i32
      %get3A_543 = arith.index_cast %get3A_542 : i32 to index
      %get3A_544 = arith.constant 96 : index
      %get3A_545 = tpu.vector_load %arg8[%get3A_543, %get3A_544] {strides = array<i32>} : memref<8x128xi32, #tpu.memory_space<vmem>>, vector<16xi32>,
      %gather3A_546 = tpu.vector_load_idx %arg9[%get3A_545] : memref<2048xf32, #tpu.memory_space<vmem>>[vector<16xi32>], vector<16xf32>,
      %get3A_547 = arith.constant 4 : i32
      %get3A_548 = arith.index_cast %get3A_547 : i32 to index
      %get3A_549 = arith.constant 96 : index
      %get3A_550 = tpu.vector_load %arg7[%get3A_548, %get3A_549] {strides = array<i32>} : memref<8x128xf32, #tpu.memory_space<vmem>>, vector<16xf32>,
      %div3A_551 = arith.divf %get3A_550, %gather3A_546 : vector<16xf32>
      %swap3A_552 = arith.constant 4 : i32
      %swap3A_553 = arith.index_cast %swap3A_552 : i32 to index
      %swap3A_554 = arith.constant 96 : index
      %swap3A_555 = tpu.vector_load %arg7[%swap3A_553, %swap3A_554] {strides = array<i32>} : memref<8x128xf32, #tpu.memory_space<vmem>>, vector<16xf32>,
      tpu.vector_store %arg7[%swap3A_553, %swap3A_554], %div3A_551 {strides = array<i32>} : memref<8x128xf32, #tpu.memory_space<vmem>>, vector<16xf32>,
      %get3A_556 = arith.constant 4 : i32
      %get3A_557 = arith.index_cast %get3A_556 : i32 to index
      %get3A_558 = arith.constant 112 : index
      %get3A_559 = tpu.vector_load %arg8[%get3A_557, %get3A_558] {strides = array<i32>} : memref<8x128xi32, #tpu.memory_space<vmem>>, vector<16xi32>,
      %gather3A_560 = tpu.vector_load_idx %arg9[%get3A_559] : memref<2048xf32, #tpu.memory_space<vmem>>[vector<16xi32>], vector<16xf32>,
      %get3A_561 = arith.constant 4 : i32
      %get3A_562 = arith.index_cast %get3A_561 : i32 to index
      %get3A_563 = arith.constant 112 : index
      %get3A_564 = tpu.vector_load %arg7[%get3A_562, %get3A_563] {strides = array<i32>} : memref<8x128xf32, #tpu.memory_space<vmem>>, vector<16xf32>,
      %div3A_565 = arith.divf %get3A_564, %gather3A_560 : vector<16xf32>
      %swap3A_566 = arith.constant 4 : i32
      %swap3A_567 = arith.index_cast %swap3A_566 : i32 to index
      %swap3A_568 = arith.constant 112 : index
      %swap3A_569 = tpu.vector_load %arg7[%swap3A_567, %swap3A_568] {strides = array<i32>} : memref<8x128xf32, #tpu.memory_space<vmem>>, vector<16xf32>,
      tpu.vector_store %arg7[%swap3A_567, %swap3A_568], %div3A_565 {strides = array<i32>} : memref<8x128xf32, #tpu.memory_space<vmem>>, vector<16xf32>,
      %get3A_570 = arith.constant 5 : i32
      %get3A_571 = arith.index_cast %get3A_570 : i32 to index
      %get3A_572 = arith.constant 0 : index
      %get3A_573 = tpu.vector_load %arg8[%get3A_571, %get3A_572] {strides = array<i32>} : memref<8x128xi32, #tpu.memory_space<vmem>>, vector<16xi32>,
      %gather3A_574 = tpu.vector_load_idx %arg9[%get3A_573] : memref<2048xf32, #tpu.memory_space<vmem>>[vector<16xi32>], vector<16xf32>,
      %get3A_575 = arith.constant 5 : i32
      %get3A_576 = arith.index_cast %get3A_575 : i32 to index
      %get3A_577 = arith.constant 0 : index
      %get3A_578 = tpu.vector_load %arg7[%get3A_576, %get3A_577] {strides = array<i32>} : memref<8x128xf32, #tpu.memory_space<vmem>>, vector<16xf32>,
      %div3A_579 = arith.divf %get3A_578, %gather3A_574 : vector<16xf32>
      %swap3A_580 = arith.constant 5 : i32
      %swap3A_581 = arith.index_cast %swap3A_580 : i32 to index
      %swap3A_582 = arith.constant 0 : index
      %swap3A_583 = tpu.vector_load %arg7[%swap3A_581, %swap3A_582] {strides = array<i32>} : memref<8x128xf32, #tpu.memory_space<vmem>>, vector<16xf32>,
      tpu.vector_store %arg7[%swap3A_581, %swap3A_582], %div3A_579 {strides = array<i32>} : memref<8x128xf32, #tpu.memory_space<vmem>>, vector<16xf32>,
      %get3A_584 = arith.constant 5 : i32
      %get3A_585 = arith.index_cast %get3A_584 : i32 to index
      %get3A_586 = arith.constant 16 : index
      %get3A_587 = tpu.vector_load %arg8[%get3A_585, %get3A_586] {strides = array<i32>} : memref<8x128xi32, #tpu.memory_space<vmem>>, vector<16xi32>,
      %gather3A_588 = tpu.vector_load_idx %arg9[%get3A_587] : memref<2048xf32, #tpu.memory_space<vmem>>[vector<16xi32>], vector<16xf32>,
      %get3A_589 = arith.constant 5 : i32
      %get3A_590 = arith.index_cast %get3A_589 : i32 to index
      %get3A_591 = arith.constant 16 : index
      %get3A_592 = tpu.vector_load %arg7[%get3A_590, %get3A_591] {strides = array<i32>} : memref<8x128xf32, #tpu.memory_space<vmem>>, vector<16xf32>,
      %div3A_593 = arith.divf %get3A_592, %gather3A_588 : vector<16xf32>
      %swap3A_594 = arith.constant 5 : i32
      %swap3A_595 = arith.index_cast %swap3A_594 : i32 to index
      %swap3A_596 = arith.constant 16 : index
      %swap3A_597 = tpu.vector_load %arg7[%swap3A_595, %swap3A_596] {strides = array<i32>} : memref<8x128xf32, #tpu.memory_space<vmem>>, vector<16xf32>,
      tpu.vector_store %arg7[%swap3A_595, %swap3A_596], %div3A_593 {strides = array<i32>} : memref<8x128xf32, #tpu.memory_space<vmem>>, vector<16xf32>,
      %get3A_598 = arith.constant 5 : i32
      %get3A_599 = arith.index_cast %get3A_598 : i32 to index
      %get3A_600 = arith.constant 32 : index
      %get3A_601 = tpu.vector_load %arg8[%get3A_599, %get3A_600] {strides = array<i32>} : memref<8x128xi32, #tpu.memory_space<vmem>>, vector<16xi32>,
      %gather3A_602 = tpu.vector_load_idx %arg9[%get3A_601] : memref<2048xf32, #tpu.memory_space<vmem>>[vector<16xi32>], vector<16xf32>,
      %get3A_603 = arith.constant 5 : i32
      %get3A_604 = arith.index_cast %get3A_603 : i32 to index
      %get3A_605 = arith.constant 32 : index
      %get3A_606 = tpu.vector_load %arg7[%get3A_604, %get3A_605] {strides = array<i32>} : memref<8x128xf32, #tpu.memory_space<vmem>>, vector<16xf32>,
      %div3A_607 = arith.divf %get3A_606, %gather3A_602 : vector<16xf32>
      %swap3A_608 = arith.constant 5 : i32
      %swap3A_609 = arith.index_cast %swap3A_608 : i32 to index
      %swap3A_610 = arith.constant 32 : index
      %swap3A_611 = tpu.vector_load %arg7[%swap3A_609, %swap3A_610] {strides = array<i32>} : memref<8x128xf32, #tpu.memory_space<vmem>>, vector<16xf32>,
      tpu.vector_store %arg7[%swap3A_609, %swap3A_610], %div3A_607 {strides = array<i32>} : memref<8x128xf32, #tpu.memory_space<vmem>>, vector<16xf32>,
      %get3A_612 = arith.constant 5 : i32
      %get3A_613 = arith.index_cast %get3A_612 : i32 to index
      %get3A_614 = arith.constant 48 : index
      %get3A_615 = tpu.vector_load %arg8[%get3A_613, %get3A_614] {strides = array<i32>} : memref<8x128xi32, #tpu.memory_space<vmem>>, vector<16xi32>,
      %gather3A_616 = tpu.vector_load_idx %arg9[%get3A_615] : memref<2048xf32, #tpu.memory_space<vmem>>[vector<16xi32>], vector<16xf32>,
      %get3A_617 = arith.constant 5 : i32
      %get3A_618 = arith.index_cast %get3A_617 : i32 to index
      %get3A_619 = arith.constant 48 : index
      %get3A_620 = tpu.vector_load %arg7[%get3A_618, %get3A_619] {strides = array<i32>} : memref<8x128xf32, #tpu.memory_space<vmem>>, vector<16xf32>,
      %div3A_621 = arith.divf %get3A_620, %gather3A_616 : vector<16xf32>
      %swap3A_622 = arith.constant 5 : i32
      %swap3A_623 = arith.index_cast %swap3A_622 : i32 to index
      %swap3A_624 = arith.constant 48 : index
      %swap3A_625 = tpu.vector_load %arg7[%swap3A_623, %swap3A_624] {strides = array<i32>} : memref<8x128xf32, #tpu.memory_space<vmem>>, vector<16xf32>,
      tpu.vector_store %arg7[%swap3A_623, %swap3A_624], %div3A_621 {strides = array<i32>} : memref<8x128xf32, #tpu.memory_space<vmem>>, vector<16xf32>,
      %get3A_626 = arith.constant 5 : i32
      %get3A_627 = arith.index_cast %get3A_626 : i32 to index
      %get3A_628 = arith.constant 64 : index
      %get3A_629 = tpu.vector_load %arg8[%get3A_627, %get3A_628] {strides = array<i32>} : memref<8x128xi32, #tpu.memory_space<vmem>>, vector<16xi32>,
      %gather3A_630 = tpu.vector_load_idx %arg9[%get3A_629] : memref<2048xf32, #tpu.memory_space<vmem>>[vector<16xi32>], vector<16xf32>,
      %get3A_631 = arith.constant 5 : i32
      %get3A_632 = arith.index_cast %get3A_631 : i32 to index
      %get3A_633 = arith.constant 64 : index
      %get3A_634 = tpu.vector_load %arg7[%get3A_632, %get3A_633] {strides = array<i32>} : memref<8x128xf32, #tpu.memory_space<vmem>>, vector<16xf32>,
      %div3A_635 = arith.divf %get3A_634, %gather3A_630 : vector<16xf32>
      %swap3A_636 = arith.constant 5 : i32
      %swap3A_637 = arith.index_cast %swap3A_636 : i32 to index
      %swap3A_638 = arith.constant 64 : index
      %swap3A_639 = tpu.vector_load %arg7[%swap3A_637, %swap3A_638] {strides = array<i32>} : memref<8x128xf32, #tpu.memory_space<vmem>>, vector<16xf32>,
      tpu.vector_store %arg7[%swap3A_637, %swap3A_638], %div3A_635 {strides = array<i32>} : memref<8x128xf32, #tpu.memory_space<vmem>>, vector<16xf32>,
      %get3A_640 = arith.constant 5 : i32
      %get3A_641 = arith.index_cast %get3A_640 : i32 to index
      %get3A_642 = arith.constant 80 : index
      %get3A_643 = tpu.vector_load %arg8[%get3A_641, %get3A_642] {strides = array<i32>} : memref<8x128xi32, #tpu.memory_space<vmem>>, vector<16xi32>,
      %gather3A_644 = tpu.vector_load_idx %arg9[%get3A_643] : memref<2048xf32, #tpu.memory_space<vmem>>[vector<16xi32>], vector<16xf32>,
      %get3A_645 = arith.constant 5 : i32
      %get3A_646 = arith.index_cast %get3A_645 : i32 to index
      %get3A_647 = arith.constant 80 : index
      %get3A_648 = tpu.vector_load %arg7[%get3A_646, %get3A_647] {strides = array<i32>} : memref<8x128xf32, #tpu.memory_space<vmem>>, vector<16xf32>,
      %div3A_649 = arith.divf %get3A_648, %gather3A_644 : vector<16xf32>
      %swap3A_650 = arith.constant 5 : i32
      %swap3A_651 = arith.index_cast %swap3A_650 : i32 to index
      %swap3A_652 = arith.constant 80 : index
      %swap3A_653 = tpu.vector_load %arg7[%swap3A_651, %swap3A_652] {strides = array<i32>} : memref<8x128xf32, #tpu.memory_space<vmem>>, vector<16xf32>,
      tpu.vector_store %arg7[%swap3A_651, %swap3A_652], %div3A_649 {strides = array<i32>} : memref<8x128xf32, #tpu.memory_space<vmem>>, vector<16xf32>,
      %get3A_654 = arith.constant 5 : i32
      %get3A_655 = arith.index_cast %get3A_654 : i32 to index
      %get3A_656 = arith.constant 96 : index
      %get3A_657 = tpu.vector_load %arg8[%get3A_655, %get3A_656] {strides = array<i32>} : memref<8x128xi32, #tpu.memory_space<vmem>>, vector<16xi32>,
      %gather3A_658 = tpu.vector_load_idx %arg9[%get3A_657] : memref<2048xf32, #tpu.memory_space<vmem>>[vector<16xi32>], vector<16xf32>,
      %get3A_659 = arith.constant 5 : i32
      %get3A_660 = arith.index_cast %get3A_659 : i32 to index
      %get3A_661 = arith.constant 96 : index
      %get3A_662 = tpu.vector_load %arg7[%get3A_660, %get3A_661] {strides = array<i32>} : memref<8x128xf32, #tpu.memory_space<vmem>>, vector<16xf32>,
      %div3A_663 = arith.divf %get3A_662, %gather3A_658 : vector<16xf32>
      %swap3A_664 = arith.constant 5 : i32
      %swap3A_665 = arith.index_cast %swap3A_664 : i32 to index
      %swap3A_666 = arith.constant 96 : index
      %swap3A_667 = tpu.vector_load %arg7[%swap3A_665, %swap3A_666] {strides = array<i32>} : memref<8x128xf32, #tpu.memory_space<vmem>>, vector<16xf32>,
      tpu.vector_store %arg7[%swap3A_665, %swap3A_666], %div3A_663 {strides = array<i32>} : memref<8x128xf32, #tpu.memory_space<vmem>>, vector<16xf32>,
      %get3A_668 = arith.constant 5 : i32
      %get3A_669 = arith.index_cast %get3A_668 : i32 to index
      %get3A_670 = arith.constant 112 : index
      %get3A_671 = tpu.vector_load %arg8[%get3A_669, %get3A_670] {strides = array<i32>} : memref<8x128xi32, #tpu.memory_space<vmem>>, vector<16xi32>,
      %gather3A_672 = tpu.vector_load_idx %arg9[%get3A_671] : memref<2048xf32, #tpu.memory_space<vmem>>[vector<16xi32>], vector<16xf32>,
      %get3A_673 = arith.constant 5 : i32
      %get3A_674 = arith.index_cast %get3A_673 : i32 to index
      %get3A_675 = arith.constant 112 : index
      %get3A_676 = tpu.vector_load %arg7[%get3A_674, %get3A_675] {strides = array<i32>} : memref<8x128xf32, #tpu.memory_space<vmem>>, vector<16xf32>,
      %div3A_677 = arith.divf %get3A_676, %gather3A_672 : vector<16xf32>
      %swap3A_678 = arith.constant 5 : i32
      %swap3A_679 = arith.index_cast %swap3A_678 : i32 to index
      %swap3A_680 = arith.constant 112 : index
      %swap3A_681 = tpu.vector_load %arg7[%swap3A_679, %swap3A_680] {strides = array<i32>} : memref<8x128xf32, #tpu.memory_space<vmem>>, vector<16xf32>,
      tpu.vector_store %arg7[%swap3A_679, %swap3A_680], %div3A_677 {strides = array<i32>} : memref<8x128xf32, #tpu.memory_space<vmem>>, vector<16xf32>,
      %get3A_682 = arith.constant 6 : i32
      %get3A_683 = arith.index_cast %get3A_682 : i32 to index
      %get3A_684 = arith.constant 0 : index
      %get3A_685 = tpu.vector_load %arg8[%get3A_683, %get3A_684] {strides = array<i32>} : memref<8x128xi32, #tpu.memory_space<vmem>>, vector<16xi32>,
      %gather3A_686 = tpu.vector_load_idx %arg9[%get3A_685] : memref<2048xf32, #tpu.memory_space<vmem>>[vector<16xi32>], vector<16xf32>,
      %get3A_687 = arith.constant 6 : i32
      %get3A_688 = arith.index_cast %get3A_687 : i32 to index
      %get3A_689 = arith.constant 0 : index
      %get3A_690 = tpu.vector_load %arg7[%get3A_688, %get3A_689] {strides = array<i32>} : memref<8x128xf32, #tpu.memory_space<vmem>>, vector<16xf32>,
      %div3A_691 = arith.divf %get3A_690, %gather3A_686 : vector<16xf32>
      %swap3A_692 = arith.constant 6 : i32
      %swap3A_693 = arith.index_cast %swap3A_692 : i32 to index
      %swap3A_694 = arith.constant 0 : index
      %swap3A_695 = tpu.vector_load %arg7[%swap3A_693, %swap3A_694] {strides = array<i32>} : memref<8x128xf32, #tpu.memory_space<vmem>>, vector<16xf32>,
      tpu.vector_store %arg7[%swap3A_693, %swap3A_694], %div3A_691 {strides = array<i32>} : memref<8x128xf32, #tpu.memory_space<vmem>>, vector<16xf32>,
      %get3A_696 = arith.constant 6 : i32
      %get3A_697 = arith.index_cast %get3A_696 : i32 to index
      %get3A_698 = arith.constant 16 : index
      %get3A_699 = tpu.vector_load %arg8[%get3A_697, %get3A_698] {strides = array<i32>} : memref<8x128xi32, #tpu.memory_space<vmem>>, vector<16xi32>,
      %gather3A_700 = tpu.vector_load_idx %arg9[%get3A_699] : memref<2048xf32, #tpu.memory_space<vmem>>[vector<16xi32>], vector<16xf32>,
      %get3A_701 = arith.constant 6 : i32
      %get3A_702 = arith.index_cast %get3A_701 : i32 to index
      %get3A_703 = arith.constant 16 : index
      %get3A_704 = tpu.vector_load %arg7[%get3A_702, %get3A_703] {strides = array<i32>} : memref<8x128xf32, #tpu.memory_space<vmem>>, vector<16xf32>,
      %div3A_705 = arith.divf %get3A_704, %gather3A_700 : vector<16xf32>
      %swap3A_706 = arith.constant 6 : i32
      %swap3A_707 = arith.index_cast %swap3A_706 : i32 to index
      %swap3A_708 = arith.constant 16 : index
      %swap3A_709 = tpu.vector_load %arg7[%swap3A_707, %swap3A_708] {strides = array<i32>} : memref<8x128xf32, #tpu.memory_space<vmem>>, vector<16xf32>,
      tpu.vector_store %arg7[%swap3A_707, %swap3A_708], %div3A_705 {strides = array<i32>} : memref<8x128xf32, #tpu.memory_space<vmem>>, vector<16xf32>,
      %get3A_710 = arith.constant 6 : i32
      %get3A_711 = arith.index_cast %get3A_710 : i32 to index
      %get3A_712 = arith.constant 32 : index
      %get3A_713 = tpu.vector_load %arg8[%get3A_711, %get3A_712] {strides = array<i32>} : memref<8x128xi32, #tpu.memory_space<vmem>>, vector<16xi32>,
      %gather3A_714 = tpu.vector_load_idx %arg9[%get3A_713] : memref<2048xf32, #tpu.memory_space<vmem>>[vector<16xi32>], vector<16xf32>,
      %get3A_715 = arith.constant 6 : i32
      %get3A_716 = arith.index_cast %get3A_715 : i32 to index
      %get3A_717 = arith.constant 32 : index
      %get3A_718 = tpu.vector_load %arg7[%get3A_716, %get3A_717] {strides = array<i32>} : memref<8x128xf32, #tpu.memory_space<vmem>>, vector<16xf32>,
      %div3A_719 = arith.divf %get3A_718, %gather3A_714 : vector<16xf32>
      %swap3A_720 = arith.constant 6 : i32
      %swap3A_721 = arith.index_cast %swap3A_720 : i32 to index
      %swap3A_722 = arith.constant 32 : index
      %swap3A_723 = tpu.vector_load %arg7[%swap3A_721, %swap3A_722] {strides = array<i32>} : memref<8x128xf32, #tpu.memory_space<vmem>>, vector<16xf32>,
      tpu.vector_store %arg7[%swap3A_721, %swap3A_722], %div3A_719 {strides = array<i32>} : memref<8x128xf32, #tpu.memory_space<vmem>>, vector<16xf32>,
      %get3A_724 = arith.constant 6 : i32
      %get3A_725 = arith.index_cast %get3A_724 : i32 to index
      %get3A_726 = arith.constant 48 : index
      %get3A_727 = tpu.vector_load %arg8[%get3A_725, %get3A_726] {strides = array<i32>} : memref<8x128xi32, #tpu.memory_space<vmem>>, vector<16xi32>,
      %gather3A_728 = tpu.vector_load_idx %arg9[%get3A_727] : memref<2048xf32, #tpu.memory_space<vmem>>[vector<16xi32>], vector<16xf32>,
      %get3A_729 = arith.constant 6 : i32
      %get3A_730 = arith.index_cast %get3A_729 : i32 to index
      %get3A_731 = arith.constant 48 : index
      %get3A_732 = tpu.vector_load %arg7[%get3A_730, %get3A_731] {strides = array<i32>} : memref<8x128xf32, #tpu.memory_space<vmem>>, vector<16xf32>,
      %div3A_733 = arith.divf %get3A_732, %gather3A_728 : vector<16xf32>
      %swap3A_734 = arith.constant 6 : i32
      %swap3A_735 = arith.index_cast %swap3A_734 : i32 to index
      %swap3A_736 = arith.constant 48 : index
      %swap3A_737 = tpu.vector_load %arg7[%swap3A_735, %swap3A_736] {strides = array<i32>} : memref<8x128xf32, #tpu.memory_space<vmem>>, vector<16xf32>,
      tpu.vector_store %arg7[%swap3A_735, %swap3A_736], %div3A_733 {strides = array<i32>} : memref<8x128xf32, #tpu.memory_space<vmem>>, vector<16xf32>,
      %get3A_738 = arith.constant 6 : i32
      %get3A_739 = arith.index_cast %get3A_738 : i32 to index
      %get3A_740 = arith.constant 64 : index
      %get3A_741 = tpu.vector_load %arg8[%get3A_739, %get3A_740] {strides = array<i32>} : memref<8x128xi32, #tpu.memory_space<vmem>>, vector<16xi32>,
      %gather3A_742 = tpu.vector_load_idx %arg9[%get3A_741] : memref<2048xf32, #tpu.memory_space<vmem>>[vector<16xi32>], vector<16xf32>,
      %get3A_743 = arith.constant 6 : i32
      %get3A_744 = arith.index_cast %get3A_743 : i32 to index
      %get3A_745 = arith.constant 64 : index
      %get3A_746 = tpu.vector_load %arg7[%get3A_744, %get3A_745] {strides = array<i32>} : memref<8x128xf32, #tpu.memory_space<vmem>>, vector<16xf32>,
      %div3A_747 = arith.divf %get3A_746, %gather3A_742 : vector<16xf32>
      %swap3A_748 = arith.constant 6 : i32
      %swap3A_749 = arith.index_cast %swap3A_748 : i32 to index
      %swap3A_750 = arith.constant 64 : index
      %swap3A_751 = tpu.vector_load %arg7[%swap3A_749, %swap3A_750] {strides = array<i32>} : memref<8x128xf32, #tpu.memory_space<vmem>>, vector<16xf32>,
      tpu.vector_store %arg7[%swap3A_749, %swap3A_750], %div3A_747 {strides = array<i32>} : memref<8x128xf32, #tpu.memory_space<vmem>>, vector<16xf32>,
      %get3A_752 = arith.constant 6 : i32
      %get3A_753 = arith.index_cast %get3A_752 : i32 to index
      %get3A_754 = arith.constant 80 : index
      %get3A_755 = tpu.vector_load %arg8[%get3A_753, %get3A_754] {strides = array<i32>} : memref<8x128xi32, #tpu.memory_space<vmem>>, vector<16xi32>,
      %gather3A_756 = tpu.vector_load_idx %arg9[%get3A_755] : memref<2048xf32, #tpu.memory_space<vmem>>[vector<16xi32>], vector<16xf32>,
      %get3A_757 = arith.constant 6 : i32
      %get3A_758 = arith.index_cast %get3A_757 : i32 to index
      %get3A_759 = arith.constant 80 : index
      %get3A_760 = tpu.vector_load %arg7[%get3A_758, %get3A_759] {strides = array<i32>} : memref<8x128xf32, #tpu.memory_space<vmem>>, vector<16xf32>,
      %div3A_761 = arith.divf %get3A_760, %gather3A_756 : vector<16xf32>
      %swap3A_762 = arith.constant 6 : i32
      %swap3A_763 = arith.index_cast %swap3A_762 : i32 to index
      %swap3A_764 = arith.constant 80 : index
      %swap3A_765 = tpu.vector_load %arg7[%swap3A_763, %swap3A_764] {strides = array<i32>} : memref<8x128xf32, #tpu.memory_space<vmem>>, vector<16xf32>,
      tpu.vector_store %arg7[%swap3A_763, %swap3A_764], %div3A_761 {strides = array<i32>} : memref<8x128xf32, #tpu.memory_space<vmem>>, vector<16xf32>,
      %get3A_766 = arith.constant 6 : i32
      %get3A_767 = arith.index_cast %get3A_766 : i32 to index
      %get3A_768 = arith.constant 96 : index
      %get3A_769 = tpu.vector_load %arg8[%get3A_767, %get3A_768] {strides = array<i32>} : memref<8x128xi32, #tpu.memory_space<vmem>>, vector<16xi32>,
      %gather3A_770 = tpu.vector_load_idx %arg9[%get3A_769] : memref<2048xf32, #tpu.memory_space<vmem>>[vector<16xi32>], vector<16xf32>,
      %get3A_771 = arith.constant 6 : i32
      %get3A_772 = arith.index_cast %get3A_771 : i32 to index
      %get3A_773 = arith.constant 96 : index
      %get3A_774 = tpu.vector_load %arg7[%get3A_772, %get3A_773] {strides = array<i32>} : memref<8x128xf32, #tpu.memory_space<vmem>>, vector<16xf32>,
      %div3A_775 = arith.divf %get3A_774, %gather3A_770 : vector<16xf32>
      %swap3A_776 = arith.constant 6 : i32
      %swap3A_777 = arith.index_cast %swap3A_776 : i32 to index
      %swap3A_778 = arith.constant 96 : index
      %swap3A_779 = tpu.vector_load %arg7[%swap3A_777, %swap3A_778] {strides = array<i32>} : memref<8x128xf32, #tpu.memory_space<vmem>>, vector<16xf32>,
      tpu.vector_store %arg7[%swap3A_777, %swap3A_778], %div3A_775 {strides = array<i32>} : memref<8x128xf32, #tpu.memory_space<vmem>>, vector<16xf32>,
      %get3A_780 = arith.constant 6 : i32
      %get3A_781 = arith.index_cast %get3A_780 : i32 to index
      %get3A_782 = arith.constant 112 : index
      %get3A_783 = tpu.vector_load %arg8[%get3A_781, %get3A_782] {strides = array<i32>} : memref<8x128xi32, #tpu.memory_space<vmem>>, vector<16xi32>,
      %gather3A_784 = tpu.vector_load_idx %arg9[%get3A_783] : memref<2048xf32, #tpu.memory_space<vmem>>[vector<16xi32>], vector<16xf32>,
      %get3A_785 = arith.constant 6 : i32
      %get3A_786 = arith.index_cast %get3A_785 : i32 to index
      %get3A_787 = arith.constant 112 : index
      %get3A_788 = tpu.vector_load %arg7[%get3A_786, %get3A_787] {strides = array<i32>} : memref<8x128xf32, #tpu.memory_space<vmem>>, vector<16xf32>,
      %div3A_789 = arith.divf %get3A_788, %gather3A_784 : vector<16xf32>
      %swap3A_790 = arith.constant 6 : i32
      %swap3A_791 = arith.index_cast %swap3A_790 : i32 to index
      %swap3A_792 = arith.constant 112 : index
      %swap3A_793 = tpu.vector_load %arg7[%swap3A_791, %swap3A_792] {strides = array<i32>} : memref<8x128xf32, #tpu.memory_space<vmem>>, vector<16xf32>,
      tpu.vector_store %arg7[%swap3A_791, %swap3A_792], %div3A_789 {strides = array<i32>} : memref<8x128xf32, #tpu.memory_space<vmem>>, vector<16xf32>,
      %get3A_794 = arith.constant 7 : i32
      %get3A_795 = arith.index_cast %get3A_794 : i32 to index
      %get3A_796 = arith.constant 0 : index
      %get3A_797 = tpu.vector_load %arg8[%get3A_795, %get3A_796] {strides = array<i32>} : memref<8x128xi32, #tpu.memory_space<vmem>>, vector<16xi32>,
      %gather3A_798 = tpu.vector_load_idx %arg9[%get3A_797] : memref<2048xf32, #tpu.memory_space<vmem>>[vector<16xi32>], vector<16xf32>,
      %get3A_799 = arith.constant 7 : i32
      %get3A_800 = arith.index_cast %get3A_799 : i32 to index
      %get3A_801 = arith.constant 0 : index
      %get3A_802 = tpu.vector_load %arg7[%get3A_800, %get3A_801] {strides = array<i32>} : memref<8x128xf32, #tpu.memory_space<vmem>>, vector<16xf32>,
      %div3A_803 = arith.divf %get3A_802, %gather3A_798 : vector<16xf32>
      %swap3A_804 = arith.constant 7 : i32
      %swap3A_805 = arith.index_cast %swap3A_804 : i32 to index
      %swap3A_806 = arith.constant 0 : index
      %swap3A_807 = tpu.vector_load %arg7[%swap3A_805, %swap3A_806] {strides = array<i32>} : memref<8x128xf32, #tpu.memory_space<vmem>>, vector<16xf32>,
      tpu.vector_store %arg7[%swap3A_805, %swap3A_806], %div3A_803 {strides = array<i32>} : memref<8x128xf32, #tpu.memory_space<vmem>>, vector<16xf32>,
      %get3A_808 = arith.constant 7 : i32
      %get3A_809 = arith.index_cast %get3A_808 : i32 to index
      %get3A_810 = arith.constant 16 : index
      %get3A_811 = tpu.vector_load %arg8[%get3A_809, %get3A_810] {strides = array<i32>} : memref<8x128xi32, #tpu.memory_space<vmem>>, vector<16xi32>,
      %gather3A_812 = tpu.vector_load_idx %arg9[%get3A_811] : memref<2048xf32, #tpu.memory_space<vmem>>[vector<16xi32>], vector<16xf32>,
      %get3A_813 = arith.constant 7 : i32
      %get3A_814 = arith.index_cast %get3A_813 : i32 to index
      %get3A_815 = arith.constant 16 : index
      %get3A_816 = tpu.vector_load %arg7[%get3A_814, %get3A_815] {strides = array<i32>} : memref<8x128xf32, #tpu.memory_space<vmem>>, vector<16xf32>,
      %div3A_817 = arith.divf %get3A_816, %gather3A_812 : vector<16xf32>
      %swap3A_818 = arith.constant 7 : i32
      %swap3A_819 = arith.index_cast %swap3A_818 : i32 to index
      %swap3A_820 = arith.constant 16 : index
      %swap3A_821 = tpu.vector_load %arg7[%swap3A_819, %swap3A_820] {strides = array<i32>} : memref<8x128xf32, #tpu.memory_space<vmem>>, vector<16xf32>,
      tpu.vector_store %arg7[%swap3A_819, %swap3A_820], %div3A_817 {strides = array<i32>} : memref<8x128xf32, #tpu.memory_space<vmem>>, vector<16xf32>,
      %get3A_822 = arith.constant 7 : i32
      %get3A_823 = arith.index_cast %get3A_822 : i32 to index
      %get3A_824 = arith.constant 32 : index
      %get3A_825 = tpu.vector_load %arg8[%get3A_823, %get3A_824] {strides = array<i32>} : memref<8x128xi32, #tpu.memory_space<vmem>>, vector<16xi32>,
      %gather3A_826 = tpu.vector_load_idx %arg9[%get3A_825] : memref<2048xf32, #tpu.memory_space<vmem>>[vector<16xi32>], vector<16xf32>,
      %get3A_827 = arith.constant 7 : i32
      %get3A_828 = arith.index_cast %get3A_827 : i32 to index
      %get3A_829 = arith.constant 32 : index
      %get3A_830 = tpu.vector_load %arg7[%get3A_828, %get3A_829] {strides = array<i32>} : memref<8x128xf32, #tpu.memory_space<vmem>>, vector<16xf32>,
      %div3A_831 = arith.divf %get3A_830, %gather3A_826 : vector<16xf32>
      %swap3A_832 = arith.constant 7 : i32
      %swap3A_833 = arith.index_cast %swap3A_832 : i32 to index
      %swap3A_834 = arith.constant 32 : index
      %swap3A_835 = tpu.vector_load %arg7[%swap3A_833, %swap3A_834] {strides = array<i32>} : memref<8x128xf32, #tpu.memory_space<vmem>>, vector<16xf32>,
      tpu.vector_store %arg7[%swap3A_833, %swap3A_834], %div3A_831 {strides = array<i32>} : memref<8x128xf32, #tpu.memory_space<vmem>>, vector<16xf32>,
      %get3A_836 = arith.constant 7 : i32
      %get3A_837 = arith.index_cast %get3A_836 : i32 to index
      %get3A_838 = arith.constant 48 : index
      %get3A_839 = tpu.vector_load %arg8[%get3A_837, %get3A_838] {strides = array<i32>} : memref<8x128xi32, #tpu.memory_space<vmem>>, vector<16xi32>,
      %gather3A_840 = tpu.vector_load_idx %arg9[%get3A_839] : memref<2048xf32, #tpu.memory_space<vmem>>[vector<16xi32>], vector<16xf32>,
      %get3A_841 = arith.constant 7 : i32
      %get3A_842 = arith.index_cast %get3A_841 : i32 to index
      %get3A_843 = arith.constant 48 : index
      %get3A_844 = tpu.vector_load %arg7[%get3A_842, %get3A_843] {strides = array<i32>} : memref<8x128xf32, #tpu.memory_space<vmem>>, vector<16xf32>,
      %div3A_845 = arith.divf %get3A_844, %gather3A_840 : vector<16xf32>
      %swap3A_846 = arith.constant 7 : i32
      %swap3A_847 = arith.index_cast %swap3A_846 : i32 to index
      %swap3A_848 = arith.constant 48 : index
      %swap3A_849 = tpu.vector_load %arg7[%swap3A_847, %swap3A_848] {strides = array<i32>} : memref<8x128xf32, #tpu.memory_space<vmem>>, vector<16xf32>,
      tpu.vector_store %arg7[%swap3A_847, %swap3A_848], %div3A_845 {strides = array<i32>} : memref<8x128xf32, #tpu.memory_space<vmem>>, vector<16xf32>,
      %get3A_850 = arith.constant 7 : i32
      %get3A_851 = arith.index_cast %get3A_850 : i32 to index
      %get3A_852 = arith.constant 64 : index
      %get3A_853 = tpu.vector_load %arg8[%get3A_851, %get3A_852] {strides = array<i32>} : memref<8x128xi32, #tpu.memory_space<vmem>>, vector<16xi32>,
      %gather3A_854 = tpu.vector_load_idx %arg9[%get3A_853] : memref<2048xf32, #tpu.memory_space<vmem>>[vector<16xi32>], vector<16xf32>,
      %get3A_855 = arith.constant 7 : i32
      %get3A_856 = arith.index_cast %get3A_855 : i32 to index
      %get3A_857 = arith.constant 64 : index
      %get3A_858 = tpu.vector_load %arg7[%get3A_856, %get3A_857] {strides = array<i32>} : memref<8x128xf32, #tpu.memory_space<vmem>>, vector<16xf32>,
      %div3A_859 = arith.divf %get3A_858, %gather3A_854 : vector<16xf32>
      %swap3A_860 = arith.constant 7 : i32
      %swap3A_861 = arith.index_cast %swap3A_860 : i32 to index
      %swap3A_862 = arith.constant 64 : index
      %swap3A_863 = tpu.vector_load %arg7[%swap3A_861, %swap3A_862] {strides = array<i32>} : memref<8x128xf32, #tpu.memory_space<vmem>>, vector<16xf32>,
      tpu.vector_store %arg7[%swap3A_861, %swap3A_862], %div3A_859 {strides = array<i32>} : memref<8x128xf32, #tpu.memory_space<vmem>>, vector<16xf32>,
      %get3A_864 = arith.constant 7 : i32
      %get3A_865 = arith.index_cast %get3A_864 : i32 to index
      %get3A_866 = arith.constant 80 : index
      %get3A_867 = tpu.vector_load %arg8[%get3A_865, %get3A_866] {strides = array<i32>} : memref<8x128xi32, #tpu.memory_space<vmem>>, vector<16xi32>,
      %gather3A_868 = tpu.vector_load_idx %arg9[%get3A_867] : memref<2048xf32, #tpu.memory_space<vmem>>[vector<16xi32>], vector<16xf32>,
      %get3A_869 = arith.constant 7 : i32
      %get3A_870 = arith.index_cast %get3A_869 : i32 to index
      %get3A_871 = arith.constant 80 : index
      %get3A_872 = tpu.vector_load %arg7[%get3A_870, %get3A_871] {strides = array<i32>} : memref<8x128xf32, #tpu.memory_space<vmem>>, vector<16xf32>,
      %div3A_873 = arith.divf %get3A_872, %gather3A_868 : vector<16xf32>
      %swap3A_874 = arith.constant 7 : i32
      %swap3A_875 = arith.index_cast %swap3A_874 : i32 to index
      %swap3A_876 = arith.constant 80 : index
      %swap3A_877 = tpu.vector_load %arg7[%swap3A_875, %swap3A_876] {strides = array<i32>} : memref<8x128xf32, #tpu.memory_space<vmem>>, vector<16xf32>,
      tpu.vector_store %arg7[%swap3A_875, %swap3A_876], %div3A_873 {strides = array<i32>} : memref<8x128xf32, #tpu.memory_space<vmem>>, vector<16xf32>,
      %get3A_878 = arith.constant 7 : i32
      %get3A_879 = arith.index_cast %get3A_878 : i32 to index
      %get3A_880 = arith.constant 96 : index
      %get3A_881 = tpu.vector_load %arg8[%get3A_879, %get3A_880] {strides = array<i32>} : memref<8x128xi32, #tpu.memory_space<vmem>>, vector<16xi32>,
      %gather3A_882 = tpu.vector_load_idx %arg9[%get3A_881] : memref<2048xf32, #tpu.memory_space<vmem>>[vector<16xi32>], vector<16xf32>,
      %get3A_883 = arith.constant 7 : i32
      %get3A_884 = arith.index_cast %get3A_883 : i32 to index
      %get3A_885 = arith.constant 96 : index
      %get3A_886 = tpu.vector_load %arg7[%get3A_884, %get3A_885] {strides = array<i32>} : memref<8x128xf32, #tpu.memory_space<vmem>>, vector<16xf32>,
      %div3A_887 = arith.divf %get3A_886, %gather3A_882 : vector<16xf32>
      %swap3A_888 = arith.constant 7 : i32
      %swap3A_889 = arith.index_cast %swap3A_888 : i32 to index
      %swap3A_890 = arith.constant 96 : index
      %swap3A_891 = tpu.vector_load %arg7[%swap3A_889, %swap3A_890] {strides = array<i32>} : memref<8x128xf32, #tpu.memory_space<vmem>>, vector<16xf32>,
      tpu.vector_store %arg7[%swap3A_889, %swap3A_890], %div3A_887 {strides = array<i32>} : memref<8x128xf32, #tpu.memory_space<vmem>>, vector<16xf32>,
      %get3A_892 = arith.constant 7 : i32
      %get3A_893 = arith.index_cast %get3A_892 : i32 to index
      %get3A_894 = arith.constant 112 : index
      %get3A_895 = tpu.vector_load %arg8[%get3A_893, %get3A_894] {strides = array<i32>} : memref<8x128xi32, #tpu.memory_space<vmem>>, vector<16xi32>,
      %gather3A_896 = tpu.vector_load_idx %arg9[%get3A_895] : memref<2048xf32, #tpu.memory_space<vmem>>[vector<16xi32>], vector<16xf32>,
      %get3A_897 = arith.constant 7 : i32
      %get3A_898 = arith.index_cast %get3A_897 : i32 to index
      %get3A_899 = arith.constant 112 : index
      %get3A_900 = tpu.vector_load %arg7[%get3A_898, %get3A_899] {strides = array<i32>} : memref<8x128xf32, #tpu.memory_space<vmem>>, vector<16xf32>,
      %div3A_901 = arith.divf %get3A_900, %gather3A_896 : vector<16xf32>
      %swap3A_902 = arith.constant 7 : i32
      %swap3A_903 = arith.index_cast %swap3A_902 : i32 to index
      %swap3A_904 = arith.constant 112 : index
      %swap3A_905 = tpu.vector_load %arg7[%swap3A_903, %swap3A_904] {strides = array<i32>} : memref<8x128xf32, #tpu.memory_space<vmem>>, vector<16xf32>,
      tpu.vector_store %arg7[%swap3A_903, %swap3A_904], %div3A_901 {strides = array<i32>} : memref<8x128xf32, #tpu.memory_space<vmem>>, vector<16xf32>,
      "tpu.region"() ({
        %run_scoped3A = tpu.sem_alloc : memref<!tpu.dma_semaphore, #tpu.memory_space<semaphore_mem>>
        %dma_start3A = arith.constant 0 : i32
        %dma_start3A_906 = arith.constant 0 : i32
        %dma_start3A_907 = tpu.memref_slice %arg6[%arg1, %dma_start3A, %dma_start3A_906] : memref<16x8x128xf32, #tpu.memory_space<hbm>> -> memref<1x8x128xf32, #tpu.memory_space<hbm>>
        %dma_start3A_908 = tpu.memref_squeeze %dma_start3A_907 : memref<1x8x128xf32, #tpu.memory_space<hbm>> -> memref<8x128xf32, #tpu.memory_space<hbm>>
        %dma_start3A_909 = arith.constant 0 : i32
        %dma_start3A_910 = arith.constant 0 : i32
        %dma_start3A_911 = tpu.memref_slice %arg6[%arg1, %dma_start3A_909, %dma_start3A_910] : memref<16x8x128xf32, #tpu.memory_space<hbm>> -> memref<1x8x128xf32, #tpu.memory_space<hbm>>
        %dma_start3A_912 = tpu.memref_squeeze %dma_start3A_911 : memref<1x8x128xf32, #tpu.memory_space<hbm>> -> memref<8x128xf32, #tpu.memory_space<hbm>>
        tpu.enqueue_dma source(%arg7 : memref<8x128xf32, #tpu.memory_space<vmem>>) target(%dma_start3A_912 : memref<8x128xf32, #tpu.memory_space<hbm>>) target_semaphore(%run_scoped3A : memref<!tpu.dma_semaphore, #tpu.memory_space<semaphore_mem>>)
        %dma_wait3A = arith.constant 0 : i32
        %dma_wait3A_913 = arith.constant 0 : i32
        %dma_wait3A_914 = tpu.memref_slice %arg6[%arg1, %dma_wait3A, %dma_wait3A_913] : memref<16x8x128xf32, #tpu.memory_space<hbm>> -> memref<1x8x128xf32, #tpu.memory_space<hbm>>
        %dma_wait3A_915 = tpu.memref_squeeze %dma_wait3A_914 : memref<1x8x128xf32, #tpu.memory_space<hbm>> -> memref<8x128xf32, #tpu.memory_space<hbm>>
        %dma_wait3A_916 = arith.constant 0 : i32
        %dma_wait3A_917 = arith.constant 0 : i32
        %dma_wait3A_918 = tpu.memref_slice %arg6[%arg1, %dma_wait3A_916, %dma_wait3A_917] : memref<16x8x128xf32, #tpu.memory_space<hbm>> -> memref<1x8x128xf32, #tpu.memory_space<hbm>>
        %dma_wait3A_919 = tpu.memref_squeeze %dma_wait3A_918 : memref<1x8x128xf32, #tpu.memory_space<hbm>> -> memref<8x128xf32, #tpu.memory_space<hbm>>
        tpu.wait_dma2 semaphore(%run_scoped3A : memref<!tpu.dma_semaphore, #tpu.memory_space<semaphore_mem>>) src(%arg7 : memref<8x128xf32, #tpu.memory_space<vmem>>) dst(%dma_wait3A_919 : memref<8x128xf32, #tpu.memory_space<hbm>>)
        tpu.yield
      }) : () -> ()
    } else {
    }
    return
  }
}

module attributes {stable_mosaic.version = 14 : i64} {
  func.func @_k1_body(%arg0: i32, %arg1: memref<512x128xf32, #tpu.memory_space<vmem>>, %arg2: memref<512x1024xf32, #tpu.memory_space<vmem>>, %arg3: memref<1152x600xf32, #tpu.memory_space<vmem>>, %arg4: memref<1x600xf32, #tpu.memory_space<vmem>>, %arg5: memref<512x384xi32, #tpu.memory_space<vmem>>) attributes {dimension_semantics = [#tpu.dimension_semantics<arbitrary>], iteration_bounds = array<i64: 4>, scalar_prefetch = 0 : i64, scratch_operands = 0 : i64, tpu.core_type = #tpu.core_type<tc>, window_params = [{transform_indices = @transform_0, window_bounds = array<i64: 512, 128>}, {transform_indices = @transform_1, window_bounds = array<i64: 512, 1024>}, {pipeline_mode = #tpu.pipeline_mode<synchronous>, transform_indices = @transform_2, window_bounds = array<i64: 1152, 600>}, {pipeline_mode = #tpu.pipeline_mode<synchronous>, transform_indices = @transform_3, window_bounds = array<i64: 1, 600>}, {transform_indices = @transform_4, window_bounds = array<i64: 512, 384>}]} {
    %get3A = arith.constant 0 : index
    %get3A_0 = arith.constant 0 : index
    %get3A_1 = vector.load %arg3[%get3A, %get3A_0] : memref<1152x600xf32, #tpu.memory_space<vmem>>, vector<128x600xf32>
    %convert_element_type3A = arith.truncf %get3A_1 : vector<128x600xf32> to vector<128x600xbf16>
    %get3A_2 = arith.constant 128 : index
    %get3A_3 = arith.constant 0 : index
    %get3A_4 = vector.load %arg3[%get3A_2, %get3A_3] : memref<1152x600xf32, #tpu.memory_space<vmem>>, vector<1024x600xf32>
    %convert_element_type3A_5 = arith.truncf %get3A_4 : vector<1024x600xf32> to vector<1024x600xbf16>
    %get3A_6 = arith.constant 0 : index
    %get3A_7 = arith.constant 0 : index
    %get3A_8 = vector.load %arg1[%get3A_6, %get3A_7] : memref<512x128xf32, #tpu.memory_space<vmem>>, vector<512x128xf32>
    %convert_element_type3A_9 = arith.truncf %get3A_8 : vector<512x128xf32> to vector<512x128xbf16>
    %dot_general3A = arith.constant dense<0.000000e+00> : vector<512x600xf32>
    %dot_general3A_10 = tpu.matmul %convert_element_type3A_9, %convert_element_type3A, %dot_general3A {dimension_numbers = #tpu.dot_dimension_numbers<[1], [0], [0], [1], [0, 0, 1, 1], [], []>, transpose_lhs_hint = false} : vector<512x128xbf16>, vector<128x600xbf16>, vector<512x600xf32> -> vector<512x600xf32>
    %get3A_11 = arith.constant 0 : index
    %get3A_12 = arith.constant 0 : index
    %get3A_13 = vector.load %arg2[%get3A_11, %get3A_12] : memref<512x1024xf32, #tpu.memory_space<vmem>>, vector<512x1024xf32>
    %convert_element_type3A_14 = arith.truncf %get3A_13 : vector<512x1024xf32> to vector<512x1024xbf16>
    %dot_general3A_15 = arith.constant dense<0.000000e+00> : vector<512x600xf32>
    %dot_general3A_16 = tpu.matmul %convert_element_type3A_14, %convert_element_type3A_5, %dot_general3A_15 {dimension_numbers = #tpu.dot_dimension_numbers<[1], [0], [0], [1], [0, 0, 1, 1], [], []>, transpose_lhs_hint = false} : vector<512x1024xbf16>, vector<1024x600xbf16>, vector<512x600xf32> -> vector<512x600xf32>
    %add3A = arith.addf %dot_general3A_10, %dot_general3A_16 : vector<512x600xf32>
    %get3A_17 = arith.constant 0 : index
    %get3A_18 = arith.constant 0 : index
    %get3A_19 = vector.load %arg4[%get3A_17, %get3A_18] : memref<1x600xf32, #tpu.memory_space<vmem>>, vector<1x600xf32>
    %add3A_20 = vector.broadcast %get3A_19 : vector<1x600xf32> to vector<512x600xf32>
    %add3A_21 = arith.addf %add3A, %add3A_20 : vector<512x600xf32>
    %slice3A = vector.extract_strided_slice %add3A_21 {offsets = [0, 384], sizes = [512, 216], strides = [1, 1]} : vector<512x600xf32> to vector<512x216xf32>
    %broadcast_in_dim3A = arith.constant 0.000000e+00 : f32
    %broadcast_in_dim3A_22 = vector.broadcast %broadcast_in_dim3A : f32 to vector<512x168xf32>
    %concatenate3A = tpu.concatenate %slice3A, %broadcast_in_dim3A_22 in 1 : vector<512x216xf32>, vector<512x168xf32> -> vector<512x384xf32>
    %slice3A_23 = vector.extract_strided_slice %add3A_21 {offsets = [0, 0], sizes = [512, 384], strides = [1, 1]} : vector<512x600xf32> to vector<512x384xf32>
    %bitcast_convert_type3A = tpu.bitcast %slice3A_23 : vector<512x384xf32> -> vector<512x384xi32>
    %bitcast_convert_type3A_24 = tpu.bitcast %concatenate3A : vector<512x384xf32> -> vector<512x384xi32>
    %add3A_25 = arith.constant 32767 : i32
    %add3A_26 = vector.broadcast %add3A_25 : i32 to vector<512x384xi32>
    %add3A_27 = arith.addi %bitcast_convert_type3A, %add3A_26 : vector<512x384xi32>
    %shift_right_arithmetic3A = arith.constant 16 : i32
    %shift_right_arithmetic3A_28 = vector.broadcast %shift_right_arithmetic3A : i32 to vector<512x384xi32>
    %shift_right_arithmetic3A_29 = arith.shrsi %bitcast_convert_type3A, %shift_right_arithmetic3A_28 : vector<512x384xi32>
    %and3A = arith.constant 1 : i32
    %and3A_30 = vector.broadcast %and3A : i32 to vector<512x384xi32>
    %and3A_31 = arith.andi %shift_right_arithmetic3A_29, %and3A_30 : vector<512x384xi32>
    %add3A_32 = arith.addi %add3A_27, %and3A_31 : vector<512x384xi32>
    %add3A_33 = arith.constant 32767 : i32
    %add3A_34 = vector.broadcast %add3A_33 : i32 to vector<512x384xi32>
    %add3A_35 = arith.addi %bitcast_convert_type3A_24, %add3A_34 : vector<512x384xi32>
    %shift_right_arithmetic3A_36 = arith.constant 16 : i32
    %shift_right_arithmetic3A_37 = vector.broadcast %shift_right_arithmetic3A_36 : i32 to vector<512x384xi32>
    %shift_right_arithmetic3A_38 = arith.shrsi %bitcast_convert_type3A_24, %shift_right_arithmetic3A_37 : vector<512x384xi32>
    %and3A_39 = arith.constant 1 : i32
    %and3A_40 = vector.broadcast %and3A_39 : i32 to vector<512x384xi32>
    %and3A_41 = arith.andi %shift_right_arithmetic3A_38, %and3A_40 : vector<512x384xi32>
    %add3A_42 = arith.addi %add3A_35, %and3A_41 : vector<512x384xi32>
    %and3A_43 = arith.constant -65536 : i32
    %and3A_44 = vector.broadcast %and3A_43 : i32 to vector<512x384xi32>
    %and3A_45 = arith.andi %add3A_42, %and3A_44 : vector<512x384xi32>
    %shift_right_arithmetic3A_46 = arith.constant 16 : i32
    %shift_right_arithmetic3A_47 = vector.broadcast %shift_right_arithmetic3A_46 : i32 to vector<512x384xi32>
    %shift_right_arithmetic3A_48 = arith.shrsi %add3A_32, %shift_right_arithmetic3A_47 : vector<512x384xi32>
    %and3A_49 = arith.constant 65535 : i32
    %and3A_50 = vector.broadcast %and3A_49 : i32 to vector<512x384xi32>
    %and3A_51 = arith.andi %shift_right_arithmetic3A_48, %and3A_50 : vector<512x384xi32>
    %or3A = arith.ori %and3A_45, %and3A_51 : vector<512x384xi32>
    %swap3A = arith.constant 0 : index
    %swap3A_52 = arith.constant 0 : index
    %swap3A_53 = vector.load %arg5[%swap3A, %swap3A_52] : memref<512x384xi32, #tpu.memory_space<vmem>>, vector<512x384xi32>
    tpu.vector_store %arg5[%swap3A, %swap3A_52], %or3A {strides = array<i32>} : memref<512x384xi32, #tpu.memory_space<vmem>>, vector<512x384xi32>,
    return
  }
  func.func @transform_0(%arg0: i32) -> (i32, i32) {
    %c0_i32 = arith.constant 0 : i32
    %c0_i32_0 = arith.constant 0 : i32
    return %arg0, %c0_i32 : i32, i32
  }
  func.func @transform_1(%arg0: i32) -> (i32, i32) {
    %c0_i32 = arith.constant 0 : i32
    %c0_i32_0 = arith.constant 0 : i32
    return %arg0, %c0_i32 : i32, i32
  }
  func.func @transform_2(%arg0: i32) -> (i32, i32) {
    %c0_i32 = arith.constant 0 : i32
    %c0_i32_0 = arith.constant 0 : i32
    %c0_i32_1 = arith.constant 0 : i32
    return %c0_i32, %c0_i32_0 : i32, i32
  }
  func.func @transform_3(%arg0: i32) -> (i32, i32) {
    %c0_i32 = arith.constant 0 : i32
    %c0_i32_0 = arith.constant 0 : i32
    %c0_i32_1 = arith.constant 0 : i32
    return %c0_i32, %c0_i32_0 : i32, i32
  }
  func.func @transform_4(%arg0: i32) -> (i32, i32) {
    %c0_i32 = arith.constant 0 : i32
    %c0_i32_0 = arith.constant 0 : i32
    return %arg0, %c0_i32 : i32, i32
  }
}

module attributes {stable_mosaic.version = 14 : i64} {
  func.func @_k3_body(%arg0: i32, %arg1: memref<2048x384xi32, #tpu.memory_space<vmem>>, %arg2: memref<2048x128xf32, #tpu.memory_space<vmem>>, %arg3: memref<128x600xf32, #tpu.memory_space<vmem>>, %arg4: memref<600x100xf32, #tpu.memory_space<vmem>>, %arg5: memref<1x100xf32, #tpu.memory_space<vmem>>, %arg6: memref<100x16xf32, #tpu.memory_space<vmem>>, %arg7: memref<1x16xf32, #tpu.memory_space<vmem>>, %arg8: memref<16x1xf32, #tpu.memory_space<vmem>>, %arg9: memref<1x1xf32, #tpu.memory_space<vmem>>, %arg10: memref<2048x1xf32, #tpu.memory_space<vmem>>, %arg11: memref<1x16xf32, #tpu.memory_space<vmem>>) attributes {dimension_semantics = [#tpu.dimension_semantics<arbitrary>], iteration_bounds = array<i64: 8>, scalar_prefetch = 0 : i64, scratch_operands = 0 : i64, tpu.core_type = #tpu.core_type<tc>, window_params = [{transform_indices = @transform_0, window_bounds = array<i64: 2048, 384>}, {transform_indices = @transform_1, window_bounds = array<i64: 2048, 128>}, {pipeline_mode = #tpu.pipeline_mode<synchronous>, transform_indices = @transform_2, window_bounds = array<i64: 128, 600>}, {pipeline_mode = #tpu.pipeline_mode<synchronous>, transform_indices = @transform_3, window_bounds = array<i64: 600, 100>}, {pipeline_mode = #tpu.pipeline_mode<synchronous>, transform_indices = @transform_4, window_bounds = array<i64: 1, 100>}, {pipeline_mode = #tpu.pipeline_mode<synchronous>, transform_indices = @transform_5, window_bounds = array<i64: 100, 16>}, {pipeline_mode = #tpu.pipeline_mode<synchronous>, transform_indices = @transform_6, window_bounds = array<i64: 1, 16>}, {pipeline_mode = #tpu.pipeline_mode<synchronous>, transform_indices = @transform_7, window_bounds = array<i64: 16, 1>}, {pipeline_mode = #tpu.pipeline_mode<synchronous>, transform_indices = @transform_8, window_bounds = array<i64: 1, 1>}, {transform_indices = @transform_9, window_bounds = array<i64: 2048, 1>}, {pipeline_mode = #tpu.pipeline_mode<synchronous>, transform_indices = @transform_10, window_bounds = array<i64: 1, 16>}]} {
    %get3A = arith.constant 0 : index
    %get3A_0 = arith.constant 0 : index
    %get3A_1 = vector.load %arg1[%get3A, %get3A_0] : memref<2048x384xi32, #tpu.memory_space<vmem>>, vector<2048x384xi32>
    %shift_left3A = arith.constant 16 : i32
    %shift_left3A_2 = vector.broadcast %shift_left3A : i32 to vector<2048x384xi32>
    %shift_left3A_3 = arith.shli %get3A_1, %shift_left3A_2 : vector<2048x384xi32>
    %bitcast_convert_type3A = tpu.bitcast %shift_left3A_3 : vector<2048x384xi32> -> vector<2048x384xf32>
    %and3A = arith.constant -65536 : i32
    %and3A_4 = vector.broadcast %and3A : i32 to vector<2048x384xi32>
    %and3A_5 = arith.andi %get3A_1, %and3A_4 : vector<2048x384xi32>
    %bitcast_convert_type3A_6 = tpu.bitcast %and3A_5 : vector<2048x384xi32> -> vector<2048x384xf32>
    %get3A_7 = arith.constant 0 : index
    %get3A_8 = arith.constant 0 : index
    %get3A_9 = vector.load %arg2[%get3A_7, %get3A_8] : memref<2048x128xf32, #tpu.memory_space<vmem>>, vector<2048x128xf32>
    %convert_element_type3A = arith.truncf %get3A_9 : vector<2048x128xf32> to vector<2048x128xbf16>
    %get3A_10 = arith.constant 0 : index
    %get3A_11 = arith.constant 0 : index
    %get3A_12 = vector.load %arg3[%get3A_10, %get3A_11] : memref<128x600xf32, #tpu.memory_space<vmem>>, vector<128x600xf32>
    %convert_element_type3A_13 = arith.truncf %get3A_12 : vector<128x600xf32> to vector<128x600xbf16>
    %dot_general3A = arith.constant dense<0.000000e+00> : vector<2048x600xf32>
    %dot_general3A_14 = tpu.matmul %convert_element_type3A, %convert_element_type3A_13, %dot_general3A {dimension_numbers = #tpu.dot_dimension_numbers<[1], [0], [0], [1], [0, 0, 1, 1], [], []>, transpose_lhs_hint = false} : vector<2048x128xbf16>, vector<128x600xbf16>, vector<2048x600xf32> -> vector<2048x600xf32>
    %broadcast_in_dim3A = arith.constant 0.000000e+00 : f32
    %broadcast_in_dim3A_15 = vector.broadcast %broadcast_in_dim3A : f32 to vector<2048x168xf32>
    %concatenate3A = tpu.concatenate %dot_general3A_14, %broadcast_in_dim3A_15 in 1 : vector<2048x600xf32>, vector<2048x168xf32> -> vector<2048x768xf32>
    %concatenate3A_16 = tpu.concatenate %bitcast_convert_type3A, %bitcast_convert_type3A_6 in 1 : vector<2048x384xf32>, vector<2048x384xf32> -> vector<2048x768xf32>
    %add3A = arith.addf %concatenate3A_16, %concatenate3A : vector<2048x768xf32>
    %max3A = arith.constant 0.000000e+00 : f32
    %max3A_17 = vector.broadcast %max3A : f32 to vector<2048x768xf32>
    %max3A_18 = arith.maximumf %add3A, %max3A_17 : vector<2048x768xf32>
    %convert_element_type3A_19 = arith.truncf %max3A_18 : vector<2048x768xf32> to vector<2048x768xbf16>
    %slice3A = vector.extract_strided_slice %convert_element_type3A_19 {offsets = [0, 0], sizes = [2048, 600], strides = [1, 1]} : vector<2048x768xbf16> to vector<2048x600xbf16>
    %get3A_20 = arith.constant 0 : index
    %get3A_21 = arith.constant 0 : index
    %get3A_22 = vector.load %arg4[%get3A_20, %get3A_21] : memref<600x100xf32, #tpu.memory_space<vmem>>, vector<600x100xf32>
    %convert_element_type3A_23 = arith.truncf %get3A_22 : vector<600x100xf32> to vector<600x100xbf16>
    %dot_general3A_24 = arith.constant dense<0.000000e+00> : vector<2048x100xf32>
    %dot_general3A_25 = tpu.matmul %slice3A, %convert_element_type3A_23, %dot_general3A_24 {dimension_numbers = #tpu.dot_dimension_numbers<[1], [0], [0], [1], [0, 0, 1, 1], [], []>, transpose_lhs_hint = false} : vector<2048x600xbf16>, vector<600x100xbf16>, vector<2048x100xf32> -> vector<2048x100xf32>
    %get3A_26 = arith.constant 0 : index
    %get3A_27 = arith.constant 0 : index
    %get3A_28 = vector.load %arg5[%get3A_26, %get3A_27] : memref<1x100xf32, #tpu.memory_space<vmem>>, vector<1x100xf32>
    %add3A_29 = vector.broadcast %get3A_28 : vector<1x100xf32> to vector<2048x100xf32>
    %add3A_30 = arith.addf %dot_general3A_25, %add3A_29 : vector<2048x100xf32>
    %max3A_31 = arith.constant 0.000000e+00 : f32
    %max3A_32 = vector.broadcast %max3A_31 : f32 to vector<2048x100xf32>
    %max3A_33 = arith.maximumf %add3A_30, %max3A_32 : vector<2048x100xf32>
    %convert_element_type3A_34 = arith.truncf %max3A_33 : vector<2048x100xf32> to vector<2048x100xbf16>
    %get3A_35 = arith.constant 0 : index
    %get3A_36 = arith.constant 0 : index
    %get3A_37 = vector.load %arg6[%get3A_35, %get3A_36] : memref<100x16xf32, #tpu.memory_space<vmem>>, vector<100x16xf32>
    %convert_element_type3A_38 = arith.truncf %get3A_37 : vector<100x16xf32> to vector<100x16xbf16>
    %dot_general3A_39 = arith.constant dense<0.000000e+00> : vector<2048x16xf32>
    %dot_general3A_40 = tpu.matmul %convert_element_type3A_34, %convert_element_type3A_38, %dot_general3A_39 {dimension_numbers = #tpu.dot_dimension_numbers<[1], [0], [0], [1], [0, 0, 1, 1], [], []>, transpose_lhs_hint = false} : vector<2048x100xbf16>, vector<100x16xbf16>, vector<2048x16xf32> -> vector<2048x16xf32>
    %get3A_41 = arith.constant 0 : index
    %get3A_42 = arith.constant 0 : index
    %get3A_43 = vector.load %arg7[%get3A_41, %get3A_42] : memref<1x16xf32, #tpu.memory_space<vmem>>, vector<1x16xf32>
    %add3A_44 = vector.broadcast %get3A_43 : vector<1x16xf32> to vector<2048x16xf32>
    %add3A_45 = arith.addf %dot_general3A_40, %add3A_44 : vector<2048x16xf32>
    %max3A_46 = arith.constant 0.000000e+00 : f32
    %max3A_47 = vector.broadcast %max3A_46 : f32 to vector<2048x16xf32>
    %max3A_48 = arith.maximumf %add3A_45, %max3A_47 : vector<2048x16xf32>
    %convert_element_type3A_49 = arith.truncf %max3A_48 : vector<2048x16xf32> to vector<2048x16xbf16>
    %get3A_50 = arith.constant 0 : index
    %get3A_51 = arith.constant 0 : index
    %get3A_52 = vector.load %arg8[%get3A_50, %get3A_51] : memref<16x1xf32, #tpu.memory_space<vmem>>, vector<16x1xf32>
    %convert_element_type3A_53 = arith.truncf %get3A_52 : vector<16x1xf32> to vector<16x1xbf16>
    %dot_general3A_54 = arith.constant dense<0.000000e+00> : vector<2048x1xf32>
    %dot_general3A_55 = tpu.matmul %convert_element_type3A_49, %convert_element_type3A_53, %dot_general3A_54 {dimension_numbers = #tpu.dot_dimension_numbers<[1], [0], [0], [1], [0, 0, 1, 1], [], []>, transpose_lhs_hint = false} : vector<2048x16xbf16>, vector<16x1xbf16>, vector<2048x1xf32> -> vector<2048x1xf32>
    %get3A_56 = arith.constant 0 : index
    %get3A_57 = arith.constant 0 : index
    %get3A_58 = vector.load %arg9[%get3A_56, %get3A_57] : memref<1x1xf32, #tpu.memory_space<vmem>>, vector<1x1xf32>
    %add3A_59 = vector.broadcast %get3A_58 : vector<1x1xf32> to vector<2048x1xf32>
    %add3A_60 = arith.addf %dot_general3A_55, %add3A_59 : vector<2048x1xf32>
    %swap3A = arith.constant 0 : index
    %swap3A_61 = arith.constant 0 : index
    %swap3A_62 = vector.load %arg10[%swap3A, %swap3A_61] : memref<2048x1xf32, #tpu.memory_space<vmem>>, vector<2048x1xf32>
    tpu.vector_store %arg10[%swap3A, %swap3A_61], %add3A_60 {strides = array<i32>} : memref<2048x1xf32, #tpu.memory_space<vmem>>, vector<2048x1xf32>,
    %reduce_max3A = vector.shape_cast %add3A_60 : vector<2048x1xf32> to vector<1x2048x1xf32>
    %reduce_max3A_63 = arith.constant dense<0xFF800000> : vector<1xf32>
    %reduce_max3A_64 = vector.multi_reduction <maximumf>, %reduce_max3A, %reduce_max3A_63 [1, 2] : vector<1x2048x1xf32> to vector<1xf32>
    %reduce_max3A_65 = vector.shape_cast %reduce_max3A_64 : vector<1xf32> to vector<1x1x1xf32>
    %reduce_max3A_66 = vector.extract %reduce_max3A_65[0, 0, 0] : f32 from vector<1x1x1xf32>
    %broadcast_in_dim3A_67 = vector.broadcast %reduce_max3A_66 : f32 to vector<1x1xf32>
    %eq3A = arith.constant 0 : i32
    %eq3A_68 = arith.cmpi eq, %arg0, %eq3A : i32
    %convert_element_type3A_69 = arith.extui %eq3A_68 : i1 to i32
    %cond3A = arith.constant 0 : i32
    %cond3A_70 = arith.cmpi ne, %convert_element_type3A_69, %cond3A : i32
    scf.if %cond3A_70 {
      %broadcast_in_dim3A_80 = vector.shape_cast %broadcast_in_dim3A_67 : vector<1x1xf32> to vector<1x1xf32>
      %broadcast_in_dim3A_81 = vector.broadcast %broadcast_in_dim3A_80 : vector<1x1xf32> to vector<1x16xf32>
      %swap3A_82 = arith.constant 0 : index
      %swap3A_83 = arith.constant 0 : index
      %swap3A_84 = vector.load %arg11[%swap3A_82, %swap3A_83] : memref<1x16xf32, #tpu.memory_space<vmem>>, vector<1x16xf32>
      tpu.vector_store %arg11[%swap3A_82, %swap3A_83], %broadcast_in_dim3A_81 {strides = array<i32>} : memref<1x16xf32, #tpu.memory_space<vmem>>, vector<1x16xf32>,
    } else {
    }
    %get3A_71 = arith.constant 0 : index
    %get3A_72 = arith.constant 0 : index
    %get3A_73 = vector.load %arg11[%get3A_71, %get3A_72] : memref<1x16xf32, #tpu.memory_space<vmem>>, vector<1x16xf32>
    %broadcast_in_dim3A_74 = vector.shape_cast %broadcast_in_dim3A_67 : vector<1x1xf32> to vector<1x1xf32>
    %broadcast_in_dim3A_75 = vector.broadcast %broadcast_in_dim3A_74 : vector<1x1xf32> to vector<1x16xf32>
    %max3A_76 = arith.maximumf %get3A_73, %broadcast_in_dim3A_75 : vector<1x16xf32>
    %swap3A_77 = arith.constant 0 : index
    %swap3A_78 = arith.constant 0 : index
    %swap3A_79 = vector.load %arg11[%swap3A_77, %swap3A_78] : memref<1x16xf32, #tpu.memory_space<vmem>>, vector<1x16xf32>
    tpu.vector_store %arg11[%swap3A_77, %swap3A_78], %max3A_76 {strides = array<i32>} : memref<1x16xf32, #tpu.memory_space<vmem>>, vector<1x16xf32>,
    return
  }
  func.func @transform_0(%arg0: i32) -> (i32, i32) {
    %c0_i32 = arith.constant 0 : i32
    %c0_i32_0 = arith.constant 0 : i32
    return %arg0, %c0_i32 : i32, i32
  }
  func.func @transform_1(%arg0: i32) -> (i32, i32) {
    %c0_i32 = arith.constant 0 : i32
    %c0_i32_0 = arith.constant 0 : i32
    return %arg0, %c0_i32 : i32, i32
  }
  func.func @transform_2(%arg0: i32) -> (i32, i32) {
    %c0_i32 = arith.constant 0 : i32
    %c0_i32_0 = arith.constant 0 : i32
    %c0_i32_1 = arith.constant 0 : i32
    return %c0_i32, %c0_i32_0 : i32, i32
  }
  func.func @transform_3(%arg0: i32) -> (i32, i32) {
    %c0_i32 = arith.constant 0 : i32
    %c0_i32_0 = arith.constant 0 : i32
    %c0_i32_1 = arith.constant 0 : i32
    return %c0_i32, %c0_i32_0 : i32, i32
  }
  func.func @transform_4(%arg0: i32) -> (i32, i32) {
    %c0_i32 = arith.constant 0 : i32
    %c0_i32_0 = arith.constant 0 : i32
    %c0_i32_1 = arith.constant 0 : i32
    return %c0_i32, %c0_i32_0 : i32, i32
  }
  func.func @transform_5(%arg0: i32) -> (i32, i32) {
    %c0_i32 = arith.constant 0 : i32
    %c0_i32_0 = arith.constant 0 : i32
    %c0_i32_1 = arith.constant 0 : i32
    return %c0_i32, %c0_i32_0 : i32, i32
  }
  func.func @transform_6(%arg0: i32) -> (i32, i32) {
    %c0_i32 = arith.constant 0 : i32
    %c0_i32_0 = arith.constant 0 : i32
    %c0_i32_1 = arith.constant 0 : i32
    return %c0_i32, %c0_i32_0 : i32, i32
  }
  func.func @transform_7(%arg0: i32) -> (i32, i32) {
    %c0_i32 = arith.constant 0 : i32
    %c0_i32_0 = arith.constant 0 : i32
    %c0_i32_1 = arith.constant 0 : i32
    return %c0_i32, %c0_i32_0 : i32, i32
  }
  func.func @transform_8(%arg0: i32) -> (i32, i32) {
    %c0_i32 = arith.constant 0 : i32
    %c0_i32_0 = arith.constant 0 : i32
    %c0_i32_1 = arith.constant 0 : i32
    return %c0_i32, %c0_i32_0 : i32, i32
  }
  func.func @transform_9(%arg0: i32) -> (i32, i32) {
    %c0_i32 = arith.constant 0 : i32
    %c0_i32_0 = arith.constant 0 : i32
    return %arg0, %c0_i32 : i32, i32
  }
  func.func @transform_10(%arg0: i32) -> (i32, i32) {
    %c0_i32 = arith.constant 0 : i32
    %c0_i32_0 = arith.constant 0 : i32
    %c0_i32_1 = arith.constant 0 : i32
    return %c0_i32, %c0_i32_0 : i32, i32
  }
}

</mosaic_0001>

<sc_bundles>
// kernel: kernel.6.cloned.1.call-start
scs
__scs_entry_jumppad:
0x0: {  	(pc) =	sbr.rel $0x88, $3  }
0x1: {  	(tag) =	ssettag $0x0;
	lr =	simm.s32 $0x1  }
0x2: {  	[smem:$0x3F95] =	sst lr;
	_ =	strace $0xD0000000  }
0x3: {  	_ = 	snop  }
0x4: {  	_ = 	snop  }
0x5: {  	_ = 	snop  }
0x6: {  	_ = 	snop  }
0x7: {  	_ = 	snop  }
__scs_overlays_trampoline_lowered:
0x8: {  	[smem:$0x3FA4] =	sst s0  }
0x9: {  	[smem:$0x3FA5] =	sst s1  }
0xa: {  	[smem:$0x3FA6] =	sst s2  }
0xb: {  	[smem:$0x3FA7] =	sst s3  }
0xc: {  	[smem:$0x3FA8] =	sst s4  }
0xd: {  	[smem:$0x3FA9] =	sst s5  }
0xe: {  	[smem:$0x3FAA] =	sst s6  }
0xf: {  	[smem:$0x3FAB] =	sst s7  }
0x10: {  	[smem:$0x3FAC] =	sst s8  }
0x11: {  	[smem:$0x3FAD] =	sst s9;
	s0 =	simm.s32 @!p0 $0x0  }
0x12: {  	s1 =	sld [smem:$0x3F93];
	s0 =	simm.s32 @p0 $0x1  }
0x13: {  	[smem:$0x3FAE] =	sst s0;
	s0 =	simm.s32 @!p1 $0x0  }
0x14: {  	s2 =	sld [smem:$0x3F92];
	s0 =	simm.s32 @p1 $0x1  }
0x15: {  	[smem:$0x3FAF] =	sst s0;
	s0 =	simm.s32 @!p2 $0x0  }
0x16: {  	s3 =	sld [smem:$0x3FDB];
	s0 =	simm.s32 @p2 $0x1  }
0x17: {  	s4 =	simm.s32 $0x1BF5;
	[smem:$0x3FB1] =	sst s0  }
0x18: {  	s0 =	sld [smem:$0x3F94];
	_ =	swait.ge [sflag:s4], $0x0  }
0x19: {  	s7 =	sld [smem:$0x3F95]  }
0x1a: {  	s8 =	sadd.s32 $0xFFFFE003, lr  }
0x1b: {  	s9 =	sadd.s32 $0xFFFFFEF7, lr;
	s5 =	simm.s32 $0xFFFFFFFF;
	p2 =	slt.u32 s8, $0xFFFFF086  }
0x1c: {  	p1 =	slt.u32 s9, $0xF7A;
	s5 =	simm.s32 @!p2 $0x0  }
0x1d: {  	s5 =	simm.s32 @p1 $0x1;
	p0 =	seq.s32 s7, s2  }
0x1e: {  	s7 =	smul.u32 @!p0 $0xF7A, s2;
	p2 =	seq.s32 @!p0 s5, $0x0  }
0x1f: {  	s9 =	smul.u32 $0xF7A, s1;
	s8 =	simm.s32 @!p0 $0x1BF5;
	p2 =	por !p2, p0  }
0x20: {  	[sflag:s8] =	ssyncset.s32 @!p0 $0xFFFFF086;
	s6 =	sadd.s32 @!p0 s3, s7;
	s7 =	simm.s32 @!p0 $0x108  }
0x21: {  	s3 =	sadd.s32 s3, s9;
	s6 =	sadd.s32 @!p0 $0x88, s6;
	s7 =	simm.s32 @p2 $0x1082  }
0x22: {  	[simem:s7], [sflag:s8] =	dma.local @!p0 [hbm:s6], $0xF7A  }
0x23: {  	s9 =	sor.u32 $0xD0000000, s2;
	s6 =	simm.s32 $0x108;
	_ =	swait.ge @!p0 [sflag:s8], $0x0  }
0x24: {  	s3 =	sadd.s32 $0x88, s3;
	s6 =	simm.s32 @!p1 $0x1082;
	[sflag:s4] =	ssyncset.s32 $0xFFFFF086  }
0x25: {  	[simem:s6], [sflag:s4] =	dma.local [hbm:s3], $0xF7A  }
0x26: {  	[smem:$0x3F95] =	sst s1;
	(tag) =	ssettag s2;
	_ =	strace s9  }
0x27: {  	s1 =	sld [smem:$0x3FA5]  }
0x28: {  	s2 =	sld [smem:$0x3FA6]  }
0x29: {  	s4 =	sld [smem:$0x3FA8]  }
0x2a: {  	p0 =	seq.s32 s5, $0x0;
	s5 =	sld [smem:$0x3FA9]  }
0x2b: {  	s6 =	sld [smem:$0x3FAA]  }
0x2c: {  	s7 =	sld [smem:$0x3FAB]  }
0x2d: {  	s3 =	simm.s32 $0x108;
	s8 =	sld [smem:$0x3FAC]  }
0x2e: {  	s3 =	simm.s32 @!p0 $0x1082;
	s9 =	sld [smem:$0x3FAD]  }
0x2f: {  	lr =	sadd.s32 s0, s3;
	s0 =	sld [smem:$0x3FA4]  }
0x30: {  	s3 =	sld [smem:$0x3FA7]  }
0x31: {  	[smem:$0x3FB0] =	sst s10  }
0x32: {  	s10 =	sld [smem:$0x3FAE];
	_ =	sdelay $0x3  }
0x33: {  	p0 =	seq.s32 s10, $0x1;
	s10 =	sld [smem:$0x3FB0];
	_ =	sdelay $0x3  }
0x34: {  	[smem:$0x3FB0] =	sst s10  }
0x35: {  	s10 =	sld [smem:$0x3FAF];
	_ =	sdelay $0x3  }
0x36: {  	p1 =	seq.s32 s10, $0x1;
	s10 =	sld [smem:$0x3FB0];
	_ =	sdelay $0x3  }
0x37: {  	[smem:$0x3FB0] =	sst s10  }
0x38: {  	s10 =	sld [smem:$0x3FB1]  }
0x39: {  	_ = 	snop;
	(pc) =	sbr.ind lr, $3  }
0x3a: {  	_ = 	snop  }
0x3b: {  	_ = 	snop  }
0x3c: {  	p2 =	seq.s32 s10, $0x1;
	s10 =	sld [smem:$0x3FB0]  }
0x3d: {  	_ =	shalt  }
0x3e: {  	_ =	shalt  }
0x3f: {  	_ =	shalt  }
0x40: {  	_ =	shalt  }
0x41: {  	_ =	shalt  }
0x42: {  	_ =	shalt  }
0x43: {  	_ =	shalt  }
0x44: {  	_ =	shalt  }
0x45: {  	_ =	shalt  }
0x46: {  	_ =	shalt  }
0x47: {  	_ =	shalt  }
0x48: {  	_ =	shalt  }
0x49: {  	_ =	shalt  }
0x4a: {  	_ =	shalt  }
0x4b: {  	_ =	shalt  }
0x4c: {  	_ =	shalt  }
0x4d: {  	_ =	shalt  }
0x4e: {  	_ =	shalt  }
0x4f: {  	_ =	shalt  }
0x50: {  	_ =	shalt  }
0x51: {  	_ =	shalt  }
0x52: {  	_ =	shalt  }
0x53: {  	_ =	shalt  }
0x54: {  	_ =	shalt  }
0x55: {  	_ =	shalt  }
0x56: {  	_ =	shalt  }
0x57: {  	_ =	shalt  }
0x58: {  	_ =	shalt  }
0x59: {  	_ =	shalt  }
0x5a: {  	_ =	shalt  }
0x5b: {  	_ =	shalt  }
0x5c: {  	_ =	shalt  }
0x5d: {  	_ =	shalt  }
0x5e: {  	_ =	shalt  }
0x5f: {  	_ =	shalt  }
0x60: {  	_ =	shalt  }
0x61: {  	_ =	shalt  }
0x62: {  	_ =	shalt  }
0x63: {  	_ =	shalt  }
0x64: {  	_ =	shalt  }
0x65: {  	_ =	shalt  }
0x66: {  	_ =	shalt  }
0x67: {  	_ =	shalt  }
0x68: {  	_ =	shalt  }
0x69: {  	_ =	shalt  }
0x6a: {  	_ =	shalt  }
0x6b: {  	_ =	shalt  }
0x6c: {  	_ =	shalt  }
0x6d: {  	_ =	shalt  }
0x6e: {  	_ =	shalt  }
0x6f: {  	_ =	shalt  }
0x70: {  	_ =	shalt  }
0x71: {  	_ =	shalt  }
0x72: {  	_ =	shalt  }
0x73: {  	_ =	shalt  }
0x74: {  	_ =	shalt  }
0x75: {  	_ =	shalt  }
0x76: {  	_ =	shalt  }
0x77: {  	_ =	shalt  }
0x78: {  	_ =	shalt  }
0x79: {  	_ =	shalt  }
0x7a: {  	_ =	shalt  }
0x7b: {  	_ =	shalt  }
0x7c: {  	_ =	shalt  }
0x7d: {  	_ =	shalt  }
0x7e: {  	_ =	shalt  }
0x7f: {  	_ =	shalt  }
0x80: {  	_ =	shalt  }
0x81: {  	_ =	shalt  }
0x82: {  	_ =	shalt  }
0x83: {  	_ =	shalt  }
0x84: {  	_ =	shalt  }
0x85: {  	_ =	shalt  }
0x86: {  	_ =	shalt  }
0x87: {  	_ =	shalt  }
.Lfunc_end0:
.L_simem_size_0:
called_computation_lowered:
.L_overlay_start_0:
0x88: {  	s2 =	sld [smem:$0x3FD9]  }
0x89: {  	s3 =	sld [smem:$0x3FFE];
	_ =	sdelay $0x1  }
0x8a: {  	s1 =	srdreg.scid  }
0x8b: {  	s0 =	sand.u32 $0x1, s1  }
0x8c: {  	s17 =	sshll.u32 s0, $0xA;
	s2 =	sadd.s32 s3, s2  }
0x8d: {  	s2 =	sadd.s32 s2, s17  }
0x8e: {  	[smem:$0x3FBC] =	sst s2  }
0x8f: {  	_ = 	snop  }
0x90: {  	s2 =	sld [smem:$0x3FC6];
	(tm) =	ssettm $0x1  }
0x91: {  	s18 =	sld [smem:$0x3FFB];
	_ =	sdelay $0x3  }
0x92: {  	_ =	strace s18  }
0x93: {  	s3 =	sld [smem:$0x3FFC];
	_ =	sdelay $0x3  }
0x94: {  	_ =	strace s3  }
0x95: {  	s3 =	sld [smem:$0x3FFD];
	_ =	sdelay $0x3  }
0x96: {  	_ =	strace s3  }
0x97: {  	_ =	strace $0x8FFFFFFF  }
0x98: {  	s19 =	sld [smem:$0x3FDB];
	_ =	sdelay $0x1  }
0x99: {  	s4 =	simm.s32 $_scs_section_size  }
0x9a: {  	s5 =	simm.s32 $_size__tile_overlayer_lowered;
	s6 =	simm.s32 $_tile_overlayer_lowered  }
0x9b: {  	s22 =	simm.s32 $0x1BFF;
	s21 =	sshll.u32 s6, $0x1;
	s3 =	sadd.s32 s4, s19  }
0x9c: {  	s7 =	simm.s32 $0x0;
	s20 =	sshll.u32 s5, $0x1;
	s5 =	sadd.s32 s21, s3  }
0x9d: {  	[timem:s7], [sflag:s22] =	dma.local [hbm:s5], s20  }
0x9e: {  	_ =	swait.ge [sflag:s22], s20  }
0x9f: {  	s4 =	ssub.s32 $0x0, s20;
	[sflag:s22] =	ssyncset.done $0x0  }
0xa0: {  	[sflag:s22] =	ssyncadd.s32 s4;
	_ =	sdelay $0x1  }
0xa1: {  	s23 =	simm.s32 $0x1B8B  }
0xa2: {  	_ =	swait.ge [sflag:s23], $0x1  }
0xa3: {  	[sflag:s23] =	ssyncset.done $0x0  }
0xa4: {  	s25 =	simm.s32 $0x1B8E;
	s24 =	sld [smem:$0x3FFE];
	[sflag:s23] =	ssyncadd.s32 $0xFFFFFFFF  }
0xa5: {  	s26 =	simm.s32 $execute0_lowered;
	[smem:$0x3FD2] =	sst s25  }
0xa6: {  	s5 =	sshll.u32 s26, $0x1;
	_ =	strace $0x80000046;
	[dreg:$0x1] =	wrdreg $0xFFFFFFFF  }
0xa7: {  	s28 =	simm.s32 $_size_execute0_lowered;
	s3 =	sadd.s32 s3, s5;
	[dreg:$0x0] =	wrdreg $0x0  }
0xa8: {  	s5 =	sshll.u32 s28, $0x1;
	[dreg:$0x2] =	wrdreg s3  }
0xa9: {  	[dreg:$0x3] =	wrdreg s5  }
0xaa: {  	[dreg:$0x4] =	wrdreg $0xC0  }
0xab: {  	_ =	task [dreg:s7], $0x5FFFF  }
0xac: {  	[dreg:$0x1] =	wrdreg $0xFFFFFFFF  }
0xad: {  	[dreg:$0x0] =	wrdreg $0x60  }
0xae: {  	[dreg:$0x2] =	wrdreg s24  }
0xaf: {  	[dreg:$0x3] =	wrdreg s2  }
0xb0: {  	[dreg:$0x4] =	wrdreg $0x9  }
0xb1: {  	_ =	task.clear_ibuf [dreg:s7], $0x5FFFF;
	_ =	strace $0x90000046  }
0xb2: {  	s29 =	simm.s32 $0x9;
	_ =	strace $0x80000048  }
0xb3: {  	_ =	swait.ge [sflag:s29], $0x1  }
0xb4: {  	[sflag:s29] =	ssyncadd.s32 $0xFFFFFFFF  }
0xb5: {  	_ =	strace $0x90000048  }
0xb6: {  	_ =	sfence  }
0xb7: {  	s30 =	sld [smem:$0x0];
	_ =	sdelay $0x2  }
0xb8: {  	s31 =	sshll.u32 s1, $0xD;
	s1 =	sshrl.u32 s1, $0x2  }
0xb9: {  	s3 =	sand.u32 $0x4000, s31;
	s1 =	sadd.s32 s1, s30  }
0xba: {  	s0 =	sor.u32 s3, s0;
	s1 =	sshll.u32 s1, $0x11  }
0xbb: {  	s0 =	sor.u32 s1, s0  }
0xbc: {  	s0 =	sadd.s32 $0x8F2B, s0  }
0xbd: {  	[sflag:s0] =	ssyncadd.remote.s32 $0x1  }
0xbe: {  	_ =	sfence.sel $0xFFFF  }
0xbf: {  	[dreg:$0x0] =	wrdreg $0xFFFFFFFF;
	(pc) =	sbr.abs _section_cstart, $3  }
0xc0: {  	[dreg:$0x1] =	wrdreg $0xFFFFFFFF  }
0xc1: {  	_ =	task.clear_ibuf [dreg:s7], $0x2FFFF;
	_ =	strace $0x9FFFFFFF  }
0xc2: {  	(tm) =	ssettm $0x7FFFFFFF  }
0xc3: {  	_ =	shalt  }
tec
execute0_lowered:
.L_overlay_start_1:
0x0: {  	(tag) =	ssettag $0x1  }
0x1: {  	s0 =	srdreg.scid  }
0x2: {  	s1 =	rddreg [dreg:$0x0];
	s2 =	stileid.u32  }
0x3: {  	s4 =	rddreg [dreg:$0x1];
	s29 =	simm.s32 $0xA00;
	s30 =	simm.s32 $0xE00  }
0x4: {  	s31 =	simm.s32 $0x1600;
	s9 =	simm.s32 $0x2600;
	s10 =	simm.s32 $0x2E00  }
0x5: {  	s11 =	simm.s32 $0x3200;
	s12 =	simm.s32 $0x3A00;
	s13 =	simm.s32 $0x3E00  }
0x6: {  	s14 =	simm.s32 $0x4600;
	s15 =	simm.s32 $0x4A00;
	s17 =	simm.s32 $0x5200  }
0x7: {  	s18 =	simm.s32 $0x5600;
	s19 =	simm.s32 $0x6200;
	s20 =	simm.s32 $0x6A00  }
0x8: {  	s21 =	simm.s32 $0x6E00;
	s22 =	simm.s32 $0x7600;
	s16 =	simm.s32 $0x8600  }
0x9: {  	s0 =	sand.u32 $0x1, s0;
	s3 =	sshll.u32 s2, $0x7;
	s2 =	simm.s32 $0x0  }
0xa: {  	s8 =	sadd.s32 $0x1A600, s1;
	s5 =	sshll.u32 s0, $0x6;
	[smem:$0x7FF] =	sst s2  }
0xb: {  	s0 =	ssub.s32 $0x2, s0;
	s5 =	sor.u32 s5, s3;
	_ =	strace $0x80000047  }
0xc: {  	s3 =	sadd.s32 $0x2600, s1;
	s25 =	sshrl.u32 s0, $0x1;
	s6 =	smul.u32 $0x180, s5  }
0xd: {  	s7 =	smul.u32 $0xC00, s5;
	s4 =	sadd.s32 s4, s5;
	s0 =	ssub.s32 s0, s25  }
0xe: {  	s25 =	simm.s32 $0x9A00;
	[dreg:$0x3] =	wrdreg s4;
	s6 =	sadd.s32 s8, s6  }
0xf: {  	s23 =	sshrl.u32 s7, $0x3;
	[dreg:$0x7] =	wrdreg s6;
	s24 =	sadd.s32 $0x1800, s6  }
0x10: {  	s5 =	sadd.s32 s8, s23;
	s6 =	smax.u32 s0, $0x1;
	s8 =	simm.s32 $0x4  }
0x11: {  	v2 =	vlaneseq.u32;
	s23 =	simm.s32 $0x8E00;
	[dreg:$0x4] =	wrdreg s24;
	s26 =	sadd.s32 $0x3000, s5  }
0x12: {  	vm0 =	vmmov $0xffff;
	vm1 =	vmmov $0xff;
	v1 =	vshrl.u32 v2, $0x3;
	s28 =	sadd.s32 $0x4800, s5;
	s5 =	sadd.s32 $0x2700, s1;
	[dreg:$0x5] =	wrdreg s26  }
0x13: {  	v0 =	vand.u32 $0x7, v2;
	v2 =	vor.u32 $0x8, v2;
	v1 =	vmul.u32 $0x8, v1;
	s24 =	simm.s32 $0x9200;
	[dreg:$0x6] =	wrdreg s28;
	s26 =	simm.s32 $0x1  }
.LBB2_1:
0x14: {  	s28 =	rddreg [dreg:$0x3];
	s0 =	simm.s32 $0x5  }
0x15: {  	[tilespmem:s2], [sflag:$0x5] =	stream.linear.gather [hbm4b:s28+s2], $0x200, $0x38;
	[tilespmem:$0x18200] =	vst v63  }
0x16: {  	_ =	swait.ge [sflag:s0], $0x200  }
0x17: {  	[sflag:s0] =	ssyncset.done $0x0  }
0x18: {  	[sflag:s0] =	ssyncadd.s32 $0xFFFFFE00  }
0x19: {  	v3 =	vld [tilespmem:$0x0];
	_ =	sdelay $0x4  }
0x1a: {  	v4 =	vshrl.u32 v3, $0x3  }
0x1b: {  	v4 =	vmul.u32 $0x18, v4  }
0x1c: {  	v3 =	vand.u32 $0x7, v3  }
0x1d: {  	v3 =	vor.u32 v3, v4  }
0x1e: {  	v4 =	vperm.xlane v3, v0;
	_ =	sdelay $0x1  }
0x1f: {  	v4 =	vadd.s32 v1, v4;
	_ =	sdelay $0x1  }
0x20: {  	v3 =	vperm.xlane v3, v2;
	_ =	sdelay $0x1  }
0x21: {  	s1 =	simm.s32 $0x200;
	v3 =	vadd.s32 v1, v3  }
0x22: {  	[tilespmem:s1], [sflag:$0x1] =	stream.indirect_vreg.gather [hbm4b:s3+s2], $0x80, v4, vm0, $0xb8;
	[tilespmem:$0x18200] =	vst v63  }
0x23: {  	_ = 	snop  }
0x24: {  	[tilespmem:s29], [sflag:$0x1] =	stream.indirect_vreg.gather [hbm4b:s5+s2], $0x80, v4, vm1, $0xb8;
	[tilespmem:$0x18200] =	vst v63  }
0x25: {  	_ = 	snop  }
0x26: {  	[tilespmem:s30], [sflag:$0x1] =	stream.indirect_vreg.gather [hbm4b:s3+s2], $0x80, v3, vm0, $0xb8;
	[tilespmem:$0x18200] =	vst v63  }
0x27: {  	_ = 	snop  }
0x28: {  	[tilespmem:s31], [sflag:$0x1] =	stream.indirect_vreg.gather [hbm4b:s5+s2], $0x80, v3, vm1, $0xb8;
	[tilespmem:$0x18200] =	vst v63  }
0x29: {  	v3 =	vld [tilespmem:$0x10];
	_ =	sdelay $0x4  }
0x2a: {  	v33 =	vshrl.u32 v3, $0x3  }
0x2b: {  	v4 =	vmul.u32 $0x18, v33  }
0x2c: {  	v3 =	vand.u32 $0x7, v3  }
0x2d: {  	v3 =	vor.u32 v3, v4  }
0x2e: {  	v4 =	vperm.xlane v3, v0;
	_ =	sdelay $0x1  }
0x2f: {  	v4 =	vadd.s32 v1, v4;
	_ =	sdelay $0x1  }
0x30: {  	v3 =	vperm.xlane v3, v2;
	_ =	sdelay $0x1  }
0x31: {  	s4 =	simm.s32 $0x1A00;
	v3 =	vadd.s32 v1, v3  }
0x32: {  	[tilespmem:s4], [sflag:$0x1] =	stream.indirect_vreg.gather [hbm4b:s3+s2], $0x80, v4, vm0, $0xb8;
	[tilespmem:$0x18200] =	vst v63  }
0x33: {  	s7 =	simm.s32 $0x2200  }
0x34: {  	[tilespmem:s7], [sflag:$0x1] =	stream.indirect_vreg.gather [hbm4b:s5+s2], $0x80, v4, vm1, $0xb8;
	[tilespmem:$0x18200] =	vst v63  }
0x35: {  	_ = 	snop  }
0x36: {  	[tilespmem:s9], [sflag:$0x1] =	stream.indirect_vreg.gather [hbm4b:s3+s2], $0x80, v3, vm0, $0xb8;
	[tilespmem:$0x18200] =	vst v63  }
0x37: {  	_ = 	snop  }
0x38: {  	[tilespmem:s10], [sflag:$0x1] =	stream.indirect_vreg.gather [hbm4b:s5+s2], $0x80, v3, vm1, $0xb8;
	[tilespmem:$0x18200] =	vst v63  }
0x39: {  	v3 =	vld [tilespmem:$0x20];
	_ =	sdelay $0x4  }
0x3a: {  	v34 =	vshrl.u32 v3, $0x3  }
0x3b: {  	v4 =	vmul.u32 $0x18, v34  }
0x3c: {  	v3 =	vand.u32 $0x7, v3  }
0x3d: {  	v3 =	vor.u32 v3, v4  }
0x3e: {  	v4 =	vperm.xlane v3, v0;
	_ =	sdelay $0x1  }
0x3f: {  	v4 =	vadd.s32 v1, v4;
	_ =	sdelay $0x1  }
0x40: {  	v3 =	vperm.xlane v3, v2;
	_ =	sdelay $0x1  }
0x41: {  	v3 =	vadd.s32 v1, v3  }
0x42: {  	[tilespmem:s11], [sflag:$0x1] =	stream.indirect_vreg.gather [hbm4b:s3+s2], $0x80, v4, vm0, $0xb8;
	[tilespmem:$0x18200] =	vst v63  }
0x43: {  	_ = 	snop  }
0x44: {  	[tilespmem:s12], [sflag:$0x1] =	stream.indirect_vreg.gather [hbm4b:s5+s2], $0x80, v4, vm1, $0xb8;
	[tilespmem:$0x18200] =	vst v63  }
0x45: {  	_ = 	snop  }
0x46: {  	[tilespmem:s13], [sflag:$0x1] =	stream.indirect_vreg.gather [hbm4b:s3+s2], $0x80, v3, vm0, $0xb8;
	[tilespmem:$0x18200] =	vst v63  }
0x47: {  	_ = 	snop  }
0x48: {  	[tilespmem:s14], [sflag:$0x1] =	stream.indirect_vreg.gather [hbm4b:s5+s2], $0x80, v3, vm1, $0xb8;
	[tilespmem:$0x18200] =	vst v63  }
0x49: {  	v3 =	vld [tilespmem:$0x30];
	_ =	sdelay $0x4  }
0x4a: {  	v35 =	vshrl.u32 v3, $0x3  }
0x4b: {  	v4 =	vmul.u32 $0x18, v35  }
0x4c: {  	v3 =	vand.u32 $0x7, v3  }
0x4d: {  	v3 =	vor.u32 v3, v4  }
0x4e: {  	v4 =	vperm.xlane v3, v0;
	_ =	sdelay $0x1  }
0x4f: {  	v4 =	vadd.s32 v1, v4;
	_ =	sdelay $0x1  }
0x50: {  	v3 =	vperm.xlane v3, v2;
	_ =	sdelay $0x1  }
0x51: {  	v3 =	vadd.s32 v1, v3  }
0x52: {  	[tilespmem:s15], [sflag:$0x1] =	stream.indirect_vreg.gather [hbm4b:s3+s2], $0x80, v4, vm0, $0xb8;
	[tilespmem:$0x18200] =	vst v63  }
0x53: {  	_ = 	snop  }
0x54: {  	[tilespmem:s17], [sflag:$0x1] =	stream.indirect_vreg.gather [hbm4b:s5+s2], $0x80, v4, vm1, $0xb8;
	[tilespmem:$0x18200] =	vst v63  }
0x55: {  	_ = 	snop  }
0x56: {  	[tilespmem:s18], [sflag:$0x1] =	stream.indirect_vreg.gather [hbm4b:s3+s2], $0x80, v3, vm0, $0xb8;
	[tilespmem:$0x18200] =	vst v63  }
0x57: {  	s28 =	simm.s32 $0x5E00  }
0x58: {  	[tilespmem:s28], [sflag:$0x1] =	stream.indirect_vreg.gather [hbm4b:s5+s2], $0x80, v3, vm1, $0xb8;
	[tilespmem:$0x18200] =	vst v63  }
0x59: {  	v3 =	vld [tilespmem:$0x40];
	_ =	sdelay $0x4  }
0x5a: {  	v36 =	vshrl.u32 v3, $0x3  }
0x5b: {  	v4 =	vmul.u32 $0x18, v36  }
0x5c: {  	v3 =	vand.u32 $0x7, v3  }
0x5d: {  	v3 =	vor.u32 v3, v4  }
0x5e: {  	v4 =	vperm.xlane v3, v0;
	_ =	sdelay $0x1  }
0x5f: {  	v4 =	vadd.s32 v1, v4;
	_ =	sdelay $0x1  }
0x60: {  	v3 =	vperm.xlane v3, v2;
	_ =	sdelay $0x1  }
0x61: {  	v3 =	vadd.s32 v1, v3  }
0x62: {  	[tilespmem:s19], [sflag:$0x1] =	stream.indirect_vreg.gather [hbm4b:s3+s2], $0x80, v4, vm0, $0xb8;
	[tilespmem:$0x18200] =	vst v63  }
0x63: {  	_ = 	snop  }
0x64: {  	[tilespmem:s20], [sflag:$0x1] =	stream.indirect_vreg.gather [hbm4b:s5+s2], $0x80, v4, vm1, $0xb8;
	[tilespmem:$0x18200] =	vst v63  }
0x65: {  	_ = 	snop  }
0x66: {  	[tilespmem:s21], [sflag:$0x1] =	stream.indirect_vreg.gather [hbm4b:s3+s2], $0x80, v3, vm0, $0xb8;
	[tilespmem:$0x18200] =	vst v63  }
0x67: {  	_ = 	snop  }
0x68: {  	[tilespmem:s22], [sflag:$0x1] =	stream.indirect_vreg.gather [hbm4b:s5+s2], $0x80, v3, vm1, $0xb8;
	[tilespmem:$0x18200] =	vst v63  }
0x69: {  	v3 =	vld [tilespmem:$0x50];
	_ =	sdelay $0x4  }
0x6a: {  	v37 =	vshrl.u32 v3, $0x3  }
0x6b: {  	v4 =	vmul.u32 $0x18, v37  }
0x6c: {  	v3 =	vand.u32 $0x7, v3  }
0x6d: {  	v3 =	vor.u32 v3, v4  }
0x6e: {  	v4 =	vperm.xlane v3, v0;
	_ =	sdelay $0x1  }
0x6f: {  	v4 =	vadd.s32 v1, v4;
	_ =	sdelay $0x1  }
0x70: {  	v3 =	vperm.xlane v3, v2;
	_ =	sdelay $0x1  }
0x71: {  	s7 =	simm.s32 $0x7A00;
	v3 =	vadd.s32 v1, v3  }
0x72: {  	[tilespmem:s7], [sflag:$0x1] =	stream.indirect_vreg.gather [hbm4b:s3+s2], $0x80, v4, vm0, $0xb8;
	[tilespmem:$0x18200] =	vst v63  }
0x73: {  	s1 =	simm.s32 $0x8200  }
0x74: {  	[tilespmem:s1], [sflag:$0x1] =	stream.indirect_vreg.gather [hbm4b:s5+s2], $0x80, v4, vm1, $0xb8;
	[tilespmem:$0x18200] =	vst v63  }
0x75: {  	_ = 	snop  }
0x76: {  	[tilespmem:s16], [sflag:$0x1] =	stream.indirect_vreg.gather [hbm4b:s3+s2], $0x80, v3, vm0, $0xb8;
	[tilespmem:$0x18200] =	vst v63  }
0x77: {  	_ = 	snop  }
0x78: {  	[tilespmem:s23], [sflag:$0x1] =	stream.indirect_vreg.gather [hbm4b:s5+s2], $0x80, v3, vm1, $0xb8;
	[tilespmem:$0x18200] =	vst v63  }
0x79: {  	v3 =	vld [tilespmem:$0x60];
	_ =	sdelay $0x4  }
0x7a: {  	v38 =	vshrl.u32 v3, $0x3  }
0x7b: {  	v4 =	vmul.u32 $0x18, v38  }
0x7c: {  	v3 =	vand.u32 $0x7, v3  }
0x7d: {  	v3 =	vor.u32 v3, v4  }
0x7e: {  	v4 =	vperm.xlane v3, v0;
	_ =	sdelay $0x1  }
0x7f: {  	v4 =	vadd.s32 v1, v4;
	_ =	sdelay $0x1  }
0x80: {  	v3 =	vperm.xlane v3, v2;
	_ =	sdelay $0x1  }
0x81: {  	v3 =	vadd.s32 v1, v3  }
0x82: {  	[tilespmem:s24], [sflag:$0x1] =	stream.indirect_vreg.gather [hbm4b:s3+s2], $0x80, v4, vm0, $0xb8;
	[tilespmem:$0x18200] =	vst v63  }
0x83: {  	_ = 	snop  }
0x84: {  	[tilespmem:s25], [sflag:$0x1] =	stream.indirect_vreg.gather [hbm4b:s5+s2], $0x80, v4, vm1, $0xb8;
	[tilespmem:$0x18200] =	vst v63  }
0x85: {  	s4 =	simm.s32 $0x9E00  }
0x86: {  	[tilespmem:s4], [sflag:$0x1] =	stream.indirect_vreg.gather [hbm4b:s3+s2], $0x80, v3, vm0, $0xb8;
	[tilespmem:$0x18200] =	vst v63  }
0x87: {  	s28 =	simm.s32 $0xA600  }
0x88: {  	[tilespmem:s28], [sflag:$0x1] =	stream.indirect_vreg.gather [hbm4b:s5+s2], $0x80, v3, vm1, $0xb8;
	[tilespmem:$0x18200] =	vst v63  }
0x89: {  	v3 =	vld [tilespmem:$0x70];
	_ =	sdelay $0x4  }
0x8a: {  	v39 =	vshrl.u32 v3, $0x3  }
0x8b: {  	v4 =	vmul.u32 $0x18, v39  }
0x8c: {  	v3 =	vand.u32 $0x7, v3  }
0x8d: {  	v3 =	vor.u32 v3, v4  }
0x8e: {  	v4 =	vperm.xlane v3, v0;
	_ =	sdelay $0x1  }
0x8f: {  	v4 =	vadd.s32 v1, v4;
	_ =	sdelay $0x1  }
0x90: {  	v3 =	vperm.xlane v3, v2;
	_ =	sdelay $0x1  }
0x91: {  	s1 =	simm.s32 $0xAA00;
	v3 =	vadd.s32 v1, v3  }
0x92: {  	[tilespmem:s1], [sflag:$0x1] =	stream.indirect_vreg.gather [hbm4b:s3+s2], $0x80, v4, vm0, $0xb8;
	[tilespmem:$0x18200] =	vst v63  }
0x93: {  	s4 =	simm.s32 $0xB200  }
0x94: {  	[tilespmem:s4], [sflag:$0x1] =	stream.indirect_vreg.gather [hbm4b:s5+s2], $0x80, v4, vm1, $0xb8;
	[tilespmem:$0x18200] =	vst v63  }
0x95: {  	s28 =	simm.s32 $0xB600  }
0x96: {  	[tilespmem:s28], [sflag:$0x1] =	stream.indirect_vreg.gather [hbm4b:s3+s2], $0x80, v3, vm0, $0xb8;
	[tilespmem:$0x18200] =	vst v63  }
0x97: {  	s1 =	simm.s32 $0xBE00  }
0x98: {  	[tilespmem:s1], [sflag:$0x1] =	stream.indirect_vreg.gather [hbm4b:s5+s2], $0x80, v3, vm1, $0xb8;
	[tilespmem:$0x18200] =	vst v63  }
0x99: {  	v3 =	vld [tilespmem:$0x80];
	_ =	sdelay $0x4  }
0x9a: {  	v40 =	vshrl.u32 v3, $0x3  }
0x9b: {  	v4 =	vmul.u32 $0x18, v40  }
0x9c: {  	v3 =	vand.u32 $0x7, v3  }
0x9d: {  	v3 =	vor.u32 v3, v4  }
0x9e: {  	v4 =	vperm.xlane v3, v0;
	_ =	sdelay $0x1  }
0x9f: {  	v4 =	vadd.s32 v1, v4;
	_ =	sdelay $0x1  }
0xa0: {  	v3 =	vperm.xlane v3, v2;
	_ =	sdelay $0x1  }
0xa1: {  	s0 =	simm.s32 $0xC200;
	v3 =	vadd.s32 v1, v3  }
0xa2: {  	[tilespmem:s0], [sflag:$0x2] =	stream.indirect_vreg.gather [hbm4b:s3+s2], $0x80, v4, vm0, $0xb8;
	[tilespmem:$0x18200] =	vst v63  }
0xa3: {  	s1 =	simm.s32 $0xCA00  }
0xa4: {  	[tilespmem:s1], [sflag:$0x2] =	stream.indirect_vreg.gather [hbm4b:s5+s2], $0x80, v4, vm1, $0xb8;
	[tilespmem:$0x18200] =	vst v63  }
0xa5: {  	s4 =	simm.s32 $0xCE00  }
0xa6: {  	[tilespmem:s4], [sflag:$0x2] =	stream.indirect_vreg.gather [hbm4b:s3+s2], $0x80, v3, vm0, $0xb8;
	[tilespmem:$0x18200] =	vst v63  }
0xa7: {  	s28 =	simm.s32 $0xD600  }
0xa8: {  	[tilespmem:s28], [sflag:$0x2] =	stream.indirect_vreg.gather [hbm4b:s5+s2], $0x80, v3, vm1, $0xb8;
	[tilespmem:$0x18200] =	vst v63  }
0xa9: {  	v3 =	vld [tilespmem:$0x90];
	_ =	sdelay $0x4  }
0xaa: {  	v41 =	vshrl.u32 v3, $0x3  }
0xab: {  	v4 =	vmul.u32 $0x18, v41  }
0xac: {  	v3 =	vand.u32 $0x7, v3  }
0xad: {  	v3 =	vor.u32 v3, v4  }
0xae: {  	v4 =	vperm.xlane v3, v0;
	_ =	sdelay $0x1  }
0xaf: {  	v4 =	vadd.s32 v1, v4;
	_ =	sdelay $0x1  }
0xb0: {  	v3 =	vperm.xlane v3, v2;
	_ =	sdelay $0x1  }
0xb1: {  	s4 =	simm.s32 $0xDA00;
	v3 =	vadd.s32 v1, v3  }
0xb2: {  	[tilespmem:s4], [sflag:$0x2] =	stream.indirect_vreg.gather [hbm4b:s3+s2], $0x80, v4, vm0, $0xb8;
	[tilespmem:$0x18200] =	vst v63  }
0xb3: {  	s28 =	simm.s32 $0xE200  }
0xb4: {  	[tilespmem:s28], [sflag:$0x2] =	stream.indirect_vreg.gather [hbm4b:s5+s2], $0x80, v4, vm1, $0xb8;
	[tilespmem:$0x18200] =	vst v63  }
0xb5: {  	s4 =	simm.s32 $0xE600  }
0xb6: {  	[tilespmem:s4], [sflag:$0x2] =	stream.indirect_vreg.gather [hbm4b:s3+s2], $0x80, v3, vm0, $0xb8;
	[tilespmem:$0x18200] =	vst v63  }
0xb7: {  	s28 =	simm.s32 $0xEE00  }
0xb8: {  	[tilespmem:s28], [sflag:$0x2] =	stream.indirect_vreg.gather [hbm4b:s5+s2], $0x80, v3, vm1, $0xb8;
	[tilespmem:$0x18200] =	vst v63  }
0xb9: {  	v3 =	vld [tilespmem:$0xA0];
	_ =	sdelay $0x4  }
0xba: {  	v42 =	vshrl.u32 v3, $0x3  }
0xbb: {  	v4 =	vmul.u32 $0x18, v42  }
0xbc: {  	v3 =	vand.u32 $0x7, v3  }
0xbd: {  	v3 =	vor.u32 v3, v4  }
0xbe: {  	v4 =	vperm.xlane v3, v0;
	_ =	sdelay $0x1  }
0xbf: {  	v4 =	vadd.s32 v1, v4;
	_ =	sdelay $0x1  }
0xc0: {  	v3 =	vperm.xlane v3, v2;
	_ =	sdelay $0x1  }
0xc1: {  	s4 =	simm.s32 $0xF200;
	v3 =	vadd.s32 v1, v3  }
0xc2: {  	[tilespmem:s4], [sflag:$0x2] =	stream.indirect_vreg.gather [hbm4b:s3+s2], $0x80, v4, vm0, $0xb8;
	[tilespmem:$0x18200] =	vst v63  }
0xc3: {  	s28 =	simm.s32 $0xFA00  }
0xc4: {  	[tilespmem:s28], [sflag:$0x2] =	stream.indirect_vreg.gather [hbm4b:s5+s2], $0x80, v4, vm1, $0xb8;
	[tilespmem:$0x18200] =	vst v63  }
0xc5: {  	s4 =	simm.s32 $0xFE00  }
0xc6: {  	[tilespmem:s4], [sflag:$0x2] =	stream.indirect_vreg.gather [hbm4b:s3+s2], $0x80, v3, vm0, $0xb8;
	[tilespmem:$0x18200] =	vst v63  }
0xc7: {  	s28 =	simm.s32 $0x10600  }
0xc8: {  	[tilespmem:s28], [sflag:$0x2] =	stream.indirect_vreg.gather [hbm4b:s5+s2], $0x80, v3, vm1, $0xb8;
	[tilespmem:$0x18200] =	vst v63  }
0xc9: {  	v3 =	vld [tilespmem:$0xB0];
	_ =	sdelay $0x4  }
0xca: {  	v43 =	vshrl.u32 v3, $0x3  }
0xcb: {  	v4 =	vmul.u32 $0x18, v43  }
0xcc: {  	v3 =	vand.u32 $0x7, v3  }
0xcd: {  	v3 =	vor.u32 v3, v4  }
0xce: {  	v4 =	vperm.xlane v3, v0;
	_ =	sdelay $0x1  }
0xcf: {  	v4 =	vadd.s32 v1, v4;
	_ =	sdelay $0x1  }
0xd0: {  	v3 =	vperm.xlane v3, v2;
	_ =	sdelay $0x1  }
0xd1: {  	s4 =	simm.s32 $0x10A00;
	v3 =	vadd.s32 v1, v3  }
0xd2: {  	[tilespmem:s4], [sflag:$0x2] =	stream.indirect_vreg.gather [hbm4b:s3+s2], $0x80, v4, vm0, $0xb8;
	[tilespmem:$0x18200] =	vst v63  }
0xd3: {  	s28 =	simm.s32 $0x11200  }
0xd4: {  	[tilespmem:s28], [sflag:$0x2] =	stream.indirect_vreg.gather [hbm4b:s5+s2], $0x80, v4, vm1, $0xb8;
	[tilespmem:$0x18200] =	vst v63  }
0xd5: {  	s4 =	simm.s32 $0x11600  }
0xd6: {  	[tilespmem:s4], [sflag:$0x2] =	stream.indirect_vreg.gather [hbm4b:s3+s2], $0x80, v3, vm0, $0xb8;
	[tilespmem:$0x18200] =	vst v63  }
0xd7: {  	s28 =	simm.s32 $0x11E00  }
0xd8: {  	[tilespmem:s28], [sflag:$0x2] =	stream.indirect_vreg.gather [hbm4b:s5+s2], $0x80, v3, vm1, $0xb8;
	[tilespmem:$0x18200] =	vst v63  }
0xd9: {  	v3 =	vld [tilespmem:$0xC0];
	_ =	sdelay $0x4  }
0xda: {  	v44 =	vshrl.u32 v3, $0x3  }
0xdb: {  	v4 =	vmul.u32 $0x18, v44  }
0xdc: {  	v3 =	vand.u32 $0x7, v3  }
0xdd: {  	v3 =	vor.u32 v3, v4  }
0xde: {  	v4 =	vperm.xlane v3, v0;
	_ =	sdelay $0x1  }
0xdf: {  	v4 =	vadd.s32 v1, v4;
	_ =	sdelay $0x1  }
0xe0: {  	v3 =	vperm.xlane v3, v2;
	_ =	sdelay $0x1  }
0xe1: {  	s4 =	simm.s32 $0x12200;
	v3 =	vadd.s32 v1, v3  }
0xe2: {  	[tilespmem:s4], [sflag:$0x2] =	stream.indirect_vreg.gather [hbm4b:s3+s2], $0x80, v4, vm0, $0xb8;
	[tilespmem:$0x18200] =	vst v63  }
0xe3: {  	s28 =	simm.s32 $0x12A00  }
0xe4: {  	[tilespmem:s28], [sflag:$0x2] =	stream.indirect_vreg.gather [hbm4b:s5+s2], $0x80, v4, vm1, $0xb8;
	[tilespmem:$0x18200] =	vst v63  }
0xe5: {  	s4 =	simm.s32 $0x12E00  }
0xe6: {  	[tilespmem:s4], [sflag:$0x2] =	stream.indirect_vreg.gather [hbm4b:s3+s2], $0x80, v3, vm0, $0xb8;
	[tilespmem:$0x18200] =	vst v63  }
0xe7: {  	s28 =	simm.s32 $0x13600  }
0xe8: {  	[tilespmem:s28], [sflag:$0x2] =	stream.indirect_vreg.gather [hbm4b:s5+s2], $0x80, v3, vm1, $0xb8;
	[tilespmem:$0x18200] =	vst v63  }
0xe9: {  	v3 =	vld [tilespmem:$0xD0];
	_ =	sdelay $0x4  }
0xea: {  	v45 =	vshrl.u32 v3, $0x3  }
0xeb: {  	v4 =	vmul.u32 $0x18, v45  }
0xec: {  	v3 =	vand.u32 $0x7, v3  }
0xed: {  	v3 =	vor.u32 v3, v4  }
0xee: {  	v4 =	vperm.xlane v3, v0;
	_ =	sdelay $0x1  }
0xef: {  	v4 =	vadd.s32 v1, v4;
	_ =	sdelay $0x1  }
0xf0: {  	v3 =	vperm.xlane v3, v2;
	_ =	sdelay $0x1  }
0xf1: {  	s4 =	simm.s32 $0x13A00;
	v3 =	vadd.s32 v1, v3  }
0xf2: {  	[tilespmem:s4], [sflag:$0x2] =	stream.indirect_vreg.gather [hbm4b:s3+s2], $0x80, v4, vm0, $0xb8;
	[tilespmem:$0x18200] =	vst v63  }
0xf3: {  	s28 =	simm.s32 $0x14200  }
0xf4: {  	[tilespmem:s28], [sflag:$0x2] =	stream.indirect_vreg.gather [hbm4b:s5+s2], $0x80, v4, vm1, $0xb8;
	[tilespmem:$0x18200] =	vst v63  }
0xf5: {  	s4 =	simm.s32 $0x14600  }
0xf6: {  	[tilespmem:s4], [sflag:$0x2] =	stream.indirect_vreg.gather [hbm4b:s3+s2], $0x80, v3, vm0, $0xb8;
	[tilespmem:$0x18200] =	vst v63  }
0xf7: {  	s28 =	simm.s32 $0x14E00  }
0xf8: {  	[tilespmem:s28], [sflag:$0x2] =	stream.indirect_vreg.gather [hbm4b:s5+s2], $0x80, v3, vm1, $0xb8;
	[tilespmem:$0x18200] =	vst v63  }
0xf9: {  	v3 =	vld [tilespmem:$0xE0];
	_ =	sdelay $0x4  }
0xfa: {  	v46 =	vshrl.u32 v3, $0x3  }
0xfb: {  	v4 =	vmul.u32 $0x18, v46  }
0xfc: {  	v3 =	vand.u32 $0x7, v3  }
0xfd: {  	v3 =	vor.u32 v3, v4  }
0xfe: {  	v4 =	vperm.xlane v3, v0;
	_ =	sdelay $0x1  }
0xff: {  	v4 =	vadd.s32 v1, v4;
	_ =	sdelay $0x1  }
0x100: {  	v3 =	vperm.xlane v3, v2;
	_ =	sdelay $0x1  }
0x101: {  	s4 =	simm.s32 $0x15200;
	v3 =	vadd.s32 v1, v3  }
0x102: {  	[tilespmem:s4], [sflag:$0x2] =	stream.indirect_vreg.gather [hbm4b:s3+s2], $0x80, v4, vm0, $0xb8;
	[tilespmem:$0x18200] =	vst v63  }
0x103: {  	s28 =	simm.s32 $0x15A00  }
0x104: {  	[tilespmem:s28], [sflag:$0x2] =	stream.indirect_vreg.gather [hbm4b:s5+s2], $0x80, v4, vm1, $0xb8;
	[tilespmem:$0x18200] =	vst v63  }
0x105: {  	s4 =	simm.s32 $0x15E00  }
0x106: {  	[tilespmem:s4], [sflag:$0x2] =	stream.indirect_vreg.gather [hbm4b:s3+s2], $0x80, v3, vm0, $0xb8;
	[tilespmem:$0x18200] =	vst v63  }
0x107: {  	s28 =	simm.s32 $0x16600  }
0x108: {  	[tilespmem:s28], [sflag:$0x2] =	stream.indirect_vreg.gather [hbm4b:s5+s2], $0x80, v3, vm1, $0xb8;
	[tilespmem:$0x18200] =	vst v63  }
0x109: {  	v3 =	vld [tilespmem:$0xF0];
	_ =	sdelay $0x4  }
0x10a: {  	v47 =	vshrl.u32 v3, $0x3  }
0x10b: {  	v4 =	vmul.u32 $0x18, v47  }
0x10c: {  	v3 =	vand.u32 $0x7, v3  }
0x10d: {  	v3 =	vor.u32 v3, v4  }
0x10e: {  	v4 =	vperm.xlane v3, v0;
	_ =	sdelay $0x1  }
0x10f: {  	v4 =	vadd.s32 v1, v4;
	_ =	sdelay $0x1  }
0x110: {  	v3 =	vperm.xlane v3, v2;
	_ =	sdelay $0x1  }
0x111: {  	s4 =	simm.s32 $0x16A00;
	v3 =	vadd.s32 v1, v3  }
0x112: {  	[tilespmem:s4], [sflag:$0x2] =	stream.indirect_vreg.gather [hbm4b:s3+s2], $0x80, v4, vm0, $0xb8;
	[tilespmem:$0x18200] =	vst v63  }
0x113: {  	s28 =	simm.s32 $0x17200  }
0x114: {  	[tilespmem:s28], [sflag:$0x2] =	stream.indirect_vreg.gather [hbm4b:s5+s2], $0x80, v4, vm1, $0xb8;
	[tilespmem:$0x18200] =	vst v63  }
0x115: {  	s4 =	simm.s32 $0x17600  }
0x116: {  	[tilespmem:s4], [sflag:$0x2] =	stream.indirect_vreg.gather [hbm4b:s3+s2], $0x80, v3, vm0, $0xb8;
	[tilespmem:$0x18200] =	vst v63  }
0x117: {  	s28 =	simm.s32 $0x17E00  }
0x118: {  	[tilespmem:s28], [sflag:$0x2] =	stream.indirect_vreg.gather [hbm4b:s5+s2], $0x80, v3, vm1, $0xb8;
	[tilespmem:$0x18200] =	vst v63  }
0x119: {  	_ =	swait.ge [sflag:s26], $0xC000  }
0x11a: {  	[sflag:s26] =	ssyncset.done $0x0  }
0x11b: {  	s4 =	simm.s32 $0x200;
	s1 =	rddreg [dreg:$0x7];
	[sflag:s26] =	ssyncadd.s32 $0xFFFF4000  }
0x11c: {  	[hbm4b:s1+s2] =	stream.linear.scatter [tilespmem:s4], [sflag:$0x3], $0xC000, $0x38;
	[tilespmem:$0x18200] =	vst v63  }
0x11d: {  	s1 =	simm.s32 $0x3  }
0x11e: {  	_ =	swait.ge [sflag:s1], $0xC000  }
0x11f: {  	[sflag:s1] =	ssyncset.done $0x0  }
0x120: {  	[sflag:s1] =	ssyncadd.s32 $0xFFFF4000  }
0x121: {  	v3 =	vld [tilespmem:$0x100];
	_ =	sdelay $0x4  }
0x122: {  	v48 =	vshrl.u32 v3, $0x3  }
0x123: {  	v4 =	vmul.u32 $0x18, v48  }
0x124: {  	v3 =	vand.u32 $0x7, v3  }
0x125: {  	v3 =	vor.u32 v3, v4  }
0x126: {  	v4 =	vperm.xlane v3, v0;
	_ =	sdelay $0x1  }
0x127: {  	v4 =	vadd.s32 v1, v4;
	_ =	sdelay $0x1  }
0x128: {  	v3 =	vperm.xlane v3, v2;
	_ =	sdelay $0x1  }
0x129: {  	v3 =	vadd.s32 v1, v3  }
0x12a: {  	[tilespmem:s4], [sflag:$0x1] =	stream.indirect_vreg.gather [hbm4b:s3+s2], $0x80, v4, vm0, $0xb8;
	[tilespmem:$0x18200] =	vst v63  }
0x12b: {  	_ = 	snop  }
0x12c: {  	[tilespmem:s29], [sflag:$0x1] =	stream.indirect_vreg.gather [hbm4b:s5+s2], $0x80, v4, vm1, $0xb8;
	[tilespmem:$0x18200] =	vst v63  }
0x12d: {  	_ = 	snop  }
0x12e: {  	[tilespmem:s30], [sflag:$0x1] =	stream.indirect_vreg.gather [hbm4b:s3+s2], $0x80, v3, vm0, $0xb8;
	[tilespmem:$0x18200] =	vst v63  }
0x12f: {  	_ = 	snop  }
0x130: {  	[tilespmem:s31], [sflag:$0x1] =	stream.indirect_vreg.gather [hbm4b:s5+s2], $0x80, v3, vm1, $0xb8;
	[tilespmem:$0x18200] =	vst v63  }
0x131: {  	v3 =	vld [tilespmem:$0x110];
	_ =	sdelay $0x4  }
0x132: {  	v49 =	vshrl.u32 v3, $0x3  }
0x133: {  	v4 =	vmul.u32 $0x18, v49  }
0x134: {  	v3 =	vand.u32 $0x7, v3  }
0x135: {  	v3 =	vor.u32 v3, v4  }
0x136: {  	v4 =	vperm.xlane v3, v0;
	_ =	sdelay $0x1  }
0x137: {  	v4 =	vadd.s32 v1, v4;
	_ =	sdelay $0x1  }
0x138: {  	v3 =	vperm.xlane v3, v2;
	_ =	sdelay $0x1  }
0x139: {  	s28 =	simm.s32 $0x1A00;
	v3 =	vadd.s32 v1, v3  }
0x13a: {  	[tilespmem:s28], [sflag:$0x1] =	stream.indirect_vreg.gather [hbm4b:s3+s2], $0x80, v4, vm0, $0xb8;
	[tilespmem:$0x18200] =	vst v63  }
0x13b: {  	s28 =	simm.s32 $0x2200  }
0x13c: {  	[tilespmem:s28], [sflag:$0x1] =	stream.indirect_vreg.gather [hbm4b:s5+s2], $0x80, v4, vm1, $0xb8;
	[tilespmem:$0x18200] =	vst v63  }
0x13d: {  	_ = 	snop  }
0x13e: {  	[tilespmem:s9], [sflag:$0x1] =	stream.indirect_vreg.gather [hbm4b:s3+s2], $0x80, v3, vm0, $0xb8;
	[tilespmem:$0x18200] =	vst v63  }
0x13f: {  	_ = 	snop  }
0x140: {  	[tilespmem:s10], [sflag:$0x1] =	stream.indirect_vreg.gather [hbm4b:s5+s2], $0x80, v3, vm1, $0xb8;
	[tilespmem:$0x18200] =	vst v63  }
0x141: {  	v3 =	vld [tilespmem:$0x120];
	_ =	sdelay $0x4  }
0x142: {  	v50 =	vshrl.u32 v3, $0x3  }
0x143: {  	v4 =	vmul.u32 $0x18, v50  }
0x144: {  	v3 =	vand.u32 $0x7, v3  }
0x145: {  	v3 =	vor.u32 v3, v4  }
0x146: {  	v4 =	vperm.xlane v3, v0;
	_ =	sdelay $0x1  }
0x147: {  	v4 =	vadd.s32 v1, v4;
	_ =	sdelay $0x1  }
0x148: {  	v3 =	vperm.xlane v3, v2;
	_ =	sdelay $0x1  }
0x149: {  	v3 =	vadd.s32 v1, v3  }
0x14a: {  	[tilespmem:s11], [sflag:$0x1] =	stream.indirect_vreg.gather [hbm4b:s3+s2], $0x80, v4, vm0, $0xb8;
	[tilespmem:$0x18200] =	vst v63  }
0x14b: {  	_ = 	snop  }
0x14c: {  	[tilespmem:s12], [sflag:$0x1] =	stream.indirect_vreg.gather [hbm4b:s5+s2], $0x80, v4, vm1, $0xb8;
	[tilespmem:$0x18200] =	vst v63  }
0x14d: {  	_ = 	snop  }
0x14e: {  	[tilespmem:s13], [sflag:$0x1] =	stream.indirect_vreg.gather [hbm4b:s3+s2], $0x80, v3, vm0, $0xb8;
	[tilespmem:$0x18200] =	vst v63  }
0x14f: {  	_ = 	snop  }
0x150: {  	[tilespmem:s14], [sflag:$0x1] =	stream.indirect_vreg.gather [hbm4b:s5+s2], $0x80, v3, vm1, $0xb8;
	[tilespmem:$0x18200] =	vst v63  }
0x151: {  	v3 =	vld [tilespmem:$0x130];
	_ =	sdelay $0x4  }
0x152: {  	v51 =	vshrl.u32 v3, $0x3  }
0x153: {  	v4 =	vmul.u32 $0x18, v51  }
0x154: {  	v3 =	vand.u32 $0x7, v3  }
0x155: {  	v3 =	vor.u32 v3, v4  }
0x156: {  	v4 =	vperm.xlane v3, v0;
	_ =	sdelay $0x1  }
0x157: {  	v4 =	vadd.s32 v1, v4;
	_ =	sdelay $0x1  }
0x158: {  	v3 =	vperm.xlane v3, v2;
	_ =	sdelay $0x1  }
0x159: {  	v3 =	vadd.s32 v1, v3  }
0x15a: {  	[tilespmem:s15], [sflag:$0x1] =	stream.indirect_vreg.gather [hbm4b:s3+s2], $0x80, v4, vm0, $0xb8;
	[tilespmem:$0x18200] =	vst v63  }
0x15b: {  	_ = 	snop  }
0x15c: {  	[tilespmem:s17], [sflag:$0x1] =	stream.indirect_vreg.gather [hbm4b:s5+s2], $0x80, v4, vm1, $0xb8;
	[tilespmem:$0x18200] =	vst v63  }
0x15d: {  	_ = 	snop  }
0x15e: {  	[tilespmem:s18], [sflag:$0x1] =	stream.indirect_vreg.gather [hbm4b:s3+s2], $0x80, v3, vm0, $0xb8;
	[tilespmem:$0x18200] =	vst v63  }
0x15f: {  	s28 =	simm.s32 $0x5E00  }
0x160: {  	[tilespmem:s28], [sflag:$0x1] =	stream.indirect_vreg.gather [hbm4b:s5+s2], $0x80, v3, vm1, $0xb8;
	[tilespmem:$0x18200] =	vst v63  }
0x161: {  	v3 =	vld [tilespmem:$0x140];
	_ =	sdelay $0x4  }
0x162: {  	v52 =	vshrl.u32 v3, $0x3  }
0x163: {  	v4 =	vmul.u32 $0x18, v52  }
0x164: {  	v3 =	vand.u32 $0x7, v3  }
0x165: {  	v3 =	vor.u32 v3, v4  }
0x166: {  	v4 =	vperm.xlane v3, v0;
	_ =	sdelay $0x1  }
0x167: {  	v4 =	vadd.s32 v1, v4;
	_ =	sdelay $0x1  }
0x168: {  	v3 =	vperm.xlane v3, v2;
	_ =	sdelay $0x1  }
0x169: {  	v3 =	vadd.s32 v1, v3  }
0x16a: {  	[tilespmem:s19], [sflag:$0x1] =	stream.indirect_vreg.gather [hbm4b:s3+s2], $0x80, v4, vm0, $0xb8;
	[tilespmem:$0x18200] =	vst v63  }
0x16b: {  	_ = 	snop  }
0x16c: {  	[tilespmem:s20], [sflag:$0x1] =	stream.indirect_vreg.gather [hbm4b:s5+s2], $0x80, v4, vm1, $0xb8;
	[tilespmem:$0x18200] =	vst v63  }
0x16d: {  	_ = 	snop  }
0x16e: {  	[tilespmem:s21], [sflag:$0x1] =	stream.indirect_vreg.gather [hbm4b:s3+s2], $0x80, v3, vm0, $0xb8;
	[tilespmem:$0x18200] =	vst v63  }
0x16f: {  	_ = 	snop  }
0x170: {  	[tilespmem:s22], [sflag:$0x1] =	stream.indirect_vreg.gather [hbm4b:s5+s2], $0x80, v3, vm1, $0xb8;
	[tilespmem:$0x18200] =	vst v63  }
0x171: {  	v3 =	vld [tilespmem:$0x150];
	_ =	sdelay $0x4  }
0x172: {  	v53 =	vshrl.u32 v3, $0x3  }
0x173: {  	v4 =	vmul.u32 $0x18, v53  }
0x174: {  	v3 =	vand.u32 $0x7, v3  }
0x175: {  	v3 =	vor.u32 v3, v4  }
0x176: {  	v4 =	vperm.xlane v3, v0;
	_ =	sdelay $0x1  }
0x177: {  	v4 =	vadd.s32 v1, v4;
	_ =	sdelay $0x1  }
0x178: {  	v3 =	vperm.xlane v3, v2;
	_ =	sdelay $0x1  }
0x179: {  	v3 =	vadd.s32 v1, v3  }
0x17a: {  	[tilespmem:s7], [sflag:$0x1] =	stream.indirect_vreg.gather [hbm4b:s3+s2], $0x80, v4, vm0, $0xb8;
	[tilespmem:$0x18200] =	vst v63  }
0x17b: {  	s28 =	simm.s32 $0x8200  }
0x17c: {  	[tilespmem:s28], [sflag:$0x1] =	stream.indirect_vreg.gather [hbm4b:s5+s2], $0x80, v4, vm1, $0xb8;
	[tilespmem:$0x18200] =	vst v63  }
0x17d: {  	_ = 	snop  }
0x17e: {  	[tilespmem:s16], [sflag:$0x1] =	stream.indirect_vreg.gather [hbm4b:s3+s2], $0x80, v3, vm0, $0xb8;
	[tilespmem:$0x18200] =	vst v63  }
0x17f: {  	_ = 	snop  }
0x180: {  	[tilespmem:s23], [sflag:$0x1] =	stream.indirect_vreg.gather [hbm4b:s5+s2], $0x80, v3, vm1, $0xb8;
	[tilespmem:$0x18200] =	vst v63  }
0x181: {  	v3 =	vld [tilespmem:$0x160];
	_ =	sdelay $0x4  }
0x182: {  	v54 =	vshrl.u32 v3, $0x3  }
0x183: {  	v4 =	vmul.u32 $0x18, v54  }
0x184: {  	v3 =	vand.u32 $0x7, v3  }
0x185: {  	v3 =	vor.u32 v3, v4  }
0x186: {  	v4 =	vperm.xlane v3, v0;
	_ =	sdelay $0x1  }
0x187: {  	v4 =	vadd.s32 v1, v4;
	_ =	sdelay $0x1  }
0x188: {  	v3 =	vperm.xlane v3, v2;
	_ =	sdelay $0x1  }
0x189: {  	v3 =	vadd.s32 v1, v3  }
0x18a: {  	[tilespmem:s24], [sflag:$0x1] =	stream.indirect_vreg.gather [hbm4b:s3+s2], $0x80, v4, vm0, $0xb8;
	[tilespmem:$0x18200] =	vst v63  }
0x18b: {  	_ = 	snop  }
0x18c: {  	[tilespmem:s25], [sflag:$0x1] =	stream.indirect_vreg.gather [hbm4b:s5+s2], $0x80, v4, vm1, $0xb8;
	[tilespmem:$0x18200] =	vst v63  }
0x18d: {  	s7 =	simm.s32 $0x9E00  }
0x18e: {  	[tilespmem:s7], [sflag:$0x1] =	stream.indirect_vreg.gather [hbm4b:s3+s2], $0x80, v3, vm0, $0xb8;
	[tilespmem:$0x18200] =	vst v63  }
0x18f: {  	s28 =	simm.s32 $0xA600  }
0x190: {  	[tilespmem:s28], [sflag:$0x1] =	stream.indirect_vreg.gather [hbm4b:s5+s2], $0x80, v3, vm1, $0xb8;
	[tilespmem:$0x18200] =	vst v63  }
0x191: {  	v3 =	vld [tilespmem:$0x170];
	_ =	sdelay $0x4  }
0x192: {  	v55 =	vshrl.u32 v3, $0x3  }
0x193: {  	v4 =	vmul.u32 $0x18, v55  }
0x194: {  	v3 =	vand.u32 $0x7, v3  }
0x195: {  	v3 =	vor.u32 v3, v4  }
0x196: {  	v4 =	vperm.xlane v3, v0;
	_ =	sdelay $0x1  }
0x197: {  	v4 =	vadd.s32 v1, v4;
	_ =	sdelay $0x1  }
0x198: {  	v3 =	vperm.xlane v3, v2;
	_ =	sdelay $0x1  }
0x199: {  	s7 =	simm.s32 $0xAA00;
	v3 =	vadd.s32 v1, v3  }
0x19a: {  	[tilespmem:s7], [sflag:$0x1] =	stream.indirect_vreg.gather [hbm4b:s3+s2], $0x80, v4, vm0, $0xb8;
	[tilespmem:$0x18200] =	vst v63  }
0x19b: {  	s28 =	simm.s32 $0xB200  }
0x19c: {  	[tilespmem:s28], [sflag:$0x1] =	stream.indirect_vreg.gather [hbm4b:s5+s2], $0x80, v4, vm1, $0xb8;
	[tilespmem:$0x18200] =	vst v63  }
0x19d: {  	s7 =	simm.s32 $0xB600  }
0x19e: {  	[tilespmem:s7], [sflag:$0x1] =	stream.indirect_vreg.gather [hbm4b:s3+s2], $0x80, v3, vm0, $0xb8;
	[tilespmem:$0x18200] =	vst v63  }
0x19f: {  	s28 =	simm.s32 $0xBE00;
	s7 =	simm.s32 $0x2  }
0x1a0: {  	[tilespmem:s28], [sflag:$0x1] =	stream.indirect_vreg.gather [hbm4b:s5+s2], $0x80, v3, vm1, $0xb8;
	[tilespmem:$0x18200] =	vst v63  }
0x1a1: {  	_ =	swait.ge [sflag:s7], $0xC000  }
0x1a2: {  	[sflag:s7] =	ssyncset.done $0x0  }
0x1a3: {  	s4 =	rddreg [dreg:$0x4];
	[sflag:s7] =	ssyncadd.s32 $0xFFFF4000  }
0x1a4: {  	[hbm4b:s4+s2] =	stream.linear.scatter [tilespmem:s0], [sflag:$0x4], $0xC000, $0x38;
	[tilespmem:$0x18200] =	vst v63  }
0x1a5: {  	_ =	swait.ge [sflag:s8], $0xC000  }
0x1a6: {  	[sflag:s8] =	ssyncset.done $0x0  }
0x1a7: {  	[sflag:s8] =	ssyncadd.s32 $0xFFFF4000  }
0x1a8: {  	v3 =	vld [tilespmem:$0x180];
	_ =	sdelay $0x4  }
0x1a9: {  	v56 =	vshrl.u32 v3, $0x3  }
0x1aa: {  	v4 =	vmul.u32 $0x18, v56  }
0x1ab: {  	v3 =	vand.u32 $0x7, v3  }
0x1ac: {  	v3 =	vor.u32 v3, v4  }
0x1ad: {  	v4 =	vperm.xlane v3, v0;
	_ =	sdelay $0x1  }
0x1ae: {  	v4 =	vadd.s32 v1, v4;
	_ =	sdelay $0x1  }
0x1af: {  	v3 =	vperm.xlane v3, v2;
	_ =	sdelay $0x1  }
0x1b0: {  	v3 =	vadd.s32 v1, v3  }
0x1b1: {  	[tilespmem:s0], [sflag:$0x2] =	stream.indirect_vreg.gather [hbm4b:s3+s2], $0x80, v4, vm0, $0xb8;
	[tilespmem:$0x18200] =	vst v63  }
0x1b2: {  	s28 =	simm.s32 $0xCA00  }
0x1b3: {  	[tilespmem:s28], [sflag:$0x2] =	stream.indirect_vreg.gather [hbm4b:s5+s2], $0x80, v4, vm1, $0xb8;
	[tilespmem:$0x18200] =	vst v63  }
0x1b4: {  	s28 =	simm.s32 $0xCE00  }
0x1b5: {  	[tilespmem:s28], [sflag:$0x2] =	stream.indirect_vreg.gather [hbm4b:s3+s2], $0x80, v3, vm0, $0xb8;
	[tilespmem:$0x18200] =	vst v63  }
0x1b6: {  	s28 =	simm.s32 $0xD600  }
0x1b7: {  	[tilespmem:s28], [sflag:$0x2] =	stream.indirect_vreg.gather [hbm4b:s5+s2], $0x80, v3, vm1, $0xb8;
	[tilespmem:$0x18200] =	vst v63  }
0x1b8: {  	v3 =	vld [tilespmem:$0x190];
	_ =	sdelay $0x4  }
0x1b9: {  	v57 =	vshrl.u32 v3, $0x3  }
0x1ba: {  	v4 =	vmul.u32 $0x18, v57  }
0x1bb: {  	v3 =	vand.u32 $0x7, v3  }
0x1bc: {  	v3 =	vor.u32 v3, v4  }
0x1bd: {  	v4 =	vperm.xlane v3, v0;
	_ =	sdelay $0x1  }
0x1be: {  	v4 =	vadd.s32 v1, v4;
	_ =	sdelay $0x1  }
0x1bf: {  	v3 =	vperm.xlane v3, v2;
	_ =	sdelay $0x1  }
0x1c0: {  	s28 =	simm.s32 $0xDA00;
	v3 =	vadd.s32 v1, v3  }
0x1c1: {  	[tilespmem:s28], [sflag:$0x2] =	stream.indirect_vreg.gather [hbm4b:s3+s2], $0x80, v4, vm0, $0xb8;
	[tilespmem:$0x18200] =	vst v63  }
0x1c2: {  	s28 =	simm.s32 $0xE200  }
0x1c3: {  	[tilespmem:s28], [sflag:$0x2] =	stream.indirect_vreg.gather [hbm4b:s5+s2], $0x80, v4, vm1, $0xb8;
	[tilespmem:$0x18200] =	vst v63  }
0x1c4: {  	s28 =	simm.s32 $0xE600  }
0x1c5: {  	[tilespmem:s28], [sflag:$0x2] =	stream.indirect_vreg.gather [hbm4b:s3+s2], $0x80, v3, vm0, $0xb8;
	[tilespmem:$0x18200] =	vst v63  }
0x1c6: {  	s28 =	simm.s32 $0xEE00  }
0x1c7: {  	[tilespmem:s28], [sflag:$0x2] =	stream.indirect_vreg.gather [hbm4b:s5+s2], $0x80, v3, vm1, $0xb8;
	[tilespmem:$0x18200] =	vst v63  }
0x1c8: {  	v3 =	vld [tilespmem:$0x1A0];
	_ =	sdelay $0x4  }
0x1c9: {  	v58 =	vshrl.u32 v3, $0x3  }
0x1ca: {  	v4 =	vmul.u32 $0x18, v58  }
0x1cb: {  	v3 =	vand.u32 $0x7, v3  }
0x1cc: {  	v3 =	vor.u32 v3, v4  }
0x1cd: {  	v4 =	vperm.xlane v3, v0;
	_ =	sdelay $0x1  }
0x1ce: {  	v4 =	vadd.s32 v1, v4;
	_ =	sdelay $0x1  }
0x1cf: {  	v3 =	vperm.xlane v3, v2;
	_ =	sdelay $0x1  }
0x1d0: {  	s28 =	simm.s32 $0xF200;
	v3 =	vadd.s32 v1, v3  }
0x1d1: {  	[tilespmem:s28], [sflag:$0x2] =	stream.indirect_vreg.gather [hbm4b:s3+s2], $0x80, v4, vm0, $0xb8;
	[tilespmem:$0x18200] =	vst v63  }
0x1d2: {  	s28 =	simm.s32 $0xFA00  }
0x1d3: {  	[tilespmem:s28], [sflag:$0x2] =	stream.indirect_vreg.gather [hbm4b:s5+s2], $0x80, v4, vm1, $0xb8;
	[tilespmem:$0x18200] =	vst v63  }
0x1d4: {  	s28 =	simm.s32 $0xFE00  }
0x1d5: {  	[tilespmem:s28], [sflag:$0x2] =	stream.indirect_vreg.gather [hbm4b:s3+s2], $0x80, v3, vm0, $0xb8;
	[tilespmem:$0x18200] =	vst v63  }
0x1d6: {  	s28 =	simm.s32 $0x10600  }
0x1d7: {  	[tilespmem:s28], [sflag:$0x2] =	stream.indirect_vreg.gather [hbm4b:s5+s2], $0x80, v3, vm1, $0xb8;
	[tilespmem:$0x18200] =	vst v63  }
0x1d8: {  	v3 =	vld [tilespmem:$0x1B0];
	_ =	sdelay $0x4  }
0x1d9: {  	v59 =	vshrl.u32 v3, $0x3  }
0x1da: {  	v4 =	vmul.u32 $0x18, v59  }
0x1db: {  	v3 =	vand.u32 $0x7, v3  }
0x1dc: {  	v3 =	vor.u32 v3, v4  }
0x1dd: {  	v4 =	vperm.xlane v3, v0;
	_ =	sdelay $0x1  }
0x1de: {  	v4 =	vadd.s32 v1, v4;
	_ =	sdelay $0x1  }
0x1df: {  	v3 =	vperm.xlane v3, v2;
	_ =	sdelay $0x1  }
0x1e0: {  	s28 =	simm.s32 $0x10A00;
	v3 =	vadd.s32 v1, v3  }
0x1e1: {  	[tilespmem:s28], [sflag:$0x2] =	stream.indirect_vreg.gather [hbm4b:s3+s2], $0x80, v4, vm0, $0xb8;
	[tilespmem:$0x18200] =	vst v63  }
0x1e2: {  	s28 =	simm.s32 $0x11200  }
0x1e3: {  	[tilespmem:s28], [sflag:$0x2] =	stream.indirect_vreg.gather [hbm4b:s5+s2], $0x80, v4, vm1, $0xb8;
	[tilespmem:$0x18200] =	vst v63  }
0x1e4: {  	s28 =	simm.s32 $0x11600  }
0x1e5: {  	[tilespmem:s28], [sflag:$0x2] =	stream.indirect_vreg.gather [hbm4b:s3+s2], $0x80, v3, vm0, $0xb8;
	[tilespmem:$0x18200] =	vst v63  }
0x1e6: {  	s28 =	simm.s32 $0x11E00  }
0x1e7: {  	[tilespmem:s28], [sflag:$0x2] =	stream.indirect_vreg.gather [hbm4b:s5+s2], $0x80, v3, vm1, $0xb8;
	[tilespmem:$0x18200] =	vst v63  }
0x1e8: {  	v3 =	vld [tilespmem:$0x1C0];
	_ =	sdelay $0x4  }
0x1e9: {  	v60 =	vshrl.u32 v3, $0x3  }
0x1ea: {  	v4 =	vmul.u32 $0x18, v60  }
0x1eb: {  	v3 =	vand.u32 $0x7, v3  }
0x1ec: {  	v3 =	vor.u32 v3, v4  }
0x1ed: {  	v4 =	vperm.xlane v3, v0;
	_ =	sdelay $0x1  }
0x1ee: {  	v4 =	vadd.s32 v1, v4;
	_ =	sdelay $0x1  }
0x1ef: {  	v3 =	vperm.xlane v3, v2;
	_ =	sdelay $0x1  }
0x1f0: {  	s28 =	simm.s32 $0x12200;
	v3 =	vadd.s32 v1, v3  }
0x1f1: {  	[tilespmem:s28], [sflag:$0x2] =	stream.indirect_vreg.gather [hbm4b:s3+s2], $0x80, v4, vm0, $0xb8;
	[tilespmem:$0x18200] =	vst v63  }
0x1f2: {  	s28 =	simm.s32 $0x12A00  }
0x1f3: {  	[tilespmem:s28], [sflag:$0x2] =	stream.indirect_vreg.gather [hbm4b:s5+s2], $0x80, v4, vm1, $0xb8;
	[tilespmem:$0x18200] =	vst v63  }
0x1f4: {  	s28 =	simm.s32 $0x12E00  }
0x1f5: {  	[tilespmem:s28], [sflag:$0x2] =	stream.indirect_vreg.gather [hbm4b:s3+s2], $0x80, v3, vm0, $0xb8;
	[tilespmem:$0x18200] =	vst v63  }
0x1f6: {  	s28 =	simm.s32 $0x13600  }
0x1f7: {  	[tilespmem:s28], [sflag:$0x2] =	stream.indirect_vreg.gather [hbm4b:s5+s2], $0x80, v3, vm1, $0xb8;
	[tilespmem:$0x18200] =	vst v63  }
0x1f8: {  	v3 =	vld [tilespmem:$0x1D0];
	_ =	sdelay $0x4  }
0x1f9: {  	v61 =	vshrl.u32 v3, $0x3  }
0x1fa: {  	v4 =	vmul.u32 $0x18, v61  }
0x1fb: {  	v3 =	vand.u32 $0x7, v3  }
0x1fc: {  	v3 =	vor.u32 v3, v4  }
0x1fd: {  	v4 =	vperm.xlane v3, v0;
	_ =	sdelay $0x1  }
0x1fe: {  	v4 =	vadd.s32 v1, v4;
	_ =	sdelay $0x1  }
0x1ff: {  	v3 =	vperm.xlane v3, v2;
	_ =	sdelay $0x1  }
0x200: {  	s28 =	simm.s32 $0x13A00;
	v3 =	vadd.s32 v1, v3  }
0x201: {  	[tilespmem:s28], [sflag:$0x2] =	stream.indirect_vreg.gather [hbm4b:s3+s2], $0x80, v4, vm0, $0xb8;
	[tilespmem:$0x18200] =	vst v63  }
0x202: {  	s28 =	simm.s32 $0x14200  }
0x203: {  	[tilespmem:s28], [sflag:$0x2] =	stream.indirect_vreg.gather [hbm4b:s5+s2], $0x80, v4, vm1, $0xb8;
	[tilespmem:$0x18200] =	vst v63  }
0x204: {  	s28 =	simm.s32 $0x14600  }
0x205: {  	[tilespmem:s28], [sflag:$0x2] =	stream.indirect_vreg.gather [hbm4b:s3+s2], $0x80, v3, vm0, $0xb8;
	[tilespmem:$0x18200] =	vst v63  }
0x206: {  	s28 =	simm.s32 $0x14E00  }
0x207: {  	[tilespmem:s28], [sflag:$0x2] =	stream.indirect_vreg.gather [hbm4b:s5+s2], $0x80, v3, vm1, $0xb8;
	[tilespmem:$0x18200] =	vst v63  }
0x208: {  	v3 =	vld [tilespmem:$0x1E0];
	_ =	sdelay $0x4  }
0x209: {  	v62 =	vshrl.u32 v3, $0x3  }
0x20a: {  	v4 =	vmul.u32 $0x18, v62  }
0x20b: {  	v3 =	vand.u32 $0x7, v3  }
0x20c: {  	v3 =	vor.u32 v3, v4  }
0x20d: {  	v4 =	vperm.xlane v3, v0;
	_ =	sdelay $0x1  }
0x20e: {  	v4 =	vadd.s32 v1, v4;
	_ =	sdelay $0x1  }
0x20f: {  	v3 =	vperm.xlane v3, v2;
	_ =	sdelay $0x1  }
0x210: {  	s28 =	simm.s32 $0x15200;
	v3 =	vadd.s32 v1, v3  }
0x211: {  	[tilespmem:s28], [sflag:$0x2] =	stream.indirect_vreg.gather [hbm4b:s3+s2], $0x80, v4, vm0, $0xb8;
	[tilespmem:$0x18200] =	vst v63  }
0x212: {  	s28 =	simm.s32 $0x15A00  }
0x213: {  	[tilespmem:s28], [sflag:$0x2] =	stream.indirect_vreg.gather [hbm4b:s5+s2], $0x80, v4, vm1, $0xb8;
	[tilespmem:$0x18200] =	vst v63  }
0x214: {  	s28 =	simm.s32 $0x15E00  }
0x215: {  	[tilespmem:s28], [sflag:$0x2] =	stream.indirect_vreg.gather [hbm4b:s3+s2], $0x80, v3, vm0, $0xb8;
	[tilespmem:$0x18200] =	vst v63  }
0x216: {  	s28 =	simm.s32 $0x16600  }
0x217: {  	[tilespmem:s28], [sflag:$0x2] =	stream.indirect_vreg.gather [hbm4b:s5+s2], $0x80, v3, vm1, $0xb8;
	[tilespmem:$0x18200] =	vst v63  }
0x218: {  	v3 =	vld [tilespmem:$0x1F0];
	_ =	sdelay $0x4  }
0x219: {  	v63 =	vshrl.u32 v3, $0x3  }
0x21a: {  	v4 =	vmul.u32 $0x18, v63  }
0x21b: {  	v3 =	vand.u32 $0x7, v3  }
0x21c: {  	v3 =	vor.u32 v3, v4  }
0x21d: {  	v4 =	vperm.xlane v3, v0;
	_ =	sdelay $0x1  }
0x21e: {  	v4 =	vadd.s32 v1, v4;
	_ =	sdelay $0x1  }
0x21f: {  	v3 =	vperm.xlane v3, v2;
	_ =	sdelay $0x1  }
0x220: {  	s28 =	simm.s32 $0x16A00;
	v3 =	vadd.s32 v1, v3  }
0x221: {  	[tilespmem:s28], [sflag:$0x2] =	stream.indirect_vreg.gather [hbm4b:s3+s2], $0x80, v4, vm0, $0xb8;
	[tilespmem:$0x18200] =	vst v63  }
0x222: {  	s28 =	simm.s32 $0x17200  }
0x223: {  	[tilespmem:s28], [sflag:$0x2] =	stream.indirect_vreg.gather [hbm4b:s5+s2], $0x80, v4, vm1, $0xb8;
	[tilespmem:$0x18200] =	vst v63  }
0x224: {  	s28 =	simm.s32 $0x17600  }
0x225: {  	[tilespmem:s28], [sflag:$0x2] =	stream.indirect_vreg.gather [hbm4b:s3+s2], $0x80, v3, vm0, $0xb8;
	[tilespmem:$0x18200] =	vst v63  }
0x226: {  	s28 =	simm.s32 $0x17E00  }
0x227: {  	[tilespmem:s28], [sflag:$0x2] =	stream.indirect_vreg.gather [hbm4b:s5+s2], $0x80, v3, vm1, $0xb8;
	[tilespmem:$0x18200] =	vst v63  }
0x228: {  	_ =	swait.ge [sflag:s26], $0xC000  }
0x229: {  	[sflag:s26] =	ssyncset.done $0x0  }
0x22a: {  	s4 =	simm.s32 $0x200;
	s28 =	rddreg [dreg:$0x5];
	[sflag:s26] =	ssyncadd.s32 $0xFFFF4000  }
0x22b: {  	[hbm4b:s28+s2] =	stream.linear.scatter [tilespmem:s4], [sflag:$0x3], $0xC000, $0x38;
	[tilespmem:$0x18200] =	vst v63  }
0x22c: {  	_ =	swait.ge [sflag:s7], $0xC000  }
0x22d: {  	[sflag:s7] =	ssyncset.done $0x0  }
0x22e: {  	s4 =	rddreg [dreg:$0x6];
	[sflag:s7] =	ssyncadd.s32 $0xFFFF4000  }
0x22f: {  	[hbm4b:s4+s2] =	stream.linear.scatter [tilespmem:s0], [sflag:$0x4], $0xC000, $0x38;
	[tilespmem:$0x18200] =	vst v63  }
0x230: {  	p0 =	sne.s32 s6, $0x1;
	_ =	swait.ge [sflag:s1], $0xC000  }
.Ltmp0:
0x231: {  	[sflag:s1] =	ssyncset.done $0x0;
	(pc) =	sbr.rel @p0 .LBB2_1-.Ltmp0, $4  }
0x232: {  	[sflag:s1] =	ssyncadd.s32 $0xFFFF4000  }
0x233: {  	_ =	swait.ge [sflag:s8], $0xC000  }
0x234: {  	[sflag:s8] =	ssyncset.done $0x0  }
0x235: {  	s6 =	sadd.s32 $0xFFFFFFFF, s6;
	[sflag:s8] =	ssyncadd.s32 $0xFFFF4000  }
0x236: {  	_ =	sfence.sel $0x180000  }
0x237: {  	[bflag:$0x0] =	sbarrier.arrive $0xFFFF  }
0x238: {  	_ =	strace $0x90000047  }
0x239: {  	s0 =	stileid.u32;
	[bflag:$0x2] =	sbarrier.arrive $0xFFFF  }
0x23a: {  	p0 =	sne.s32 s0, $0x0;
	s0 =	rddreg [dreg:$0x2]  }
0x23b: {  	s0 =	sadd.s32 @!p0 $0x100000, s0  }
0x23c: {  	[sflag:s0] =	ssyncadd.tile.s32 @!p0 $0x1;
	_ =	shalt  }
.Lfunc_end2:
_tile_overlayer_lowered:
.L_overlay_start_2:
0x23d: {  	(tag) =	ssettag $0x2  }
0x23e: {  	s0 =	rddreg [dreg:$0x0];
	s2 =	stileid.u32  }
0x23f: {  	s1 =	rddreg [dreg:$0x1];
	p0 =	sne.s32 s2, $0x0  }
0x240: {  	s3 =	rddreg [dreg:$0x2];
	[bflag:$0x3] =	sbarrier.arrive $0xFFFF;
	s2 =	simm.s32 @!p0 $0x1C05  }
0x241: {  	[timem:s3], [sflag:s2] =	dma.local @!p0 [hbm:s0], s1  }
0x242: {  	s0 =	simm.s32 @!p0 $0x5  }
0x243: {  	_ =	swait.ge @!p0 [sflag:s0], s1  }
0x244: {  	s1 =	ssub.s32 @!p0 $0x0, s1;
	[sflag:s0] =	ssyncset.done @!p0 $0x0  }
0x245: {  	[sflag:s0] =	ssyncadd.s32 @!p0 s1  }
0x246: {  	[bflag:$0x3] =	sbarrier.arrive $0xFFFF  }
0x247: {  	_ =	shalt  }

// kernel: kernel.9.cloned.1.call-start
scs
__scs_entry_jumppad:
0x0: {  	(pc) =	sbr.rel $0x88, $3  }
0x1: {  	(tag) =	ssettag $0x0;
	lr =	simm.s32 $0x1  }
0x2: {  	[smem:$0x3F95] =	sst lr;
	_ =	strace $0xD0000000  }
0x3: {  	_ = 	snop  }
0x4: {  	_ = 	snop  }
0x5: {  	_ = 	snop  }
0x6: {  	_ = 	snop  }
0x7: {  	_ = 	snop  }
__scs_overlays_trampoline_lowered:
0x8: {  	[smem:$0x3FA4] =	sst s0  }
0x9: {  	[smem:$0x3FA5] =	sst s1  }
0xa: {  	[smem:$0x3FA6] =	sst s2  }
0xb: {  	[smem:$0x3FA7] =	sst s3  }
0xc: {  	[smem:$0x3FA8] =	sst s4  }
0xd: {  	[smem:$0x3FA9] =	sst s5  }
0xe: {  	[smem:$0x3FAA] =	sst s6  }
0xf: {  	[smem:$0x3FAB] =	sst s7  }
0x10: {  	[smem:$0x3FAC] =	sst s8  }
0x11: {  	[smem:$0x3FAD] =	sst s9;
	s0 =	simm.s32 @!p0 $0x0  }
0x12: {  	s1 =	sld [smem:$0x3F93];
	s0 =	simm.s32 @p0 $0x1  }
0x13: {  	[smem:$0x3FAE] =	sst s0;
	s0 =	simm.s32 @!p1 $0x0  }
0x14: {  	s2 =	sld [smem:$0x3F92];
	s0 =	simm.s32 @p1 $0x1  }
0x15: {  	[smem:$0x3FAF] =	sst s0;
	s0 =	simm.s32 @!p2 $0x0  }
0x16: {  	s3 =	sld [smem:$0x3FDB];
	s0 =	simm.s32 @p2 $0x1  }
0x17: {  	s4 =	simm.s32 $0x1BF5;
	[smem:$0x3FB1] =	sst s0  }
0x18: {  	s0 =	sld [smem:$0x3F94];
	_ =	swait.ge [sflag:s4], $0x0  }
0x19: {  	s7 =	sld [smem:$0x3F95]  }
0x1a: {  	s8 =	sadd.s32 $0xFFFFE003, lr  }
0x1b: {  	s9 =	sadd.s32 $0xFFFFFEF7, lr;
	s5 =	simm.s32 $0xFFFFFFFF;
	p2 =	slt.u32 s8, $0xFFFFF086  }
0x1c: {  	p1 =	slt.u32 s9, $0xF7A;
	s5 =	simm.s32 @!p2 $0x0  }
0x1d: {  	s5 =	simm.s32 @p1 $0x1;
	p0 =	seq.s32 s7, s2  }
0x1e: {  	s7 =	smul.u32 @!p0 $0xF7A, s2;
	p2 =	seq.s32 @!p0 s5, $0x0  }
0x1f: {  	s9 =	smul.u32 $0xF7A, s1;
	s8 =	simm.s32 @!p0 $0x1BF5;
	p2 =	por !p2, p0  }
0x20: {  	[sflag:s8] =	ssyncset.s32 @!p0 $0xFFFFF086;
	s6 =	sadd.s32 @!p0 s3, s7;
	s7 =	simm.s32 @!p0 $0x108  }
0x21: {  	s3 =	sadd.s32 s3, s9;
	s6 =	sadd.s32 @!p0 $0x88, s6;
	s7 =	simm.s32 @p2 $0x1082  }
0x22: {  	[simem:s7], [sflag:s8] =	dma.local @!p0 [hbm:s6], $0xF7A  }
0x23: {  	s9 =	sor.u32 $0xD0000000, s2;
	s6 =	simm.s32 $0x108;
	_ =	swait.ge @!p0 [sflag:s8], $0x0  }
0x24: {  	s3 =	sadd.s32 $0x88, s3;
	s6 =	simm.s32 @!p1 $0x1082;
	[sflag:s4] =	ssyncset.s32 $0xFFFFF086  }
0x25: {  	[simem:s6], [sflag:s4] =	dma.local [hbm:s3], $0xF7A  }
0x26: {  	[smem:$0x3F95] =	sst s1;
	(tag) =	ssettag s2;
	_ =	strace s9  }
0x27: {  	s1 =	sld [smem:$0x3FA5]  }
0x28: {  	s2 =	sld [smem:$0x3FA6]  }
0x29: {  	s4 =	sld [smem:$0x3FA8]  }
0x2a: {  	p0 =	seq.s32 s5, $0x0;
	s5 =	sld [smem:$0x3FA9]  }
0x2b: {  	s6 =	sld [smem:$0x3FAA]  }
0x2c: {  	s7 =	sld [smem:$0x3FAB]  }
0x2d: {  	s3 =	simm.s32 $0x108;
	s8 =	sld [smem:$0x3FAC]  }
0x2e: {  	s3 =	simm.s32 @!p0 $0x1082;
	s9 =	sld [smem:$0x3FAD]  }
0x2f: {  	lr =	sadd.s32 s0, s3;
	s0 =	sld [smem:$0x3FA4]  }
0x30: {  	s3 =	sld [smem:$0x3FA7]  }
0x31: {  	[smem:$0x3FB0] =	sst s10  }
0x32: {  	s10 =	sld [smem:$0x3FAE];
	_ =	sdelay $0x3  }
0x33: {  	p0 =	seq.s32 s10, $0x1;
	s10 =	sld [smem:$0x3FB0];
	_ =	sdelay $0x3  }
0x34: {  	[smem:$0x3FB0] =	sst s10  }
0x35: {  	s10 =	sld [smem:$0x3FAF];
	_ =	sdelay $0x3  }
0x36: {  	p1 =	seq.s32 s10, $0x1;
	s10 =	sld [smem:$0x3FB0];
	_ =	sdelay $0x3  }
0x37: {  	[smem:$0x3FB0] =	sst s10  }
0x38: {  	s10 =	sld [smem:$0x3FB1]  }
0x39: {  	_ = 	snop;
	(pc) =	sbr.ind lr, $3  }
0x3a: {  	_ = 	snop  }
0x3b: {  	_ = 	snop  }
0x3c: {  	p2 =	seq.s32 s10, $0x1;
	s10 =	sld [smem:$0x3FB0]  }
0x3d: {  	_ =	shalt  }
0x3e: {  	_ =	shalt  }
0x3f: {  	_ =	shalt  }
0x40: {  	_ =	shalt  }
0x41: {  	_ =	shalt  }
0x42: {  	_ =	shalt  }
0x43: {  	_ =	shalt  }
0x44: {  	_ =	shalt  }
0x45: {  	_ =	shalt  }
0x46: {  	_ =	shalt  }
0x47: {  	_ =	shalt  }
0x48: {  	_ =	shalt  }
0x49: {  	_ =	shalt  }
0x4a: {  	_ =	shalt  }
0x4b: {  	_ =	shalt  }
0x4c: {  	_ =	shalt  }
0x4d: {  	_ =	shalt  }
0x4e: {  	_ =	shalt  }
0x4f: {  	_ =	shalt  }
0x50: {  	_ =	shalt  }
0x51: {  	_ =	shalt  }
0x52: {  	_ =	shalt  }
0x53: {  	_ =	shalt  }
0x54: {  	_ =	shalt  }
0x55: {  	_ =	shalt  }
0x56: {  	_ =	shalt  }
0x57: {  	_ =	shalt  }
0x58: {  	_ =	shalt  }
0x59: {  	_ =	shalt  }
0x5a: {  	_ =	shalt  }
0x5b: {  	_ =	shalt  }
0x5c: {  	_ =	shalt  }
0x5d: {  	_ =	shalt  }
0x5e: {  	_ =	shalt  }
0x5f: {  	_ =	shalt  }
0x60: {  	_ =	shalt  }
0x61: {  	_ =	shalt  }
0x62: {  	_ =	shalt  }
0x63: {  	_ =	shalt  }
0x64: {  	_ =	shalt  }
0x65: {  	_ =	shalt  }
0x66: {  	_ =	shalt  }
0x67: {  	_ =	shalt  }
0x68: {  	_ =	shalt  }
0x69: {  	_ =	shalt  }
0x6a: {  	_ =	shalt  }
0x6b: {  	_ =	shalt  }
0x6c: {  	_ =	shalt  }
0x6d: {  	_ =	shalt  }
0x6e: {  	_ =	shalt  }
0x6f: {  	_ =	shalt  }
0x70: {  	_ =	shalt  }
0x71: {  	_ =	shalt  }
0x72: {  	_ =	shalt  }
0x73: {  	_ =	shalt  }
0x74: {  	_ =	shalt  }
0x75: {  	_ =	shalt  }
0x76: {  	_ =	shalt  }
0x77: {  	_ =	shalt  }
0x78: {  	_ =	shalt  }
0x79: {  	_ =	shalt  }
0x7a: {  	_ =	shalt  }
0x7b: {  	_ =	shalt  }
0x7c: {  	_ =	shalt  }
0x7d: {  	_ =	shalt  }
0x7e: {  	_ =	shalt  }
0x7f: {  	_ =	shalt  }
0x80: {  	_ =	shalt  }
0x81: {  	_ =	shalt  }
0x82: {  	_ =	shalt  }
0x83: {  	_ =	shalt  }
0x84: {  	_ =	shalt  }
0x85: {  	_ =	shalt  }
0x86: {  	_ =	shalt  }
0x87: {  	_ =	shalt  }
.Lfunc_end0:
.L_simem_size_0:
called_computation.1_lowered:
.L_overlay_start_0:
0x88: {  	s2 =	sld [smem:$0x3FD9]  }
0x89: {  	s3 =	sld [smem:$0x3FFE];
	_ =	sdelay $0x1  }
0x8a: {  	s1 =	srdreg.scid  }
0x8b: {  	s0 =	sand.u32 $0x1, s1  }
0x8c: {  	s17 =	sshll.u32 s0, $0xA;
	s2 =	sadd.s32 s3, s2  }
0x8d: {  	s2 =	sadd.s32 s2, s17  }
0x8e: {  	[smem:$0x3FBC] =	sst s2  }
0x8f: {  	_ = 	snop  }
0x90: {  	s2 =	sld [smem:$0x3FC6]  }
0x91: {  	s18 =	sld [smem:$0x3FD0];
	(tm) =	ssettm $0x1  }
0x92: {  	s4 =	sld [smem:$0x3FFB];
	_ =	sdelay $0x3  }
0x93: {  	_ =	strace s4  }
0x94: {  	s4 =	sld [smem:$0x3FFC];
	_ =	sdelay $0x3  }
0x95: {  	_ =	strace s4  }
0x96: {  	s4 =	sld [smem:$0x3FFD];
	_ =	sdelay $0x3  }
0x97: {  	_ =	strace s4  }
0x98: {  	_ =	strace $0x8FFFFFFF  }
0x99: {  	s19 =	sld [smem:$0x3FDB];
	_ =	sdelay $0x1  }
0x9a: {  	s5 =	simm.s32 $_scs_section_size  }
0x9b: {  	s6 =	simm.s32 $_size__tile_overlayer_lowered;
	s7 =	simm.s32 $_tile_overlayer_lowered  }
0x9c: {  	s22 =	simm.s32 $0x1BFF;
	s21 =	sshll.u32 s7, $0x1;
	s4 =	sadd.s32 s5, s19  }
0x9d: {  	s8 =	simm.s32 $0x0;
	s20 =	sshll.u32 s6, $0x1;
	s6 =	sadd.s32 s21, s4  }
0x9e: {  	[timem:s8], [sflag:s22] =	dma.local [hbm:s6], s20  }
0x9f: {  	_ =	swait.ge [sflag:s22], s20  }
0xa0: {  	s5 =	ssub.s32 $0x0, s20;
	[sflag:s22] =	ssyncset.done $0x0  }
0xa1: {  	[sflag:s22] =	ssyncadd.s32 s5;
	_ =	sdelay $0x1  }
0xa2: {  	s23 =	simm.s32 $0x1B8B  }
0xa3: {  	_ =	swait.ge [sflag:s23], $0x1  }
0xa4: {  	[sflag:s23] =	ssyncset.done $0x0  }
0xa5: {  	s25 =	simm.s32 $0x1B8E;
	s24 =	sld [smem:$0x3FFE];
	[sflag:s23] =	ssyncadd.s32 $0xFFFFFFFF  }
0xa6: {  	s26 =	simm.s32 $execute0_lowered;
	[smem:$0x3FD2] =	sst s25  }
0xa7: {  	s6 =	sshll.u32 s26, $0x1;
	_ =	strace $0x80000049;
	[dreg:$0x1] =	wrdreg $0xFFFFFFFF  }
0xa8: {  	s28 =	simm.s32 $_size_execute0_lowered;
	s4 =	sadd.s32 s4, s6;
	[dreg:$0x0] =	wrdreg $0x0  }
0xa9: {  	s6 =	sshll.u32 s28, $0x1;
	[dreg:$0x2] =	wrdreg s4  }
0xaa: {  	[dreg:$0x3] =	wrdreg s6  }
0xab: {  	[dreg:$0x4] =	wrdreg $0xC0  }
0xac: {  	_ =	task [dreg:s8], $0x5FFFF  }
0xad: {  	[dreg:$0x1] =	wrdreg $0xFFFFFFFF  }
0xae: {  	[dreg:$0x0] =	wrdreg $0x60  }
0xaf: {  	[dreg:$0x2] =	wrdreg s24  }
0xb0: {  	[dreg:$0x3] =	wrdreg s2  }
0xb1: {  	[dreg:$0x4] =	wrdreg s18  }
0xb2: {  	[dreg:$0x5] =	wrdreg $0x10800  }
0xb3: {  	[dreg:$0x6] =	wrdreg $0x9  }
0xb4: {  	_ =	task.clear_ibuf [dreg:s8], $0x7FFFF;
	_ =	strace $0x90000049  }
0xb5: {  	s29 =	simm.s32 $0x9;
	_ =	strace $0x8000004B  }
0xb6: {  	_ =	swait.ge [sflag:s29], $0x1  }
0xb7: {  	[sflag:s29] =	ssyncadd.s32 $0xFFFFFFFF  }
0xb8: {  	_ =	strace $0x9000004B  }
0xb9: {  	_ =	sfence  }
0xba: {  	s30 =	sld [smem:$0x0];
	_ =	sdelay $0x2  }
0xbb: {  	s31 =	sshll.u32 s1, $0xD;
	s1 =	sshrl.u32 s1, $0x2  }
0xbc: {  	s3 =	sand.u32 $0x4000, s31;
	s1 =	sadd.s32 s1, s30  }
0xbd: {  	s0 =	sor.u32 s3, s0;
	s1 =	sshll.u32 s1, $0x11  }
0xbe: {  	s0 =	sor.u32 s1, s0  }
0xbf: {  	s0 =	sadd.s32 $0x8F2B, s0  }
0xc0: {  	[sflag:s0] =	ssyncadd.remote.s32 $0x1  }
0xc1: {  	_ =	sfence.sel $0xFFFF  }
0xc2: {  	[dreg:$0x0] =	wrdreg $0xFFFFFFFF;
	(pc) =	sbr.abs _section_cstart, $3  }
0xc3: {  	[dreg:$0x1] =	wrdreg $0xFFFFFFFF  }
0xc4: {  	_ =	task.clear_ibuf [dreg:s8], $0x2FFFF;
	_ =	strace $0x9FFFFFFF  }
0xc5: {  	(tm) =	ssettm $0x7FFFFFFF  }
tec
execute0_lowered:
.L_overlay_start_1:
0x0: {  	(tag) =	ssettag $0x1  }
0x1: {  	s5 =	rddreg [dreg:$0x0]  }
0x2: {  	s7 =	rddreg [dreg:$0x1]  }
0x3: {  	s8 =	rddreg [dreg:$0x2]  }
0x4: {  	s1 =	rddreg [dreg:$0x3]  }
0x5: {  	s0 =	rddreg [dreg:$0x4]  }
0x6: {  	s3 =	simm.s32 $0x0;
	s4 =	srdreg.scid;
	s2 =	stileid.u32  }
0x7: {  	s14 =	simm.s32 $0x1000;
	s15 =	simm.s32 $0x80;
	s16 =	simm.s32 $0x480  }
0x8: {  	s17 =	simm.s32 $0x500;
	s18 =	simm.s32 $0x100;
	s19 =	simm.s32 $0x580  }
0x9: {  	s20 =	simm.s32 $0x180;
	s21 =	simm.s32 $0x600;
	s22 =	simm.s32 $0x200  }
0xa: {  	s23 =	simm.s32 $0x680;
	s24 =	simm.s32 $0x280;
	s25 =	simm.s32 $0x700  }
0xb: {  	s26 =	simm.s32 $0x300;
	s28 =	simm.s32 $0x780;
	s29 =	simm.s32 $0x380  }
0xc: {  	s30 =	simm.s32 $0x800;
	[smem:$0x7FF] =	sst s3;
	s12 =	sand.u32 $0x1, s4  }
0xd: {  	s9 =	sshll.u32 s2, $0x7;
	s4 =	sadd.s32 $0x2600, s5;
	_ =	strace $0x8000004A  }
0xe: {  	s6 =	ssub.s32 $0x2, s12;
	s10 =	sadd.s32 s9, s5;
	s5 =	sadd.s32 $0x3000, s5  }
.Ltmp0:
0xf: {  	s13 =	sor.u32 s2, s12;
	s7 =	sadd.s32 s7, s9;
	(pc) =	sbr.rel .LBB2_1-.Ltmp0, $4  }
0x10: {  	s8 =	sadd.s32 s8, s9;
	p1 =	seq.s32 s12, $0x0;
	s12 =	simm.s32 $0x1  }
0x11: {  	s11 =	sshrl.u32 s6, $0x1;
	p0 =	sne.s32 s13, $0x0;
	s13 =	simm.s32 $0x400  }
0x12: {  	s11 =	ssub.s32 s6, s11;
	s6 =	sadd.s32 $0x2800, s10;
	s10 =	sshll.u32 @!p0 s2, $0x6  }
0x13: {  	s9 =	smax.u32 s11, $0x1;
	s10 =	sor.u32 @!p0 $0x1C01, s10;
	s11 =	sshrl.u32 @!p0 s1, $0x3  }
.LBB2_3:
0x14: {  	[tilespmem:s3], [sflag:$0x1] =	stream.linear.gather [hbm4b:s6+s3], $0x400, $0x38;
	[tilespmem:$0x1100] =	vst v63  }
0x15: {  	_ =	swait.ge [sflag:s12], $0x400  }
0x16: {  	[sflag:s12] =	ssyncset.done $0x0  }
0x17: {  	[sflag:s12] =	ssyncadd.s32 $0xFFFFFC00  }
0x18: {  	[tilespmem:s13], [sflag:$0x1] =	stream.linear.gather [hbm4b:s7+s3], $0x400, $0x38;
	[tilespmem:$0x1100] =	vst v63  }
0x19: {  	_ =	swait.ge [sflag:s12], $0x400  }
0x1a: {  	[sflag:s12] =	ssyncset.done $0x0  }
0x1b: {  	[sflag:s12] =	ssyncadd.s32 $0xFFFFFC00  }
0x1c: {  	[tilespmem:s14], [sflag:$0x1] =	stream.linear.gather [hbm4b:s4+s3], $0x80, $0x38;
	[tilespmem:$0x1100] =	vst v63  }
0x1d: {  	_ =	swait.ge [sflag:s12], $0x80  }
0x1e: {  	[sflag:s12] =	ssyncset.done $0x0  }
0x1f: {  	[sflag:s12] =	ssyncadd.s32 $0xFFFFFF80  }
0x20: {  	v0 =	vld [tilespmem:$0x1000]  }
0x21: {  	v1 =	vld [tilespmem:$0x0]  }
0x22: {  	v2 =	vld [tilespmem:$0x10]  }
0x23: {  	v3 =	vld [tilespmem:$0x20]  }
0x24: {  	v4 =	vld [tilespmem:$0x30]  }
0x25: {  	v5 =	vld [tilespmem:$0x40]  }
0x26: {  	v6 =	vld [tilespmem:$0x50];
	v1 =	vsub.f32 v1, v0  }
0x27: {  	v7 =	vld [tilespmem:$0x60];
	v2 =	vsub.f32 v2, v0  }
0x28: {  	v8 =	vld [tilespmem:$0x70];
	v3 =	vsub.f32 v3, v0;
	v1 =	vmul.f32 $1.442695020e+00, v1  }
0x29: {  	v9 =	vld [tilespmem:$0x80];
	v4 =	vsub.f32 v4, v0;
	v2 =	vmul.f32 $1.442695020e+00, v2  }
0x2a: {  	v34 =	vld [tilespmem:$0x90];
	v33 =	vsub.f32 v5, v0;
	v32 =	vmul.f32 $1.442695020e+00, v3;
	(erf) = vpow2.f32 v1  }
0x2b: {  	v37 =	vld [tilespmem:$0xA0];
	v36 =	vsub.f32 v6, v0;
	v35 =	vmul.f32 $1.442695020e+00, v4;
	(erf) = vpow2.f32 v2  }
0x2c: {  	v40 =	vld [tilespmem:$0xB0];
	v39 =	vsub.f32 v7, v0;
	v38 =	vmul.f32 $1.442695020e+00, v33;
	(erf) = vpow2.f32 v32  }
0x2d: {  	v43 =	vld [tilespmem:$0xC0];
	v42 =	vsub.f32 v8, v0;
	v41 =	vmul.f32 $1.442695020e+00, v36;
	(erf) = vpow2.f32 v35  }
0x2e: {  	v46 =	vld [tilespmem:$0xD0];
	v45 =	vsub.f32 v9, v0;
	v44 =	vmul.f32 $1.442695020e+00, v39;
	(erf) = vpow2.f32 v38  }
0x2f: {  	v49 =	vld [tilespmem:$0xE0];
	v48 =	vsub.f32 v34, v0;
	v47 =	vmul.f32 $1.442695020e+00, v42;
	(erf) = vpow2.f32 v41  }
0x30: {  	v52 =	vld [tilespmem:$0xF0];
	v51 =	vsub.f32 v37, v0;
	v50 =	vmul.f32 $1.442695020e+00, v45;
	(erf) = vpow2.f32 v44  }
0x31: {  	v55 =	vld [tilespmem:$0x100];
	v54 =	vsub.f32 v40, v0;
	v53 =	vmul.f32 $1.442695020e+00, v48;
	(erf) = vpow2.f32 v47  }
0x32: {  	v58 =	vld [tilespmem:$0x110];
	v57 =	vsub.f32 v43, v0;
	v56 =	vmul.f32 $1.442695020e+00, v51;
	(erf) = vpow2.f32 v50  }
0x33: {  	v61 =	vld [tilespmem:$0x120];
	v60 =	vsub.f32 v46, v0;
	v59 =	vmul.f32 $1.442695020e+00, v54;
	v10 =	vpop (erf);
	(erf) = vpow2.f32 v53  }
0x34: {  	v13 =	vld [tilespmem:$0x130];
	v12 =	vsub.f32 v49, v0;
	v63 =	vmul.f32 $1.442695020e+00, v57;
	[tilespmem:$0x0] =	vst v10;
	v62 =	vpop (erf);
	(erf) = vpow2.f32 v56  }
0x35: {  	v17 =	vld [tilespmem:$0x140];
	v16 =	vsub.f32 v52, v0;
	v15 =	vmul.f32 $1.442695020e+00, v60;
	[tilespmem:$0x10] =	vst v62;
	v14 =	vpop (erf);
	(erf) = vpow2.f32 v59  }
0x36: {  	v21 =	vld [tilespmem:$0x150];
	v20 =	vsub.f32 v55, v0;
	v19 =	vmul.f32 $1.442695020e+00, v12;
	[tilespmem:$0x20] =	vst v14;
	v18 =	vpop (erf);
	(erf) = vpow2.f32 v63  }
0x37: {  	v25 =	vld [tilespmem:$0x160];
	v24 =	vsub.f32 v58, v0;
	v23 =	vmul.f32 $1.442695020e+00, v16;
	[tilespmem:$0x30] =	vst v18;
	v22 =	vpop (erf);
	(erf) = vpow2.f32 v15  }
0x38: {  	v29 =	vld [tilespmem:$0x170];
	v28 =	vsub.f32 v61, v0;
	v27 =	vmul.f32 $1.442695020e+00, v20;
	[tilespmem:$0x40] =	vst v22;
	v26 =	vpop (erf);
	(erf) = vpow2.f32 v19  }
0x39: {  	v31 =	vmul.f32 $1.442695020e+00, v24;
	v33 =	vld [tilespmem:$0x180];
	v32 =	vsub.f32 v13, v0;
	[tilespmem:$0x50] =	vst v26;
	v30 =	vpop (erf);
	(erf) = vpow2.f32 v23  }
0x3a: {  	v37 =	vld [tilespmem:$0x190];
	v36 =	vsub.f32 v17, v0;
	v35 =	vmul.f32 $1.442695020e+00, v28;
	[tilespmem:$0x60] =	vst v30;
	v34 =	vpop (erf);
	(erf) = vpow2.f32 v27  }
0x3b: {  	v40 =	vsub.f32 v21, v0;
	v39 =	vmul.f32 $1.442695020e+00, v32;
	v41 =	vld [tilespmem:$0x1A0];
	[tilespmem:$0x70] =	vst v34;
	v38 =	vpop (erf);
	(erf) = vpow2.f32 v31  }
0x3c: {  	v45 =	vld [tilespmem:$0x1B0];
	v43 =	vmul.f32 $1.442695020e+00, v36;
	v44 =	vsub.f32 v25, v0;
	[tilespmem:$0x80] =	vst v38;
	v42 =	vpop (erf);
	(erf) = vpow2.f32 v35  }
0x3d: {  	v49 =	vld [tilespmem:$0x1C0];
	v48 =	vsub.f32 v29, v0;
	v47 =	vmul.f32 $1.442695020e+00, v40;
	[tilespmem:$0x90] =	vst v42;
	v46 =	vpop (erf);
	(erf) = vpow2.f32 v39  }
0x3e: {  	v52 =	vsub.f32 v33, v0;
	v51 =	vmul.f32 $1.442695020e+00, v44;
	v53 =	vld [tilespmem:$0x1D0];
	[tilespmem:$0xA0] =	vst v46;
	v50 =	vpop (erf);
	(erf) = vpow2.f32 v43  }
0x3f: {  	v57 =	vld [tilespmem:$0x1E0];
	v55 =	vmul.f32 $1.442695020e+00, v48;
	v56 =	vsub.f32 v37, v0;
	[tilespmem:$0xB0] =	vst v50;
	v54 =	vpop (erf);
	(erf) = vpow2.f32 v47  }
0x40: {  	v61 =	vld [tilespmem:$0x1F0];
	v60 =	vsub.f32 v41, v0;
	v59 =	vmul.f32 $1.442695020e+00, v52;
	[tilespmem:$0xC0] =	vst v54;
	v58 =	vpop (erf);
	(erf) = vpow2.f32 v51  }
0x41: {  	v13 =	vld [tilespmem:$0x200];
	v12 =	vsub.f32 v45, v0;
	v63 =	vmul.f32 $1.442695020e+00, v56;
	[tilespmem:$0xD0] =	vst v58;
	v62 =	vpop (erf);
	(erf) = vpow2.f32 v55  }
0x42: {  	v17 =	vld [tilespmem:$0x210];
	v16 =	vsub.f32 v49, v0;
	v15 =	vmul.f32 $1.442695020e+00, v60;
	[tilespmem:$0xE0] =	vst v62;
	v14 =	vpop (erf);
	(erf) = vpow2.f32 v59  }
0x43: {  	v21 =	vld [tilespmem:$0x220];
	v19 =	vmul.f32 $1.442695020e+00, v12;
	v20 =	vsub.f32 v53, v0;
	[tilespmem:$0xF0] =	vst v14;
	v18 =	vpop (erf);
	(erf) = vpow2.f32 v63  }
0x44: {  	v24 =	vsub.f32 v57, v0;
	v25 =	vld [tilespmem:$0x230];
	v23 =	vmul.f32 $1.442695020e+00, v16;
	[tilespmem:$0x100] =	vst v18;
	v22 =	vpop (erf);
	(erf) = vpow2.f32 v15  }
0x45: {  	v29 =	vld [tilespmem:$0x240];
	v28 =	vsub.f32 v61, v0;
	v27 =	vmul.f32 $1.442695020e+00, v20;
	[tilespmem:$0x110] =	vst v22;
	v26 =	vpop (erf);
	(erf) = vpow2.f32 v19  }
0x46: {  	v33 =	vld [tilespmem:$0x250];
	v32 =	vsub.f32 v13, v0;
	v31 =	vmul.f32 $1.442695020e+00, v24;
	[tilespmem:$0x120] =	vst v26;
	v30 =	vpop (erf);
	(erf) = vpow2.f32 v23  }
0x47: {  	v36 =	vsub.f32 v17, v0;
	v37 =	vld [tilespmem:$0x260];
	v35 =	vmul.f32 $1.442695020e+00, v28;
	[tilespmem:$0x130] =	vst v30;
	v34 =	vpop (erf);
	(erf) = vpow2.f32 v27  }
0x48: {  	v40 =	vsub.f32 v21, v0;
	v41 =	vld [tilespmem:$0x270];
	v39 =	vmul.f32 $1.442695020e+00, v32;
	[tilespmem:$0x140] =	vst v34;
	v38 =	vpop (erf);
	(erf) = vpow2.f32 v31  }
0x49: {  	v45 =	vld [tilespmem:$0x280];
	v44 =	vsub.f32 v25, v0;
	v43 =	vmul.f32 $1.442695020e+00, v36;
	[tilespmem:$0x150] =	vst v38;
	v42 =	vpop (erf);
	(erf) = vpow2.f32 v35  }
0x4a: {  	v49 =	vld [tilespmem:$0x290];
	v48 =	vsub.f32 v29, v0;
	v47 =	vmul.f32 $1.442695020e+00, v40;
	[tilespmem:$0x160] =	vst v42;
	v46 =	vpop (erf);
	(erf) = vpow2.f32 v39  }
0x4b: {  	v52 =	vsub.f32 v33, v0;
	v51 =	vmul.f32 $1.442695020e+00, v44;
	[tilespmem:$0x170] =	vst v46;
	v50 =	vpop (erf);
	(erf) = vpow2.f32 v43  }
0x4c: {  	v56 =	vld [tilespmem:$0x2A0];
	v54 =	vmul.f32 $1.442695020e+00, v48;
	v55 =	vsub.f32 v37, v0;
	[tilespmem:$0x180] =	vst v50;
	v53 =	vpop (erf);
	(erf) = vpow2.f32 v47  }
0x4d: {  	v58 =	vmul.f32 $1.442695020e+00, v52;
	v59 =	vsub.f32 v41, v0;
	[tilespmem:$0x190] =	vst v53;
	v57 =	vpop (erf);
	(erf) = vpow2.f32 v51  }
0x4e: {  	v62 =	vsub.f32 v45, v0;
	v61 =	vmul.f32 $1.442695020e+00, v55;
	[tilespmem:$0x1A0] =	vst v57;
	v60 =	vpop (erf);
	(erf) = vpow2.f32 v54  }
0x4f: {  	v10 =	vsub.f32 v49, v0;
	v8 =	vmul.f32 $1.442695020e+00, v59;
	[tilespmem:$0x1B0] =	vst v60;
	v63 =	vpop (erf);
	(erf) = vpow2.f32 v58  }
0x50: {  	v12 =	vmul.f32 $1.442695020e+00, v62;
	[tilespmem:$0x1C0] =	vst v63;
	v11 =	vpop (erf);
	(erf) = vpow2.f32 v61  }
0x51: {  	v14 =	vmul.f32 $1.442695020e+00, v10;
	v15 =	vsub.f32 v56, v0;
	[tilespmem:$0x1D0] =	vst v11;
	v13 =	vpop (erf);
	(erf) = vpow2.f32 v8  }
0x52: {  	[tilespmem:$0x1E0] =	vst v13;
	v16 =	vpop (erf);
	(erf) = vpow2.f32 v12  }
0x53: {  	v18 =	vmul.f32 $1.442695020e+00, v15;
	[tilespmem:$0x1F0] =	vst v16;
	v17 =	vpop (erf);
	(erf) = vpow2.f32 v14  }
0x54: {  	[tilespmem:$0x200] =	vst v17;
	v19 =	vpop (erf)  }
0x55: {  	[tilespmem:$0x210] =	vst v19;
	v20 =	vpop (erf);
	(erf) = vpow2.f32 v18  }
0x56: {  	[tilespmem:$0x220] =	vst v20;
	v21 =	vpop (erf)  }
0x57: {  	[tilespmem:$0x230] =	vst v21;
	v22 =	vpop (erf)  }
0x58: {  	[tilespmem:$0x240] =	vst v22;
	v23 =	vpop (erf)  }
0x59: {  	[tilespmem:$0x250] =	vst v23;
	v24 =	vpop (erf)  }
0x5a: {  	[tilespmem:$0x260] =	vst v24;
	v25 =	vpop (erf)  }
0x5b: {  	[tilespmem:$0x270] =	vst v25;
	v26 =	vpop (erf)  }
0x5c: {  	[tilespmem:$0x280] =	vst v26;
	v27 =	vpop (erf)  }
0x5d: {  	[tilespmem:$0x290] =	vst v27  }
0x5e: {  	v1 =	vpop (erf)  }
0x5f: {  	v28 =	vld [tilespmem:$0x2B0]  }
0x60: {  	v29 =	vld [tilespmem:$0x2C0]  }
0x61: {  	v30 =	vld [tilespmem:$0x2D0]  }
0x62: {  	v31 =	vld [tilespmem:$0x2E0]  }
0x63: {  	v32 =	vld [tilespmem:$0x2F0]  }
0x64: {  	v33 =	vld [tilespmem:$0x300];
	v2 =	vsub.f32 v28, v0  }
0x65: {  	v34 =	vld [tilespmem:$0x310];
	v3 =	vsub.f32 v29, v0  }
0x66: {  	v35 =	vld [tilespmem:$0x320];
	v4 =	vsub.f32 v30, v0;
	v2 =	vmul.f32 $1.442695020e+00, v2  }
0x67: {  	v36 =	vld [tilespmem:$0x330];
	v5 =	vsub.f32 v31, v0;
	v3 =	vmul.f32 $1.442695020e+00, v3  }
0x68: {  	v39 =	vld [tilespmem:$0x340];
	v38 =	vsub.f32 v32, v0;
	v37 =	vmul.f32 $1.442695020e+00, v4;
	(erf) = vpow2.f32 v2  }
0x69: {  	v42 =	vld [tilespmem:$0x350];
	v41 =	vsub.f32 v33, v0;
	v40 =	vmul.f32 $1.442695020e+00, v5;
	(erf) = vpow2.f32 v3  }
0x6a: {  	v45 =	vld [tilespmem:$0x360];
	v44 =	vsub.f32 v34, v0;
	v43 =	vmul.f32 $1.442695020e+00, v38;
	(erf) = vpow2.f32 v37  }
0x6b: {  	v48 =	vld [tilespmem:$0x370];
	v47 =	vsub.f32 v35, v0;
	v46 =	vmul.f32 $1.442695020e+00, v41;
	(erf) = vpow2.f32 v40  }
0x6c: {  	v51 =	vld [tilespmem:$0x380];
	v50 =	vsub.f32 v36, v0;
	v49 =	vmul.f32 $1.442695020e+00, v44;
	(erf) = vpow2.f32 v43  }
0x6d: {  	v54 =	vld [tilespmem:$0x390];
	v53 =	vsub.f32 v39, v0;
	v52 =	vmul.f32 $1.442695020e+00, v47;
	(erf) = vpow2.f32 v46  }
0x6e: {  	v57 =	vld [tilespmem:$0x3A0];
	v56 =	vsub.f32 v42, v0;
	v55 =	vmul.f32 $1.442695020e+00, v50;
	(erf) = vpow2.f32 v49  }
0x6f: {  	v60 =	vld [tilespmem:$0x3B0];
	v59 =	vsub.f32 v45, v0;
	v58 =	vmul.f32 $1.442695020e+00, v53;
	(erf) = vpow2.f32 v52  }
0x70: {  	v63 =	vld [tilespmem:$0x3C0];
	v62 =	vsub.f32 v48, v0;
	v61 =	vmul.f32 $1.442695020e+00, v56;
	(erf) = vpow2.f32 v55  }
0x71: {  	[tilespmem:$0x2A0] =	vst v1;
	v15 =	vld [tilespmem:$0x3D0];
	v14 =	vsub.f32 v51, v0;
	v13 =	vmul.f32 $1.442695020e+00, v59;
	v12 =	vpop (erf);
	(erf) = vpow2.f32 v58  }
0x72: {  	v19 =	vld [tilespmem:$0x3E0];
	v18 =	vsub.f32 v54, v0;
	v17 =	vmul.f32 $1.442695020e+00, v62;
	[tilespmem:$0x2B0] =	vst v12;
	v16 =	vpop (erf);
	(erf) = vpow2.f32 v61  }
0x73: {  	v23 =	vld [tilespmem:$0x3F0];
	v22 =	vsub.f32 v57, v0;
	v21 =	vmul.f32 $1.442695020e+00, v14;
	[tilespmem:$0x2C0] =	vst v16;
	v20 =	vpop (erf);
	(erf) = vpow2.f32 v13  }
0x74: {  	v26 =	vsub.f32 v60, v0;
	v25 =	vmul.f32 $1.442695020e+00, v18;
	[tilespmem:$0x2D0] =	vst v20;
	v24 =	vpop (erf);
	(erf) = vpow2.f32 v17  }
0x75: {  	v29 =	vsub.f32 v63, v0;
	v28 =	vmul.f32 $1.442695020e+00, v22;
	[tilespmem:$0x2E0] =	vst v24;
	v27 =	vpop (erf);
	(erf) = vpow2.f32 v21  }
0x76: {  	v32 =	vsub.f32 v15, v0;
	v31 =	vmul.f32 $1.442695020e+00, v26;
	[tilespmem:$0x2F0] =	vst v27;
	v30 =	vpop (erf);
	(erf) = vpow2.f32 v25  }
0x77: {  	v35 =	vsub.f32 v19, v0;
	v34 =	vmul.f32 $1.442695020e+00, v29;
	[tilespmem:$0x300] =	vst v30;
	v33 =	vpop (erf);
	(erf) = vpow2.f32 v28  }
0x78: {  	v0 =	vsub.f32 v23, v0;
	v37 =	vmul.f32 $1.442695020e+00, v32;
	[tilespmem:$0x310] =	vst v33;
	v36 =	vpop (erf);
	(erf) = vpow2.f32 v31  }
0x79: {  	v39 =	vmul.f32 $1.442695020e+00, v35;
	[tilespmem:$0x320] =	vst v36;
	v38 =	vpop (erf);
	(erf) = vpow2.f32 v34  }
0x7a: {  	v0 =	vmul.f32 $1.442695020e+00, v0;
	[tilespmem:$0x330] =	vst v38;
	v40 =	vpop (erf);
	(erf) = vpow2.f32 v37  }
0x7b: {  	[tilespmem:$0x340] =	vst v40;
	v41 =	vpop (erf);
	(erf) = vpow2.f32 v39  }
0x7c: {  	[tilespmem:$0x350] =	vst v41;
	v42 =	vpop (erf);
	(erf) = vpow2.f32 v0  }
0x7d: {  	v43 =	vpop (erf);
	[tilespmem:$0x360] =	vst v42  }
0x7e: {  	v44 =	vpop (erf);
	[tilespmem:$0x370] =	vst v43  }
0x7f: {  	v45 =	vpop (erf);
	[tilespmem:$0x380] =	vst v44  }
0x80: {  	v46 =	vpop (erf);
	[tilespmem:$0x390] =	vst v45  }
0x81: {  	v47 =	vpop (erf);
	[tilespmem:$0x3A0] =	vst v46  }
0x82: {  	v48 =	vpop (erf);
	[tilespmem:$0x3B0] =	vst v47  }
0x83: {  	v49 =	vpop (erf);
	[tilespmem:$0x3C0] =	vst v48  }
0x84: {  	v50 =	vpop (erf);
	[tilespmem:$0x3D0] =	vst v49  }
0x85: {  	[tilespmem:$0x3E0] =	vst v50;
	v51 =	vpop (erf)  }
0x86: {  	[tilespmem:$0x3F0] =	vst v51  }
0x87: {  	[bflag:$0x0] =	sbarrier.arrive $0xFFFF  }
0x88: {  	[spmem:s1] =	stream.indirect.scatter.add.f32 [tilespmem:s3], [sflag:$0x1], $0x1, s13, s15, $0xb8;
	[tilespmem:$0x1100] =	vst v63  }
0x89: {  	_ =	swait.ge [sflag:s12], $0x80  }
0x8a: {  	[sflag:s12] =	ssyncset.done $0x0  }
0x8b: {  	[sflag:s12] =	ssyncadd.s32 $0xFFFFFF80  }
0x8c: {  	[spmem:s1] =	stream.indirect.scatter.add.f32 [tilespmem:s15], [sflag:$0x1], $0x1, s16, s15, $0xb8;
	[tilespmem:$0x1100] =	vst v63  }
0x8d: {  	_ =	swait.ge [sflag:s12], $0x80  }
0x8e: {  	[sflag:s12] =	ssyncset.done $0x0  }
0x8f: {  	[sflag:s12] =	ssyncadd.s32 $0xFFFFFF80  }
0x90: {  	[spmem:s1] =	stream.indirect.scatter.add.f32 [tilespmem:s18], [sflag:$0x1], $0x1, s17, s15, $0xb8;
	[tilespmem:$0x1100] =	vst v63  }
0x91: {  	_ =	swait.ge [sflag:s12], $0x80  }
0x92: {  	[sflag:s12] =	ssyncset.done $0x0  }
0x93: {  	[sflag:s12] =	ssyncadd.s32 $0xFFFFFF80  }
0x94: {  	[spmem:s1] =	stream.indirect.scatter.add.f32 [tilespmem:s20], [sflag:$0x1], $0x1, s19, s15, $0xb8;
	[tilespmem:$0x1100] =	vst v63  }
0x95: {  	_ =	swait.ge [sflag:s12], $0x80  }
0x96: {  	[sflag:s12] =	ssyncset.done $0x0  }
0x97: {  	[sflag:s12] =	ssyncadd.s32 $0xFFFFFF80  }
0x98: {  	[spmem:s1] =	stream.indirect.scatter.add.f32 [tilespmem:s22], [sflag:$0x1], $0x1, s21, s15, $0xb8;
	[tilespmem:$0x1100] =	vst v63  }
0x99: {  	_ =	swait.ge [sflag:s12], $0x80  }
0x9a: {  	[sflag:s12] =	ssyncset.done $0x0  }
0x9b: {  	[sflag:s12] =	ssyncadd.s32 $0xFFFFFF80  }
0x9c: {  	[spmem:s1] =	stream.indirect.scatter.add.f32 [tilespmem:s24], [sflag:$0x1], $0x1, s23, s15, $0xb8;
	[tilespmem:$0x1100] =	vst v63  }
0x9d: {  	_ =	swait.ge [sflag:s12], $0x80  }
0x9e: {  	[sflag:s12] =	ssyncset.done $0x0  }
0x9f: {  	[sflag:s12] =	ssyncadd.s32 $0xFFFFFF80  }
0xa0: {  	[spmem:s1] =	stream.indirect.scatter.add.f32 [tilespmem:s26], [sflag:$0x1], $0x1, s25, s15, $0xb8;
	[tilespmem:$0x1100] =	vst v63  }
0xa1: {  	_ =	swait.ge [sflag:s12], $0x80  }
0xa2: {  	[sflag:s12] =	ssyncset.done $0x0  }
0xa3: {  	[sflag:s12] =	ssyncadd.s32 $0xFFFFFF80  }
0xa4: {  	[spmem:s1] =	stream.indirect.scatter.add.f32 [tilespmem:s29], [sflag:$0x1], $0x1, s28, s15, $0xb8;
	[tilespmem:$0x1100] =	vst v63  }
0xa5: {  	_ =	swait.ge [sflag:s12], $0x80  }
0xa6: {  	[sflag:s12] =	ssyncset.done $0x0  }
0xa7: {  	[sflag:s12] =	ssyncadd.s32 $0xFFFFFF80  }
0xa8: {  	[bflag:$0x0] =	sbarrier.arrive $0xFFFF  }
0xa9: {  	[tilespmem:s30], [sflag:$0x1] =	stream.linear.gather [spmem:s1], $0x800, $0x38;
	[tilespmem:$0x1100] =	vst v63  }
0xaa: {  	_ =	swait.ge [sflag:s12], $0x800  }
0xab: {  	[sflag:s12] =	ssyncset.done $0x0  }
0xac: {  	[sflag:s12] =	ssyncadd.s32 $0xFFFFF800  }
0xad: {  	v52 =	vld [tilespmem:$0x400];
	_ =	sdelay $0x7  }
0xae: {  	v0 =	vld.idx.msk [tilespmem:v52+s30+$0x0], $0xffff;
	_ =	sdelay $0x4  }
0xaf: {  	(erf) = vrcp.f32 v0;
	_ =	sdelay $0x3  }
0xb0: {  	v53 =	vld [tilespmem:$0x0]  }
0xb1: {  	v54 =	vld [tilespmem:$0x410];
	_ =	sdelay $0x3  }
0xb2: {  	v55 =	vpop (erf)  }
0xb3: {  	v0 =	vmul.f32 v55, v53;
	_ =	sdelay $0x1  }
0xb4: {  	[tilespmem:$0x0] =	vst v0  }
0xb5: {  	v0 =	vld.idx.msk [tilespmem:v54+s30+$0x0], $0xffff;
	_ =	sdelay $0x4  }
0xb6: {  	(erf) = vrcp.f32 v0;
	_ =	sdelay $0x3  }
0xb7: {  	v56 =	vld [tilespmem:$0x10]  }
0xb8: {  	v57 =	vld [tilespmem:$0x420];
	_ =	sdelay $0x3  }
0xb9: {  	v58 =	vpop (erf)  }
0xba: {  	v0 =	vmul.f32 v58, v56;
	_ =	sdelay $0x1  }
0xbb: {  	[tilespmem:$0x10] =	vst v0  }
0xbc: {  	v0 =	vld.idx.msk [tilespmem:v57+s30+$0x0], $0xffff;
	_ =	sdelay $0x4  }
0xbd: {  	(erf) = vrcp.f32 v0;
	_ =	sdelay $0x3  }
0xbe: {  	v59 =	vld [tilespmem:$0x20]  }
0xbf: {  	v60 =	vld [tilespmem:$0x430];
	_ =	sdelay $0x3  }
0xc0: {  	v61 =	vpop (erf)  }
0xc1: {  	v0 =	vmul.f32 v61, v59;
	_ =	sdelay $0x1  }
0xc2: {  	[tilespmem:$0x20] =	vst v0  }
0xc3: {  	v0 =	vld.idx.msk [tilespmem:v60+s30+$0x0], $0xffff;
	_ =	sdelay $0x4  }
0xc4: {  	(erf) = vrcp.f32 v0;
	_ =	sdelay $0x3  }
0xc5: {  	v62 =	vld [tilespmem:$0x30]  }
0xc6: {  	v63 =	vld [tilespmem:$0x440];
	_ =	sdelay $0x3  }
0xc7: {  	v4 =	vpop (erf)  }
0xc8: {  	v0 =	vmul.f32 v4, v62;
	_ =	sdelay $0x1  }
0xc9: {  	[tilespmem:$0x30] =	vst v0  }
0xca: {  	v0 =	vld.idx.msk [tilespmem:v63+s30+$0x0], $0xffff;
	_ =	sdelay $0x4  }
0xcb: {  	(erf) = vrcp.f32 v0;
	_ =	sdelay $0x3  }
0xcc: {  	v5 =	vld [tilespmem:$0x40]  }
0xcd: {  	v6 =	vld [tilespmem:$0x450];
	_ =	sdelay $0x3  }
0xce: {  	v7 =	vpop (erf)  }
0xcf: {  	v0 =	vmul.f32 v7, v5;
	_ =	sdelay $0x1  }
0xd0: {  	[tilespmem:$0x40] =	vst v0  }
0xd1: {  	v0 =	vld.idx.msk [tilespmem:v6+s30+$0x0], $0xffff;
	_ =	sdelay $0x4  }
0xd2: {  	(erf) = vrcp.f32 v0;
	_ =	sdelay $0x3  }
0xd3: {  	v8 =	vld [tilespmem:$0x50]  }
0xd4: {  	v9 =	vld [tilespmem:$0x460];
	_ =	sdelay $0x3  }
0xd5: {  	v10 =	vpop (erf)  }
0xd6: {  	v0 =	vmul.f32 v10, v8;
	_ =	sdelay $0x1  }
0xd7: {  	[tilespmem:$0x50] =	vst v0  }
0xd8: {  	v0 =	vld.idx.msk [tilespmem:v9+s30+$0x0], $0xffff;
	_ =	sdelay $0x4  }
0xd9: {  	(erf) = vrcp.f32 v0;
	_ =	sdelay $0x3  }
0xda: {  	v11 =	vld [tilespmem:$0x60]  }
0xdb: {  	v12 =	vld [tilespmem:$0x470];
	_ =	sdelay $0x3  }
0xdc: {  	v13 =	vpop (erf)  }
0xdd: {  	v0 =	vmul.f32 v13, v11;
	_ =	sdelay $0x1  }
0xde: {  	[tilespmem:$0x60] =	vst v0  }
0xdf: {  	v0 =	vld.idx.msk [tilespmem:v12+s30+$0x0], $0xffff;
	_ =	sdelay $0x4  }
0xe0: {  	(erf) = vrcp.f32 v0;
	_ =	sdelay $0x3  }
0xe1: {  	v14 =	vld [tilespmem:$0x70]  }
0xe2: {  	v15 =	vld [tilespmem:$0x480];
	_ =	sdelay $0x3  }
0xe3: {  	v16 =	vpop (erf)  }
0xe4: {  	v0 =	vmul.f32 v16, v14;
	_ =	sdelay $0x1  }
0xe5: {  	[tilespmem:$0x70] =	vst v0  }
0xe6: {  	v0 =	vld.idx.msk [tilespmem:v15+s30+$0x0], $0xffff;
	_ =	sdelay $0x4  }
0xe7: {  	(erf) = vrcp.f32 v0;
	_ =	sdelay $0x3  }
0xe8: {  	v17 =	vld [tilespmem:$0x80]  }
0xe9: {  	v18 =	vld [tilespmem:$0x490];
	_ =	sdelay $0x3  }
0xea: {  	v19 =	vpop (erf)  }
0xeb: {  	v0 =	vmul.f32 v19, v17;
	_ =	sdelay $0x1  }
0xec: {  	[tilespmem:$0x80] =	vst v0  }
0xed: {  	v0 =	vld.idx.msk [tilespmem:v18+s30+$0x0], $0xffff;
	_ =	sdelay $0x4  }
0xee: {  	(erf) = vrcp.f32 v0;
	_ =	sdelay $0x3  }
0xef: {  	v20 =	vld [tilespmem:$0x90]  }
0xf0: {  	v21 =	vld [tilespmem:$0x4A0];
	_ =	sdelay $0x3  }
0xf1: {  	v22 =	vpop (erf)  }
0xf2: {  	v0 =	vmul.f32 v22, v20;
	_ =	sdelay $0x1  }
0xf3: {  	[tilespmem:$0x90] =	vst v0  }
0xf4: {  	v0 =	vld.idx.msk [tilespmem:v21+s30+$0x0], $0xffff;
	_ =	sdelay $0x4  }
0xf5: {  	(erf) = vrcp.f32 v0;
	_ =	sdelay $0x3  }
0xf6: {  	v23 =	vld [tilespmem:$0xA0]  }
0xf7: {  	v24 =	vld [tilespmem:$0x4B0];
	_ =	sdelay $0x3  }
0xf8: {  	v25 =	vpop (erf)  }
0xf9: {  	v0 =	vmul.f32 v25, v23;
	_ =	sdelay $0x1  }
0xfa: {  	[tilespmem:$0xA0] =	vst v0  }
0xfb: {  	v0 =	vld.idx.msk [tilespmem:v24+s30+$0x0], $0xffff;
	_ =	sdelay $0x4  }
0xfc: {  	(erf) = vrcp.f32 v0;
	_ =	sdelay $0x3  }
0xfd: {  	v26 =	vld [tilespmem:$0xB0]  }
0xfe: {  	v27 =	vld [tilespmem:$0x4C0];
	_ =	sdelay $0x3  }
0xff: {  	v28 =	vpop (erf)  }
0x100: {  	v0 =	vmul.f32 v28, v26;
	_ =	sdelay $0x1  }
0x101: {  	[tilespmem:$0xB0] =	vst v0  }
0x102: {  	v0 =	vld.idx.msk [tilespmem:v27+s30+$0x0], $0xffff;
	_ =	sdelay $0x4  }
0x103: {  	(erf) = vrcp.f32 v0;
	_ =	sdelay $0x3  }
0x104: {  	v29 =	vld [tilespmem:$0xC0]  }
0x105: {  	v30 =	vld [tilespmem:$0x4D0];
	_ =	sdelay $0x3  }
0x106: {  	v31 =	vpop (erf)  }
0x107: {  	v0 =	vmul.f32 v31, v29;
	_ =	sdelay $0x1  }
0x108: {  	[tilespmem:$0xC0] =	vst v0  }
0x109: {  	v0 =	vld.idx.msk [tilespmem:v30+s30+$0x0], $0xffff;
	_ =	sdelay $0x4  }
0x10a: {  	(erf) = vrcp.f32 v0;
	_ =	sdelay $0x3  }
0x10b: {  	v32 =	vld [tilespmem:$0xD0]  }
0x10c: {  	v33 =	vld [tilespmem:$0x4E0];
	_ =	sdelay $0x3  }
0x10d: {  	v34 =	vpop (erf)  }
0x10e: {  	v0 =	vmul.f32 v34, v32;
	_ =	sdelay $0x1  }
0x10f: {  	[tilespmem:$0xD0] =	vst v0  }
0x110: {  	v0 =	vld.idx.msk [tilespmem:v33+s30+$0x0], $0xffff;
	_ =	sdelay $0x4  }
0x111: {  	(erf) = vrcp.f32 v0;
	_ =	sdelay $0x3  }
0x112: {  	v35 =	vld [tilespmem:$0xE0]  }
0x113: {  	v36 =	vld [tilespmem:$0x4F0];
	_ =	sdelay $0x3  }
0x114: {  	v37 =	vpop (erf)  }
0x115: {  	v0 =	vmul.f32 v37, v35;
	_ =	sdelay $0x1  }
0x116: {  	[tilespmem:$0xE0] =	vst v0  }
0x117: {  	v0 =	vld.idx.msk [tilespmem:v36+s30+$0x0], $0xffff;
	_ =	sdelay $0x4  }
0x118: {  	(erf) = vrcp.f32 v0;
	_ =	sdelay $0x3  }
0x119: {  	v38 =	vld [tilespmem:$0xF0]  }
0x11a: {  	v39 =	vld [tilespmem:$0x500];
	_ =	sdelay $0x3  }
0x11b: {  	v40 =	vpop (erf)  }
0x11c: {  	v0 =	vmul.f32 v40, v38;
	_ =	sdelay $0x1  }
0x11d: {  	[tilespmem:$0xF0] =	vst v0  }
0x11e: {  	v0 =	vld.idx.msk [tilespmem:v39+s30+$0x0], $0xffff;
	_ =	sdelay $0x4  }
0x11f: {  	(erf) = vrcp.f32 v0;
	_ =	sdelay $0x3  }
0x120: {  	v41 =	vld [tilespmem:$0x100]  }
0x121: {  	v42 =	vld [tilespmem:$0x510];
	_ =	sdelay $0x3  }
0x122: {  	v43 =	vpop (erf)  }
0x123: {  	v0 =	vmul.f32 v43, v41;
	_ =	sdelay $0x1  }
0x124: {  	[tilespmem:$0x100] =	vst v0  }
0x125: {  	v0 =	vld.idx.msk [tilespmem:v42+s30+$0x0], $0xffff;
	_ =	sdelay $0x4  }
0x126: {  	(erf) = vrcp.f32 v0;
	_ =	sdelay $0x3  }
0x127: {  	v44 =	vld [tilespmem:$0x110]  }
0x128: {  	v45 =	vld [tilespmem:$0x520];
	_ =	sdelay $0x3  }
0x129: {  	v46 =	vpop (erf)  }
0x12a: {  	v0 =	vmul.f32 v46, v44;
	_ =	sdelay $0x1  }
0x12b: {  	[tilespmem:$0x110] =	vst v0  }
0x12c: {  	v0 =	vld.idx.msk [tilespmem:v45+s30+$0x0], $0xffff;
	_ =	sdelay $0x4  }
0x12d: {  	(erf) = vrcp.f32 v0;
	_ =	sdelay $0x3  }
0x12e: {  	v47 =	vld [tilespmem:$0x120]  }
0x12f: {  	v48 =	vld [tilespmem:$0x530];
	_ =	sdelay $0x3  }
0x130: {  	v49 =	vpop (erf)  }
0x131: {  	v0 =	vmul.f32 v49, v47;
	_ =	sdelay $0x1  }
0x132: {  	[tilespmem:$0x120] =	vst v0  }
0x133: {  	v0 =	vld.idx.msk [tilespmem:v48+s30+$0x0], $0xffff;
	_ =	sdelay $0x4  }
0x134: {  	(erf) = vrcp.f32 v0;
	_ =	sdelay $0x3  }
0x135: {  	v50 =	vld [tilespmem:$0x130]  }
0x136: {  	v51 =	vld [tilespmem:$0x540];
	_ =	sdelay $0x3  }
0x137: {  	v52 =	vpop (erf)  }
0x138: {  	v0 =	vmul.f32 v52, v50;
	_ =	sdelay $0x1  }
0x139: {  	[tilespmem:$0x130] =	vst v0  }
0x13a: {  	v0 =	vld.idx.msk [tilespmem:v51+s30+$0x0], $0xffff;
	_ =	sdelay $0x4  }
0x13b: {  	(erf) = vrcp.f32 v0;
	_ =	sdelay $0x3  }
0x13c: {  	v53 =	vld [tilespmem:$0x140]  }
0x13d: {  	v54 =	vld [tilespmem:$0x550];
	_ =	sdelay $0x3  }
0x13e: {  	v55 =	vpop (erf)  }
0x13f: {  	v0 =	vmul.f32 v55, v53;
	_ =	sdelay $0x1  }
0x140: {  	[tilespmem:$0x140] =	vst v0  }
0x141: {  	v0 =	vld.idx.msk [tilespmem:v54+s30+$0x0], $0xffff;
	_ =	sdelay $0x4  }
0x142: {  	(erf) = vrcp.f32 v0;
	_ =	sdelay $0x3  }
0x143: {  	v56 =	vld [tilespmem:$0x150]  }
0x144: {  	v57 =	vld [tilespmem:$0x560];
	_ =	sdelay $0x3  }
0x145: {  	v58 =	vpop (erf)  }
0x146: {  	v0 =	vmul.f32 v58, v56;
	_ =	sdelay $0x1  }
0x147: {  	[tilespmem:$0x150] =	vst v0  }
0x148: {  	v0 =	vld.idx.msk [tilespmem:v57+s30+$0x0], $0xffff;
	_ =	sdelay $0x4  }
0x149: {  	(erf) = vrcp.f32 v0;
	_ =	sdelay $0x3  }
0x14a: {  	v59 =	vld [tilespmem:$0x160]  }
0x14b: {  	v60 =	vld [tilespmem:$0x570];
	_ =	sdelay $0x3  }
0x14c: {  	v61 =	vpop (erf)  }
0x14d: {  	v0 =	vmul.f32 v61, v59;
	_ =	sdelay $0x1  }
0x14e: {  	[tilespmem:$0x160] =	vst v0  }
0x14f: {  	v0 =	vld.idx.msk [tilespmem:v60+s30+$0x0], $0xffff;
	_ =	sdelay $0x4  }
0x150: {  	(erf) = vrcp.f32 v0;
	_ =	sdelay $0x3  }
0x151: {  	v62 =	vld [tilespmem:$0x170]  }
0x152: {  	v63 =	vld [tilespmem:$0x580];
	_ =	sdelay $0x3  }
0x153: {  	v4 =	vpop (erf)  }
0x154: {  	v0 =	vmul.f32 v4, v62;
	_ =	sdelay $0x1  }
0x155: {  	[tilespmem:$0x170] =	vst v0  }
0x156: {  	v0 =	vld.idx.msk [tilespmem:v63+s30+$0x0], $0xffff;
	_ =	sdelay $0x4  }
0x157: {  	(erf) = vrcp.f32 v0;
	_ =	sdelay $0x3  }
0x158: {  	v5 =	vld [tilespmem:$0x180]  }
0x159: {  	v6 =	vld [tilespmem:$0x590];
	_ =	sdelay $0x3  }
0x15a: {  	v7 =	vpop (erf)  }
0x15b: {  	v0 =	vmul.f32 v7, v5;
	_ =	sdelay $0x1  }
0x15c: {  	[tilespmem:$0x180] =	vst v0  }
0x15d: {  	v0 =	vld.idx.msk [tilespmem:v6+s30+$0x0], $0xffff;
	_ =	sdelay $0x4  }
0x15e: {  	(erf) = vrcp.f32 v0;
	_ =	sdelay $0x3  }
0x15f: {  	v8 =	vld [tilespmem:$0x190]  }
0x160: {  	v9 =	vld [tilespmem:$0x5A0];
	_ =	sdelay $0x3  }
0x161: {  	v10 =	vpop (erf)  }
0x162: {  	v0 =	vmul.f32 v10, v8;
	_ =	sdelay $0x1  }
0x163: {  	[tilespmem:$0x190] =	vst v0  }
0x164: {  	v0 =	vld.idx.msk [tilespmem:v9+s30+$0x0], $0xffff;
	_ =	sdelay $0x4  }
0x165: {  	(erf) = vrcp.f32 v0;
	_ =	sdelay $0x3  }
0x166: {  	v11 =	vld [tilespmem:$0x1A0]  }
0x167: {  	v12 =	vld [tilespmem:$0x5B0];
	_ =	sdelay $0x3  }
0x168: {  	v13 =	vpop (erf)  }
0x169: {  	v0 =	vmul.f32 v13, v11;
	_ =	sdelay $0x1  }
0x16a: {  	[tilespmem:$0x1A0] =	vst v0  }
0x16b: {  	v0 =	vld.idx.msk [tilespmem:v12+s30+$0x0], $0xffff;
	_ =	sdelay $0x4  }
0x16c: {  	(erf) = vrcp.f32 v0;
	_ =	sdelay $0x3  }
0x16d: {  	v14 =	vld [tilespmem:$0x1B0]  }
0x16e: {  	v15 =	vld [tilespmem:$0x5C0];
	_ =	sdelay $0x3  }
0x16f: {  	v16 =	vpop (erf)  }
0x170: {  	v0 =	vmul.f32 v16, v14;
	_ =	sdelay $0x1  }
0x171: {  	[tilespmem:$0x1B0] =	vst v0  }
0x172: {  	v0 =	vld.idx.msk [tilespmem:v15+s30+$0x0], $0xffff;
	_ =	sdelay $0x4  }
0x173: {  	(erf) = vrcp.f32 v0;
	_ =	sdelay $0x3  }
0x174: {  	v17 =	vld [tilespmem:$0x1C0]  }
0x175: {  	v18 =	vld [tilespmem:$0x5D0];
	_ =	sdelay $0x3  }
0x176: {  	v19 =	vpop (erf)  }
0x177: {  	v0 =	vmul.f32 v19, v17;
	_ =	sdelay $0x1  }
0x178: {  	[tilespmem:$0x1C0] =	vst v0  }
0x179: {  	v0 =	vld.idx.msk [tilespmem:v18+s30+$0x0], $0xffff;
	_ =	sdelay $0x4  }
0x17a: {  	(erf) = vrcp.f32 v0;
	_ =	sdelay $0x3  }
0x17b: {  	v20 =	vld [tilespmem:$0x1D0]  }
0x17c: {  	v21 =	vld [tilespmem:$0x5E0];
	_ =	sdelay $0x3  }
0x17d: {  	v22 =	vpop (erf)  }
0x17e: {  	v0 =	vmul.f32 v22, v20;
	_ =	sdelay $0x1  }
0x17f: {  	[tilespmem:$0x1D0] =	vst v0  }
0x180: {  	v0 =	vld.idx.msk [tilespmem:v21+s30+$0x0], $0xffff;
	_ =	sdelay $0x4  }
0x181: {  	(erf) = vrcp.f32 v0;
	_ =	sdelay $0x3  }
0x182: {  	v23 =	vld [tilespmem:$0x1E0]  }
0x183: {  	v24 =	vld [tilespmem:$0x5F0];
	_ =	sdelay $0x3  }
0x184: {  	v25 =	vpop (erf)  }
0x185: {  	v0 =	vmul.f32 v25, v23;
	_ =	sdelay $0x1  }
0x186: {  	[tilespmem:$0x1E0] =	vst v0  }
0x187: {  	v0 =	vld.idx.msk [tilespmem:v24+s30+$0x0], $0xffff;
	_ =	sdelay $0x4  }
0x188: {  	(erf) = vrcp.f32 v0;
	_ =	sdelay $0x3  }
0x189: {  	v26 =	vld [tilespmem:$0x1F0]  }
0x18a: {  	v27 =	vld [tilespmem:$0x600];
	_ =	sdelay $0x3  }
0x18b: {  	v28 =	vpop (erf)  }
0x18c: {  	v0 =	vmul.f32 v28, v26;
	_ =	sdelay $0x1  }
0x18d: {  	[tilespmem:$0x1F0] =	vst v0  }
0x18e: {  	v0 =	vld.idx.msk [tilespmem:v27+s30+$0x0], $0xffff;
	_ =	sdelay $0x4  }
0x18f: {  	(erf) = vrcp.f32 v0;
	_ =	sdelay $0x3  }
0x190: {  	v29 =	vld [tilespmem:$0x200]  }
0x191: {  	v30 =	vld [tilespmem:$0x610];
	_ =	sdelay $0x3  }
0x192: {  	v31 =	vpop (erf)  }
0x193: {  	v0 =	vmul.f32 v31, v29;
	_ =	sdelay $0x1  }
0x194: {  	[tilespmem:$0x200] =	vst v0  }
0x195: {  	v0 =	vld.idx.msk [tilespmem:v30+s30+$0x0], $0xffff;
	_ =	sdelay $0x4  }
0x196: {  	(erf) = vrcp.f32 v0;
	_ =	sdelay $0x3  }
0x197: {  	v32 =	vld [tilespmem:$0x210]  }
0x198: {  	v33 =	vld [tilespmem:$0x620];
	_ =	sdelay $0x3  }
0x199: {  	v34 =	vpop (erf)  }
0x19a: {  	v0 =	vmul.f32 v34, v32;
	_ =	sdelay $0x1  }
0x19b: {  	[tilespmem:$0x210] =	vst v0  }
0x19c: {  	v0 =	vld.idx.msk [tilespmem:v33+s30+$0x0], $0xffff;
	_ =	sdelay $0x4  }
0x19d: {  	(erf) = vrcp.f32 v0;
	_ =	sdelay $0x3  }
0x19e: {  	v35 =	vld [tilespmem:$0x220]  }
0x19f: {  	v36 =	vld [tilespmem:$0x630];
	_ =	sdelay $0x3  }
0x1a0: {  	v37 =	vpop (erf)  }
0x1a1: {  	v0 =	vmul.f32 v37, v35;
	_ =	sdelay $0x1  }
0x1a2: {  	[tilespmem:$0x220] =	vst v0  }
0x1a3: {  	v0 =	vld.idx.msk [tilespmem:v36+s30+$0x0], $0xffff;
	_ =	sdelay $0x4  }
0x1a4: {  	(erf) = vrcp.f32 v0;
	_ =	sdelay $0x3  }
0x1a5: {  	v38 =	vld [tilespmem:$0x230]  }
0x1a6: {  	v39 =	vld [tilespmem:$0x640];
	_ =	sdelay $0x3  }
0x1a7: {  	v40 =	vpop (erf)  }
0x1a8: {  	v0 =	vmul.f32 v40, v38;
	_ =	sdelay $0x1  }
0x1a9: {  	[tilespmem:$0x230] =	vst v0  }
0x1aa: {  	v0 =	vld.idx.msk [tilespmem:v39+s30+$0x0], $0xffff;
	_ =	sdelay $0x4  }
0x1ab: {  	(erf) = vrcp.f32 v0;
	_ =	sdelay $0x3  }
0x1ac: {  	v41 =	vld [tilespmem:$0x240]  }
0x1ad: {  	v42 =	vld [tilespmem:$0x650];
	_ =	sdelay $0x3  }
0x1ae: {  	v43 =	vpop (erf)  }
0x1af: {  	v0 =	vmul.f32 v43, v41;
	_ =	sdelay $0x1  }
0x1b0: {  	[tilespmem:$0x240] =	vst v0  }
0x1b1: {  	v0 =	vld.idx.msk [tilespmem:v42+s30+$0x0], $0xffff;
	_ =	sdelay $0x4  }
0x1b2: {  	(erf) = vrcp.f32 v0;
	_ =	sdelay $0x3  }
0x1b3: {  	v44 =	vld [tilespmem:$0x250]  }
0x1b4: {  	v45 =	vld [tilespmem:$0x660];
	_ =	sdelay $0x3  }
0x1b5: {  	v46 =	vpop (erf)  }
0x1b6: {  	v0 =	vmul.f32 v46, v44;
	_ =	sdelay $0x1  }
0x1b7: {  	[tilespmem:$0x250] =	vst v0  }
0x1b8: {  	v0 =	vld.idx.msk [tilespmem:v45+s30+$0x0], $0xffff;
	_ =	sdelay $0x4  }
0x1b9: {  	(erf) = vrcp.f32 v0;
	_ =	sdelay $0x3  }
0x1ba: {  	v47 =	vld [tilespmem:$0x260]  }
0x1bb: {  	v48 =	vld [tilespmem:$0x670];
	_ =	sdelay $0x3  }
0x1bc: {  	v49 =	vpop (erf)  }
0x1bd: {  	v0 =	vmul.f32 v49, v47;
	_ =	sdelay $0x1  }
0x1be: {  	[tilespmem:$0x260] =	vst v0  }
0x1bf: {  	v0 =	vld.idx.msk [tilespmem:v48+s30+$0x0], $0xffff;
	_ =	sdelay $0x4  }
0x1c0: {  	(erf) = vrcp.f32 v0;
	_ =	sdelay $0x3  }
0x1c1: {  	v50 =	vld [tilespmem:$0x270]  }
0x1c2: {  	v51 =	vld [tilespmem:$0x680];
	_ =	sdelay $0x3  }
0x1c3: {  	v52 =	vpop (erf)  }
0x1c4: {  	v0 =	vmul.f32 v52, v50;
	_ =	sdelay $0x1  }
0x1c5: {  	[tilespmem:$0x270] =	vst v0  }
0x1c6: {  	v0 =	vld.idx.msk [tilespmem:v51+s30+$0x0], $0xffff;
	_ =	sdelay $0x4  }
0x1c7: {  	(erf) = vrcp.f32 v0;
	_ =	sdelay $0x3  }
0x1c8: {  	v53 =	vld [tilespmem:$0x280]  }
0x1c9: {  	v54 =	vld [tilespmem:$0x690];
	_ =	sdelay $0x3  }
0x1ca: {  	v55 =	vpop (erf)  }
0x1cb: {  	v0 =	vmul.f32 v55, v53;
	_ =	sdelay $0x1  }
0x1cc: {  	[tilespmem:$0x280] =	vst v0  }
0x1cd: {  	v0 =	vld.idx.msk [tilespmem:v54+s30+$0x0], $0xffff;
	_ =	sdelay $0x4  }
0x1ce: {  	(erf) = vrcp.f32 v0;
	_ =	sdelay $0x3  }
0x1cf: {  	v56 =	vld [tilespmem:$0x290]  }
0x1d0: {  	v57 =	vld [tilespmem:$0x6A0];
	_ =	sdelay $0x3  }
0x1d1: {  	v58 =	vpop (erf)  }
0x1d2: {  	v0 =	vmul.f32 v58, v56;
	_ =	sdelay $0x1  }
0x1d3: {  	[tilespmem:$0x290] =	vst v0  }
0x1d4: {  	v0 =	vld.idx.msk [tilespmem:v57+s30+$0x0], $0xffff;
	_ =	sdelay $0x4  }
0x1d5: {  	(erf) = vrcp.f32 v0;
	_ =	sdelay $0x3  }
0x1d6: {  	v59 =	vld [tilespmem:$0x2A0]  }
0x1d7: {  	v60 =	vld [tilespmem:$0x6B0];
	_ =	sdelay $0x3  }
0x1d8: {  	v61 =	vpop (erf)  }
0x1d9: {  	v0 =	vmul.f32 v61, v59;
	_ =	sdelay $0x1  }
0x1da: {  	[tilespmem:$0x2A0] =	vst v0  }
0x1db: {  	v0 =	vld.idx.msk [tilespmem:v60+s30+$0x0], $0xffff;
	_ =	sdelay $0x4  }
0x1dc: {  	(erf) = vrcp.f32 v0;
	_ =	sdelay $0x3  }
0x1dd: {  	v62 =	vld [tilespmem:$0x2B0]  }
0x1de: {  	v63 =	vld [tilespmem:$0x6C0];
	_ =	sdelay $0x3  }
0x1df: {  	v4 =	vpop (erf)  }
0x1e0: {  	v0 =	vmul.f32 v4, v62;
	_ =	sdelay $0x1  }
0x1e1: {  	[tilespmem:$0x2B0] =	vst v0  }
0x1e2: {  	v0 =	vld.idx.msk [tilespmem:v63+s30+$0x0], $0xffff;
	_ =	sdelay $0x4  }
0x1e3: {  	(erf) = vrcp.f32 v0;
	_ =	sdelay $0x3  }
0x1e4: {  	v5 =	vld [tilespmem:$0x2C0]  }
0x1e5: {  	v6 =	vld [tilespmem:$0x6D0];
	_ =	sdelay $0x3  }
0x1e6: {  	v7 =	vpop (erf)  }
0x1e7: {  	v0 =	vmul.f32 v7, v5;
	_ =	sdelay $0x1  }
0x1e8: {  	[tilespmem:$0x2C0] =	vst v0  }
0x1e9: {  	v0 =	vld.idx.msk [tilespmem:v6+s30+$0x0], $0xffff;
	_ =	sdelay $0x4  }
0x1ea: {  	(erf) = vrcp.f32 v0;
	_ =	sdelay $0x3  }
0x1eb: {  	v8 =	vld [tilespmem:$0x2D0]  }
0x1ec: {  	v9 =	vld [tilespmem:$0x6E0];
	_ =	sdelay $0x3  }
0x1ed: {  	v10 =	vpop (erf)  }
0x1ee: {  	v0 =	vmul.f32 v10, v8;
	_ =	sdelay $0x1  }
0x1ef: {  	[tilespmem:$0x2D0] =	vst v0  }
0x1f0: {  	v0 =	vld.idx.msk [tilespmem:v9+s30+$0x0], $0xffff;
	_ =	sdelay $0x4  }
0x1f1: {  	(erf) = vrcp.f32 v0;
	_ =	sdelay $0x3  }
0x1f2: {  	v11 =	vld [tilespmem:$0x2E0]  }
0x1f3: {  	v12 =	vld [tilespmem:$0x6F0];
	_ =	sdelay $0x3  }
0x1f4: {  	v13 =	vpop (erf)  }
0x1f5: {  	v0 =	vmul.f32 v13, v11;
	_ =	sdelay $0x1  }
0x1f6: {  	[tilespmem:$0x2E0] =	vst v0  }
0x1f7: {  	v0 =	vld.idx.msk [tilespmem:v12+s30+$0x0], $0xffff;
	_ =	sdelay $0x4  }
0x1f8: {  	(erf) = vrcp.f32 v0;
	_ =	sdelay $0x3  }
0x1f9: {  	v14 =	vld [tilespmem:$0x2F0]  }
0x1fa: {  	v15 =	vld [tilespmem:$0x700];
	_ =	sdelay $0x3  }
0x1fb: {  	v16 =	vpop (erf)  }
0x1fc: {  	v0 =	vmul.f32 v16, v14;
	_ =	sdelay $0x1  }
0x1fd: {  	[tilespmem:$0x2F0] =	vst v0  }
0x1fe: {  	v0 =	vld.idx.msk [tilespmem:v15+s30+$0x0], $0xffff;
	_ =	sdelay $0x4  }
0x1ff: {  	(erf) = vrcp.f32 v0;
	_ =	sdelay $0x3  }
0x200: {  	v17 =	vld [tilespmem:$0x300]  }
0x201: {  	v18 =	vld [tilespmem:$0x710];
	_ =	sdelay $0x3  }
0x202: {  	v19 =	vpop (erf)  }
0x203: {  	v0 =	vmul.f32 v19, v17;
	_ =	sdelay $0x1  }
0x204: {  	[tilespmem:$0x300] =	vst v0  }
0x205: {  	v0 =	vld.idx.msk [tilespmem:v18+s30+$0x0], $0xffff;
	_ =	sdelay $0x4  }
0x206: {  	(erf) = vrcp.f32 v0;
	_ =	sdelay $0x3  }
0x207: {  	v20 =	vld [tilespmem:$0x310]  }
0x208: {  	v21 =	vld [tilespmem:$0x720];
	_ =	sdelay $0x3  }
0x209: {  	v22 =	vpop (erf)  }
0x20a: {  	v0 =	vmul.f32 v22, v20;
	_ =	sdelay $0x1  }
0x20b: {  	[tilespmem:$0x310] =	vst v0  }
0x20c: {  	v0 =	vld.idx.msk [tilespmem:v21+s30+$0x0], $0xffff;
	_ =	sdelay $0x4  }
0x20d: {  	(erf) = vrcp.f32 v0;
	_ =	sdelay $0x3  }
0x20e: {  	v23 =	vld [tilespmem:$0x320]  }
0x20f: {  	v24 =	vld [tilespmem:$0x730];
	_ =	sdelay $0x3  }
0x210: {  	v25 =	vpop (erf)  }
0x211: {  	v0 =	vmul.f32 v25, v23;
	_ =	sdelay $0x1  }
0x212: {  	[tilespmem:$0x320] =	vst v0  }
0x213: {  	v0 =	vld.idx.msk [tilespmem:v24+s30+$0x0], $0xffff;
	_ =	sdelay $0x4  }
0x214: {  	(erf) = vrcp.f32 v0;
	_ =	sdelay $0x3  }
0x215: {  	v26 =	vld [tilespmem:$0x330]  }
0x216: {  	v27 =	vld [tilespmem:$0x740];
	_ =	sdelay $0x3  }
0x217: {  	v28 =	vpop (erf)  }
0x218: {  	v0 =	vmul.f32 v28, v26;
	_ =	sdelay $0x1  }
0x219: {  	[tilespmem:$0x330] =	vst v0  }
0x21a: {  	v0 =	vld.idx.msk [tilespmem:v27+s30+$0x0], $0xffff;
	_ =	sdelay $0x4  }
0x21b: {  	(erf) = vrcp.f32 v0;
	_ =	sdelay $0x3  }
0x21c: {  	v29 =	vld [tilespmem:$0x340]  }
0x21d: {  	v30 =	vld [tilespmem:$0x750];
	_ =	sdelay $0x3  }
0x21e: {  	v31 =	vpop (erf)  }
0x21f: {  	v0 =	vmul.f32 v31, v29;
	_ =	sdelay $0x1  }
0x220: {  	[tilespmem:$0x340] =	vst v0  }
0x221: {  	v0 =	vld.idx.msk [tilespmem:v30+s30+$0x0], $0xffff;
	_ =	sdelay $0x4  }
0x222: {  	(erf) = vrcp.f32 v0;
	_ =	sdelay $0x3  }
0x223: {  	v32 =	vld [tilespmem:$0x350]  }
0x224: {  	v33 =	vld [tilespmem:$0x760];
	_ =	sdelay $0x3  }
0x225: {  	v34 =	vpop (erf)  }
0x226: {  	v0 =	vmul.f32 v34, v32;
	_ =	sdelay $0x1  }
0x227: {  	[tilespmem:$0x350] =	vst v0  }
0x228: {  	v0 =	vld.idx.msk [tilespmem:v33+s30+$0x0], $0xffff;
	_ =	sdelay $0x4  }
0x229: {  	(erf) = vrcp.f32 v0;
	_ =	sdelay $0x3  }
0x22a: {  	v35 =	vld [tilespmem:$0x360]  }
0x22b: {  	v36 =	vld [tilespmem:$0x770];
	_ =	sdelay $0x3  }
0x22c: {  	v37 =	vpop (erf)  }
0x22d: {  	v0 =	vmul.f32 v37, v35;
	_ =	sdelay $0x1  }
0x22e: {  	[tilespmem:$0x360] =	vst v0  }
0x22f: {  	v0 =	vld.idx.msk [tilespmem:v36+s30+$0x0], $0xffff;
	_ =	sdelay $0x4  }
0x230: {  	(erf) = vrcp.f32 v0;
	_ =	sdelay $0x3  }
0x231: {  	v38 =	vld [tilespmem:$0x370]  }
0x232: {  	v39 =	vld [tilespmem:$0x780];
	_ =	sdelay $0x3  }
0x233: {  	v40 =	vpop (erf)  }
0x234: {  	v0 =	vmul.f32 v40, v38;
	_ =	sdelay $0x1  }
0x235: {  	[tilespmem:$0x370] =	vst v0  }
0x236: {  	v0 =	vld.idx.msk [tilespmem:v39+s30+$0x0], $0xffff;
	_ =	sdelay $0x4  }
0x237: {  	(erf) = vrcp.f32 v0;
	_ =	sdelay $0x3  }
0x238: {  	v41 =	vld [tilespmem:$0x380]  }
0x239: {  	v42 =	vld [tilespmem:$0x790];
	_ =	sdelay $0x3  }
0x23a: {  	v43 =	vpop (erf)  }
0x23b: {  	v0 =	vmul.f32 v43, v41;
	_ =	sdelay $0x1  }
0x23c: {  	[tilespmem:$0x380] =	vst v0  }
0x23d: {  	v0 =	vld.idx.msk [tilespmem:v42+s30+$0x0], $0xffff;
	_ =	sdelay $0x4  }
0x23e: {  	(erf) = vrcp.f32 v0;
	_ =	sdelay $0x3  }
0x23f: {  	v44 =	vld [tilespmem:$0x390]  }
0x240: {  	v45 =	vld [tilespmem:$0x7A0];
	_ =	sdelay $0x3  }
0x241: {  	v46 =	vpop (erf)  }
0x242: {  	v0 =	vmul.f32 v46, v44;
	_ =	sdelay $0x1  }
0x243: {  	[tilespmem:$0x390] =	vst v0  }
0x244: {  	v0 =	vld.idx.msk [tilespmem:v45+s30+$0x0], $0xffff;
	_ =	sdelay $0x4  }
0x245: {  	(erf) = vrcp.f32 v0;
	_ =	sdelay $0x3  }
0x246: {  	v47 =	vld [tilespmem:$0x3A0]  }
0x247: {  	v48 =	vld [tilespmem:$0x7B0];
	_ =	sdelay $0x3  }
0x248: {  	v49 =	vpop (erf)  }
0x249: {  	v0 =	vmul.f32 v49, v47;
	_ =	sdelay $0x1  }
0x24a: {  	[tilespmem:$0x3A0] =	vst v0  }
0x24b: {  	v0 =	vld.idx.msk [tilespmem:v48+s30+$0x0], $0xffff;
	_ =	sdelay $0x4  }
0x24c: {  	(erf) = vrcp.f32 v0;
	_ =	sdelay $0x3  }
0x24d: {  	v50 =	vld [tilespmem:$0x3B0]  }
0x24e: {  	v51 =	vld [tilespmem:$0x7C0];
	_ =	sdelay $0x3  }
0x24f: {  	v52 =	vpop (erf)  }
0x250: {  	v0 =	vmul.f32 v52, v50;
	_ =	sdelay $0x1  }
0x251: {  	[tilespmem:$0x3B0] =	vst v0  }
0x252: {  	v0 =	vld.idx.msk [tilespmem:v51+s30+$0x0], $0xffff;
	_ =	sdelay $0x4  }
0x253: {  	(erf) = vrcp.f32 v0;
	_ =	sdelay $0x3  }
0x254: {  	v53 =	vld [tilespmem:$0x3C0]  }
0x255: {  	v54 =	vld [tilespmem:$0x7D0];
	_ =	sdelay $0x3  }
0x256: {  	v55 =	vpop (erf)  }
0x257: {  	v0 =	vmul.f32 v55, v53;
	_ =	sdelay $0x1  }
0x258: {  	[tilespmem:$0x3C0] =	vst v0  }
0x259: {  	v0 =	vld.idx.msk [tilespmem:v54+s30+$0x0], $0xffff;
	_ =	sdelay $0x4  }
0x25a: {  	(erf) = vrcp.f32 v0;
	_ =	sdelay $0x3  }
0x25b: {  	v56 =	vld [tilespmem:$0x3D0]  }
0x25c: {  	v57 =	vld [tilespmem:$0x7E0];
	_ =	sdelay $0x3  }
0x25d: {  	v58 =	vpop (erf)  }
0x25e: {  	v0 =	vmul.f32 v58, v56;
	_ =	sdelay $0x1  }
0x25f: {  	[tilespmem:$0x3D0] =	vst v0  }
0x260: {  	v0 =	vld.idx.msk [tilespmem:v57+s30+$0x0], $0xffff;
	_ =	sdelay $0x4  }
0x261: {  	(erf) = vrcp.f32 v0;
	_ =	sdelay $0x3  }
0x262: {  	v59 =	vld [tilespmem:$0x3E0]  }
0x263: {  	v60 =	vld [tilespmem:$0x7F0];
	_ =	sdelay $0x3  }
0x264: {  	v61 =	vpop (erf)  }
0x265: {  	v0 =	vmul.f32 v61, v59;
	_ =	sdelay $0x1  }
0x266: {  	[tilespmem:$0x3E0] =	vst v0  }
0x267: {  	v0 =	vld.idx.msk [tilespmem:v60+s30+$0x0], $0xffff;
	_ =	sdelay $0x4  }
0x268: {  	(erf) = vrcp.f32 v0;
	_ =	sdelay $0x4  }
0x269: {  	v62 =	vld [tilespmem:$0x3F0];
	_ =	sdelay $0x3  }
0x26a: {  	v63 =	vpop (erf)  }
0x26b: {  	v0 =	vmul.f32 v63, v62;
	_ =	sdelay $0x1  }
0x26c: {  	[tilespmem:$0x3F0] =	vst v0  }
0x26d: {  	[hbm4b:s8+s3] =	stream.linear.scatter [tilespmem:s3], [sflag:$0x1], $0x400, $0x38;
	[tilespmem:$0x1100] =	vst v63  }
0x26e: {  	_ =	swait.ge [sflag:s12], $0x400  }
0x26f: {  	[sflag:s12] =	ssyncset.done $0x0  }
0x270: {  	[sflag:s12] =	ssyncadd.s32 $0xFFFFFC00  }
.LBB2_4:
0x271: {  	s9 =	sadd.s32 $0xFFFFFFFF, s9  }
0x272: {  	p2 =	sne.s32 s9, $0x0  }
.Ltmp1:
0x273: {  	_ = 	snop;
	(pc) =	sbr.rel @!p2 .LBB2_5-.Ltmp1, $1  }
0x274: {  	_ =	sdelay $0x3  }
.LBB2_1:
0x275: {  	[spmem:s11], [sflag:s10] =	dma.local @!p0 [hbm:s5], $0x100  }
.Ltmp2:
0x276: {  	_ = 	snop;
	(pc) =	sbr.rel @p1 .LBB2_3-.Ltmp2, $4  }
0x277: {  	s31 =	simm.s32 @!p0 $0x1  }
0x278: {  	_ =	swait.ge @!p0 [sflag:s31], $0x100  }
0x279: {  	[sflag:s31] =	ssyncset.done @!p0 $0x0  }
0x27a: {  	[sflag:s31] =	ssyncadd.s32 @!p0 $0xFFFFFF00  }
.Ltmp3:
0x27b: {  	(pc) =	sbr.rel .LBB2_4-.Ltmp3, $3  }
0x27c: {  	_ = 	snop  }
0x27d: {  	[bflag:$0x0] =	sbarrier.arrive $0xFFFF  }
0x27e: {  	[bflag:$0x0] =	sbarrier.arrive $0xFFFF;
	_ =	sdelay $0x1  }
.LBB2_5:
0x27f: {  	_ =	sfence.sel $0x180000  }
0x280: {  	[bflag:$0x0] =	sbarrier.arrive $0xFFFF  }
0x281: {  	p0 =	sne.s32 s2, $0x0;
	_ =	strace $0x9000004A  }
0x282: {  	s0 =	sadd.s32 @!p0 $0x100000, s0;
	[bflag:$0x2] =	sbarrier.arrive $0xFFFF  }
0x283: {  	[sflag:s0] =	ssyncadd.tile.s32 @!p0 $0x1;
	_ =	shalt  }
.Lfunc_end2:
_tile_overlayer_lowered:
.L_overlay_start_2:
0x284: {  	(tag) =	ssettag $0x2  }
0x285: {  	s0 =	rddreg [dreg:$0x0];
	s2 =	stileid.u32  }
0x286: {  	s1 =	rddreg [dreg:$0x1];
	p0 =	sne.s32 s2, $0x0  }
0x287: {  	s3 =	rddreg [dreg:$0x2];
	[bflag:$0x3] =	sbarrier.arrive $0xFFFF;
	s2 =	simm.s32 @!p0 $0x1C01  }
0x288: {  	[timem:s3], [sflag:s2] =	dma.local @!p0 [hbm:s0], s1  }
0x289: {  	s0 =	simm.s32 @!p0 $0x1  }
0x28a: {  	_ =	swait.ge @!p0 [sflag:s0], s1  }
0x28b: {  	s1 =	ssub.s32 @!p0 $0x0, s1;
	[sflag:s0] =	ssyncset.done @!p0 $0x0  }
0x28c: {  	[sflag:s0] =	ssyncadd.s32 @!p0 s1  }
0x28d: {  	[bflag:$0x3] =	sbarrier.arrive $0xFFFF  }
0x28e: {  	_ =	shalt  }

</sc_bundles>
